<compile_context>
chip_gen: v7x
topology: tpu7x:2x2x1
jax: 0.10.2.dev20260603
libtpu: 0.0.44.dev20260713+nightly
codegen_flags: <defaults>
</compile_context>

<pallas_src>
import functools

import jax
import jax.numpy as jnp
from jax import lax
from jax.experimental import pallas as pl
from jax.experimental.pallas import tpu as pltpu
from jax.experimental.pallas import tpu_sc as plsc

NN = 50000
EE = 800000
QQ = 100000
HH = 64
NC = 2
NS = 16
SPC = 25088
TRASH = SPC
SROWS = SPC + 16
KCH = 112
EPW = 50176
E_PAD = EPW * NS
NCHUNK = EPW // KCH
TOTCH = E_PAD // KCH
N_PAD = NC * SPC
KQ = 128
Q_PAD = 102400
Q2_PAD = 2 * Q_PAD
QPW = Q2_PAD // (NC * NS)
QCHUNK = QPW // KQ

_SC_PARAMS = pltpu.CompilerParams(use_tc_tiling_on_sc=False)


@functools.cache
def _sc_mesh():
    return plsc.VectorSubcoreMesh(core_axis_name="c", subcore_axis_name="s",
                                  num_cores=NC, num_subcores=NS)


_NZC = 1568 // KCH
_ZREM = 1568 - _NZC * KCH


def _zero_spmem(zbuf, aggs, s):
    def zb(i, _):
        for q in range(4):
            zbuf[i, pl.ds(q * 16, 16)] = jnp.zeros((16,), jnp.float32)
        return 0
    lax.fori_loop(0, KCH, zb, 0)

    def zc(j, _):
        pltpu.sync_copy(zbuf, aggs.at[pl.ds(s * 1568 + j * KCH, KCH)])
        return 0
    lax.fori_loop(0, _NZC, zc, 0)
    if _ZREM:
        pltpu.sync_copy(zbuf.at[pl.ds(0, _ZREM)],
                        aggs.at[pl.ds(s * 1568 + _NZC * KCH, _ZREM)])


def _clamp(idxb, locb, base):
    def cl(j, _):
        d = idxb[1, pl.ds(j * 16, 16)]
        loc = d - base
        ok = (loc >= 0) & (loc < SPC)
        locb[pl.ds(j * 16, 16)] = jnp.where(ok, loc, TRASH + (d & 15))
        return 0
    lax.fori_loop(0, KCH // 16, cl, 0)


def _relu_add(ebuf, hbuf):
    def rl(j, _):
        for q in range(4):
            sl = pl.ds(q * 16, 16)
            ebuf[j, sl] = jnp.maximum(ebuf[j, sl] + hbuf[j, sl], 0.0)
        return 0
    lax.fori_loop(0, KCH, rl, 0)


def _make_agg_body(with_h):
    def body(*args):
        if with_h:
            (epk, h_hbm, et, agg_hbm,
             ix0, ix1, lc0, lc1, eb0, eb1, hb0, hb1, aggs,
             L0s, L1s, E0s, E1s, S0s) = args
            hb = (hb0, hb1)
        else:
            (epk, et, agg_hbm,
             ix0, ix1, lc0, lc1, eb0, eb1, aggs,
             L0s, L1s, E0s, E1s, S0s) = args
            h_hbm = None
            hb = (None, None)
        ix = (ix0, ix1)
        lc = (lc0, lc1)
        eb = (eb0, eb1)
        Ls = (L0s, L1s)
        Es = (E0s, E1s)
        c = lax.axis_index("c")
        s = lax.axis_index("s")
        base = c * SPC
        _zero_spmem(eb0, aggs, s)
        plsc.subcore_barrier()
        g0 = s * NCHUNK

        def issueL(g, b):
            pltpu.async_copy(epk.at[g], ix[b], Ls[b])

        def waitL(b):
            pltpu.make_async_copy(epk.at[0], ix[b], Ls[b]).wait()

        def issueE(b):
            pltpu.async_copy(et.at[ix[b].at[2]], eb[b], Es[b])
            if with_h:
                pltpu.async_copy(h_hbm.at[ix[b].at[0]], hb[b], Es[b])

        def waitE(b):
            pltpu.make_async_copy(et.at[ix[b].at[2]], eb[b], Es[b]).wait()
            if with_h:
                pltpu.make_async_copy(h_hbm.at[ix[b].at[0]], hb[b],
                                      Es[b]).wait()

        def issueS(b):
            pltpu.async_copy(eb[b], aggs.at[lc[b]], S0s, add=True)

        def waitS():
            pltpu.make_async_copy(eb[0], aggs.at[lc[0]], S0s).wait()

        def compute(b):
            if with_h:
                _relu_add(eb[b], hb[b])

        issueL(g0, 0)
        issueL(g0 + 1, 1)
        waitL(0)
        _clamp(ix[0], lc[0], base)
        issueE(0)

        def main(i2, _):
            g = g0 + 2 * i2
            for bb in (0, 1):
                gg = g + bb
                b1 = 1 - bb
                if bb == 0:
                    @pl.when(i2 > 0)
                    def _():
                        waitS()
                else:
                    waitS()
                waitL(b1)
                _clamp(ix[b1], lc[b1], base)
                issueE(b1)
                waitE(bb)
                issueL(gg + 2, bb)
                compute(bb)
                issueS(bb)
            return 0
        lax.fori_loop(0, NCHUNK // 2 - 1, main, 0)
        waitS()
        waitL(1)
        _clamp(ix[1], lc[1], base)
        issueE(1)
        waitE(0)
        compute(0)
        issueS(0)
        waitS()
        waitE(1)
        compute(1)
        issueS(1)
        waitS()
        plsc.subcore_barrier()
        pltpu.sync_copy(aggs.at[pl.ds(s * 1568, 1568)],
                        agg_hbm.at[pl.ds(c * SPC + s * 1568, 1568)])
    return body


_agg_body_h = _make_agg_body(True)
_agg_body_l0 = _make_agg_body(False)


def _sc_agg(epk, h, etable):
    return pl.kernel(
        _agg_body_h,
        out_type=jax.ShapeDtypeStruct((N_PAD, HH), jnp.float32),
        mesh=_sc_mesh(),
        compiler_params=_SC_PARAMS,
        scratch_types=[
            pltpu.VMEM((3, KCH), jnp.int32),
            pltpu.VMEM((3, KCH), jnp.int32),
            pltpu.VMEM((KCH,), jnp.int32),
            pltpu.VMEM((KCH,), jnp.int32),
            pltpu.VMEM((KCH, HH), jnp.float32),
            pltpu.VMEM((KCH, HH), jnp.float32),
            pltpu.VMEM((KCH, HH), jnp.float32),
            pltpu.VMEM((KCH, HH), jnp.float32),
            pltpu.VMEM_SHARED((SROWS, HH), jnp.float32),
            pltpu.SemaphoreType.DMA,
            pltpu.SemaphoreType.DMA,
            pltpu.SemaphoreType.DMA,
            pltpu.SemaphoreType.DMA,
            pltpu.SemaphoreType.DMA,
        ],
    )(epk, h, etable)


def _sc_l0(epk, msgtable):
    return pl.kernel(
        _agg_body_l0,
        out_type=jax.ShapeDtypeStruct((N_PAD, HH), jnp.float32),
        mesh=_sc_mesh(),
        compiler_params=_SC_PARAMS,
        scratch_types=[
            pltpu.VMEM((3, KCH), jnp.int32),
            pltpu.VMEM((3, KCH), jnp.int32),
            pltpu.VMEM((KCH,), jnp.int32),
            pltpu.VMEM((KCH,), jnp.int32),
            pltpu.VMEM((KCH, HH), jnp.float32),
            pltpu.VMEM((KCH, HH), jnp.float32),
            pltpu.VMEM_SHARED((SROWS, HH), jnp.float32),
            pltpu.SemaphoreType.DMA,
            pltpu.SemaphoreType.DMA,
            pltpu.SemaphoreType.DMA,
            pltpu.SemaphoreType.DMA,
            pltpu.SemaphoreType.DMA,
        ],
    )(epk, msgtable)


def _sc_gather_body(idx_hbm, h_hbm, out_hbm,
                    ix0, ix1, b0, b1, L0s, L1s, E0s, E1s, O0s, O1s):
    ix = (ix0, ix1)
    bf = (b0, b1)
    Ls = (L0s, L1s)
    Es = (E0s, E1s)
    Os = (O0s, O1s)
    c = lax.axis_index("c")
    s = lax.axis_index("s")
    qoff = (s * NC + c) * QPW

    def issueL(g, b):
        pltpu.async_copy(idx_hbm.at[pl.ds(qoff + g * KQ, KQ)], ix[b], Ls[b])

    def waitL(b):
        pltpu.make_async_copy(idx_hbm.at[pl.ds(qoff, KQ)], ix[b],
                              Ls[b]).wait()

    def issueE(b):
        pltpu.async_copy(h_hbm.at[ix[b]], bf[b], Es[b])

    def waitE(b):
        pltpu.make_async_copy(h_hbm.at[ix[b]], bf[b], Es[b]).wait()

    def issueO(g, b):
        pltpu.async_copy(bf[b], out_hbm.at[pl.ds(qoff + g * KQ, KQ)], Os[b])

    def waitO(b):
        pltpu.make_async_copy(bf[b], out_hbm.at[pl.ds(qoff, KQ)],
                              Os[b]).wait()

    issueL(0, 0)
    issueL(1, 1)
    waitL(0)
    issueE(0)

    def main(i2, _):
        g = 2 * i2
        for bb in (0, 1):
            gg = g + bb
            b1 = 1 - bb
            if bb == 0:
                @pl.when(i2 > 0)
                def _():
                    waitO(b1)
            else:
                waitO(b1)
            waitL(b1)
            issueE(b1)
            waitE(bb)
            issueL(gg + 2, bb)
            issueO(gg, bb)
        return 0
    lax.fori_loop(0, QCHUNK // 2 - 1, main, 0)
    waitO(1)
    waitL(1)
    issueE(1)
    waitE(0)
    issueO(QCHUNK - 2, 0)
    waitO(0)
    waitE(1)
    issueO(QCHUNK - 1, 1)
    waitO(1)


def _sc_gather(idx, h):
    return pl.kernel(
        _sc_gather_body,
        out_type=jax.ShapeDtypeStruct((Q2_PAD, HH), jnp.float32),
        mesh=_sc_mesh(),
        compiler_params=_SC_PARAMS,
        scratch_types=[
            pltpu.VMEM((KQ,), jnp.int32),
            pltpu.VMEM((KQ,), jnp.int32),
            pltpu.VMEM((KQ, HH), jnp.float32),
            pltpu.VMEM((KQ, HH), jnp.float32),
            pltpu.SemaphoreType.DMA,
            pltpu.SemaphoreType.DMA,
            pltpu.SemaphoreType.DMA,
            pltpu.SemaphoreType.DMA,
            pltpu.SemaphoreType.DMA,
            pltpu.SemaphoreType.DMA,
        ],
    )(idx, h)


def _prep_body(nemb_ref, nW_ref, nb_ref, eemb_ref, eW_ref, eb_ref,
               c_ref, et_ref, mt_ref):
    cvec = nemb_ref[pl.ds(1, 1), :]
    for i in range(2):
        cvec = jnp.maximum(
            jnp.dot(cvec, nW_ref[i], preferred_element_type=jnp.float32)
            + nb_ref[pl.ds(i, 1), :], 0.0)
    e = eemb_ref[...]
    for i in range(2):
        e = jnp.maximum(
            jnp.dot(e, eW_ref[i], preferred_element_type=jnp.float32)
            + eb_ref[pl.ds(i, 1), :], 0.0)
    c_ref[...] = jnp.broadcast_to(cvec, (8, HH))
    et_ref[...] = e
    mt_ref[...] = jnp.maximum(e + cvec, 0.0)


def _prep(node_emb, node_mlp_W, node_mlp_b, edge_emb, edge_mlp_W, edge_mlp_b):
    return pl.pallas_call(
        _prep_body,
        out_shape=[
            jax.ShapeDtypeStruct((8, HH), jnp.float32),
            jax.ShapeDtypeStruct((512, HH), jnp.float32),
            jax.ShapeDtypeStruct((512, HH), jnp.float32),
        ],
    )(node_emb, node_mlp_W, node_mlp_b, edge_emb, edge_mlp_W, edge_mlp_b)


BR = 1000
GA = NN // BR


def _mlp_core(z, W1_ref, b1_ref, W2_ref, b2_ref, z2_ref, st_ref, acc, i):
    t = jnp.maximum(
        jnp.dot(z, W1_ref[...], preferred_element_type=jnp.float32)
        + b1_ref[...], 0.0)
    z2 = jnp.dot(t, W2_ref[...], preferred_element_type=jnp.float32) + b2_ref[...]
    z2_ref[...] = z2

    @pl.when(i == 0)
    def _():
        acc[...] = jnp.zeros_like(acc)
    acc[0:1, :] += jnp.sum(z2, axis=0, keepdims=True)
    acc[1:2, :] += jnp.sum(z2 * z2, axis=0, keepdims=True)
    st_ref[...] = acc[...]


def _a_body(eps_ref, h_ref, agg_ref, W1_ref, b1_ref, W2_ref, b2_ref,
            z2_ref, st_ref, acc):
    i = pl.program_id(0)
    z = (1.0 + eps_ref[0]) * h_ref[...] + agg_ref[...]
    _mlp_core(z, W1_ref, b1_ref, W2_ref, b2_ref, z2_ref, st_ref, acc, i)


def _a0_body(eps_ref, c_ref, agg_ref, W1_ref, b1_ref, W2_ref, b2_ref,
             z2_ref, st_ref, acc):
    i = pl.program_id(0)
    z = (1.0 + eps_ref[0]) * c_ref[0:1, :] + agg_ref[...]
    _mlp_core(z, W1_ref, b1_ref, W2_ref, b2_ref, z2_ref, st_ref, acc, i)


def _gine_mlp(eps, h_or_c, agg, W1, b1, W2, b2, first):
    body = _a0_body if first else _a_body
    hspec = (pl.BlockSpec((8, HH), lambda i: (0, 0)) if first
             else pl.BlockSpec((BR, HH), lambda i: (i, 0)))
    return pl.pallas_call(
        body,
        grid=(GA,),
        in_specs=[
            pl.BlockSpec(memory_space=pltpu.SMEM),
            hspec,
            pl.BlockSpec((BR, HH), lambda i: (i, 0)),
            pl.BlockSpec((HH, 2 * HH), lambda i: (0, 0)),
            pl.BlockSpec((1, 2 * HH), lambda i: (0, 0)),
            pl.BlockSpec((2 * HH, HH), lambda i: (0, 0)),
            pl.BlockSpec((1, HH), lambda i: (0, 0)),
        ],
        out_specs=[
            pl.BlockSpec((BR, HH), lambda i: (i, 0)),
            pl.BlockSpec((8, HH), lambda i: (0, 0)),
        ],
        out_shape=[
            jax.ShapeDtypeStruct((NN, HH), jnp.float32),
            jax.ShapeDtypeStruct((8, HH), jnp.float32),
        ],
        scratch_shapes=[pltpu.VMEM((8, HH), jnp.float32)],
    )(eps, h_or_c, agg, W1, b1, W2, b2)


def _bn_body(z2_ref, st_ref, g_ref, b_ref, out_ref, *, relu):
    mean = st_ref[0:1, :] * (1.0 / NN)
    var = st_ref[1:2, :] * (1.0 / NN) - mean * mean
    inv = lax.rsqrt(var + 1e-5)
    h = g_ref[...] * ((z2_ref[...] - mean) * inv) + b_ref[...]
    if relu:
        h = jnp.maximum(h, 0.0)
    out_ref[...] = h


def _bn(z2, st, gamma, beta, relu):
    return pl.pallas_call(
        functools.partial(_bn_body, relu=relu),
        grid=(GA,),
        in_specs=[
            pl.BlockSpec((BR, HH), lambda i: (i, 0)),
            pl.BlockSpec((8, HH), lambda i: (0, 0)),
            pl.BlockSpec((1, HH), lambda i: (0, 0)),
            pl.BlockSpec((1, HH), lambda i: (0, 0)),
        ],
        out_specs=pl.BlockSpec((BR, HH), lambda i: (i, 0)),
        out_shape=jax.ShapeDtypeStruct((NN, HH), jnp.float32),
    )(z2, st, gamma, beta)


BQ = 1024
GH = Q_PAD // BQ


def _head_body(x1_ref, x2_ref, W1a_ref, W1b_ref, b1_ref, W2_ref, b2_ref,
               out_ref):
    t = jnp.maximum(
        jnp.dot(x1_ref[...], W1a_ref[...], preferred_element_type=jnp.float32)
        + jnp.dot(x2_ref[...], W1b_ref[...], preferred_element_type=jnp.float32)
        + b1_ref[...], 0.0)
    o = jnp.dot(t, W2_ref[...], preferred_element_type=jnp.float32) + b2_ref[...]
    out_ref[...] = jax.nn.sigmoid(o)


def _head(x1, x2, W1a, W1b, b1, W2p, b2p):
    return pl.pallas_call(
        _head_body,
        grid=(GH,),
        in_specs=[
            pl.BlockSpec((BQ, HH), lambda i: (i, 0)),
            pl.BlockSpec((BQ, HH), lambda i: (i, 0)),
            pl.BlockSpec((HH, HH), lambda i: (0, 0)),
            pl.BlockSpec((HH, HH), lambda i: (0, 0)),
            pl.BlockSpec((1, HH), lambda i: (0, 0)),
            pl.BlockSpec((HH, 8), lambda i: (0, 0)),
            pl.BlockSpec((1, 8), lambda i: (0, 0)),
        ],
        out_specs=pl.BlockSpec((BQ, 8), lambda i: (i, 0)),
        out_shape=jax.ShapeDtypeStruct((Q_PAD, 8), jnp.float32),
    )(x1, x2, W1a, W1b, b1, W2p, b2p)


def kernel(x, edge_index, edge_attr, edge_label_index, node_emb, node_mlp_W,
           node_mlp_b, edge_emb, edge_mlp_W, edge_mlp_b, gine_eps, gine_W1,
           gine_b1, gine_W2, gine_b2, bn_gamma, bn_beta, out_W1, out_b1,
           out_W2, out_b2):
    pad = E_PAD - EE
    src = jnp.concatenate([edge_index[0], jnp.zeros((pad,), jnp.int32)])
    dst = jnp.concatenate([edge_index[1],
                           jnp.full((pad,), N_PAD + 16, jnp.int32)])
    attr = jnp.concatenate([edge_attr[:, 0], jnp.zeros((pad,), jnp.int32)])
    epk = jnp.stack([src.reshape(TOTCH, KCH), dst.reshape(TOTCH, KCH),
                     attr.reshape(TOTCH, KCH)], axis=1)
    qpad = Q_PAD - QQ
    eli = jnp.concatenate([
        edge_label_index[0], jnp.zeros((qpad,), jnp.int32),
        edge_label_index[1], jnp.zeros((qpad,), jnp.int32)])

    c, etable, msgtable = _prep(node_emb, node_mlp_W, node_mlp_b,
                                edge_emb, edge_mlp_W, edge_mlp_b)

    agg = _sc_l0(epk, msgtable)
    z2, st = _gine_mlp(gine_eps[0:1], c, agg, gine_W1[0], gine_b1[0:1],
                       gine_W2[0], gine_b2[0:1], first=True)
    h = _bn(z2, st, bn_gamma[0:1], bn_beta[0:1], relu=True)

    for l in range(1, 3):
        agg = _sc_agg(epk, h, etable)
        z2, st = _gine_mlp(gine_eps[l:l + 1], h, agg, gine_W1[l],
                           gine_b1[l:l + 1], gine_W2[l], gine_b2[l:l + 1],
                           first=False)
        h = _bn(z2, st, bn_gamma[l:l + 1], bn_beta[l:l + 1], relu=(l < 2))

    xcat = _sc_gather(eli, h)
    x1 = xcat[0:Q_PAD]
    x2 = xcat[Q_PAD:Q2_PAD]
    W2p = jnp.concatenate([out_W2, jnp.zeros((HH, 7), jnp.float32)], axis=1)
    b2p = jnp.concatenate([out_b2, jnp.zeros((7,), jnp.float32)])[None, :]
    out = _head(x1, x2, out_W1[:HH], out_W1[HH:], out_b1[None, :], W2p, b2p)
    return out[:QQ, 0:1]

# --- scband reference (transcript-rebuilt; emitter-appended) ---
"""Pipeline reference for scband-edge-prediction-transfer-model-3040836846243 (READ-ONLY COPY).

The authoritative reference and input builder live on the scoring server;
editing this copy changes nothing except your own understanding.
"""

import jax, jax.numpy as jnp
import numpy as np

N = 50000
E = 800000
Q = 100000
H = 64
VN = 512
VE = 512
L = 3
NMLP = 2  # input_head_layers=3 -> embedding lookup + 2 linear layers


def setup_inputs(seed: int = 0) -> dict:
    key = jax.random.key(seed)
    ks = [jax.random.fold_in(key, i) for i in range(32)]
    s = 0.1
    inp = {}
    # forward args (features=False: x collapses to ones -> int index 1)
    inp["x"] = jnp.ones((N, 1), dtype=jnp.float32)
    inp["edge_index"] = jax.random.randint(ks[0], (2, E), 0, N, dtype=jnp.int32)
    inp["edge_attr"] = jax.random.randint(ks[1], (E, 1), 0, VE, dtype=jnp.int32)
    inp["edge_label_index"] = jax.random.randint(ks[2], (2, Q), 0, N, dtype=jnp.int32)
    # GenericNodeEncoder / GenericEdgeEncoder params (embedding + MLP head)
    inp["node_emb"] = jax.random.normal(ks[3], (VN, H), dtype=jnp.float32) * s
    inp["node_mlp_W"] = jax.random.normal(ks[4], (NMLP, H, H), dtype=jnp.float32) * s
    inp["node_mlp_b"] = jnp.zeros((NMLP, H), dtype=jnp.float32)
    inp["edge_emb"] = jax.random.normal(ks[5], (VE, H), dtype=jnp.float32) * s
    inp["edge_mlp_W"] = jax.random.normal(ks[6], (NMLP, H, H), dtype=jnp.float32) * s
    inp["edge_mlp_b"] = jnp.zeros((NMLP, H), dtype=jnp.float32)
    # GINEConv layers: eps + 2-layer MLP (H -> 2H -> H), plus BatchNorm params
    inp["gine_eps"] = jnp.zeros((L,), dtype=jnp.float32)
    inp["gine_W1"] = jax.random.normal(ks[7], (L, H, 2 * H), dtype=jnp.float32) * s
    inp["gine_b1"] = jnp.zeros((L, 2 * H), dtype=jnp.float32)
    inp["gine_W2"] = jax.random.normal(ks[8], (L, 2 * H, H), dtype=jnp.float32) * s
    inp["gine_b2"] = jnp.zeros((L, H), dtype=jnp.float32)
    inp["bn_gamma"] = jnp.ones((L, H), dtype=jnp.float32)
    inp["bn_beta"] = jnp.zeros((L, H), dtype=jnp.float32)
    # output head: Linear(2H, H), ReLU, Linear(H, 1)
    inp["out_W1"] = jax.random.normal(ks[9], (2 * H, H), dtype=jnp.float32) * s
    inp["out_b1"] = jnp.zeros((H,), dtype=jnp.float32)
    inp["out_W2"] = jax.random.normal(ks[10], (H, 1), dtype=jnp.float32) * s
    inp["out_b2"] = jnp.zeros((1,), dtype=jnp.float32)
    return inp


def reference(x, edge_index, edge_attr, edge_label_index, node_emb, node_mlp_W,
              node_mlp_b, edge_emb, edge_mlp_W, edge_mlp_b, gine_eps, gine_W1,
              gine_b1, gine_W2, gine_b2, bn_gamma, bn_beta, out_W1, out_b1,
              out_W2, out_b2):
    # features=False: x = ones_like(x)[:, 0].reshape(-1, 1); then x.to(int) indexes atom encoder
    x_idx = jax.lax.stop_gradient(jnp.ones_like(x))[:, 0].astype(jnp.int32)
    h = node_emb[x_idx]
    for i in range(node_mlp_W.shape[0]):
        h = jax.nn.relu(h @ node_mlp_W[i] + node_mlp_b[i])
    e = edge_emb[edge_attr[:, 0]]
    for i in range(edge_mlp_W.shape[0]):
        e = jax.nn.relu(e @ edge_mlp_W[i] + edge_mlp_b[i])
    src, dst = edge_index[0], edge_index[1]
    nlayers = gine_W1.shape[0]
    for l in range(nlayers):
        # GINEConv message: ReLU(x_src + edge_attr_emb) * edge_weight (edge_weight == 1)
        msg = jax.nn.relu(h[src] + e)
        agg = jax.ops.segment_sum(msg, dst, num_segments=h.shape[0])
        z = (1.0 + gine_eps[l]) * h + agg
        z = jax.nn.relu(z @ gine_W1[l] + gine_b1[l]) @ gine_W2[l] + gine_b2[l]
        # BatchNorm1d (batch statistics)
        mean = z.mean(axis=0)
        var = z.var(axis=0)
        z = bn_gamma[l] * (z - mean) / jnp.sqrt(var + 1e-5) + bn_beta[l]
        # dropout(drop_ratio=0.0) is identity; ReLU on all but last layer
        h = z if l == nlayers - 1 else jax.nn.relu(z)
    x1 = h[edge_label_index[0]]
    x2 = h[edge_label_index[1]]
    cat = jnp.concatenate([x1, x2], axis=1)
    out = jax.nn.relu(cat @ out_W1 + out_b1) @ out_W2 + out_b2
    return jax.nn.sigmoid(out)

if __name__ == "__main__":
    import jax
    _d = setup_inputs()
    print(jax.jit(kernel)(*tuple(_d.values())))

</pallas_src>

<mosaic_0001>
#map = affine_map<(d0, d1) -> (0, 0, 0)>
#map1 = affine_map<(d0, d1) -> (0, 0)>
module attributes {stable_mosaic.version = 14 : i64} {
  func.func @body(%arg0: i32, %arg1: i32, %arg2: memref<7168x3x112xi32, #tpu.memory_space<hbm>>, %arg3: memref<50000x64xf32, #tpu.memory_space<hbm>>, %arg4: memref<512x64xf32, #tpu.memory_space<hbm>>, %arg5: memref<50176x64xf32, #tpu.memory_space<hbm>>, %arg6: memref<3x112xi32, #tpu.memory_space<vmem>>, %arg7: memref<3x112xi32, #tpu.memory_space<vmem>>, %arg8: memref<112xi32, #tpu.memory_space<vmem>>, %arg9: memref<112xi32, #tpu.memory_space<vmem>>, %arg10: memref<112x64xf32, #tpu.memory_space<vmem>>, %arg11: memref<112x64xf32, #tpu.memory_space<vmem>>, %arg12: memref<112x64xf32, #tpu.memory_space<vmem>>, %arg13: memref<112x64xf32, #tpu.memory_space<vmem>>, %arg14: memref<25104x64xf32, #tpu.memory_space<vmem_shared>>, %arg15: memref<!tpu.dma_semaphore, #tpu.memory_space<semaphore_mem>>, %arg16: memref<!tpu.dma_semaphore, #tpu.memory_space<semaphore_mem>>, %arg17: memref<!tpu.dma_semaphore, #tpu.memory_space<semaphore_mem>>, %arg18: memref<!tpu.dma_semaphore, #tpu.memory_space<semaphore_mem>>, %arg19: memref<!tpu.dma_semaphore, #tpu.memory_space<semaphore_mem>>) attributes {dimension_semantics = [#tpu.dimension_semantics<core_parallel>, #tpu.dimension_semantics<subcore_parallel>], iteration_bounds = array<i64: 2, 16>, scalar_prefetch = 0 : i64, scratch_operands = 14 : i64, tpu.core_type = #tpu.core_type<sc_vector_subcore>, window_params = [{transform_indices = #map}, {transform_indices = #map1}, {transform_indices = #map1}, {transform_indices = #map1}]} {
    %mul3A = arith.constant 25088 : i32
    %mul3A_0 = arith.muli %arg0, %mul3A : i32
    %scan3A = arith.constant 0 : i32
    %scan3A_1 = arith.constant 0 : i32
    %scan3A_2 = arith.constant 112 : i32
    %scan3A_3 = arith.addi %scan3A_1, %scan3A_2 : i32
    %scan3A_4 = arith.constant 1 : i32
    %scan3A_5 = scf.for %scan3A_163 = %scan3A_1 to %scan3A_3 step %scan3A_4 iter_args(%scan3A_164 = %scan3A) -> (i32)  : i32 {
      %broadcast_in_dim3A = arith.constant 0.000000e+00 : f32
      %broadcast_in_dim3A_165 = vector.broadcast %broadcast_in_dim3A : f32 to vector<16xf32>
      %swap3A = arith.index_cast %scan3A_163 : i32 to index
      %swap3A_166 = arith.constant 0 : index
      %swap3A_167 = tpu.vector_load %arg10[%swap3A, %swap3A_166] {strides = array<i32>} : memref<112x64xf32, #tpu.memory_space<vmem>>, vector<1x16xf32>,
      %swap3A_168 = vector.shape_cast %swap3A_167 : vector<1x16xf32> to vector<16xf32>
      %swap3A_169 = vector.shape_cast %broadcast_in_dim3A_165 : vector<16xf32> to vector<1x16xf32>
      tpu.vector_store %arg10[%swap3A, %swap3A_166], %swap3A_169 {strides = array<i32>} : memref<112x64xf32, #tpu.memory_space<vmem>>, vector<1x16xf32>,
      %broadcast_in_dim3A_170 = arith.constant 0.000000e+00 : f32
      %broadcast_in_dim3A_171 = vector.broadcast %broadcast_in_dim3A_170 : f32 to vector<16xf32>
      %swap3A_172 = arith.index_cast %scan3A_163 : i32 to index
      %swap3A_173 = arith.constant 16 : index
      %swap3A_174 = tpu.vector_load %arg10[%swap3A_172, %swap3A_173] {strides = array<i32>} : memref<112x64xf32, #tpu.memory_space<vmem>>, vector<1x16xf32>,
      %swap3A_175 = vector.shape_cast %swap3A_174 : vector<1x16xf32> to vector<16xf32>
      %swap3A_176 = vector.shape_cast %broadcast_in_dim3A_171 : vector<16xf32> to vector<1x16xf32>
      tpu.vector_store %arg10[%swap3A_172, %swap3A_173], %swap3A_176 {strides = array<i32>} : memref<112x64xf32, #tpu.memory_space<vmem>>, vector<1x16xf32>,
      %broadcast_in_dim3A_177 = arith.constant 0.000000e+00 : f32
      %broadcast_in_dim3A_178 = vector.broadcast %broadcast_in_dim3A_177 : f32 to vector<16xf32>
      %swap3A_179 = arith.index_cast %scan3A_163 : i32 to index
      %swap3A_180 = arith.constant 32 : index
      %swap3A_181 = tpu.vector_load %arg10[%swap3A_179, %swap3A_180] {strides = array<i32>} : memref<112x64xf32, #tpu.memory_space<vmem>>, vector<1x16xf32>,
      %swap3A_182 = vector.shape_cast %swap3A_181 : vector<1x16xf32> to vector<16xf32>
      %swap3A_183 = vector.shape_cast %broadcast_in_dim3A_178 : vector<16xf32> to vector<1x16xf32>
      tpu.vector_store %arg10[%swap3A_179, %swap3A_180], %swap3A_183 {strides = array<i32>} : memref<112x64xf32, #tpu.memory_space<vmem>>, vector<1x16xf32>,
      %broadcast_in_dim3A_184 = arith.constant 0.000000e+00 : f32
      %broadcast_in_dim3A_185 = vector.broadcast %broadcast_in_dim3A_184 : f32 to vector<16xf32>
      %swap3A_186 = arith.index_cast %scan3A_163 : i32 to index
      %swap3A_187 = arith.constant 48 : index
      %swap3A_188 = tpu.vector_load %arg10[%swap3A_186, %swap3A_187] {strides = array<i32>} : memref<112x64xf32, #tpu.memory_space<vmem>>, vector<1x16xf32>,
      %swap3A_189 = vector.shape_cast %swap3A_188 : vector<1x16xf32> to vector<16xf32>
      %swap3A_190 = vector.shape_cast %broadcast_in_dim3A_185 : vector<16xf32> to vector<1x16xf32>
      tpu.vector_store %arg10[%swap3A_186, %swap3A_187], %swap3A_190 {strides = array<i32>} : memref<112x64xf32, #tpu.memory_space<vmem>>, vector<1x16xf32>,
      %scan3A_191 = arith.constant 0 : i32
      scf.yield %scan3A_191 : i32
    }
    %scan3A_6 = arith.constant 112 : i32
    %scan3A_7 = arith.constant 0 : i32
    %scan3A_8 = arith.constant 0 : i32
    %scan3A_9 = arith.constant 14 : i32
    %scan3A_10 = arith.addi %scan3A_8, %scan3A_9 : i32
    %scan3A_11 = arith.constant 1 : i32
    %scan3A_12 = scf.for %scan3A_163 = %scan3A_8 to %scan3A_10 step %scan3A_11 iter_args(%scan3A_164 = %scan3A_7) -> (i32)  : i32 {
      %mul3A_165 = arith.constant 1568 : i32
      %mul3A_166 = arith.muli %arg1, %mul3A_165 : i32
      %mul3A_167 = arith.constant 112 : i32
      %mul3A_168 = arith.muli %scan3A_163, %mul3A_167 : i32
      %add3A_169 = arith.addi %mul3A_166, %mul3A_168 : i32
      "tpu.region"() ({
        %run_scoped3A = tpu.sem_alloc : memref<!tpu.dma_semaphore, #tpu.memory_space<semaphore_mem>>
        %dma_start3A_171 = arith.constant 0 : i32
        %dma_start3A_172 = tpu.memref_slice %arg14[%add3A_169, %dma_start3A_171] : memref<25104x64xf32, #tpu.memory_space<vmem_shared>> -> memref<112x64xf32, #tpu.memory_space<vmem_shared>>
        %dma_start3A_173 = arith.constant 0 : i32
        %dma_start3A_174 = tpu.memref_slice %arg14[%add3A_169, %dma_start3A_173] : memref<25104x64xf32, #tpu.memory_space<vmem_shared>> -> memref<112x64xf32, #tpu.memory_space<vmem_shared>>
        tpu.enqueue_dma source(%arg10 : memref<112x64xf32, #tpu.memory_space<vmem>>) target(%dma_start3A_174 : memref<112x64xf32, #tpu.memory_space<vmem_shared>>) target_semaphore(%run_scoped3A : memref<!tpu.dma_semaphore, #tpu.memory_space<semaphore_mem>>)
        %dma_wait3A_175 = arith.constant 0 : i32
        %dma_wait3A_176 = tpu.memref_slice %arg14[%add3A_169, %dma_wait3A_175] : memref<25104x64xf32, #tpu.memory_space<vmem_shared>> -> memref<112x64xf32, #tpu.memory_space<vmem_shared>>
        %dma_wait3A_177 = arith.constant 0 : i32
        %dma_wait3A_178 = tpu.memref_slice %arg14[%add3A_169, %dma_wait3A_177] : memref<25104x64xf32, #tpu.memory_space<vmem_shared>> -> memref<112x64xf32, #tpu.memory_space<vmem_shared>>
        tpu.wait_dma2 semaphore(%run_scoped3A : memref<!tpu.dma_semaphore, #tpu.memory_space<semaphore_mem>>) src(%arg10 : memref<112x64xf32, #tpu.memory_space<vmem>>) dst(%dma_wait3A_178 : memref<112x64xf32, #tpu.memory_space<vmem_shared>>)
        tpu.yield
      }) : () -> ()
      %scan3A_170 = arith.constant 0 : i32
      scf.yield %scan3A_170 : i32
    }
    %scan3A_13 = arith.constant 14 : i32
    %barrier3A = arith.constant 0 : index
    tpu.barrier barrier_id(%barrier3A)
    %mul3A_14 = arith.constant 448 : i32
    %mul3A_15 = arith.muli %arg1, %mul3A_14 : i32
    %dma_start3A = arith.constant 0 : i32
    %dma_start3A_16 = arith.constant 0 : i32
    %dma_start3A_17 = tpu.memref_slice %arg2[%mul3A_15, %dma_start3A, %dma_start3A_16] : memref<7168x3x112xi32, #tpu.memory_space<hbm>> -> memref<1x3x112xi32, #tpu.memory_space<hbm>>
    %dma_start3A_18 = tpu.memref_squeeze %dma_start3A_17 : memref<1x3x112xi32, #tpu.memory_space<hbm>> -> memref<3x112xi32, #tpu.memory_space<hbm>>
    %dma_start3A_19 = arith.constant 0 : i32
    %dma_start3A_20 = arith.constant 0 : i32
    %dma_start3A_21 = tpu.memref_slice %arg2[%mul3A_15, %dma_start3A_19, %dma_start3A_20] : memref<7168x3x112xi32, #tpu.memory_space<hbm>> -> memref<1x3x112xi32, #tpu.memory_space<hbm>>
    %dma_start3A_22 = tpu.memref_squeeze %dma_start3A_21 : memref<1x3x112xi32, #tpu.memory_space<hbm>> -> memref<3x112xi32, #tpu.memory_space<hbm>>
    tpu.enqueue_dma source(%dma_start3A_22 : memref<3x112xi32, #tpu.memory_space<hbm>>) target(%arg6 : memref<3x112xi32, #tpu.memory_space<vmem>>) target_semaphore(%arg15 : memref<!tpu.dma_semaphore, #tpu.memory_space<semaphore_mem>>)
    %add3A = arith.constant 1 : i32
    %add3A_23 = arith.addi %mul3A_15, %add3A : i32
    %dma_start3A_24 = arith.constant 0 : i32
    %dma_start3A_25 = arith.constant 0 : i32
    %dma_start3A_26 = tpu.memref_slice %arg2[%add3A_23, %dma_start3A_24, %dma_start3A_25] : memref<7168x3x112xi32, #tpu.memory_space<hbm>> -> memref<1x3x112xi32, #tpu.memory_space<hbm>>
    %dma_start3A_27 = tpu.memref_squeeze %dma_start3A_26 : memref<1x3x112xi32, #tpu.memory_space<hbm>> -> memref<3x112xi32, #tpu.memory_space<hbm>>
    %dma_start3A_28 = arith.constant 0 : i32
    %dma_start3A_29 = arith.constant 0 : i32
    %dma_start3A_30 = tpu.memref_slice %arg2[%add3A_23, %dma_start3A_28, %dma_start3A_29] : memref<7168x3x112xi32, #tpu.memory_space<hbm>> -> memref<1x3x112xi32, #tpu.memory_space<hbm>>
    %dma_start3A_31 = tpu.memref_squeeze %dma_start3A_30 : memref<1x3x112xi32, #tpu.memory_space<hbm>> -> memref<3x112xi32, #tpu.memory_space<hbm>>
    tpu.enqueue_dma source(%dma_start3A_31 : memref<3x112xi32, #tpu.memory_space<hbm>>) target(%arg7 : memref<3x112xi32, #tpu.memory_space<vmem>>) target_semaphore(%arg16 : memref<!tpu.dma_semaphore, #tpu.memory_space<semaphore_mem>>)
    %dma_wait3A = arith.constant 0 : i32
    %dma_wait3A_32 = arith.constant 0 : i32
    %dma_wait3A_33 = arith.constant 0 : i32
    %dma_wait3A_34 = tpu.memref_slice %arg2[%dma_wait3A, %dma_wait3A_32, %dma_wait3A_33] : memref<7168x3x112xi32, #tpu.memory_space<hbm>> -> memref<1x3x112xi32, #tpu.memory_space<hbm>>
    %dma_wait3A_35 = tpu.memref_squeeze %dma_wait3A_34 : memref<1x3x112xi32, #tpu.memory_space<hbm>> -> memref<3x112xi32, #tpu.memory_space<hbm>>
    %dma_wait3A_36 = arith.constant 0 : i32
    %dma_wait3A_37 = arith.constant 0 : i32
    %dma_wait3A_38 = tpu.memref_slice %arg2[%dma_wait3A, %dma_wait3A_36, %dma_wait3A_37] : memref<7168x3x112xi32, #tpu.memory_space<hbm>> -> memref<1x3x112xi32, #tpu.memory_space<hbm>>
    %dma_wait3A_39 = tpu.memref_squeeze %dma_wait3A_38 : memref<1x3x112xi32, #tpu.memory_space<hbm>> -> memref<3x112xi32, #tpu.memory_space<hbm>>
    tpu.wait_dma2 semaphore(%arg15 : memref<!tpu.dma_semaphore, #tpu.memory_space<semaphore_mem>>) src(%dma_wait3A_39 : memref<3x112xi32, #tpu.memory_space<hbm>>) dst(%arg6 : memref<3x112xi32, #tpu.memory_space<vmem>>)
    %scan3A_40 = arith.constant 0 : i32
    %scan3A_41 = arith.constant 0 : i32
    %scan3A_42 = arith.constant 7 : i32
    %scan3A_43 = arith.addi %scan3A_41, %scan3A_42 : i32
    %scan3A_44 = arith.constant 1 : i32
    %scan3A_45 = scf.for %scan3A_163 = %scan3A_41 to %scan3A_43 step %scan3A_44 iter_args(%scan3A_164 = %scan3A_40) -> (i32)  : i32 {
      %mul3A_165 = arith.constant 16 : i32
      %mul3A_166 = arith.muli %scan3A_163, %mul3A_165 : i32
      %get3A = arith.constant 1 : i32
      %get3A_167 = arith.index_cast %get3A : i32 to index
      %get3A_168 = arith.index_cast %mul3A_166 : i32 to index
      %get3A_169 = tpu.vector_load %arg6[%get3A_167, %get3A_168] {strides = array<i32>} : memref<3x112xi32, #tpu.memory_space<vmem>>, vector<1x16xi32>,
      %get3A_170 = vector.shape_cast %get3A_169 : vector<1x16xi32> to vector<16xi32>
      %sub3A = vector.broadcast %mul3A_0 : i32 to vector<16xi32>
      %sub3A_171 = arith.subi %get3A_170, %sub3A : vector<16xi32>
      %ge3A = arith.constant 0 : i32
      %ge3A_172 = vector.broadcast %ge3A : i32 to vector<16xi32>
      %ge3A_173 = arith.cmpi sge, %sub3A_171, %ge3A_172 : vector<16xi32>
      %lt3A = arith.constant 25088 : i32
      %lt3A_174 = vector.broadcast %lt3A : i32 to vector<16xi32>
      %lt3A_175 = arith.cmpi slt, %sub3A_171, %lt3A_174 : vector<16xi32>
      %and3A = arith.andi %ge3A_173, %lt3A_175 : vector<16xi1>
      %and3A_176 = arith.constant 15 : i32
      %and3A_177 = vector.broadcast %and3A_176 : i32 to vector<16xi32>
      %and3A_178 = arith.andi %get3A_170, %and3A_177 : vector<16xi32>
      %add3A_179 = arith.constant 25088 : i32
      %add3A_180 = vector.broadcast %add3A_179 : i32 to vector<16xi32>
      %add3A_181 = arith.addi %add3A_180, %and3A_178 : vector<16xi32>
      %select_n3A = arith.select %and3A, %sub3A_171, %add3A_181 : vector<16xi1>, vector<16xi32>
      %mul3A_182 = arith.constant 16 : i32
      %mul3A_183 = arith.muli %scan3A_163, %mul3A_182 : i32
      %swap3A = arith.index_cast %mul3A_183 : i32 to index
      %swap3A_184 = tpu.vector_load %arg8[%swap3A] {strides = array<i32>} : memref<112xi32, #tpu.memory_space<vmem>>, vector<16xi32>,
      %swap3A_185 = vector.shape_cast %swap3A_184 : vector<16xi32> to vector<16xi32>
      %swap3A_186 = vector.shape_cast %select_n3A : vector<16xi32> to vector<16xi32>
      tpu.vector_store %arg8[%swap3A], %swap3A_186 {strides = array<i32>} : memref<112xi32, #tpu.memory_space<vmem>>, vector<16xi32>,
      %scan3A_187 = arith.constant 0 : i32
      scf.yield %scan3A_187 : i32
    }
    %scan3A_46 = arith.constant 7 : i32
    %dma_start3A_47 = arith.constant 2 : i32
    %dma_start3A_48 = arith.constant 0 : i32
    %dma_start3A_49 = tpu.memref_slice %arg6[%dma_start3A_47, %dma_start3A_48] : memref<3x112xi32, #tpu.memory_space<vmem>> -> memref<1x112xi32, #tpu.memory_space<vmem>>
    %dma_start3A_50 = tpu.memref_squeeze %dma_start3A_49 : memref<1x112xi32, #tpu.memory_space<vmem>> -> memref<112xi32, #tpu.memory_space<vmem>>
    %dma_start3A_51 = arith.constant 0 : i32
    %dma_start3A_52 = arith.constant 0 : i32
    %dma_start3A_53 = tpu.memref_slice %arg4[%dma_start3A_51, %dma_start3A_52] : memref<512x64xf32, #tpu.memory_space<hbm>> -> memref<512x64xf32, #tpu.memory_space<hbm>>
    tpu.enqueue_indirect_dma source(%dma_start3A_53 : memref<512x64xf32, #tpu.memory_space<hbm>>) target(%arg10 : memref<112x64xf32, #tpu.memory_space<vmem>>) offsets(%dma_start3A_50 : memref<112xi32, #tpu.memory_space<vmem>>) semaphore(%arg17 : memref<!tpu.dma_semaphore, #tpu.memory_space<semaphore_mem>>)
    %dma_start3A_54 = arith.constant 0 : i32
    %dma_start3A_55 = arith.constant 0 : i32
    %dma_start3A_56 = tpu.memref_slice %arg6[%dma_start3A_54, %dma_start3A_55] : memref<3x112xi32, #tpu.memory_space<vmem>> -> memref<1x112xi32, #tpu.memory_space<vmem>>
    %dma_start3A_57 = tpu.memref_squeeze %dma_start3A_56 : memref<1x112xi32, #tpu.memory_space<vmem>> -> memref<112xi32, #tpu.memory_space<vmem>>
    %dma_start3A_58 = arith.constant 0 : i32
    %dma_start3A_59 = arith.constant 0 : i32
    %dma_start3A_60 = tpu.memref_slice %arg3[%dma_start3A_58, %dma_start3A_59] : memref<50000x64xf32, #tpu.memory_space<hbm>> -> memref<50000x64xf32, #tpu.memory_space<hbm>>
    tpu.enqueue_indirect_dma source(%dma_start3A_60 : memref<50000x64xf32, #tpu.memory_space<hbm>>) target(%arg12 : memref<112x64xf32, #tpu.memory_space<vmem>>) offsets(%dma_start3A_57 : memref<112xi32, #tpu.memory_space<vmem>>) semaphore(%arg17 : memref<!tpu.dma_semaphore, #tpu.memory_space<semaphore_mem>>)
    %scan3A_61 = arith.constant 0 : i32
    %scan3A_62 = arith.constant 0 : i32
    %scan3A_63 = arith.constant 223 : i32
    %scan3A_64 = arith.addi %scan3A_62, %scan3A_63 : i32
    %scan3A_65 = arith.constant 1 : i32
    %scan3A_66 = scf.for %scan3A_163 = %scan3A_62 to %scan3A_64 step %scan3A_65 iter_args(%scan3A_164 = %scan3A_61) -> (i32)  : i32 {
      %mul3A_165 = arith.constant 2 : i32
      %mul3A_166 = arith.muli %mul3A_165, %scan3A_163 : i32
      %add3A_167 = arith.addi %mul3A_15, %mul3A_166 : i32
      %add3A_168 = arith.constant 0 : i32
      %add3A_169 = arith.addi %add3A_167, %add3A_168 : i32
      %gt3A = arith.constant 0 : i32
      %gt3A_170 = arith.cmpi sgt, %scan3A_163, %gt3A : i32
      %convert_element_type3A = arith.extui %gt3A_170 : i1 to i32
      %cond3A = arith.constant 0 : i32
      %cond3A_171 = arith.cmpi ne, %convert_element_type3A, %cond3A : i32
      scf.if %cond3A_171 {
        %dma_wait3A_306 = arith.constant 0 : i32
        %dma_wait3A_307 = arith.constant 0 : i32
        %dma_wait3A_308 = tpu.memref_slice %arg14[%dma_wait3A_306, %dma_wait3A_307] : memref<25104x64xf32, #tpu.memory_space<vmem_shared>> -> memref<25104x64xf32, #tpu.memory_space<vmem_shared>>
        tpu.wait_indirect_dma semaphore(%arg19 : memref<!tpu.dma_semaphore, #tpu.memory_space<semaphore_mem>>) src(%arg10 : memref<112x64xf32, #tpu.memory_space<vmem>>) dst(%dma_wait3A_308 : memref<25104x64xf32, #tpu.memory_space<vmem_shared>>)
      } else {
      }
      %dma_wait3A_172 = arith.constant 0 : i32
      %dma_wait3A_173 = arith.constant 0 : i32
      %dma_wait3A_174 = arith.constant 0 : i32
      %dma_wait3A_175 = tpu.memref_slice %arg2[%dma_wait3A_172, %dma_wait3A_173, %dma_wait3A_174] : memref<7168x3x112xi32, #tpu.memory_space<hbm>> -> memref<1x3x112xi32, #tpu.memory_space<hbm>>
      %dma_wait3A_176 = tpu.memref_squeeze %dma_wait3A_175 : memref<1x3x112xi32, #tpu.memory_space<hbm>> -> memref<3x112xi32, #tpu.memory_space<hbm>>
      %dma_wait3A_177 = arith.constant 0 : i32
      %dma_wait3A_178 = arith.constant 0 : i32
      %dma_wait3A_179 = tpu.memref_slice %arg2[%dma_wait3A_172, %dma_wait3A_177, %dma_wait3A_178] : memref<7168x3x112xi32, #tpu.memory_space<hbm>> -> memref<1x3x112xi32, #tpu.memory_space<hbm>>
      %dma_wait3A_180 = tpu.memref_squeeze %dma_wait3A_179 : memref<1x3x112xi32, #tpu.memory_space<hbm>> -> memref<3x112xi32, #tpu.memory_space<hbm>>
      tpu.wait_dma2 semaphore(%arg16 : memref<!tpu.dma_semaphore, #tpu.memory_space<semaphore_mem>>) src(%dma_wait3A_180 : memref<3x112xi32, #tpu.memory_space<hbm>>) dst(%arg7 : memref<3x112xi32, #tpu.memory_space<vmem>>)
      %scan3A_181 = arith.constant 0 : i32
      %scan3A_182 = arith.constant 0 : i32
      %scan3A_183 = arith.constant 7 : i32
      %scan3A_184 = arith.addi %scan3A_182, %scan3A_183 : i32
      %scan3A_185 = arith.constant 1 : i32
      %scan3A_186 = scf.for %scan3A_306 = %scan3A_182 to %scan3A_184 step %scan3A_185 iter_args(%scan3A_307 = %scan3A_181) -> (i32)  : i32 {
        %mul3A_308 = arith.constant 16 : i32
        %mul3A_309 = arith.muli %scan3A_306, %mul3A_308 : i32
        %get3A = arith.constant 1 : i32
        %get3A_310 = arith.index_cast %get3A : i32 to index
        %get3A_311 = arith.index_cast %mul3A_309 : i32 to index
        %get3A_312 = tpu.vector_load %arg7[%get3A_310, %get3A_311] {strides = array<i32>} : memref<3x112xi32, #tpu.memory_space<vmem>>, vector<1x16xi32>,
        %get3A_313 = vector.shape_cast %get3A_312 : vector<1x16xi32> to vector<16xi32>
        %sub3A = vector.broadcast %mul3A_0 : i32 to vector<16xi32>
        %sub3A_314 = arith.subi %get3A_313, %sub3A : vector<16xi32>
        %ge3A = arith.constant 0 : i32
        %ge3A_315 = vector.broadcast %ge3A : i32 to vector<16xi32>
        %ge3A_316 = arith.cmpi sge, %sub3A_314, %ge3A_315 : vector<16xi32>
        %lt3A = arith.constant 25088 : i32
        %lt3A_317 = vector.broadcast %lt3A : i32 to vector<16xi32>
        %lt3A_318 = arith.cmpi slt, %sub3A_314, %lt3A_317 : vector<16xi32>
        %and3A = arith.andi %ge3A_316, %lt3A_318 : vector<16xi1>
        %and3A_319 = arith.constant 15 : i32
        %and3A_320 = vector.broadcast %and3A_319 : i32 to vector<16xi32>
        %and3A_321 = arith.andi %get3A_313, %and3A_320 : vector<16xi32>
        %add3A_322 = arith.constant 25088 : i32
        %add3A_323 = vector.broadcast %add3A_322 : i32 to vector<16xi32>
        %add3A_324 = arith.addi %add3A_323, %and3A_321 : vector<16xi32>
        %select_n3A = arith.select %and3A, %sub3A_314, %add3A_324 : vector<16xi1>, vector<16xi32>
        %mul3A_325 = arith.constant 16 : i32
        %mul3A_326 = arith.muli %scan3A_306, %mul3A_325 : i32
        %swap3A = arith.index_cast %mul3A_326 : i32 to index
        %swap3A_327 = tpu.vector_load %arg9[%swap3A] {strides = array<i32>} : memref<112xi32, #tpu.memory_space<vmem>>, vector<16xi32>,
        %swap3A_328 = vector.shape_cast %swap3A_327 : vector<16xi32> to vector<16xi32>
        %swap3A_329 = vector.shape_cast %select_n3A : vector<16xi32> to vector<16xi32>
        tpu.vector_store %arg9[%swap3A], %swap3A_329 {strides = array<i32>} : memref<112xi32, #tpu.memory_space<vmem>>, vector<16xi32>,
        %scan3A_330 = arith.constant 0 : i32
        scf.yield %scan3A_330 : i32
      }
      %scan3A_187 = arith.constant 7 : i32
      %dma_start3A_188 = arith.constant 2 : i32
      %dma_start3A_189 = arith.constant 0 : i32
      %dma_start3A_190 = tpu.memref_slice %arg7[%dma_start3A_188, %dma_start3A_189] : memref<3x112xi32, #tpu.memory_space<vmem>> -> memref<1x112xi32, #tpu.memory_space<vmem>>
      %dma_start3A_191 = tpu.memref_squeeze %dma_start3A_190 : memref<1x112xi32, #tpu.memory_space<vmem>> -> memref<112xi32, #tpu.memory_space<vmem>>
      %dma_start3A_192 = arith.constant 0 : i32
      %dma_start3A_193 = arith.constant 0 : i32
      %dma_start3A_194 = tpu.memref_slice %arg4[%dma_start3A_192, %dma_start3A_193] : memref<512x64xf32, #tpu.memory_space<hbm>> -> memref<512x64xf32, #tpu.memory_space<hbm>>
      tpu.enqueue_indirect_dma source(%dma_start3A_194 : memref<512x64xf32, #tpu.memory_space<hbm>>) target(%arg11 : memref<112x64xf32, #tpu.memory_space<vmem>>) offsets(%dma_start3A_191 : memref<112xi32, #tpu.memory_space<vmem>>) semaphore(%arg18 : memref<!tpu.dma_semaphore, #tpu.memory_space<semaphore_mem>>)
      %dma_start3A_195 = arith.constant 0 : i32
      %dma_start3A_196 = arith.constant 0 : i32
      %dma_start3A_197 = tpu.memref_slice %arg7[%dma_start3A_195, %dma_start3A_196] : memref<3x112xi32, #tpu.memory_space<vmem>> -> memref<1x112xi32, #tpu.memory_space<vmem>>
      %dma_start3A_198 = tpu.memref_squeeze %dma_start3A_197 : memref<1x112xi32, #tpu.memory_space<vmem>> -> memref<112xi32, #tpu.memory_space<vmem>>
      %dma_start3A_199 = arith.constant 0 : i32
      %dma_start3A_200 = arith.constant 0 : i32
      %dma_start3A_201 = tpu.memref_slice %arg3[%dma_start3A_199, %dma_start3A_200] : memref<50000x64xf32, #tpu.memory_space<hbm>> -> memref<50000x64xf32, #tpu.memory_space<hbm>>
      tpu.enqueue_indirect_dma source(%dma_start3A_201 : memref<50000x64xf32, #tpu.memory_space<hbm>>) target(%arg13 : memref<112x64xf32, #tpu.memory_space<vmem>>) offsets(%dma_start3A_198 : memref<112xi32, #tpu.memory_space<vmem>>) semaphore(%arg18 : memref<!tpu.dma_semaphore, #tpu.memory_space<semaphore_mem>>)
      %dma_wait3A_202 = arith.constant 2 : i32
      %dma_wait3A_203 = arith.constant 0 : i32
      %dma_wait3A_204 = tpu.memref_slice %arg6[%dma_wait3A_202, %dma_wait3A_203] : memref<3x112xi32, #tpu.memory_space<vmem>> -> memref<1x112xi32, #tpu.memory_space<vmem>>
      %dma_wait3A_205 = tpu.memref_squeeze %dma_wait3A_204 : memref<1x112xi32, #tpu.memory_space<vmem>> -> memref<112xi32, #tpu.memory_space<vmem>>
      %dma_wait3A_206 = arith.constant 0 : i32
      %dma_wait3A_207 = arith.constant 0 : i32
      %dma_wait3A_208 = tpu.memref_slice %arg4[%dma_wait3A_206, %dma_wait3A_207] : memref<512x64xf32, #tpu.memory_space<hbm>> -> memref<512x64xf32, #tpu.memory_space<hbm>>
      tpu.wait_indirect_dma semaphore(%arg17 : memref<!tpu.dma_semaphore, #tpu.memory_space<semaphore_mem>>) src(%dma_wait3A_208 : memref<512x64xf32, #tpu.memory_space<hbm>>) dst(%arg10 : memref<112x64xf32, #tpu.memory_space<vmem>>)
      %dma_wait3A_209 = arith.constant 0 : i32
      %dma_wait3A_210 = arith.constant 0 : i32
      %dma_wait3A_211 = tpu.memref_slice %arg6[%dma_wait3A_209, %dma_wait3A_210] : memref<3x112xi32, #tpu.memory_space<vmem>> -> memref<1x112xi32, #tpu.memory_space<vmem>>
      %dma_wait3A_212 = tpu.memref_squeeze %dma_wait3A_211 : memref<1x112xi32, #tpu.memory_space<vmem>> -> memref<112xi32, #tpu.memory_space<vmem>>
      %dma_wait3A_213 = arith.constant 0 : i32
      %dma_wait3A_214 = arith.constant 0 : i32
      %dma_wait3A_215 = tpu.memref_slice %arg3[%dma_wait3A_213, %dma_wait3A_214] : memref<50000x64xf32, #tpu.memory_space<hbm>> -> memref<50000x64xf32, #tpu.memory_space<hbm>>
      tpu.wait_indirect_dma semaphore(%arg17 : memref<!tpu.dma_semaphore, #tpu.memory_space<semaphore_mem>>) src(%dma_wait3A_215 : memref<50000x64xf32, #tpu.memory_space<hbm>>) dst(%arg12 : memref<112x64xf32, #tpu.memory_space<vmem>>)
      %add3A_216 = arith.constant 2 : i32
      %add3A_217 = arith.addi %add3A_169, %add3A_216 : i32
      %dma_start3A_218 = arith.constant 0 : i32
      %dma_start3A_219 = arith.constant 0 : i32
      %dma_start3A_220 = tpu.memref_slice %arg2[%add3A_217, %dma_start3A_218, %dma_start3A_219] : memref<7168x3x112xi32, #tpu.memory_space<hbm>> -> memref<1x3x112xi32, #tpu.memory_space<hbm>>
      %dma_start3A_221 = tpu.memref_squeeze %dma_start3A_220 : memref<1x3x112xi32, #tpu.memory_space<hbm>> -> memref<3x112xi32, #tpu.memory_space<hbm>>
      %dma_start3A_222 = arith.constant 0 : i32
      %dma_start3A_223 = arith.constant 0 : i32
      %dma_start3A_224 = tpu.memref_slice %arg2[%add3A_217, %dma_start3A_222, %dma_start3A_223] : memref<7168x3x112xi32, #tpu.memory_space<hbm>> -> memref<1x3x112xi32, #tpu.memory_space<hbm>>
      %dma_start3A_225 = tpu.memref_squeeze %dma_start3A_224 : memref<1x3x112xi32, #tpu.memory_space<hbm>> -> memref<3x112xi32, #tpu.memory_space<hbm>>
      tpu.enqueue_dma source(%dma_start3A_225 : memref<3x112xi32, #tpu.memory_space<hbm>>) target(%arg6 : memref<3x112xi32, #tpu.memory_space<vmem>>) target_semaphore(%arg15 : memref<!tpu.dma_semaphore, #tpu.memory_space<semaphore_mem>>)
      %scan3A_226 = arith.constant 0 : i32
      %scan3A_227 = arith.constant 0 : i32
      %scan3A_228 = arith.constant 112 : i32
      %scan3A_229 = arith.addi %scan3A_227, %scan3A_228 : i32
      %scan3A_230 = arith.constant 1 : i32
      %scan3A_231 = scf.for %scan3A_306 = %scan3A_227 to %scan3A_229 step %scan3A_230 iter_args(%scan3A_307 = %scan3A_226) -> (i32)  : i32 {
        %get3A = arith.index_cast %scan3A_306 : i32 to index
        %get3A_308 = arith.constant 0 : index
        %get3A_309 = tpu.vector_load %arg10[%get3A, %get3A_308] {strides = array<i32>} : memref<112x64xf32, #tpu.memory_space<vmem>>, vector<1x16xf32>,
        %get3A_310 = vector.shape_cast %get3A_309 : vector<1x16xf32> to vector<16xf32>
        %get3A_311 = arith.index_cast %scan3A_306 : i32 to index
        %get3A_312 = arith.constant 0 : index
        %get3A_313 = tpu.vector_load %arg12[%get3A_311, %get3A_312] {strides = array<i32>} : memref<112x64xf32, #tpu.memory_space<vmem>>, vector<1x16xf32>,
        %get3A_314 = vector.shape_cast %get3A_313 : vector<1x16xf32> to vector<16xf32>
        %add3A_315 = arith.addf %get3A_310, %get3A_314 : vector<16xf32>
        %max3A = arith.constant 0.000000e+00 : f32
        %max3A_316 = vector.broadcast %max3A : f32 to vector<16xf32>
        %max3A_317 = arith.maximumf %add3A_315, %max3A_316 : vector<16xf32>
        %swap3A = arith.index_cast %scan3A_306 : i32 to index
        %swap3A_318 = arith.constant 0 : index
        %swap3A_319 = tpu.vector_load %arg10[%swap3A, %swap3A_318] {strides = array<i32>} : memref<112x64xf32, #tpu.memory_space<vmem>>, vector<1x16xf32>,
        %swap3A_320 = vector.shape_cast %swap3A_319 : vector<1x16xf32> to vector<16xf32>
        %swap3A_321 = vector.shape_cast %max3A_317 : vector<16xf32> to vector<1x16xf32>
        tpu.vector_store %arg10[%swap3A, %swap3A_318], %swap3A_321 {strides = array<i32>} : memref<112x64xf32, #tpu.memory_space<vmem>>, vector<1x16xf32>,
        %get3A_322 = arith.index_cast %scan3A_306 : i32 to index
        %get3A_323 = arith.constant 16 : index
        %get3A_324 = tpu.vector_load %arg10[%get3A_322, %get3A_323] {strides = array<i32>} : memref<112x64xf32, #tpu.memory_space<vmem>>, vector<1x16xf32>,
        %get3A_325 = vector.shape_cast %get3A_324 : vector<1x16xf32> to vector<16xf32>
        %get3A_326 = arith.index_cast %scan3A_306 : i32 to index
        %get3A_327 = arith.constant 16 : index
        %get3A_328 = tpu.vector_load %arg12[%get3A_326, %get3A_327] {strides = array<i32>} : memref<112x64xf32, #tpu.memory_space<vmem>>, vector<1x16xf32>,
        %get3A_329 = vector.shape_cast %get3A_328 : vector<1x16xf32> to vector<16xf32>
        %add3A_330 = arith.addf %get3A_325, %get3A_329 : vector<16xf32>
        %max3A_331 = arith.constant 0.000000e+00 : f32
        %max3A_332 = vector.broadcast %max3A_331 : f32 to vector<16xf32>
        %max3A_333 = arith.maximumf %add3A_330, %max3A_332 : vector<16xf32>
        %swap3A_334 = arith.index_cast %scan3A_306 : i32 to index
        %swap3A_335 = arith.constant 16 : index
        %swap3A_336 = tpu.vector_load %arg10[%swap3A_334, %swap3A_335] {strides = array<i32>} : memref<112x64xf32, #tpu.memory_space<vmem>>, vector<1x16xf32>,
        %swap3A_337 = vector.shape_cast %swap3A_336 : vector<1x16xf32> to vector<16xf32>
        %swap3A_338 = vector.shape_cast %max3A_333 : vector<16xf32> to vector<1x16xf32>
        tpu.vector_store %arg10[%swap3A_334, %swap3A_335], %swap3A_338 {strides = array<i32>} : memref<112x64xf32, #tpu.memory_space<vmem>>, vector<1x16xf32>,
        %get3A_339 = arith.index_cast %scan3A_306 : i32 to index
        %get3A_340 = arith.constant 32 : index
        %get3A_341 = tpu.vector_load %arg10[%get3A_339, %get3A_340] {strides = array<i32>} : memref<112x64xf32, #tpu.memory_space<vmem>>, vector<1x16xf32>,
        %get3A_342 = vector.shape_cast %get3A_341 : vector<1x16xf32> to vector<16xf32>
        %get3A_343 = arith.index_cast %scan3A_306 : i32 to index
        %get3A_344 = arith.constant 32 : index
        %get3A_345 = tpu.vector_load %arg12[%get3A_343, %get3A_344] {strides = array<i32>} : memref<112x64xf32, #tpu.memory_space<vmem>>, vector<1x16xf32>,
        %get3A_346 = vector.shape_cast %get3A_345 : vector<1x16xf32> to vector<16xf32>
        %add3A_347 = arith.addf %get3A_342, %get3A_346 : vector<16xf32>
        %max3A_348 = arith.constant 0.000000e+00 : f32
        %max3A_349 = vector.broadcast %max3A_348 : f32 to vector<16xf32>
        %max3A_350 = arith.maximumf %add3A_347, %max3A_349 : vector<16xf32>
        %swap3A_351 = arith.index_cast %scan3A_306 : i32 to index
        %swap3A_352 = arith.constant 32 : index
        %swap3A_353 = tpu.vector_load %arg10[%swap3A_351, %swap3A_352] {strides = array<i32>} : memref<112x64xf32, #tpu.memory_space<vmem>>, vector<1x16xf32>,
        %swap3A_354 = vector.shape_cast %swap3A_353 : vector<1x16xf32> to vector<16xf32>
        %swap3A_355 = vector.shape_cast %max3A_350 : vector<16xf32> to vector<1x16xf32>
        tpu.vector_store %arg10[%swap3A_351, %swap3A_352], %swap3A_355 {strides = array<i32>} : memref<112x64xf32, #tpu.memory_space<vmem>>, vector<1x16xf32>,
        %get3A_356 = arith.index_cast %scan3A_306 : i32 to index
        %get3A_357 = arith.constant 48 : index
        %get3A_358 = tpu.vector_load %arg10[%get3A_356, %get3A_357] {strides = array<i32>} : memref<112x64xf32, #tpu.memory_space<vmem>>, vector<1x16xf32>,
        %get3A_359 = vector.shape_cast %get3A_358 : vector<1x16xf32> to vector<16xf32>
        %get3A_360 = arith.index_cast %scan3A_306 : i32 to index
        %get3A_361 = arith.constant 48 : index
        %get3A_362 = tpu.vector_load %arg12[%get3A_360, %get3A_361] {strides = array<i32>} : memref<112x64xf32, #tpu.memory_space<vmem>>, vector<1x16xf32>,
        %get3A_363 = vector.shape_cast %get3A_362 : vector<1x16xf32> to vector<16xf32>
        %add3A_364 = arith.addf %get3A_359, %get3A_363 : vector<16xf32>
        %max3A_365 = arith.constant 0.000000e+00 : f32
        %max3A_366 = vector.broadcast %max3A_365 : f32 to vector<16xf32>
        %max3A_367 = arith.maximumf %add3A_364, %max3A_366 : vector<16xf32>
        %swap3A_368 = arith.index_cast %scan3A_306 : i32 to index
        %swap3A_369 = arith.constant 48 : index
        %swap3A_370 = tpu.vector_load %arg10[%swap3A_368, %swap3A_369] {strides = array<i32>} : memref<112x64xf32, #tpu.memory_space<vmem>>, vector<1x16xf32>,
        %swap3A_371 = vector.shape_cast %swap3A_370 : vector<1x16xf32> to vector<16xf32>
        %swap3A_372 = vector.shape_cast %max3A_367 : vector<16xf32> to vector<1x16xf32>
        tpu.vector_store %arg10[%swap3A_368, %swap3A_369], %swap3A_372 {strides = array<i32>} : memref<112x64xf32, #tpu.memory_space<vmem>>, vector<1x16xf32>,
        %scan3A_373 = arith.constant 0 : i32
        scf.yield %scan3A_373 : i32
      }
      %scan3A_232 = arith.constant 112 : i32
      %dma_start3A_233 = arith.constant 0 : i32
      %dma_start3A_234 = arith.constant 0 : i32
      %dma_start3A_235 = tpu.memref_slice %arg14[%dma_start3A_233, %dma_start3A_234] : memref<25104x64xf32, #tpu.memory_space<vmem_shared>> -> memref<25104x64xf32, #tpu.memory_space<vmem_shared>>
      tpu.enqueue_indirect_dma source(%arg10 : memref<112x64xf32, #tpu.memory_space<vmem>>) target(%dma_start3A_235 : memref<25104x64xf32, #tpu.memory_space<vmem_shared>>) offsets(%arg8 : memref<112xi32, #tpu.memory_space<vmem>>) semaphore(%arg19 : memref<!tpu.dma_semaphore, #tpu.memory_space<semaphore_mem>>) {add = true}
      %add3A_236 = arith.constant 1 : i32
      %add3A_237 = arith.addi %add3A_167, %add3A_236 : i32
      %dma_wait3A_238 = arith.constant 0 : i32
      %dma_wait3A_239 = arith.constant 0 : i32
      %dma_wait3A_240 = tpu.memref_slice %arg14[%dma_wait3A_238, %dma_wait3A_239] : memref<25104x64xf32, #tpu.memory_space<vmem_shared>> -> memref<25104x64xf32, #tpu.memory_space<vmem_shared>>
      tpu.wait_indirect_dma semaphore(%arg19 : memref<!tpu.dma_semaphore, #tpu.memory_space<semaphore_mem>>) src(%arg10 : memref<112x64xf32, #tpu.memory_space<vmem>>) dst(%dma_wait3A_240 : memref<25104x64xf32, #tpu.memory_space<vmem_shared>>)
      %dma_wait3A_241 = arith.constant 0 : i32
      %dma_wait3A_242 = arith.constant 0 : i32
      %dma_wait3A_243 = arith.constant 0 : i32
      %dma_wait3A_244 = tpu.memref_slice %arg2[%dma_wait3A_241, %dma_wait3A_242, %dma_wait3A_243] : memref<7168x3x112xi32, #tpu.memory_space<hbm>> -> memref<1x3x112xi32, #tpu.memory_space<hbm>>
      %dma_wait3A_245 = tpu.memref_squeeze %dma_wait3A_244 : memref<1x3x112xi32, #tpu.memory_space<hbm>> -> memref<3x112xi32, #tpu.memory_space<hbm>>
      %dma_wait3A_246 = arith.constant 0 : i32
      %dma_wait3A_247 = arith.constant 0 : i32
      %dma_wait3A_248 = tpu.memref_slice %arg2[%dma_wait3A_241, %dma_wait3A_246, %dma_wait3A_247] : memref<7168x3x112xi32, #tpu.memory_space<hbm>> -> memref<1x3x112xi32, #tpu.memory_space<hbm>>
      %dma_wait3A_249 = tpu.memref_squeeze %dma_wait3A_248 : memref<1x3x112xi32, #tpu.memory_space<hbm>> -> memref<3x112xi32, #tpu.memory_space<hbm>>
      tpu.wait_dma2 semaphore(%arg15 : memref<!tpu.dma_semaphore, #tpu.memory_space<semaphore_mem>>) src(%dma_wait3A_249 : memref<3x112xi32, #tpu.memory_space<hbm>>) dst(%arg6 : memref<3x112xi32, #tpu.memory_space<vmem>>)
      %scan3A_250 = arith.constant 0 : i32
      %scan3A_251 = arith.constant 0 : i32
      %scan3A_252 = arith.constant 7 : i32
      %scan3A_253 = arith.addi %scan3A_251, %scan3A_252 : i32
      %scan3A_254 = arith.constant 1 : i32
      %scan3A_255 = scf.for %scan3A_306 = %scan3A_251 to %scan3A_253 step %scan3A_254 iter_args(%scan3A_307 = %scan3A_250) -> (i32)  : i32 {
        %mul3A_308 = arith.constant 16 : i32
        %mul3A_309 = arith.muli %scan3A_306, %mul3A_308 : i32
        %get3A = arith.constant 1 : i32
        %get3A_310 = arith.index_cast %get3A : i32 to index
        %get3A_311 = arith.index_cast %mul3A_309 : i32 to index
        %get3A_312 = tpu.vector_load %arg6[%get3A_310, %get3A_311] {strides = array<i32>} : memref<3x112xi32, #tpu.memory_space<vmem>>, vector<1x16xi32>,
        %get3A_313 = vector.shape_cast %get3A_312 : vector<1x16xi32> to vector<16xi32>
        %sub3A = vector.broadcast %mul3A_0 : i32 to vector<16xi32>
        %sub3A_314 = arith.subi %get3A_313, %sub3A : vector<16xi32>
        %ge3A = arith.constant 0 : i32
        %ge3A_315 = vector.broadcast %ge3A : i32 to vector<16xi32>
        %ge3A_316 = arith.cmpi sge, %sub3A_314, %ge3A_315 : vector<16xi32>
        %lt3A = arith.constant 25088 : i32
        %lt3A_317 = vector.broadcast %lt3A : i32 to vector<16xi32>
        %lt3A_318 = arith.cmpi slt, %sub3A_314, %lt3A_317 : vector<16xi32>
        %and3A = arith.andi %ge3A_316, %lt3A_318 : vector<16xi1>
        %and3A_319 = arith.constant 15 : i32
        %and3A_320 = vector.broadcast %and3A_319 : i32 to vector<16xi32>
        %and3A_321 = arith.andi %get3A_313, %and3A_320 : vector<16xi32>
        %add3A_322 = arith.constant 25088 : i32
        %add3A_323 = vector.broadcast %add3A_322 : i32 to vector<16xi32>
        %add3A_324 = arith.addi %add3A_323, %and3A_321 : vector<16xi32>
        %select_n3A = arith.select %and3A, %sub3A_314, %add3A_324 : vector<16xi1>, vector<16xi32>
        %mul3A_325 = arith.constant 16 : i32
        %mul3A_326 = arith.muli %scan3A_306, %mul3A_325 : i32
        %swap3A = arith.index_cast %mul3A_326 : i32 to index
        %swap3A_327 = tpu.vector_load %arg8[%swap3A] {strides = array<i32>} : memref<112xi32, #tpu.memory_space<vmem>>, vector<16xi32>,
        %swap3A_328 = vector.shape_cast %swap3A_327 : vector<16xi32> to vector<16xi32>
        %swap3A_329 = vector.shape_cast %select_n3A : vector<16xi32> to vector<16xi32>
        tpu.vector_store %arg8[%swap3A], %swap3A_329 {strides = array<i32>} : memref<112xi32, #tpu.memory_space<vmem>>, vector<16xi32>,
        %scan3A_330 = arith.constant 0 : i32
        scf.yield %scan3A_330 : i32
      }
      %scan3A_256 = arith.constant 7 : i32
      %dma_start3A_257 = arith.constant 2 : i32
      %dma_start3A_258 = arith.constant 0 : i32
      %dma_start3A_259 = tpu.memref_slice %arg6[%dma_start3A_257, %dma_start3A_258] : memref<3x112xi32, #tpu.memory_space<vmem>> -> memref<1x112xi32, #tpu.memory_space<vmem>>
      %dma_start3A_260 = tpu.memref_squeeze %dma_start3A_259 : memref<1x112xi32, #tpu.memory_space<vmem>> -> memref<112xi32, #tpu.memory_space<vmem>>
      %dma_start3A_261 = arith.constant 0 : i32
      %dma_start3A_262 = arith.constant 0 : i32
      %dma_start3A_263 = tpu.memref_slice %arg4[%dma_start3A_261, %dma_start3A_262] : memref<512x64xf32, #tpu.memory_space<hbm>> -> memref<512x64xf32, #tpu.memory_space<hbm>>
      tpu.enqueue_indirect_dma source(%dma_start3A_263 : memref<512x64xf32, #tpu.memory_space<hbm>>) target(%arg10 : memref<112x64xf32, #tpu.memory_space<vmem>>) offsets(%dma_start3A_260 : memref<112xi32, #tpu.memory_space<vmem>>) semaphore(%arg17 : memref<!tpu.dma_semaphore, #tpu.memory_space<semaphore_mem>>)
      %dma_start3A_264 = arith.constant 0 : i32
      %dma_start3A_265 = arith.constant 0 : i32
      %dma_start3A_266 = tpu.memref_slice %arg6[%dma_start3A_264, %dma_start3A_265] : memref<3x112xi32, #tpu.memory_space<vmem>> -> memref<1x112xi32, #tpu.memory_space<vmem>>
      %dma_start3A_267 = tpu.memref_squeeze %dma_start3A_266 : memref<1x112xi32, #tpu.memory_space<vmem>> -> memref<112xi32, #tpu.memory_space<vmem>>
      %dma_start3A_268 = arith.constant 0 : i32
      %dma_start3A_269 = arith.constant 0 : i32
      %dma_start3A_270 = tpu.memref_slice %arg3[%dma_start3A_268, %dma_start3A_269] : memref<50000x64xf32, #tpu.memory_space<hbm>> -> memref<50000x64xf32, #tpu.memory_space<hbm>>
      tpu.enqueue_indirect_dma source(%dma_start3A_270 : memref<50000x64xf32, #tpu.memory_space<hbm>>) target(%arg12 : memref<112x64xf32, #tpu.memory_space<vmem>>) offsets(%dma_start3A_267 : memref<112xi32, #tpu.memory_space<vmem>>) semaphore(%arg17 : memref<!tpu.dma_semaphore, #tpu.memory_space<semaphore_mem>>)
      %dma_wait3A_271 = arith.constant 2 : i32
      %dma_wait3A_272 = arith.constant 0 : i32
      %dma_wait3A_273 = tpu.memref_slice %arg7[%dma_wait3A_271, %dma_wait3A_272] : memref<3x112xi32, #tpu.memory_space<vmem>> -> memref<1x112xi32, #tpu.memory_space<vmem>>
      %dma_wait3A_274 = tpu.memref_squeeze %dma_wait3A_273 : memref<1x112xi32, #tpu.memory_space<vmem>> -> memref<112xi32, #tpu.memory_space<vmem>>
      %dma_wait3A_275 = arith.constant 0 : i32
      %dma_wait3A_276 = arith.constant 0 : i32
      %dma_wait3A_277 = tpu.memref_slice %arg4[%dma_wait3A_275, %dma_wait3A_276] : memref<512x64xf32, #tpu.memory_space<hbm>> -> memref<512x64xf32, #tpu.memory_space<hbm>>
      tpu.wait_indirect_dma semaphore(%arg18 : memref<!tpu.dma_semaphore, #tpu.memory_space<semaphore_mem>>) src(%dma_wait3A_277 : memref<512x64xf32, #tpu.memory_space<hbm>>) dst(%arg11 : memref<112x64xf32, #tpu.memory_space<vmem>>)
      %dma_wait3A_278 = arith.constant 0 : i32
      %dma_wait3A_279 = arith.constant 0 : i32
      %dma_wait3A_280 = tpu.memref_slice %arg7[%dma_wait3A_278, %dma_wait3A_279] : memref<3x112xi32, #tpu.memory_space<vmem>> -> memref<1x112xi32, #tpu.memory_space<vmem>>
      %dma_wait3A_281 = tpu.memref_squeeze %dma_wait3A_280 : memref<1x112xi32, #tpu.memory_space<vmem>> -> memref<112xi32, #tpu.memory_space<vmem>>
      %dma_wait3A_282 = arith.constant 0 : i32
      %dma_wait3A_283 = arith.constant 0 : i32
      %dma_wait3A_284 = tpu.memref_slice %arg3[%dma_wait3A_282, %dma_wait3A_283] : memref<50000x64xf32, #tpu.memory_space<hbm>> -> memref<50000x64xf32, #tpu.memory_space<hbm>>
      tpu.wait_indirect_dma semaphore(%arg18 : memref<!tpu.dma_semaphore, #tpu.memory_space<semaphore_mem>>) src(%dma_wait3A_284 : memref<50000x64xf32, #tpu.memory_space<hbm>>) dst(%arg13 : memref<112x64xf32, #tpu.memory_space<vmem>>)
      %add3A_285 = arith.constant 2 : i32
      %add3A_286 = arith.addi %add3A_237, %add3A_285 : i32
      %dma_start3A_287 = arith.constant 0 : i32
      %dma_start3A_288 = arith.constant 0 : i32
      %dma_start3A_289 = tpu.memref_slice %arg2[%add3A_286, %dma_start3A_287, %dma_start3A_288] : memref<7168x3x112xi32, #tpu.memory_space<hbm>> -> memref<1x3x112xi32, #tpu.memory_space<hbm>>
      %dma_start3A_290 = tpu.memref_squeeze %dma_start3A_289 : memref<1x3x112xi32, #tpu.memory_space<hbm>> -> memref<3x112xi32, #tpu.memory_space<hbm>>
      %dma_start3A_291 = arith.constant 0 : i32
      %dma_start3A_292 = arith.constant 0 : i32
      %dma_start3A_293 = tpu.memref_slice %arg2[%add3A_286, %dma_start3A_291, %dma_start3A_292] : memref<7168x3x112xi32, #tpu.memory_space<hbm>> -> memref<1x3x112xi32, #tpu.memory_space<hbm>>
      %dma_start3A_294 = tpu.memref_squeeze %dma_start3A_293 : memref<1x3x112xi32, #tpu.memory_space<hbm>> -> memref<3x112xi32, #tpu.memory_space<hbm>>
      tpu.enqueue_dma source(%dma_start3A_294 : memref<3x112xi32, #tpu.memory_space<hbm>>) target(%arg7 : memref<3x112xi32, #tpu.memory_space<vmem>>) target_semaphore(%arg16 : memref<!tpu.dma_semaphore, #tpu.memory_space<semaphore_mem>>)
      %scan3A_295 = arith.constant 0 : i32
      %scan3A_296 = arith.constant 0 : i32
      %scan3A_297 = arith.constant 112 : i32
      %scan3A_298 = arith.addi %scan3A_296, %scan3A_297 : i32
      %scan3A_299 = arith.constant 1 : i32
      %scan3A_300 = scf.for %scan3A_306 = %scan3A_296 to %scan3A_298 step %scan3A_299 iter_args(%scan3A_307 = %scan3A_295) -> (i32)  : i32 {
        %get3A = arith.index_cast %scan3A_306 : i32 to index
        %get3A_308 = arith.constant 0 : index
        %get3A_309 = tpu.vector_load %arg11[%get3A, %get3A_308] {strides = array<i32>} : memref<112x64xf32, #tpu.memory_space<vmem>>, vector<1x16xf32>,
        %get3A_310 = vector.shape_cast %get3A_309 : vector<1x16xf32> to vector<16xf32>
        %get3A_311 = arith.index_cast %scan3A_306 : i32 to index
        %get3A_312 = arith.constant 0 : index
        %get3A_313 = tpu.vector_load %arg13[%get3A_311, %get3A_312] {strides = array<i32>} : memref<112x64xf32, #tpu.memory_space<vmem>>, vector<1x16xf32>,
        %get3A_314 = vector.shape_cast %get3A_313 : vector<1x16xf32> to vector<16xf32>
        %add3A_315 = arith.addf %get3A_310, %get3A_314 : vector<16xf32>
        %max3A = arith.constant 0.000000e+00 : f32
        %max3A_316 = vector.broadcast %max3A : f32 to vector<16xf32>
        %max3A_317 = arith.maximumf %add3A_315, %max3A_316 : vector<16xf32>
        %swap3A = arith.index_cast %scan3A_306 : i32 to index
        %swap3A_318 = arith.constant 0 : index
        %swap3A_319 = tpu.vector_load %arg11[%swap3A, %swap3A_318] {strides = array<i32>} : memref<112x64xf32, #tpu.memory_space<vmem>>, vector<1x16xf32>,
        %swap3A_320 = vector.shape_cast %swap3A_319 : vector<1x16xf32> to vector<16xf32>
        %swap3A_321 = vector.shape_cast %max3A_317 : vector<16xf32> to vector<1x16xf32>
        tpu.vector_store %arg11[%swap3A, %swap3A_318], %swap3A_321 {strides = array<i32>} : memref<112x64xf32, #tpu.memory_space<vmem>>, vector<1x16xf32>,
        %get3A_322 = arith.index_cast %scan3A_306 : i32 to index
        %get3A_323 = arith.constant 16 : index
        %get3A_324 = tpu.vector_load %arg11[%get3A_322, %get3A_323] {strides = array<i32>} : memref<112x64xf32, #tpu.memory_space<vmem>>, vector<1x16xf32>,
        %get3A_325 = vector.shape_cast %get3A_324 : vector<1x16xf32> to vector<16xf32>
        %get3A_326 = arith.index_cast %scan3A_306 : i32 to index
        %get3A_327 = arith.constant 16 : index
        %get3A_328 = tpu.vector_load %arg13[%get3A_326, %get3A_327] {strides = array<i32>} : memref<112x64xf32, #tpu.memory_space<vmem>>, vector<1x16xf32>,
        %get3A_329 = vector.shape_cast %get3A_328 : vector<1x16xf32> to vector<16xf32>
        %add3A_330 = arith.addf %get3A_325, %get3A_329 : vector<16xf32>
        %max3A_331 = arith.constant 0.000000e+00 : f32
        %max3A_332 = vector.broadcast %max3A_331 : f32 to vector<16xf32>
        %max3A_333 = arith.maximumf %add3A_330, %max3A_332 : vector<16xf32>
        %swap3A_334 = arith.index_cast %scan3A_306 : i32 to index
        %swap3A_335 = arith.constant 16 : index
        %swap3A_336 = tpu.vector_load %arg11[%swap3A_334, %swap3A_335] {strides = array<i32>} : memref<112x64xf32, #tpu.memory_space<vmem>>, vector<1x16xf32>,
        %swap3A_337 = vector.shape_cast %swap3A_336 : vector<1x16xf32> to vector<16xf32>
        %swap3A_338 = vector.shape_cast %max3A_333 : vector<16xf32> to vector<1x16xf32>
        tpu.vector_store %arg11[%swap3A_334, %swap3A_335], %swap3A_338 {strides = array<i32>} : memref<112x64xf32, #tpu.memory_space<vmem>>, vector<1x16xf32>,
        %get3A_339 = arith.index_cast %scan3A_306 : i32 to index
        %get3A_340 = arith.constant 32 : index
        %get3A_341 = tpu.vector_load %arg11[%get3A_339, %get3A_340] {strides = array<i32>} : memref<112x64xf32, #tpu.memory_space<vmem>>, vector<1x16xf32>,
        %get3A_342 = vector.shape_cast %get3A_341 : vector<1x16xf32> to vector<16xf32>
        %get3A_343 = arith.index_cast %scan3A_306 : i32 to index
        %get3A_344 = arith.constant 32 : index
        %get3A_345 = tpu.vector_load %arg13[%get3A_343, %get3A_344] {strides = array<i32>} : memref<112x64xf32, #tpu.memory_space<vmem>>, vector<1x16xf32>,
        %get3A_346 = vector.shape_cast %get3A_345 : vector<1x16xf32> to vector<16xf32>
        %add3A_347 = arith.addf %get3A_342, %get3A_346 : vector<16xf32>
        %max3A_348 = arith.constant 0.000000e+00 : f32
        %max3A_349 = vector.broadcast %max3A_348 : f32 to vector<16xf32>
        %max3A_350 = arith.maximumf %add3A_347, %max3A_349 : vector<16xf32>
        %swap3A_351 = arith.index_cast %scan3A_306 : i32 to index
        %swap3A_352 = arith.constant 32 : index
        %swap3A_353 = tpu.vector_load %arg11[%swap3A_351, %swap3A_352] {strides = array<i32>} : memref<112x64xf32, #tpu.memory_space<vmem>>, vector<1x16xf32>,
        %swap3A_354 = vector.shape_cast %swap3A_353 : vector<1x16xf32> to vector<16xf32>
        %swap3A_355 = vector.shape_cast %max3A_350 : vector<16xf32> to vector<1x16xf32>
        tpu.vector_store %arg11[%swap3A_351, %swap3A_352], %swap3A_355 {strides = array<i32>} : memref<112x64xf32, #tpu.memory_space<vmem>>, vector<1x16xf32>,
        %get3A_356 = arith.index_cast %scan3A_306 : i32 to index
        %get3A_357 = arith.constant 48 : index
        %get3A_358 = tpu.vector_load %arg11[%get3A_356, %get3A_357] {strides = array<i32>} : memref<112x64xf32, #tpu.memory_space<vmem>>, vector<1x16xf32>,
        %get3A_359 = vector.shape_cast %get3A_358 : vector<1x16xf32> to vector<16xf32>
        %get3A_360 = arith.index_cast %scan3A_306 : i32 to index
        %get3A_361 = arith.constant 48 : index
        %get3A_362 = tpu.vector_load %arg13[%get3A_360, %get3A_361] {strides = array<i32>} : memref<112x64xf32, #tpu.memory_space<vmem>>, vector<1x16xf32>,
        %get3A_363 = vector.shape_cast %get3A_362 : vector<1x16xf32> to vector<16xf32>
        %add3A_364 = arith.addf %get3A_359, %get3A_363 : vector<16xf32>
        %max3A_365 = arith.constant 0.000000e+00 : f32
        %max3A_366 = vector.broadcast %max3A_365 : f32 to vector<16xf32>
        %max3A_367 = arith.maximumf %add3A_364, %max3A_366 : vector<16xf32>
        %swap3A_368 = arith.index_cast %scan3A_306 : i32 to index
        %swap3A_369 = arith.constant 48 : index
        %swap3A_370 = tpu.vector_load %arg11[%swap3A_368, %swap3A_369] {strides = array<i32>} : memref<112x64xf32, #tpu.memory_space<vmem>>, vector<1x16xf32>,
        %swap3A_371 = vector.shape_cast %swap3A_370 : vector<1x16xf32> to vector<16xf32>
        %swap3A_372 = vector.shape_cast %max3A_367 : vector<16xf32> to vector<1x16xf32>
        tpu.vector_store %arg11[%swap3A_368, %swap3A_369], %swap3A_372 {strides = array<i32>} : memref<112x64xf32, #tpu.memory_space<vmem>>, vector<1x16xf32>,
        %scan3A_373 = arith.constant 0 : i32
        scf.yield %scan3A_373 : i32
      }
      %scan3A_301 = arith.constant 112 : i32
      %dma_start3A_302 = arith.constant 0 : i32
      %dma_start3A_303 = arith.constant 0 : i32
      %dma_start3A_304 = tpu.memref_slice %arg14[%dma_start3A_302, %dma_start3A_303] : memref<25104x64xf32, #tpu.memory_space<vmem_shared>> -> memref<25104x64xf32, #tpu.memory_space<vmem_shared>>
      tpu.enqueue_indirect_dma source(%arg11 : memref<112x64xf32, #tpu.memory_space<vmem>>) target(%dma_start3A_304 : memref<25104x64xf32, #tpu.memory_space<vmem_shared>>) offsets(%arg9 : memref<112xi32, #tpu.memory_space<vmem>>) semaphore(%arg19 : memref<!tpu.dma_semaphore, #tpu.memory_space<semaphore_mem>>) {add = true}
      %scan3A_305 = arith.constant 0 : i32
      scf.yield %scan3A_305 : i32
    }
    %scan3A_67 = arith.constant 223 : i32
    %dma_wait3A_68 = arith.constant 0 : i32
    %dma_wait3A_69 = arith.constant 0 : i32
    %dma_wait3A_70 = tpu.memref_slice %arg14[%dma_wait3A_68, %dma_wait3A_69] : memref<25104x64xf32, #tpu.memory_space<vmem_shared>> -> memref<25104x64xf32, #tpu.memory_space<vmem_shared>>
    tpu.wait_indirect_dma semaphore(%arg19 : memref<!tpu.dma_semaphore, #tpu.memory_space<semaphore_mem>>) src(%arg10 : memref<112x64xf32, #tpu.memory_space<vmem>>) dst(%dma_wait3A_70 : memref<25104x64xf32, #tpu.memory_space<vmem_shared>>)
    %dma_wait3A_71 = arith.constant 0 : i32
    %dma_wait3A_72 = arith.constant 0 : i32
    %dma_wait3A_73 = arith.constant 0 : i32
    %dma_wait3A_74 = tpu.memref_slice %arg2[%dma_wait3A_71, %dma_wait3A_72, %dma_wait3A_73] : memref<7168x3x112xi32, #tpu.memory_space<hbm>> -> memref<1x3x112xi32, #tpu.memory_space<hbm>>
    %dma_wait3A_75 = tpu.memref_squeeze %dma_wait3A_74 : memref<1x3x112xi32, #tpu.memory_space<hbm>> -> memref<3x112xi32, #tpu.memory_space<hbm>>
    %dma_wait3A_76 = arith.constant 0 : i32
    %dma_wait3A_77 = arith.constant 0 : i32
    %dma_wait3A_78 = tpu.memref_slice %arg2[%dma_wait3A_71, %dma_wait3A_76, %dma_wait3A_77] : memref<7168x3x112xi32, #tpu.memory_space<hbm>> -> memref<1x3x112xi32, #tpu.memory_space<hbm>>
    %dma_wait3A_79 = tpu.memref_squeeze %dma_wait3A_78 : memref<1x3x112xi32, #tpu.memory_space<hbm>> -> memref<3x112xi32, #tpu.memory_space<hbm>>
    tpu.wait_dma2 semaphore(%arg16 : memref<!tpu.dma_semaphore, #tpu.memory_space<semaphore_mem>>) src(%dma_wait3A_79 : memref<3x112xi32, #tpu.memory_space<hbm>>) dst(%arg7 : memref<3x112xi32, #tpu.memory_space<vmem>>)
    %scan3A_80 = arith.constant 0 : i32
    %scan3A_81 = arith.constant 0 : i32
    %scan3A_82 = arith.constant 7 : i32
    %scan3A_83 = arith.addi %scan3A_81, %scan3A_82 : i32
    %scan3A_84 = arith.constant 1 : i32
    %scan3A_85 = scf.for %scan3A_163 = %scan3A_81 to %scan3A_83 step %scan3A_84 iter_args(%scan3A_164 = %scan3A_80) -> (i32)  : i32 {
      %mul3A_165 = arith.constant 16 : i32
      %mul3A_166 = arith.muli %scan3A_163, %mul3A_165 : i32
      %get3A = arith.constant 1 : i32
      %get3A_167 = arith.index_cast %get3A : i32 to index
      %get3A_168 = arith.index_cast %mul3A_166 : i32 to index
      %get3A_169 = tpu.vector_load %arg7[%get3A_167, %get3A_168] {strides = array<i32>} : memref<3x112xi32, #tpu.memory_space<vmem>>, vector<1x16xi32>,
      %get3A_170 = vector.shape_cast %get3A_169 : vector<1x16xi32> to vector<16xi32>
      %sub3A = vector.broadcast %mul3A_0 : i32 to vector<16xi32>
      %sub3A_171 = arith.subi %get3A_170, %sub3A : vector<16xi32>
      %ge3A = arith.constant 0 : i32
      %ge3A_172 = vector.broadcast %ge3A : i32 to vector<16xi32>
      %ge3A_173 = arith.cmpi sge, %sub3A_171, %ge3A_172 : vector<16xi32>
      %lt3A = arith.constant 25088 : i32
      %lt3A_174 = vector.broadcast %lt3A : i32 to vector<16xi32>
      %lt3A_175 = arith.cmpi slt, %sub3A_171, %lt3A_174 : vector<16xi32>
      %and3A = arith.andi %ge3A_173, %lt3A_175 : vector<16xi1>
      %and3A_176 = arith.constant 15 : i32
      %and3A_177 = vector.broadcast %and3A_176 : i32 to vector<16xi32>
      %and3A_178 = arith.andi %get3A_170, %and3A_177 : vector<16xi32>
      %add3A_179 = arith.constant 25088 : i32
      %add3A_180 = vector.broadcast %add3A_179 : i32 to vector<16xi32>
      %add3A_181 = arith.addi %add3A_180, %and3A_178 : vector<16xi32>
      %select_n3A = arith.select %and3A, %sub3A_171, %add3A_181 : vector<16xi1>, vector<16xi32>
      %mul3A_182 = arith.constant 16 : i32
      %mul3A_183 = arith.muli %scan3A_163, %mul3A_182 : i32
      %swap3A = arith.index_cast %mul3A_183 : i32 to index
      %swap3A_184 = tpu.vector_load %arg9[%swap3A] {strides = array<i32>} : memref<112xi32, #tpu.memory_space<vmem>>, vector<16xi32>,
      %swap3A_185 = vector.shape_cast %swap3A_184 : vector<16xi32> to vector<16xi32>
      %swap3A_186 = vector.shape_cast %select_n3A : vector<16xi32> to vector<16xi32>
      tpu.vector_store %arg9[%swap3A], %swap3A_186 {strides = array<i32>} : memref<112xi32, #tpu.memory_space<vmem>>, vector<16xi32>,
      %scan3A_187 = arith.constant 0 : i32
      scf.yield %scan3A_187 : i32
    }
    %scan3A_86 = arith.constant 7 : i32
    %dma_start3A_87 = arith.constant 2 : i32
    %dma_start3A_88 = arith.constant 0 : i32
    %dma_start3A_89 = tpu.memref_slice %arg7[%dma_start3A_87, %dma_start3A_88] : memref<3x112xi32, #tpu.memory_space<vmem>> -> memref<1x112xi32, #tpu.memory_space<vmem>>
    %dma_start3A_90 = tpu.memref_squeeze %dma_start3A_89 : memref<1x112xi32, #tpu.memory_space<vmem>> -> memref<112xi32, #tpu.memory_space<vmem>>
    %dma_start3A_91 = arith.constant 0 : i32
    %dma_start3A_92 = arith.constant 0 : i32
    %dma_start3A_93 = tpu.memref_slice %arg4[%dma_start3A_91, %dma_start3A_92] : memref<512x64xf32, #tpu.memory_space<hbm>> -> memref<512x64xf32, #tpu.memory_space<hbm>>
    tpu.enqueue_indirect_dma source(%dma_start3A_93 : memref<512x64xf32, #tpu.memory_space<hbm>>) target(%arg11 : memref<112x64xf32, #tpu.memory_space<vmem>>) offsets(%dma_start3A_90 : memref<112xi32, #tpu.memory_space<vmem>>) semaphore(%arg18 : memref<!tpu.dma_semaphore, #tpu.memory_space<semaphore_mem>>)
    %dma_start3A_94 = arith.constant 0 : i32
    %dma_start3A_95 = arith.constant 0 : i32
    %dma_start3A_96 = tpu.memref_slice %arg7[%dma_start3A_94, %dma_start3A_95] : memref<3x112xi32, #tpu.memory_space<vmem>> -> memref<1x112xi32, #tpu.memory_space<vmem>>
    %dma_start3A_97 = tpu.memref_squeeze %dma_start3A_96 : memref<1x112xi32, #tpu.memory_space<vmem>> -> memref<112xi32, #tpu.memory_space<vmem>>
    %dma_start3A_98 = arith.constant 0 : i32
    %dma_start3A_99 = arith.constant 0 : i32
    %dma_start3A_100 = tpu.memref_slice %arg3[%dma_start3A_98, %dma_start3A_99] : memref<50000x64xf32, #tpu.memory_space<hbm>> -> memref<50000x64xf32, #tpu.memory_space<hbm>>
    tpu.enqueue_indirect_dma source(%dma_start3A_100 : memref<50000x64xf32, #tpu.memory_space<hbm>>) target(%arg13 : memref<112x64xf32, #tpu.memory_space<vmem>>) offsets(%dma_start3A_97 : memref<112xi32, #tpu.memory_space<vmem>>) semaphore(%arg18 : memref<!tpu.dma_semaphore, #tpu.memory_space<semaphore_mem>>)
    %dma_wait3A_101 = arith.constant 2 : i32
    %dma_wait3A_102 = arith.constant 0 : i32
    %dma_wait3A_103 = tpu.memref_slice %arg6[%dma_wait3A_101, %dma_wait3A_102] : memref<3x112xi32, #tpu.memory_space<vmem>> -> memref<1x112xi32, #tpu.memory_space<vmem>>
    %dma_wait3A_104 = tpu.memref_squeeze %dma_wait3A_103 : memref<1x112xi32, #tpu.memory_space<vmem>> -> memref<112xi32, #tpu.memory_space<vmem>>
    %dma_wait3A_105 = arith.constant 0 : i32
    %dma_wait3A_106 = arith.constant 0 : i32
    %dma_wait3A_107 = tpu.memref_slice %arg4[%dma_wait3A_105, %dma_wait3A_106] : memref<512x64xf32, #tpu.memory_space<hbm>> -> memref<512x64xf32, #tpu.memory_space<hbm>>
    tpu.wait_indirect_dma semaphore(%arg17 : memref<!tpu.dma_semaphore, #tpu.memory_space<semaphore_mem>>) src(%dma_wait3A_107 : memref<512x64xf32, #tpu.memory_space<hbm>>) dst(%arg10 : memref<112x64xf32, #tpu.memory_space<vmem>>)
    %dma_wait3A_108 = arith.constant 0 : i32
    %dma_wait3A_109 = arith.constant 0 : i32
    %dma_wait3A_110 = tpu.memref_slice %arg6[%dma_wait3A_108, %dma_wait3A_109] : memref<3x112xi32, #tpu.memory_space<vmem>> -> memref<1x112xi32, #tpu.memory_space<vmem>>
    %dma_wait3A_111 = tpu.memref_squeeze %dma_wait3A_110 : memref<1x112xi32, #tpu.memory_space<vmem>> -> memref<112xi32, #tpu.memory_space<vmem>>
    %dma_wait3A_112 = arith.constant 0 : i32
    %dma_wait3A_113 = arith.constant 0 : i32
    %dma_wait3A_114 = tpu.memref_slice %arg3[%dma_wait3A_112, %dma_wait3A_113] : memref<50000x64xf32, #tpu.memory_space<hbm>> -> memref<50000x64xf32, #tpu.memory_space<hbm>>
    tpu.wait_indirect_dma semaphore(%arg17 : memref<!tpu.dma_semaphore, #tpu.memory_space<semaphore_mem>>) src(%dma_wait3A_114 : memref<50000x64xf32, #tpu.memory_space<hbm>>) dst(%arg12 : memref<112x64xf32, #tpu.memory_space<vmem>>)
    %scan3A_115 = arith.constant 0 : i32
    %scan3A_116 = arith.constant 0 : i32
    %scan3A_117 = arith.constant 112 : i32
    %scan3A_118 = arith.addi %scan3A_116, %scan3A_117 : i32
    %scan3A_119 = arith.constant 1 : i32
    %scan3A_120 = scf.for %scan3A_163 = %scan3A_116 to %scan3A_118 step %scan3A_119 iter_args(%scan3A_164 = %scan3A_115) -> (i32)  : i32 {
      %get3A = arith.index_cast %scan3A_163 : i32 to index
      %get3A_165 = arith.constant 0 : index
      %get3A_166 = tpu.vector_load %arg10[%get3A, %get3A_165] {strides = array<i32>} : memref<112x64xf32, #tpu.memory_space<vmem>>, vector<1x16xf32>,
      %get3A_167 = vector.shape_cast %get3A_166 : vector<1x16xf32> to vector<16xf32>
      %get3A_168 = arith.index_cast %scan3A_163 : i32 to index
      %get3A_169 = arith.constant 0 : index
      %get3A_170 = tpu.vector_load %arg12[%get3A_168, %get3A_169] {strides = array<i32>} : memref<112x64xf32, #tpu.memory_space<vmem>>, vector<1x16xf32>,
      %get3A_171 = vector.shape_cast %get3A_170 : vector<1x16xf32> to vector<16xf32>
      %add3A_172 = arith.addf %get3A_167, %get3A_171 : vector<16xf32>
      %max3A = arith.constant 0.000000e+00 : f32
      %max3A_173 = vector.broadcast %max3A : f32 to vector<16xf32>
      %max3A_174 = arith.maximumf %add3A_172, %max3A_173 : vector<16xf32>
      %swap3A = arith.index_cast %scan3A_163 : i32 to index
      %swap3A_175 = arith.constant 0 : index
      %swap3A_176 = tpu.vector_load %arg10[%swap3A, %swap3A_175] {strides = array<i32>} : memref<112x64xf32, #tpu.memory_space<vmem>>, vector<1x16xf32>,
      %swap3A_177 = vector.shape_cast %swap3A_176 : vector<1x16xf32> to vector<16xf32>
      %swap3A_178 = vector.shape_cast %max3A_174 : vector<16xf32> to vector<1x16xf32>
      tpu.vector_store %arg10[%swap3A, %swap3A_175], %swap3A_178 {strides = array<i32>} : memref<112x64xf32, #tpu.memory_space<vmem>>, vector<1x16xf32>,
      %get3A_179 = arith.index_cast %scan3A_163 : i32 to index
      %get3A_180 = arith.constant 16 : index
      %get3A_181 = tpu.vector_load %arg10[%get3A_179, %get3A_180] {strides = array<i32>} : memref<112x64xf32, #tpu.memory_space<vmem>>, vector<1x16xf32>,
      %get3A_182 = vector.shape_cast %get3A_181 : vector<1x16xf32> to vector<16xf32>
      %get3A_183 = arith.index_cast %scan3A_163 : i32 to index
      %get3A_184 = arith.constant 16 : index
      %get3A_185 = tpu.vector_load %arg12[%get3A_183, %get3A_184] {strides = array<i32>} : memref<112x64xf32, #tpu.memory_space<vmem>>, vector<1x16xf32>,
      %get3A_186 = vector.shape_cast %get3A_185 : vector<1x16xf32> to vector<16xf32>
      %add3A_187 = arith.addf %get3A_182, %get3A_186 : vector<16xf32>
      %max3A_188 = arith.constant 0.000000e+00 : f32
      %max3A_189 = vector.broadcast %max3A_188 : f32 to vector<16xf32>
      %max3A_190 = arith.maximumf %add3A_187, %max3A_189 : vector<16xf32>
      %swap3A_191 = arith.index_cast %scan3A_163 : i32 to index
      %swap3A_192 = arith.constant 16 : index
      %swap3A_193 = tpu.vector_load %arg10[%swap3A_191, %swap3A_192] {strides = array<i32>} : memref<112x64xf32, #tpu.memory_space<vmem>>, vector<1x16xf32>,
      %swap3A_194 = vector.shape_cast %swap3A_193 : vector<1x16xf32> to vector<16xf32>
      %swap3A_195 = vector.shape_cast %max3A_190 : vector<16xf32> to vector<1x16xf32>
      tpu.vector_store %arg10[%swap3A_191, %swap3A_192], %swap3A_195 {strides = array<i32>} : memref<112x64xf32, #tpu.memory_space<vmem>>, vector<1x16xf32>,
      %get3A_196 = arith.index_cast %scan3A_163 : i32 to index
      %get3A_197 = arith.constant 32 : index
      %get3A_198 = tpu.vector_load %arg10[%get3A_196, %get3A_197] {strides = array<i32>} : memref<112x64xf32, #tpu.memory_space<vmem>>, vector<1x16xf32>,
      %get3A_199 = vector.shape_cast %get3A_198 : vector<1x16xf32> to vector<16xf32>
      %get3A_200 = arith.index_cast %scan3A_163 : i32 to index
      %get3A_201 = arith.constant 32 : index
      %get3A_202 = tpu.vector_load %arg12[%get3A_200, %get3A_201] {strides = array<i32>} : memref<112x64xf32, #tpu.memory_space<vmem>>, vector<1x16xf32>,
      %get3A_203 = vector.shape_cast %get3A_202 : vector<1x16xf32> to vector<16xf32>
      %add3A_204 = arith.addf %get3A_199, %get3A_203 : vector<16xf32>
      %max3A_205 = arith.constant 0.000000e+00 : f32
      %max3A_206 = vector.broadcast %max3A_205 : f32 to vector<16xf32>
      %max3A_207 = arith.maximumf %add3A_204, %max3A_206 : vector<16xf32>
      %swap3A_208 = arith.index_cast %scan3A_163 : i32 to index
      %swap3A_209 = arith.constant 32 : index
      %swap3A_210 = tpu.vector_load %arg10[%swap3A_208, %swap3A_209] {strides = array<i32>} : memref<112x64xf32, #tpu.memory_space<vmem>>, vector<1x16xf32>,
      %swap3A_211 = vector.shape_cast %swap3A_210 : vector<1x16xf32> to vector<16xf32>
      %swap3A_212 = vector.shape_cast %max3A_207 : vector<16xf32> to vector<1x16xf32>
      tpu.vector_store %arg10[%swap3A_208, %swap3A_209], %swap3A_212 {strides = array<i32>} : memref<112x64xf32, #tpu.memory_space<vmem>>, vector<1x16xf32>,
      %get3A_213 = arith.index_cast %scan3A_163 : i32 to index
      %get3A_214 = arith.constant 48 : index
      %get3A_215 = tpu.vector_load %arg10[%get3A_213, %get3A_214] {strides = array<i32>} : memref<112x64xf32, #tpu.memory_space<vmem>>, vector<1x16xf32>,
      %get3A_216 = vector.shape_cast %get3A_215 : vector<1x16xf32> to vector<16xf32>
      %get3A_217 = arith.index_cast %scan3A_163 : i32 to index
      %get3A_218 = arith.constant 48 : index
      %get3A_219 = tpu.vector_load %arg12[%get3A_217, %get3A_218] {strides = array<i32>} : memref<112x64xf32, #tpu.memory_space<vmem>>, vector<1x16xf32>,
      %get3A_220 = vector.shape_cast %get3A_219 : vector<1x16xf32> to vector<16xf32>
      %add3A_221 = arith.addf %get3A_216, %get3A_220 : vector<16xf32>
      %max3A_222 = arith.constant 0.000000e+00 : f32
      %max3A_223 = vector.broadcast %max3A_222 : f32 to vector<16xf32>
      %max3A_224 = arith.maximumf %add3A_221, %max3A_223 : vector<16xf32>
      %swap3A_225 = arith.index_cast %scan3A_163 : i32 to index
      %swap3A_226 = arith.constant 48 : index
      %swap3A_227 = tpu.vector_load %arg10[%swap3A_225, %swap3A_226] {strides = array<i32>} : memref<112x64xf32, #tpu.memory_space<vmem>>, vector<1x16xf32>,
      %swap3A_228 = vector.shape_cast %swap3A_227 : vector<1x16xf32> to vector<16xf32>
      %swap3A_229 = vector.shape_cast %max3A_224 : vector<16xf32> to vector<1x16xf32>
      tpu.vector_store %arg10[%swap3A_225, %swap3A_226], %swap3A_229 {strides = array<i32>} : memref<112x64xf32, #tpu.memory_space<vmem>>, vector<1x16xf32>,
      %scan3A_230 = arith.constant 0 : i32
      scf.yield %scan3A_230 : i32
    }
    %scan3A_121 = arith.constant 112 : i32
    %dma_start3A_122 = arith.constant 0 : i32
    %dma_start3A_123 = arith.constant 0 : i32
    %dma_start3A_124 = tpu.memref_slice %arg14[%dma_start3A_122, %dma_start3A_123] : memref<25104x64xf32, #tpu.memory_space<vmem_shared>> -> memref<25104x64xf32, #tpu.memory_space<vmem_shared>>
    tpu.enqueue_indirect_dma source(%arg10 : memref<112x64xf32, #tpu.memory_space<vmem>>) target(%dma_start3A_124 : memref<25104x64xf32, #tpu.memory_space<vmem_shared>>) offsets(%arg8 : memref<112xi32, #tpu.memory_space<vmem>>) semaphore(%arg19 : memref<!tpu.dma_semaphore, #tpu.memory_space<semaphore_mem>>) {add = true}
    %dma_wait3A_125 = arith.constant 0 : i32
    %dma_wait3A_126 = arith.constant 0 : i32
    %dma_wait3A_127 = tpu.memref_slice %arg14[%dma_wait3A_125, %dma_wait3A_126] : memref<25104x64xf32, #tpu.memory_space<vmem_shared>> -> memref<25104x64xf32, #tpu.memory_space<vmem_shared>>
    tpu.wait_indirect_dma semaphore(%arg19 : memref<!tpu.dma_semaphore, #tpu.memory_space<semaphore_mem>>) src(%arg10 : memref<112x64xf32, #tpu.memory_space<vmem>>) dst(%dma_wait3A_127 : memref<25104x64xf32, #tpu.memory_space<vmem_shared>>)
    %dma_wait3A_128 = arith.constant 2 : i32
    %dma_wait3A_129 = arith.constant 0 : i32
    %dma_wait3A_130 = tpu.memref_slice %arg7[%dma_wait3A_128, %dma_wait3A_129] : memref<3x112xi32, #tpu.memory_space<vmem>> -> memref<1x112xi32, #tpu.memory_space<vmem>>
    %dma_wait3A_131 = tpu.memref_squeeze %dma_wait3A_130 : memref<1x112xi32, #tpu.memory_space<vmem>> -> memref<112xi32, #tpu.memory_space<vmem>>
    %dma_wait3A_132 = arith.constant 0 : i32
    %dma_wait3A_133 = arith.constant 0 : i32
    %dma_wait3A_134 = tpu.memref_slice %arg4[%dma_wait3A_132, %dma_wait3A_133] : memref<512x64xf32, #tpu.memory_space<hbm>> -> memref<512x64xf32, #tpu.memory_space<hbm>>
    tpu.wait_indirect_dma semaphore(%arg18 : memref<!tpu.dma_semaphore, #tpu.memory_space<semaphore_mem>>) src(%dma_wait3A_134 : memref<512x64xf32, #tpu.memory_space<hbm>>) dst(%arg11 : memref<112x64xf32, #tpu.memory_space<vmem>>)
    %dma_wait3A_135 = arith.constant 0 : i32
    %dma_wait3A_136 = arith.constant 0 : i32
    %dma_wait3A_137 = tpu.memref_slice %arg7[%dma_wait3A_135, %dma_wait3A_136] : memref<3x112xi32, #tpu.memory_space<vmem>> -> memref<1x112xi32, #tpu.memory_space<vmem>>
    %dma_wait3A_138 = tpu.memref_squeeze %dma_wait3A_137 : memref<1x112xi32, #tpu.memory_space<vmem>> -> memref<112xi32, #tpu.memory_space<vmem>>
    %dma_wait3A_139 = arith.constant 0 : i32
    %dma_wait3A_140 = arith.constant 0 : i32
    %dma_wait3A_141 = tpu.memref_slice %arg3[%dma_wait3A_139, %dma_wait3A_140] : memref<50000x64xf32, #tpu.memory_space<hbm>> -> memref<50000x64xf32, #tpu.memory_space<hbm>>
    tpu.wait_indirect_dma semaphore(%arg18 : memref<!tpu.dma_semaphore, #tpu.memory_space<semaphore_mem>>) src(%dma_wait3A_141 : memref<50000x64xf32, #tpu.memory_space<hbm>>) dst(%arg13 : memref<112x64xf32, #tpu.memory_space<vmem>>)
    %scan3A_142 = arith.constant 0 : i32
    %scan3A_143 = arith.constant 0 : i32
    %scan3A_144 = arith.constant 112 : i32
    %scan3A_145 = arith.addi %scan3A_143, %scan3A_144 : i32
    %scan3A_146 = arith.constant 1 : i32
    %scan3A_147 = scf.for %scan3A_163 = %scan3A_143 to %scan3A_145 step %scan3A_146 iter_args(%scan3A_164 = %scan3A_142) -> (i32)  : i32 {
      %get3A = arith.index_cast %scan3A_163 : i32 to index
      %get3A_165 = arith.constant 0 : index
      %get3A_166 = tpu.vector_load %arg11[%get3A, %get3A_165] {strides = array<i32>} : memref<112x64xf32, #tpu.memory_space<vmem>>, vector<1x16xf32>,
      %get3A_167 = vector.shape_cast %get3A_166 : vector<1x16xf32> to vector<16xf32>
      %get3A_168 = arith.index_cast %scan3A_163 : i32 to index
      %get3A_169 = arith.constant 0 : index
      %get3A_170 = tpu.vector_load %arg13[%get3A_168, %get3A_169] {strides = array<i32>} : memref<112x64xf32, #tpu.memory_space<vmem>>, vector<1x16xf32>,
      %get3A_171 = vector.shape_cast %get3A_170 : vector<1x16xf32> to vector<16xf32>
      %add3A_172 = arith.addf %get3A_167, %get3A_171 : vector<16xf32>
      %max3A = arith.constant 0.000000e+00 : f32
      %max3A_173 = vector.broadcast %max3A : f32 to vector<16xf32>
      %max3A_174 = arith.maximumf %add3A_172, %max3A_173 : vector<16xf32>
      %swap3A = arith.index_cast %scan3A_163 : i32 to index
      %swap3A_175 = arith.constant 0 : index
      %swap3A_176 = tpu.vector_load %arg11[%swap3A, %swap3A_175] {strides = array<i32>} : memref<112x64xf32, #tpu.memory_space<vmem>>, vector<1x16xf32>,
      %swap3A_177 = vector.shape_cast %swap3A_176 : vector<1x16xf32> to vector<16xf32>
      %swap3A_178 = vector.shape_cast %max3A_174 : vector<16xf32> to vector<1x16xf32>
      tpu.vector_store %arg11[%swap3A, %swap3A_175], %swap3A_178 {strides = array<i32>} : memref<112x64xf32, #tpu.memory_space<vmem>>, vector<1x16xf32>,
      %get3A_179 = arith.index_cast %scan3A_163 : i32 to index
      %get3A_180 = arith.constant 16 : index
      %get3A_181 = tpu.vector_load %arg11[%get3A_179, %get3A_180] {strides = array<i32>} : memref<112x64xf32, #tpu.memory_space<vmem>>, vector<1x16xf32>,
      %get3A_182 = vector.shape_cast %get3A_181 : vector<1x16xf32> to vector<16xf32>
      %get3A_183 = arith.index_cast %scan3A_163 : i32 to index
      %get3A_184 = arith.constant 16 : index
      %get3A_185 = tpu.vector_load %arg13[%get3A_183, %get3A_184] {strides = array<i32>} : memref<112x64xf32, #tpu.memory_space<vmem>>, vector<1x16xf32>,
      %get3A_186 = vector.shape_cast %get3A_185 : vector<1x16xf32> to vector<16xf32>
      %add3A_187 = arith.addf %get3A_182, %get3A_186 : vector<16xf32>
      %max3A_188 = arith.constant 0.000000e+00 : f32
      %max3A_189 = vector.broadcast %max3A_188 : f32 to vector<16xf32>
      %max3A_190 = arith.maximumf %add3A_187, %max3A_189 : vector<16xf32>
      %swap3A_191 = arith.index_cast %scan3A_163 : i32 to index
      %swap3A_192 = arith.constant 16 : index
      %swap3A_193 = tpu.vector_load %arg11[%swap3A_191, %swap3A_192] {strides = array<i32>} : memref<112x64xf32, #tpu.memory_space<vmem>>, vector<1x16xf32>,
      %swap3A_194 = vector.shape_cast %swap3A_193 : vector<1x16xf32> to vector<16xf32>
      %swap3A_195 = vector.shape_cast %max3A_190 : vector<16xf32> to vector<1x16xf32>
      tpu.vector_store %arg11[%swap3A_191, %swap3A_192], %swap3A_195 {strides = array<i32>} : memref<112x64xf32, #tpu.memory_space<vmem>>, vector<1x16xf32>,
      %get3A_196 = arith.index_cast %scan3A_163 : i32 to index
      %get3A_197 = arith.constant 32 : index
      %get3A_198 = tpu.vector_load %arg11[%get3A_196, %get3A_197] {strides = array<i32>} : memref<112x64xf32, #tpu.memory_space<vmem>>, vector<1x16xf32>,
      %get3A_199 = vector.shape_cast %get3A_198 : vector<1x16xf32> to vector<16xf32>
      %get3A_200 = arith.index_cast %scan3A_163 : i32 to index
      %get3A_201 = arith.constant 32 : index
      %get3A_202 = tpu.vector_load %arg13[%get3A_200, %get3A_201] {strides = array<i32>} : memref<112x64xf32, #tpu.memory_space<vmem>>, vector<1x16xf32>,
      %get3A_203 = vector.shape_cast %get3A_202 : vector<1x16xf32> to vector<16xf32>
      %add3A_204 = arith.addf %get3A_199, %get3A_203 : vector<16xf32>
      %max3A_205 = arith.constant 0.000000e+00 : f32
      %max3A_206 = vector.broadcast %max3A_205 : f32 to vector<16xf32>
      %max3A_207 = arith.maximumf %add3A_204, %max3A_206 : vector<16xf32>
      %swap3A_208 = arith.index_cast %scan3A_163 : i32 to index
      %swap3A_209 = arith.constant 32 : index
      %swap3A_210 = tpu.vector_load %arg11[%swap3A_208, %swap3A_209] {strides = array<i32>} : memref<112x64xf32, #tpu.memory_space<vmem>>, vector<1x16xf32>,
      %swap3A_211 = vector.shape_cast %swap3A_210 : vector<1x16xf32> to vector<16xf32>
      %swap3A_212 = vector.shape_cast %max3A_207 : vector<16xf32> to vector<1x16xf32>
      tpu.vector_store %arg11[%swap3A_208, %swap3A_209], %swap3A_212 {strides = array<i32>} : memref<112x64xf32, #tpu.memory_space<vmem>>, vector<1x16xf32>,
      %get3A_213 = arith.index_cast %scan3A_163 : i32 to index
      %get3A_214 = arith.constant 48 : index
      %get3A_215 = tpu.vector_load %arg11[%get3A_213, %get3A_214] {strides = array<i32>} : memref<112x64xf32, #tpu.memory_space<vmem>>, vector<1x16xf32>,
      %get3A_216 = vector.shape_cast %get3A_215 : vector<1x16xf32> to vector<16xf32>
      %get3A_217 = arith.index_cast %scan3A_163 : i32 to index
      %get3A_218 = arith.constant 48 : index
      %get3A_219 = tpu.vector_load %arg13[%get3A_217, %get3A_218] {strides = array<i32>} : memref<112x64xf32, #tpu.memory_space<vmem>>, vector<1x16xf32>,
      %get3A_220 = vector.shape_cast %get3A_219 : vector<1x16xf32> to vector<16xf32>
      %add3A_221 = arith.addf %get3A_216, %get3A_220 : vector<16xf32>
      %max3A_222 = arith.constant 0.000000e+00 : f32
      %max3A_223 = vector.broadcast %max3A_222 : f32 to vector<16xf32>
      %max3A_224 = arith.maximumf %add3A_221, %max3A_223 : vector<16xf32>
      %swap3A_225 = arith.index_cast %scan3A_163 : i32 to index
      %swap3A_226 = arith.constant 48 : index
      %swap3A_227 = tpu.vector_load %arg11[%swap3A_225, %swap3A_226] {strides = array<i32>} : memref<112x64xf32, #tpu.memory_space<vmem>>, vector<1x16xf32>,
      %swap3A_228 = vector.shape_cast %swap3A_227 : vector<1x16xf32> to vector<16xf32>
      %swap3A_229 = vector.shape_cast %max3A_224 : vector<16xf32> to vector<1x16xf32>
      tpu.vector_store %arg11[%swap3A_225, %swap3A_226], %swap3A_229 {strides = array<i32>} : memref<112x64xf32, #tpu.memory_space<vmem>>, vector<1x16xf32>,
      %scan3A_230 = arith.constant 0 : i32
      scf.yield %scan3A_230 : i32
    }
    %scan3A_148 = arith.constant 112 : i32
    %dma_start3A_149 = arith.constant 0 : i32
    %dma_start3A_150 = arith.constant 0 : i32
    %dma_start3A_151 = tpu.memref_slice %arg14[%dma_start3A_149, %dma_start3A_150] : memref<25104x64xf32, #tpu.memory_space<vmem_shared>> -> memref<25104x64xf32, #tpu.memory_space<vmem_shared>>
    tpu.enqueue_indirect_dma source(%arg11 : memref<112x64xf32, #tpu.memory_space<vmem>>) target(%dma_start3A_151 : memref<25104x64xf32, #tpu.memory_space<vmem_shared>>) offsets(%arg9 : memref<112xi32, #tpu.memory_space<vmem>>) semaphore(%arg19 : memref<!tpu.dma_semaphore, #tpu.memory_space<semaphore_mem>>) {add = true}
    %dma_wait3A_152 = arith.constant 0 : i32
    %dma_wait3A_153 = arith.constant 0 : i32
    %dma_wait3A_154 = tpu.memref_slice %arg14[%dma_wait3A_152, %dma_wait3A_153] : memref<25104x64xf32, #tpu.memory_space<vmem_shared>> -> memref<25104x64xf32, #tpu.memory_space<vmem_shared>>
    tpu.wait_indirect_dma semaphore(%arg19 : memref<!tpu.dma_semaphore, #tpu.memory_space<semaphore_mem>>) src(%arg10 : memref<112x64xf32, #tpu.memory_space<vmem>>) dst(%dma_wait3A_154 : memref<25104x64xf32, #tpu.memory_space<vmem_shared>>)
    %barrier3A_155 = arith.constant 0 : index
    tpu.barrier barrier_id(%barrier3A_155)
    %mul3A_156 = arith.constant 1568 : i32
    %mul3A_157 = arith.muli %arg1, %mul3A_156 : i32
    %mul3A_158 = arith.constant 25088 : i32
    %mul3A_159 = arith.muli %arg0, %mul3A_158 : i32
    %mul3A_160 = arith.constant 1568 : i32
    %mul3A_161 = arith.muli %arg1, %mul3A_160 : i32
    %add3A_162 = arith.addi %mul3A_159, %mul3A_161 : i32
    "tpu.region"() ({
      %run_scoped3A = tpu.sem_alloc : memref<!tpu.dma_semaphore, #tpu.memory_space<semaphore_mem>>
      %dma_start3A_163 = arith.constant 0 : i32
      %dma_start3A_164 = tpu.memref_slice %arg5[%add3A_162, %dma_start3A_163] : memref<50176x64xf32, #tpu.memory_space<hbm>> -> memref<1568x64xf32, #tpu.memory_space<hbm>>
      %dma_start3A_165 = arith.constant 0 : i32
      %dma_start3A_166 = tpu.memref_slice %arg14[%mul3A_157, %dma_start3A_165] : memref<25104x64xf32, #tpu.memory_space<vmem_shared>> -> memref<1568x64xf32, #tpu.memory_space<vmem_shared>>
      tpu.enqueue_dma source(%dma_start3A_166 : memref<1568x64xf32, #tpu.memory_space<vmem_shared>>) target(%dma_start3A_164 : memref<1568x64xf32, #tpu.memory_space<hbm>>) target_semaphore(%run_scoped3A : memref<!tpu.dma_semaphore, #tpu.memory_space<semaphore_mem>>)
      %dma_wait3A_167 = arith.constant 0 : i32
      %dma_wait3A_168 = tpu.memref_slice %arg5[%add3A_162, %dma_wait3A_167] : memref<50176x64xf32, #tpu.memory_space<hbm>> -> memref<1568x64xf32, #tpu.memory_space<hbm>>
      %dma_wait3A_169 = arith.constant 0 : i32
      %dma_wait3A_170 = tpu.memref_slice %arg14[%mul3A_157, %dma_wait3A_169] : memref<25104x64xf32, #tpu.memory_space<vmem_shared>> -> memref<1568x64xf32, #tpu.memory_space<vmem_shared>>
      tpu.wait_dma2 semaphore(%run_scoped3A : memref<!tpu.dma_semaphore, #tpu.memory_space<semaphore_mem>>) src(%dma_wait3A_170 : memref<1568x64xf32, #tpu.memory_space<vmem_shared>>) dst(%dma_wait3A_168 : memref<1568x64xf32, #tpu.memory_space<hbm>>)
      tpu.yield
    }) : () -> ()
    return
  }
}

#map = affine_map<(d0, d1) -> (0, 0, 0)>
#map1 = affine_map<(d0, d1) -> (0, 0)>
module attributes {stable_mosaic.version = 14 : i64} {
  func.func @body(%arg0: i32, %arg1: i32, %arg2: memref<7168x3x112xi32, #tpu.memory_space<hbm>>, %arg3: memref<50000x64xf32, #tpu.memory_space<hbm>>, %arg4: memref<512x64xf32, #tpu.memory_space<hbm>>, %arg5: memref<50176x64xf32, #tpu.memory_space<hbm>>, %arg6: memref<3x112xi32, #tpu.memory_space<vmem>>, %arg7: memref<3x112xi32, #tpu.memory_space<vmem>>, %arg8: memref<112xi32, #tpu.memory_space<vmem>>, %arg9: memref<112xi32, #tpu.memory_space<vmem>>, %arg10: memref<112x64xf32, #tpu.memory_space<vmem>>, %arg11: memref<112x64xf32, #tpu.memory_space<vmem>>, %arg12: memref<112x64xf32, #tpu.memory_space<vmem>>, %arg13: memref<112x64xf32, #tpu.memory_space<vmem>>, %arg14: memref<25104x64xf32, #tpu.memory_space<vmem_shared>>, %arg15: memref<!tpu.dma_semaphore, #tpu.memory_space<semaphore_mem>>, %arg16: memref<!tpu.dma_semaphore, #tpu.memory_space<semaphore_mem>>, %arg17: memref<!tpu.dma_semaphore, #tpu.memory_space<semaphore_mem>>, %arg18: memref<!tpu.dma_semaphore, #tpu.memory_space<semaphore_mem>>, %arg19: memref<!tpu.dma_semaphore, #tpu.memory_space<semaphore_mem>>) attributes {dimension_semantics = [#tpu.dimension_semantics<core_parallel>, #tpu.dimension_semantics<subcore_parallel>], iteration_bounds = array<i64: 2, 16>, scalar_prefetch = 0 : i64, scratch_operands = 14 : i64, tpu.core_type = #tpu.core_type<sc_vector_subcore>, window_params = [{transform_indices = #map}, {transform_indices = #map1}, {transform_indices = #map1}, {transform_indices = #map1}]} {
    %mul3A = arith.constant 25088 : i32
    %mul3A_0 = arith.muli %arg0, %mul3A : i32
    %scan3A = arith.constant 0 : i32
    %scan3A_1 = arith.constant 0 : i32
    %scan3A_2 = arith.constant 112 : i32
    %scan3A_3 = arith.addi %scan3A_1, %scan3A_2 : i32
    %scan3A_4 = arith.constant 1 : i32
    %scan3A_5 = scf.for %scan3A_163 = %scan3A_1 to %scan3A_3 step %scan3A_4 iter_args(%scan3A_164 = %scan3A) -> (i32)  : i32 {
      %broadcast_in_dim3A = arith.constant 0.000000e+00 : f32
      %broadcast_in_dim3A_165 = vector.broadcast %broadcast_in_dim3A : f32 to vector<16xf32>
      %swap3A = arith.index_cast %scan3A_163 : i32 to index
      %swap3A_166 = arith.constant 0 : index
      %swap3A_167 = tpu.vector_load %arg10[%swap3A, %swap3A_166] {strides = array<i32>} : memref<112x64xf32, #tpu.memory_space<vmem>>, vector<1x16xf32>,
      %swap3A_168 = vector.shape_cast %swap3A_167 : vector<1x16xf32> to vector<16xf32>
      %swap3A_169 = vector.shape_cast %broadcast_in_dim3A_165 : vector<16xf32> to vector<1x16xf32>
      tpu.vector_store %arg10[%swap3A, %swap3A_166], %swap3A_169 {strides = array<i32>} : memref<112x64xf32, #tpu.memory_space<vmem>>, vector<1x16xf32>,
      %broadcast_in_dim3A_170 = arith.constant 0.000000e+00 : f32
      %broadcast_in_dim3A_171 = vector.broadcast %broadcast_in_dim3A_170 : f32 to vector<16xf32>
      %swap3A_172 = arith.index_cast %scan3A_163 : i32 to index
      %swap3A_173 = arith.constant 16 : index
      %swap3A_174 = tpu.vector_load %arg10[%swap3A_172, %swap3A_173] {strides = array<i32>} : memref<112x64xf32, #tpu.memory_space<vmem>>, vector<1x16xf32>,
      %swap3A_175 = vector.shape_cast %swap3A_174 : vector<1x16xf32> to vector<16xf32>
      %swap3A_176 = vector.shape_cast %broadcast_in_dim3A_171 : vector<16xf32> to vector<1x16xf32>
      tpu.vector_store %arg10[%swap3A_172, %swap3A_173], %swap3A_176 {strides = array<i32>} : memref<112x64xf32, #tpu.memory_space<vmem>>, vector<1x16xf32>,
      %broadcast_in_dim3A_177 = arith.constant 0.000000e+00 : f32
      %broadcast_in_dim3A_178 = vector.broadcast %broadcast_in_dim3A_177 : f32 to vector<16xf32>
      %swap3A_179 = arith.index_cast %scan3A_163 : i32 to index
      %swap3A_180 = arith.constant 32 : index
      %swap3A_181 = tpu.vector_load %arg10[%swap3A_179, %swap3A_180] {strides = array<i32>} : memref<112x64xf32, #tpu.memory_space<vmem>>, vector<1x16xf32>,
      %swap3A_182 = vector.shape_cast %swap3A_181 : vector<1x16xf32> to vector<16xf32>
      %swap3A_183 = vector.shape_cast %broadcast_in_dim3A_178 : vector<16xf32> to vector<1x16xf32>
      tpu.vector_store %arg10[%swap3A_179, %swap3A_180], %swap3A_183 {strides = array<i32>} : memref<112x64xf32, #tpu.memory_space<vmem>>, vector<1x16xf32>,
      %broadcast_in_dim3A_184 = arith.constant 0.000000e+00 : f32
      %broadcast_in_dim3A_185 = vector.broadcast %broadcast_in_dim3A_184 : f32 to vector<16xf32>
      %swap3A_186 = arith.index_cast %scan3A_163 : i32 to index
      %swap3A_187 = arith.constant 48 : index
      %swap3A_188 = tpu.vector_load %arg10[%swap3A_186, %swap3A_187] {strides = array<i32>} : memref<112x64xf32, #tpu.memory_space<vmem>>, vector<1x16xf32>,
      %swap3A_189 = vector.shape_cast %swap3A_188 : vector<1x16xf32> to vector<16xf32>
      %swap3A_190 = vector.shape_cast %broadcast_in_dim3A_185 : vector<16xf32> to vector<1x16xf32>
      tpu.vector_store %arg10[%swap3A_186, %swap3A_187], %swap3A_190 {strides = array<i32>} : memref<112x64xf32, #tpu.memory_space<vmem>>, vector<1x16xf32>,
      %scan3A_191 = arith.constant 0 : i32
      scf.yield %scan3A_191 : i32
    }
    %scan3A_6 = arith.constant 112 : i32
    %scan3A_7 = arith.constant 0 : i32
    %scan3A_8 = arith.constant 0 : i32
    %scan3A_9 = arith.constant 14 : i32
    %scan3A_10 = arith.addi %scan3A_8, %scan3A_9 : i32
    %scan3A_11 = arith.constant 1 : i32
    %scan3A_12 = scf.for %scan3A_163 = %scan3A_8 to %scan3A_10 step %scan3A_11 iter_args(%scan3A_164 = %scan3A_7) -> (i32)  : i32 {
      %mul3A_165 = arith.constant 1568 : i32
      %mul3A_166 = arith.muli %arg1, %mul3A_165 : i32
      %mul3A_167 = arith.constant 112 : i32
      %mul3A_168 = arith.muli %scan3A_163, %mul3A_167 : i32
      %add3A_169 = arith.addi %mul3A_166, %mul3A_168 : i32
      "tpu.region"() ({
        %run_scoped3A = tpu.sem_alloc : memref<!tpu.dma_semaphore, #tpu.memory_space<semaphore_mem>>
        %dma_start3A_171 = arith.constant 0 : i32
        %dma_start3A_172 = tpu.memref_slice %arg14[%add3A_169, %dma_start3A_171] : memref<25104x64xf32, #tpu.memory_space<vmem_shared>> -> memref<112x64xf32, #tpu.memory_space<vmem_shared>>
        %dma_start3A_173 = arith.constant 0 : i32
        %dma_start3A_174 = tpu.memref_slice %arg14[%add3A_169, %dma_start3A_173] : memref<25104x64xf32, #tpu.memory_space<vmem_shared>> -> memref<112x64xf32, #tpu.memory_space<vmem_shared>>
        tpu.enqueue_dma source(%arg10 : memref<112x64xf32, #tpu.memory_space<vmem>>) target(%dma_start3A_174 : memref<112x64xf32, #tpu.memory_space<vmem_shared>>) target_semaphore(%run_scoped3A : memref<!tpu.dma_semaphore, #tpu.memory_space<semaphore_mem>>)
        %dma_wait3A_175 = arith.constant 0 : i32
        %dma_wait3A_176 = tpu.memref_slice %arg14[%add3A_169, %dma_wait3A_175] : memref<25104x64xf32, #tpu.memory_space<vmem_shared>> -> memref<112x64xf32, #tpu.memory_space<vmem_shared>>
        %dma_wait3A_177 = arith.constant 0 : i32
        %dma_wait3A_178 = tpu.memref_slice %arg14[%add3A_169, %dma_wait3A_177] : memref<25104x64xf32, #tpu.memory_space<vmem_shared>> -> memref<112x64xf32, #tpu.memory_space<vmem_shared>>
        tpu.wait_dma2 semaphore(%run_scoped3A : memref<!tpu.dma_semaphore, #tpu.memory_space<semaphore_mem>>) src(%arg10 : memref<112x64xf32, #tpu.memory_space<vmem>>) dst(%dma_wait3A_178 : memref<112x64xf32, #tpu.memory_space<vmem_shared>>)
        tpu.yield
      }) : () -> ()
      %scan3A_170 = arith.constant 0 : i32
      scf.yield %scan3A_170 : i32
    }
    %scan3A_13 = arith.constant 14 : i32
    %barrier3A = arith.constant 0 : index
    tpu.barrier barrier_id(%barrier3A)
    %mul3A_14 = arith.constant 448 : i32
    %mul3A_15 = arith.muli %arg1, %mul3A_14 : i32
    %dma_start3A = arith.constant 0 : i32
    %dma_start3A_16 = arith.constant 0 : i32
    %dma_start3A_17 = tpu.memref_slice %arg2[%mul3A_15, %dma_start3A, %dma_start3A_16] : memref<7168x3x112xi32, #tpu.memory_space<hbm>> -> memref<1x3x112xi32, #tpu.memory_space<hbm>>
    %dma_start3A_18 = tpu.memref_squeeze %dma_start3A_17 : memref<1x3x112xi32, #tpu.memory_space<hbm>> -> memref<3x112xi32, #tpu.memory_space<hbm>>
    %dma_start3A_19 = arith.constant 0 : i32
    %dma_start3A_20 = arith.constant 0 : i32
    %dma_start3A_21 = tpu.memref_slice %arg2[%mul3A_15, %dma_start3A_19, %dma_start3A_20] : memref<7168x3x112xi32, #tpu.memory_space<hbm>> -> memref<1x3x112xi32, #tpu.memory_space<hbm>>
    %dma_start3A_22 = tpu.memref_squeeze %dma_start3A_21 : memref<1x3x112xi32, #tpu.memory_space<hbm>> -> memref<3x112xi32, #tpu.memory_space<hbm>>
    tpu.enqueue_dma source(%dma_start3A_22 : memref<3x112xi32, #tpu.memory_space<hbm>>) target(%arg6 : memref<3x112xi32, #tpu.memory_space<vmem>>) target_semaphore(%arg15 : memref<!tpu.dma_semaphore, #tpu.memory_space<semaphore_mem>>)
    %add3A = arith.constant 1 : i32
    %add3A_23 = arith.addi %mul3A_15, %add3A : i32
    %dma_start3A_24 = arith.constant 0 : i32
    %dma_start3A_25 = arith.constant 0 : i32
    %dma_start3A_26 = tpu.memref_slice %arg2[%add3A_23, %dma_start3A_24, %dma_start3A_25] : memref<7168x3x112xi32, #tpu.memory_space<hbm>> -> memref<1x3x112xi32, #tpu.memory_space<hbm>>
    %dma_start3A_27 = tpu.memref_squeeze %dma_start3A_26 : memref<1x3x112xi32, #tpu.memory_space<hbm>> -> memref<3x112xi32, #tpu.memory_space<hbm>>
    %dma_start3A_28 = arith.constant 0 : i32
    %dma_start3A_29 = arith.constant 0 : i32
    %dma_start3A_30 = tpu.memref_slice %arg2[%add3A_23, %dma_start3A_28, %dma_start3A_29] : memref<7168x3x112xi32, #tpu.memory_space<hbm>> -> memref<1x3x112xi32, #tpu.memory_space<hbm>>
    %dma_start3A_31 = tpu.memref_squeeze %dma_start3A_30 : memref<1x3x112xi32, #tpu.memory_space<hbm>> -> memref<3x112xi32, #tpu.memory_space<hbm>>
    tpu.enqueue_dma source(%dma_start3A_31 : memref<3x112xi32, #tpu.memory_space<hbm>>) target(%arg7 : memref<3x112xi32, #tpu.memory_space<vmem>>) target_semaphore(%arg16 : memref<!tpu.dma_semaphore, #tpu.memory_space<semaphore_mem>>)
    %dma_wait3A = arith.constant 0 : i32
    %dma_wait3A_32 = arith.constant 0 : i32
    %dma_wait3A_33 = arith.constant 0 : i32
    %dma_wait3A_34 = tpu.memref_slice %arg2[%dma_wait3A, %dma_wait3A_32, %dma_wait3A_33] : memref<7168x3x112xi32, #tpu.memory_space<hbm>> -> memref<1x3x112xi32, #tpu.memory_space<hbm>>
    %dma_wait3A_35 = tpu.memref_squeeze %dma_wait3A_34 : memref<1x3x112xi32, #tpu.memory_space<hbm>> -> memref<3x112xi32, #tpu.memory_space<hbm>>
    %dma_wait3A_36 = arith.constant 0 : i32
    %dma_wait3A_37 = arith.constant 0 : i32
    %dma_wait3A_38 = tpu.memref_slice %arg2[%dma_wait3A, %dma_wait3A_36, %dma_wait3A_37] : memref<7168x3x112xi32, #tpu.memory_space<hbm>> -> memref<1x3x112xi32, #tpu.memory_space<hbm>>
    %dma_wait3A_39 = tpu.memref_squeeze %dma_wait3A_38 : memref<1x3x112xi32, #tpu.memory_space<hbm>> -> memref<3x112xi32, #tpu.memory_space<hbm>>
    tpu.wait_dma2 semaphore(%arg15 : memref<!tpu.dma_semaphore, #tpu.memory_space<semaphore_mem>>) src(%dma_wait3A_39 : memref<3x112xi32, #tpu.memory_space<hbm>>) dst(%arg6 : memref<3x112xi32, #tpu.memory_space<vmem>>)
    %scan3A_40 = arith.constant 0 : i32
    %scan3A_41 = arith.constant 0 : i32
    %scan3A_42 = arith.constant 7 : i32
    %scan3A_43 = arith.addi %scan3A_41, %scan3A_42 : i32
    %scan3A_44 = arith.constant 1 : i32
    %scan3A_45 = scf.for %scan3A_163 = %scan3A_41 to %scan3A_43 step %scan3A_44 iter_args(%scan3A_164 = %scan3A_40) -> (i32)  : i32 {
      %mul3A_165 = arith.constant 16 : i32
      %mul3A_166 = arith.muli %scan3A_163, %mul3A_165 : i32
      %get3A = arith.constant 1 : i32
      %get3A_167 = arith.index_cast %get3A : i32 to index
      %get3A_168 = arith.index_cast %mul3A_166 : i32 to index
      %get3A_169 = tpu.vector_load %arg6[%get3A_167, %get3A_168] {strides = array<i32>} : memref<3x112xi32, #tpu.memory_space<vmem>>, vector<1x16xi32>,
      %get3A_170 = vector.shape_cast %get3A_169 : vector<1x16xi32> to vector<16xi32>
      %sub3A = vector.broadcast %mul3A_0 : i32 to vector<16xi32>
      %sub3A_171 = arith.subi %get3A_170, %sub3A : vector<16xi32>
      %ge3A = arith.constant 0 : i32
      %ge3A_172 = vector.broadcast %ge3A : i32 to vector<16xi32>
      %ge3A_173 = arith.cmpi sge, %sub3A_171, %ge3A_172 : vector<16xi32>
      %lt3A = arith.constant 25088 : i32
      %lt3A_174 = vector.broadcast %lt3A : i32 to vector<16xi32>
      %lt3A_175 = arith.cmpi slt, %sub3A_171, %lt3A_174 : vector<16xi32>
      %and3A = arith.andi %ge3A_173, %lt3A_175 : vector<16xi1>
      %and3A_176 = arith.constant 15 : i32
      %and3A_177 = vector.broadcast %and3A_176 : i32 to vector<16xi32>
      %and3A_178 = arith.andi %get3A_170, %and3A_177 : vector<16xi32>
      %add3A_179 = arith.constant 25088 : i32
      %add3A_180 = vector.broadcast %add3A_179 : i32 to vector<16xi32>
      %add3A_181 = arith.addi %add3A_180, %and3A_178 : vector<16xi32>
      %select_n3A = arith.select %and3A, %sub3A_171, %add3A_181 : vector<16xi1>, vector<16xi32>
      %mul3A_182 = arith.constant 16 : i32
      %mul3A_183 = arith.muli %scan3A_163, %mul3A_182 : i32
      %swap3A = arith.index_cast %mul3A_183 : i32 to index
      %swap3A_184 = tpu.vector_load %arg8[%swap3A] {strides = array<i32>} : memref<112xi32, #tpu.memory_space<vmem>>, vector<16xi32>,
      %swap3A_185 = vector.shape_cast %swap3A_184 : vector<16xi32> to vector<16xi32>
      %swap3A_186 = vector.shape_cast %select_n3A : vector<16xi32> to vector<16xi32>
      tpu.vector_store %arg8[%swap3A], %swap3A_186 {strides = array<i32>} : memref<112xi32, #tpu.memory_space<vmem>>, vector<16xi32>,
      %scan3A_187 = arith.constant 0 : i32
      scf.yield %scan3A_187 : i32
    }
    %scan3A_46 = arith.constant 7 : i32
    %dma_start3A_47 = arith.constant 2 : i32
    %dma_start3A_48 = arith.constant 0 : i32
    %dma_start3A_49 = tpu.memref_slice %arg6[%dma_start3A_47, %dma_start3A_48] : memref<3x112xi32, #tpu.memory_space<vmem>> -> memref<1x112xi32, #tpu.memory_space<vmem>>
    %dma_start3A_50 = tpu.memref_squeeze %dma_start3A_49 : memref<1x112xi32, #tpu.memory_space<vmem>> -> memref<112xi32, #tpu.memory_space<vmem>>
    %dma_start3A_51 = arith.constant 0 : i32
    %dma_start3A_52 = arith.constant 0 : i32
    %dma_start3A_53 = tpu.memref_slice %arg4[%dma_start3A_51, %dma_start3A_52] : memref<512x64xf32, #tpu.memory_space<hbm>> -> memref<512x64xf32, #tpu.memory_space<hbm>>
    tpu.enqueue_indirect_dma source(%dma_start3A_53 : memref<512x64xf32, #tpu.memory_space<hbm>>) target(%arg10 : memref<112x64xf32, #tpu.memory_space<vmem>>) offsets(%dma_start3A_50 : memref<112xi32, #tpu.memory_space<vmem>>) semaphore(%arg17 : memref<!tpu.dma_semaphore, #tpu.memory_space<semaphore_mem>>)
    %dma_start3A_54 = arith.constant 0 : i32
    %dma_start3A_55 = arith.constant 0 : i32
    %dma_start3A_56 = tpu.memref_slice %arg6[%dma_start3A_54, %dma_start3A_55] : memref<3x112xi32, #tpu.memory_space<vmem>> -> memref<1x112xi32, #tpu.memory_space<vmem>>
    %dma_start3A_57 = tpu.memref_squeeze %dma_start3A_56 : memref<1x112xi32, #tpu.memory_space<vmem>> -> memref<112xi32, #tpu.memory_space<vmem>>
    %dma_start3A_58 = arith.constant 0 : i32
    %dma_start3A_59 = arith.constant 0 : i32
    %dma_start3A_60 = tpu.memref_slice %arg3[%dma_start3A_58, %dma_start3A_59] : memref<50000x64xf32, #tpu.memory_space<hbm>> -> memref<50000x64xf32, #tpu.memory_space<hbm>>
    tpu.enqueue_indirect_dma source(%dma_start3A_60 : memref<50000x64xf32, #tpu.memory_space<hbm>>) target(%arg12 : memref<112x64xf32, #tpu.memory_space<vmem>>) offsets(%dma_start3A_57 : memref<112xi32, #tpu.memory_space<vmem>>) semaphore(%arg17 : memref<!tpu.dma_semaphore, #tpu.memory_space<semaphore_mem>>)
    %scan3A_61 = arith.constant 0 : i32
    %scan3A_62 = arith.constant 0 : i32
    %scan3A_63 = arith.constant 223 : i32
    %scan3A_64 = arith.addi %scan3A_62, %scan3A_63 : i32
    %scan3A_65 = arith.constant 1 : i32
    %scan3A_66 = scf.for %scan3A_163 = %scan3A_62 to %scan3A_64 step %scan3A_65 iter_args(%scan3A_164 = %scan3A_61) -> (i32)  : i32 {
      %mul3A_165 = arith.constant 2 : i32
      %mul3A_166 = arith.muli %mul3A_165, %scan3A_163 : i32
      %add3A_167 = arith.addi %mul3A_15, %mul3A_166 : i32
      %add3A_168 = arith.constant 0 : i32
      %add3A_169 = arith.addi %add3A_167, %add3A_168 : i32
      %gt3A = arith.constant 0 : i32
      %gt3A_170 = arith.cmpi sgt, %scan3A_163, %gt3A : i32
      %convert_element_type3A = arith.extui %gt3A_170 : i1 to i32
      %cond3A = arith.constant 0 : i32
      %cond3A_171 = arith.cmpi ne, %convert_element_type3A, %cond3A : i32
      scf.if %cond3A_171 {
        %dma_wait3A_306 = arith.constant 0 : i32
        %dma_wait3A_307 = arith.constant 0 : i32
        %dma_wait3A_308 = tpu.memref_slice %arg14[%dma_wait3A_306, %dma_wait3A_307] : memref<25104x64xf32, #tpu.memory_space<vmem_shared>> -> memref<25104x64xf32, #tpu.memory_space<vmem_shared>>
        tpu.wait_indirect_dma semaphore(%arg19 : memref<!tpu.dma_semaphore, #tpu.memory_space<semaphore_mem>>) src(%arg10 : memref<112x64xf32, #tpu.memory_space<vmem>>) dst(%dma_wait3A_308 : memref<25104x64xf32, #tpu.memory_space<vmem_shared>>)
      } else {
      }
      %dma_wait3A_172 = arith.constant 0 : i32
      %dma_wait3A_173 = arith.constant 0 : i32
      %dma_wait3A_174 = arith.constant 0 : i32
      %dma_wait3A_175 = tpu.memref_slice %arg2[%dma_wait3A_172, %dma_wait3A_173, %dma_wait3A_174] : memref<7168x3x112xi32, #tpu.memory_space<hbm>> -> memref<1x3x112xi32, #tpu.memory_space<hbm>>
      %dma_wait3A_176 = tpu.memref_squeeze %dma_wait3A_175 : memref<1x3x112xi32, #tpu.memory_space<hbm>> -> memref<3x112xi32, #tpu.memory_space<hbm>>
      %dma_wait3A_177 = arith.constant 0 : i32
      %dma_wait3A_178 = arith.constant 0 : i32
      %dma_wait3A_179 = tpu.memref_slice %arg2[%dma_wait3A_172, %dma_wait3A_177, %dma_wait3A_178] : memref<7168x3x112xi32, #tpu.memory_space<hbm>> -> memref<1x3x112xi32, #tpu.memory_space<hbm>>
      %dma_wait3A_180 = tpu.memref_squeeze %dma_wait3A_179 : memref<1x3x112xi32, #tpu.memory_space<hbm>> -> memref<3x112xi32, #tpu.memory_space<hbm>>
      tpu.wait_dma2 semaphore(%arg16 : memref<!tpu.dma_semaphore, #tpu.memory_space<semaphore_mem>>) src(%dma_wait3A_180 : memref<3x112xi32, #tpu.memory_space<hbm>>) dst(%arg7 : memref<3x112xi32, #tpu.memory_space<vmem>>)
      %scan3A_181 = arith.constant 0 : i32
      %scan3A_182 = arith.constant 0 : i32
      %scan3A_183 = arith.constant 7 : i32
      %scan3A_184 = arith.addi %scan3A_182, %scan3A_183 : i32
      %scan3A_185 = arith.constant 1 : i32
      %scan3A_186 = scf.for %scan3A_306 = %scan3A_182 to %scan3A_184 step %scan3A_185 iter_args(%scan3A_307 = %scan3A_181) -> (i32)  : i32 {
        %mul3A_308 = arith.constant 16 : i32
        %mul3A_309 = arith.muli %scan3A_306, %mul3A_308 : i32
        %get3A = arith.constant 1 : i32
        %get3A_310 = arith.index_cast %get3A : i32 to index
        %get3A_311 = arith.index_cast %mul3A_309 : i32 to index
        %get3A_312 = tpu.vector_load %arg7[%get3A_310, %get3A_311] {strides = array<i32>} : memref<3x112xi32, #tpu.memory_space<vmem>>, vector<1x16xi32>,
        %get3A_313 = vector.shape_cast %get3A_312 : vector<1x16xi32> to vector<16xi32>
        %sub3A = vector.broadcast %mul3A_0 : i32 to vector<16xi32>
        %sub3A_314 = arith.subi %get3A_313, %sub3A : vector<16xi32>
        %ge3A = arith.constant 0 : i32
        %ge3A_315 = vector.broadcast %ge3A : i32 to vector<16xi32>
        %ge3A_316 = arith.cmpi sge, %sub3A_314, %ge3A_315 : vector<16xi32>
        %lt3A = arith.constant 25088 : i32
        %lt3A_317 = vector.broadcast %lt3A : i32 to vector<16xi32>
        %lt3A_318 = arith.cmpi slt, %sub3A_314, %lt3A_317 : vector<16xi32>
        %and3A = arith.andi %ge3A_316, %lt3A_318 : vector<16xi1>
        %and3A_319 = arith.constant 15 : i32
        %and3A_320 = vector.broadcast %and3A_319 : i32 to vector<16xi32>
        %and3A_321 = arith.andi %get3A_313, %and3A_320 : vector<16xi32>
        %add3A_322 = arith.constant 25088 : i32
        %add3A_323 = vector.broadcast %add3A_322 : i32 to vector<16xi32>
        %add3A_324 = arith.addi %add3A_323, %and3A_321 : vector<16xi32>
        %select_n3A = arith.select %and3A, %sub3A_314, %add3A_324 : vector<16xi1>, vector<16xi32>
        %mul3A_325 = arith.constant 16 : i32
        %mul3A_326 = arith.muli %scan3A_306, %mul3A_325 : i32
        %swap3A = arith.index_cast %mul3A_326 : i32 to index
        %swap3A_327 = tpu.vector_load %arg9[%swap3A] {strides = array<i32>} : memref<112xi32, #tpu.memory_space<vmem>>, vector<16xi32>,
        %swap3A_328 = vector.shape_cast %swap3A_327 : vector<16xi32> to vector<16xi32>
        %swap3A_329 = vector.shape_cast %select_n3A : vector<16xi32> to vector<16xi32>
        tpu.vector_store %arg9[%swap3A], %swap3A_329 {strides = array<i32>} : memref<112xi32, #tpu.memory_space<vmem>>, vector<16xi32>,
        %scan3A_330 = arith.constant 0 : i32
        scf.yield %scan3A_330 : i32
      }
      %scan3A_187 = arith.constant 7 : i32
      %dma_start3A_188 = arith.constant 2 : i32
      %dma_start3A_189 = arith.constant 0 : i32
      %dma_start3A_190 = tpu.memref_slice %arg7[%dma_start3A_188, %dma_start3A_189] : memref<3x112xi32, #tpu.memory_space<vmem>> -> memref<1x112xi32, #tpu.memory_space<vmem>>
      %dma_start3A_191 = tpu.memref_squeeze %dma_start3A_190 : memref<1x112xi32, #tpu.memory_space<vmem>> -> memref<112xi32, #tpu.memory_space<vmem>>
      %dma_start3A_192 = arith.constant 0 : i32
      %dma_start3A_193 = arith.constant 0 : i32
      %dma_start3A_194 = tpu.memref_slice %arg4[%dma_start3A_192, %dma_start3A_193] : memref<512x64xf32, #tpu.memory_space<hbm>> -> memref<512x64xf32, #tpu.memory_space<hbm>>
      tpu.enqueue_indirect_dma source(%dma_start3A_194 : memref<512x64xf32, #tpu.memory_space<hbm>>) target(%arg11 : memref<112x64xf32, #tpu.memory_space<vmem>>) offsets(%dma_start3A_191 : memref<112xi32, #tpu.memory_space<vmem>>) semaphore(%arg18 : memref<!tpu.dma_semaphore, #tpu.memory_space<semaphore_mem>>)
      %dma_start3A_195 = arith.constant 0 : i32
      %dma_start3A_196 = arith.constant 0 : i32
      %dma_start3A_197 = tpu.memref_slice %arg7[%dma_start3A_195, %dma_start3A_196] : memref<3x112xi32, #tpu.memory_space<vmem>> -> memref<1x112xi32, #tpu.memory_space<vmem>>
      %dma_start3A_198 = tpu.memref_squeeze %dma_start3A_197 : memref<1x112xi32, #tpu.memory_space<vmem>> -> memref<112xi32, #tpu.memory_space<vmem>>
      %dma_start3A_199 = arith.constant 0 : i32
      %dma_start3A_200 = arith.constant 0 : i32
      %dma_start3A_201 = tpu.memref_slice %arg3[%dma_start3A_199, %dma_start3A_200] : memref<50000x64xf32, #tpu.memory_space<hbm>> -> memref<50000x64xf32, #tpu.memory_space<hbm>>
      tpu.enqueue_indirect_dma source(%dma_start3A_201 : memref<50000x64xf32, #tpu.memory_space<hbm>>) target(%arg13 : memref<112x64xf32, #tpu.memory_space<vmem>>) offsets(%dma_start3A_198 : memref<112xi32, #tpu.memory_space<vmem>>) semaphore(%arg18 : memref<!tpu.dma_semaphore, #tpu.memory_space<semaphore_mem>>)
      %dma_wait3A_202 = arith.constant 2 : i32
      %dma_wait3A_203 = arith.constant 0 : i32
      %dma_wait3A_204 = tpu.memref_slice %arg6[%dma_wait3A_202, %dma_wait3A_203] : memref<3x112xi32, #tpu.memory_space<vmem>> -> memref<1x112xi32, #tpu.memory_space<vmem>>
      %dma_wait3A_205 = tpu.memref_squeeze %dma_wait3A_204 : memref<1x112xi32, #tpu.memory_space<vmem>> -> memref<112xi32, #tpu.memory_space<vmem>>
      %dma_wait3A_206 = arith.constant 0 : i32
      %dma_wait3A_207 = arith.constant 0 : i32
      %dma_wait3A_208 = tpu.memref_slice %arg4[%dma_wait3A_206, %dma_wait3A_207] : memref<512x64xf32, #tpu.memory_space<hbm>> -> memref<512x64xf32, #tpu.memory_space<hbm>>
      tpu.wait_indirect_dma semaphore(%arg17 : memref<!tpu.dma_semaphore, #tpu.memory_space<semaphore_mem>>) src(%dma_wait3A_208 : memref<512x64xf32, #tpu.memory_space<hbm>>) dst(%arg10 : memref<112x64xf32, #tpu.memory_space<vmem>>)
      %dma_wait3A_209 = arith.constant 0 : i32
      %dma_wait3A_210 = arith.constant 0 : i32
      %dma_wait3A_211 = tpu.memref_slice %arg6[%dma_wait3A_209, %dma_wait3A_210] : memref<3x112xi32, #tpu.memory_space<vmem>> -> memref<1x112xi32, #tpu.memory_space<vmem>>
      %dma_wait3A_212 = tpu.memref_squeeze %dma_wait3A_211 : memref<1x112xi32, #tpu.memory_space<vmem>> -> memref<112xi32, #tpu.memory_space<vmem>>
      %dma_wait3A_213 = arith.constant 0 : i32
      %dma_wait3A_214 = arith.constant 0 : i32
      %dma_wait3A_215 = tpu.memref_slice %arg3[%dma_wait3A_213, %dma_wait3A_214] : memref<50000x64xf32, #tpu.memory_space<hbm>> -> memref<50000x64xf32, #tpu.memory_space<hbm>>
      tpu.wait_indirect_dma semaphore(%arg17 : memref<!tpu.dma_semaphore, #tpu.memory_space<semaphore_mem>>) src(%dma_wait3A_215 : memref<50000x64xf32, #tpu.memory_space<hbm>>) dst(%arg12 : memref<112x64xf32, #tpu.memory_space<vmem>>)
      %add3A_216 = arith.constant 2 : i32
      %add3A_217 = arith.addi %add3A_169, %add3A_216 : i32
      %dma_start3A_218 = arith.constant 0 : i32
      %dma_start3A_219 = arith.constant 0 : i32
      %dma_start3A_220 = tpu.memref_slice %arg2[%add3A_217, %dma_start3A_218, %dma_start3A_219] : memref<7168x3x112xi32, #tpu.memory_space<hbm>> -> memref<1x3x112xi32, #tpu.memory_space<hbm>>
      %dma_start3A_221 = tpu.memref_squeeze %dma_start3A_220 : memref<1x3x112xi32, #tpu.memory_space<hbm>> -> memref<3x112xi32, #tpu.memory_space<hbm>>
      %dma_start3A_222 = arith.constant 0 : i32
      %dma_start3A_223 = arith.constant 0 : i32
      %dma_start3A_224 = tpu.memref_slice %arg2[%add3A_217, %dma_start3A_222, %dma_start3A_223] : memref<7168x3x112xi32, #tpu.memory_space<hbm>> -> memref<1x3x112xi32, #tpu.memory_space<hbm>>
      %dma_start3A_225 = tpu.memref_squeeze %dma_start3A_224 : memref<1x3x112xi32, #tpu.memory_space<hbm>> -> memref<3x112xi32, #tpu.memory_space<hbm>>
      tpu.enqueue_dma source(%dma_start3A_225 : memref<3x112xi32, #tpu.memory_space<hbm>>) target(%arg6 : memref<3x112xi32, #tpu.memory_space<vmem>>) target_semaphore(%arg15 : memref<!tpu.dma_semaphore, #tpu.memory_space<semaphore_mem>>)
      %scan3A_226 = arith.constant 0 : i32
      %scan3A_227 = arith.constant 0 : i32
      %scan3A_228 = arith.constant 112 : i32
      %scan3A_229 = arith.addi %scan3A_227, %scan3A_228 : i32
      %scan3A_230 = arith.constant 1 : i32
      %scan3A_231 = scf.for %scan3A_306 = %scan3A_227 to %scan3A_229 step %scan3A_230 iter_args(%scan3A_307 = %scan3A_226) -> (i32)  : i32 {
        %get3A = arith.index_cast %scan3A_306 : i32 to index
        %get3A_308 = arith.constant 0 : index
        %get3A_309 = tpu.vector_load %arg10[%get3A, %get3A_308] {strides = array<i32>} : memref<112x64xf32, #tpu.memory_space<vmem>>, vector<1x16xf32>,
        %get3A_310 = vector.shape_cast %get3A_309 : vector<1x16xf32> to vector<16xf32>
        %get3A_311 = arith.index_cast %scan3A_306 : i32 to index
        %get3A_312 = arith.constant 0 : index
        %get3A_313 = tpu.vector_load %arg12[%get3A_311, %get3A_312] {strides = array<i32>} : memref<112x64xf32, #tpu.memory_space<vmem>>, vector<1x16xf32>,
        %get3A_314 = vector.shape_cast %get3A_313 : vector<1x16xf32> to vector<16xf32>
        %add3A_315 = arith.addf %get3A_310, %get3A_314 : vector<16xf32>
        %max3A = arith.constant 0.000000e+00 : f32
        %max3A_316 = vector.broadcast %max3A : f32 to vector<16xf32>
        %max3A_317 = arith.maximumf %add3A_315, %max3A_316 : vector<16xf32>
        %swap3A = arith.index_cast %scan3A_306 : i32 to index
        %swap3A_318 = arith.constant 0 : index
        %swap3A_319 = tpu.vector_load %arg10[%swap3A, %swap3A_318] {strides = array<i32>} : memref<112x64xf32, #tpu.memory_space<vmem>>, vector<1x16xf32>,
        %swap3A_320 = vector.shape_cast %swap3A_319 : vector<1x16xf32> to vector<16xf32>
        %swap3A_321 = vector.shape_cast %max3A_317 : vector<16xf32> to vector<1x16xf32>
        tpu.vector_store %arg10[%swap3A, %swap3A_318], %swap3A_321 {strides = array<i32>} : memref<112x64xf32, #tpu.memory_space<vmem>>, vector<1x16xf32>,
        %get3A_322 = arith.index_cast %scan3A_306 : i32 to index
        %get3A_323 = arith.constant 16 : index
        %get3A_324 = tpu.vector_load %arg10[%get3A_322, %get3A_323] {strides = array<i32>} : memref<112x64xf32, #tpu.memory_space<vmem>>, vector<1x16xf32>,
        %get3A_325 = vector.shape_cast %get3A_324 : vector<1x16xf32> to vector<16xf32>
        %get3A_326 = arith.index_cast %scan3A_306 : i32 to index
        %get3A_327 = arith.constant 16 : index
        %get3A_328 = tpu.vector_load %arg12[%get3A_326, %get3A_327] {strides = array<i32>} : memref<112x64xf32, #tpu.memory_space<vmem>>, vector<1x16xf32>,
        %get3A_329 = vector.shape_cast %get3A_328 : vector<1x16xf32> to vector<16xf32>
        %add3A_330 = arith.addf %get3A_325, %get3A_329 : vector<16xf32>
        %max3A_331 = arith.constant 0.000000e+00 : f32
        %max3A_332 = vector.broadcast %max3A_331 : f32 to vector<16xf32>
        %max3A_333 = arith.maximumf %add3A_330, %max3A_332 : vector<16xf32>
        %swap3A_334 = arith.index_cast %scan3A_306 : i32 to index
        %swap3A_335 = arith.constant 16 : index
        %swap3A_336 = tpu.vector_load %arg10[%swap3A_334, %swap3A_335] {strides = array<i32>} : memref<112x64xf32, #tpu.memory_space<vmem>>, vector<1x16xf32>,
        %swap3A_337 = vector.shape_cast %swap3A_336 : vector<1x16xf32> to vector<16xf32>
        %swap3A_338 = vector.shape_cast %max3A_333 : vector<16xf32> to vector<1x16xf32>
        tpu.vector_store %arg10[%swap3A_334, %swap3A_335], %swap3A_338 {strides = array<i32>} : memref<112x64xf32, #tpu.memory_space<vmem>>, vector<1x16xf32>,
        %get3A_339 = arith.index_cast %scan3A_306 : i32 to index
        %get3A_340 = arith.constant 32 : index
        %get3A_341 = tpu.vector_load %arg10[%get3A_339, %get3A_340] {strides = array<i32>} : memref<112x64xf32, #tpu.memory_space<vmem>>, vector<1x16xf32>,
        %get3A_342 = vector.shape_cast %get3A_341 : vector<1x16xf32> to vector<16xf32>
        %get3A_343 = arith.index_cast %scan3A_306 : i32 to index
        %get3A_344 = arith.constant 32 : index
        %get3A_345 = tpu.vector_load %arg12[%get3A_343, %get3A_344] {strides = array<i32>} : memref<112x64xf32, #tpu.memory_space<vmem>>, vector<1x16xf32>,
        %get3A_346 = vector.shape_cast %get3A_345 : vector<1x16xf32> to vector<16xf32>
        %add3A_347 = arith.addf %get3A_342, %get3A_346 : vector<16xf32>
        %max3A_348 = arith.constant 0.000000e+00 : f32
        %max3A_349 = vector.broadcast %max3A_348 : f32 to vector<16xf32>
        %max3A_350 = arith.maximumf %add3A_347, %max3A_349 : vector<16xf32>
        %swap3A_351 = arith.index_cast %scan3A_306 : i32 to index
        %swap3A_352 = arith.constant 32 : index
        %swap3A_353 = tpu.vector_load %arg10[%swap3A_351, %swap3A_352] {strides = array<i32>} : memref<112x64xf32, #tpu.memory_space<vmem>>, vector<1x16xf32>,
        %swap3A_354 = vector.shape_cast %swap3A_353 : vector<1x16xf32> to vector<16xf32>
        %swap3A_355 = vector.shape_cast %max3A_350 : vector<16xf32> to vector<1x16xf32>
        tpu.vector_store %arg10[%swap3A_351, %swap3A_352], %swap3A_355 {strides = array<i32>} : memref<112x64xf32, #tpu.memory_space<vmem>>, vector<1x16xf32>,
        %get3A_356 = arith.index_cast %scan3A_306 : i32 to index
        %get3A_357 = arith.constant 48 : index
        %get3A_358 = tpu.vector_load %arg10[%get3A_356, %get3A_357] {strides = array<i32>} : memref<112x64xf32, #tpu.memory_space<vmem>>, vector<1x16xf32>,
        %get3A_359 = vector.shape_cast %get3A_358 : vector<1x16xf32> to vector<16xf32>
        %get3A_360 = arith.index_cast %scan3A_306 : i32 to index
        %get3A_361 = arith.constant 48 : index
        %get3A_362 = tpu.vector_load %arg12[%get3A_360, %get3A_361] {strides = array<i32>} : memref<112x64xf32, #tpu.memory_space<vmem>>, vector<1x16xf32>,
        %get3A_363 = vector.shape_cast %get3A_362 : vector<1x16xf32> to vector<16xf32>
        %add3A_364 = arith.addf %get3A_359, %get3A_363 : vector<16xf32>
        %max3A_365 = arith.constant 0.000000e+00 : f32
        %max3A_366 = vector.broadcast %max3A_365 : f32 to vector<16xf32>
        %max3A_367 = arith.maximumf %add3A_364, %max3A_366 : vector<16xf32>
        %swap3A_368 = arith.index_cast %scan3A_306 : i32 to index
        %swap3A_369 = arith.constant 48 : index
        %swap3A_370 = tpu.vector_load %arg10[%swap3A_368, %swap3A_369] {strides = array<i32>} : memref<112x64xf32, #tpu.memory_space<vmem>>, vector<1x16xf32>,
        %swap3A_371 = vector.shape_cast %swap3A_370 : vector<1x16xf32> to vector<16xf32>
        %swap3A_372 = vector.shape_cast %max3A_367 : vector<16xf32> to vector<1x16xf32>
        tpu.vector_store %arg10[%swap3A_368, %swap3A_369], %swap3A_372 {strides = array<i32>} : memref<112x64xf32, #tpu.memory_space<vmem>>, vector<1x16xf32>,
        %scan3A_373 = arith.constant 0 : i32
        scf.yield %scan3A_373 : i32
      }
      %scan3A_232 = arith.constant 112 : i32
      %dma_start3A_233 = arith.constant 0 : i32
      %dma_start3A_234 = arith.constant 0 : i32
      %dma_start3A_235 = tpu.memref_slice %arg14[%dma_start3A_233, %dma_start3A_234] : memref<25104x64xf32, #tpu.memory_space<vmem_shared>> -> memref<25104x64xf32, #tpu.memory_space<vmem_shared>>
      tpu.enqueue_indirect_dma source(%arg10 : memref<112x64xf32, #tpu.memory_space<vmem>>) target(%dma_start3A_235 : memref<25104x64xf32, #tpu.memory_space<vmem_shared>>) offsets(%arg8 : memref<112xi32, #tpu.memory_space<vmem>>) semaphore(%arg19 : memref<!tpu.dma_semaphore, #tpu.memory_space<semaphore_mem>>) {add = true}
      %add3A_236 = arith.constant 1 : i32
      %add3A_237 = arith.addi %add3A_167, %add3A_236 : i32
      %dma_wait3A_238 = arith.constant 0 : i32
      %dma_wait3A_239 = arith.constant 0 : i32
      %dma_wait3A_240 = tpu.memref_slice %arg14[%dma_wait3A_238, %dma_wait3A_239] : memref<25104x64xf32, #tpu.memory_space<vmem_shared>> -> memref<25104x64xf32, #tpu.memory_space<vmem_shared>>
      tpu.wait_indirect_dma semaphore(%arg19 : memref<!tpu.dma_semaphore, #tpu.memory_space<semaphore_mem>>) src(%arg10 : memref<112x64xf32, #tpu.memory_space<vmem>>) dst(%dma_wait3A_240 : memref<25104x64xf32, #tpu.memory_space<vmem_shared>>)
      %dma_wait3A_241 = arith.constant 0 : i32
      %dma_wait3A_242 = arith.constant 0 : i32
      %dma_wait3A_243 = arith.constant 0 : i32
      %dma_wait3A_244 = tpu.memref_slice %arg2[%dma_wait3A_241, %dma_wait3A_242, %dma_wait3A_243] : memref<7168x3x112xi32, #tpu.memory_space<hbm>> -> memref<1x3x112xi32, #tpu.memory_space<hbm>>
      %dma_wait3A_245 = tpu.memref_squeeze %dma_wait3A_244 : memref<1x3x112xi32, #tpu.memory_space<hbm>> -> memref<3x112xi32, #tpu.memory_space<hbm>>
      %dma_wait3A_246 = arith.constant 0 : i32
      %dma_wait3A_247 = arith.constant 0 : i32
      %dma_wait3A_248 = tpu.memref_slice %arg2[%dma_wait3A_241, %dma_wait3A_246, %dma_wait3A_247] : memref<7168x3x112xi32, #tpu.memory_space<hbm>> -> memref<1x3x112xi32, #tpu.memory_space<hbm>>
      %dma_wait3A_249 = tpu.memref_squeeze %dma_wait3A_248 : memref<1x3x112xi32, #tpu.memory_space<hbm>> -> memref<3x112xi32, #tpu.memory_space<hbm>>
      tpu.wait_dma2 semaphore(%arg15 : memref<!tpu.dma_semaphore, #tpu.memory_space<semaphore_mem>>) src(%dma_wait3A_249 : memref<3x112xi32, #tpu.memory_space<hbm>>) dst(%arg6 : memref<3x112xi32, #tpu.memory_space<vmem>>)
      %scan3A_250 = arith.constant 0 : i32
      %scan3A_251 = arith.constant 0 : i32
      %scan3A_252 = arith.constant 7 : i32
      %scan3A_253 = arith.addi %scan3A_251, %scan3A_252 : i32
      %scan3A_254 = arith.constant 1 : i32
      %scan3A_255 = scf.for %scan3A_306 = %scan3A_251 to %scan3A_253 step %scan3A_254 iter_args(%scan3A_307 = %scan3A_250) -> (i32)  : i32 {
        %mul3A_308 = arith.constant 16 : i32
        %mul3A_309 = arith.muli %scan3A_306, %mul3A_308 : i32
        %get3A = arith.constant 1 : i32
        %get3A_310 = arith.index_cast %get3A : i32 to index
        %get3A_311 = arith.index_cast %mul3A_309 : i32 to index
        %get3A_312 = tpu.vector_load %arg6[%get3A_310, %get3A_311] {strides = array<i32>} : memref<3x112xi32, #tpu.memory_space<vmem>>, vector<1x16xi32>,
        %get3A_313 = vector.shape_cast %get3A_312 : vector<1x16xi32> to vector<16xi32>
        %sub3A = vector.broadcast %mul3A_0 : i32 to vector<16xi32>
        %sub3A_314 = arith.subi %get3A_313, %sub3A : vector<16xi32>
        %ge3A = arith.constant 0 : i32
        %ge3A_315 = vector.broadcast %ge3A : i32 to vector<16xi32>
        %ge3A_316 = arith.cmpi sge, %sub3A_314, %ge3A_315 : vector<16xi32>
        %lt3A = arith.constant 25088 : i32
        %lt3A_317 = vector.broadcast %lt3A : i32 to vector<16xi32>
        %lt3A_318 = arith.cmpi slt, %sub3A_314, %lt3A_317 : vector<16xi32>
        %and3A = arith.andi %ge3A_316, %lt3A_318 : vector<16xi1>
        %and3A_319 = arith.constant 15 : i32
        %and3A_320 = vector.broadcast %and3A_319 : i32 to vector<16xi32>
        %and3A_321 = arith.andi %get3A_313, %and3A_320 : vector<16xi32>
        %add3A_322 = arith.constant 25088 : i32
        %add3A_323 = vector.broadcast %add3A_322 : i32 to vector<16xi32>
        %add3A_324 = arith.addi %add3A_323, %and3A_321 : vector<16xi32>
        %select_n3A = arith.select %and3A, %sub3A_314, %add3A_324 : vector<16xi1>, vector<16xi32>
        %mul3A_325 = arith.constant 16 : i32
        %mul3A_326 = arith.muli %scan3A_306, %mul3A_325 : i32
        %swap3A = arith.index_cast %mul3A_326 : i32 to index
        %swap3A_327 = tpu.vector_load %arg8[%swap3A] {strides = array<i32>} : memref<112xi32, #tpu.memory_space<vmem>>, vector<16xi32>,
        %swap3A_328 = vector.shape_cast %swap3A_327 : vector<16xi32> to vector<16xi32>
        %swap3A_329 = vector.shape_cast %select_n3A : vector<16xi32> to vector<16xi32>
        tpu.vector_store %arg8[%swap3A], %swap3A_329 {strides = array<i32>} : memref<112xi32, #tpu.memory_space<vmem>>, vector<16xi32>,
        %scan3A_330 = arith.constant 0 : i32
        scf.yield %scan3A_330 : i32
      }
      %scan3A_256 = arith.constant 7 : i32
      %dma_start3A_257 = arith.constant 2 : i32
      %dma_start3A_258 = arith.constant 0 : i32
      %dma_start3A_259 = tpu.memref_slice %arg6[%dma_start3A_257, %dma_start3A_258] : memref<3x112xi32, #tpu.memory_space<vmem>> -> memref<1x112xi32, #tpu.memory_space<vmem>>
      %dma_start3A_260 = tpu.memref_squeeze %dma_start3A_259 : memref<1x112xi32, #tpu.memory_space<vmem>> -> memref<112xi32, #tpu.memory_space<vmem>>
      %dma_start3A_261 = arith.constant 0 : i32
      %dma_start3A_262 = arith.constant 0 : i32
      %dma_start3A_263 = tpu.memref_slice %arg4[%dma_start3A_261, %dma_start3A_262] : memref<512x64xf32, #tpu.memory_space<hbm>> -> memref<512x64xf32, #tpu.memory_space<hbm>>
      tpu.enqueue_indirect_dma source(%dma_start3A_263 : memref<512x64xf32, #tpu.memory_space<hbm>>) target(%arg10 : memref<112x64xf32, #tpu.memory_space<vmem>>) offsets(%dma_start3A_260 : memref<112xi32, #tpu.memory_space<vmem>>) semaphore(%arg17 : memref<!tpu.dma_semaphore, #tpu.memory_space<semaphore_mem>>)
      %dma_start3A_264 = arith.constant 0 : i32
      %dma_start3A_265 = arith.constant 0 : i32
      %dma_start3A_266 = tpu.memref_slice %arg6[%dma_start3A_264, %dma_start3A_265] : memref<3x112xi32, #tpu.memory_space<vmem>> -> memref<1x112xi32, #tpu.memory_space<vmem>>
      %dma_start3A_267 = tpu.memref_squeeze %dma_start3A_266 : memref<1x112xi32, #tpu.memory_space<vmem>> -> memref<112xi32, #tpu.memory_space<vmem>>
      %dma_start3A_268 = arith.constant 0 : i32
      %dma_start3A_269 = arith.constant 0 : i32
      %dma_start3A_270 = tpu.memref_slice %arg3[%dma_start3A_268, %dma_start3A_269] : memref<50000x64xf32, #tpu.memory_space<hbm>> -> memref<50000x64xf32, #tpu.memory_space<hbm>>
      tpu.enqueue_indirect_dma source(%dma_start3A_270 : memref<50000x64xf32, #tpu.memory_space<hbm>>) target(%arg12 : memref<112x64xf32, #tpu.memory_space<vmem>>) offsets(%dma_start3A_267 : memref<112xi32, #tpu.memory_space<vmem>>) semaphore(%arg17 : memref<!tpu.dma_semaphore, #tpu.memory_space<semaphore_mem>>)
      %dma_wait3A_271 = arith.constant 2 : i32
      %dma_wait3A_272 = arith.constant 0 : i32
      %dma_wait3A_273 = tpu.memref_slice %arg7[%dma_wait3A_271, %dma_wait3A_272] : memref<3x112xi32, #tpu.memory_space<vmem>> -> memref<1x112xi32, #tpu.memory_space<vmem>>
      %dma_wait3A_274 = tpu.memref_squeeze %dma_wait3A_273 : memref<1x112xi32, #tpu.memory_space<vmem>> -> memref<112xi32, #tpu.memory_space<vmem>>
      %dma_wait3A_275 = arith.constant 0 : i32
      %dma_wait3A_276 = arith.constant 0 : i32
      %dma_wait3A_277 = tpu.memref_slice %arg4[%dma_wait3A_275, %dma_wait3A_276] : memref<512x64xf32, #tpu.memory_space<hbm>> -> memref<512x64xf32, #tpu.memory_space<hbm>>
      tpu.wait_indirect_dma semaphore(%arg18 : memref<!tpu.dma_semaphore, #tpu.memory_space<semaphore_mem>>) src(%dma_wait3A_277 : memref<512x64xf32, #tpu.memory_space<hbm>>) dst(%arg11 : memref<112x64xf32, #tpu.memory_space<vmem>>)
      %dma_wait3A_278 = arith.constant 0 : i32
      %dma_wait3A_279 = arith.constant 0 : i32
      %dma_wait3A_280 = tpu.memref_slice %arg7[%dma_wait3A_278, %dma_wait3A_279] : memref<3x112xi32, #tpu.memory_space<vmem>> -> memref<1x112xi32, #tpu.memory_space<vmem>>
      %dma_wait3A_281 = tpu.memref_squeeze %dma_wait3A_280 : memref<1x112xi32, #tpu.memory_space<vmem>> -> memref<112xi32, #tpu.memory_space<vmem>>
      %dma_wait3A_282 = arith.constant 0 : i32
      %dma_wait3A_283 = arith.constant 0 : i32
      %dma_wait3A_284 = tpu.memref_slice %arg3[%dma_wait3A_282, %dma_wait3A_283] : memref<50000x64xf32, #tpu.memory_space<hbm>> -> memref<50000x64xf32, #tpu.memory_space<hbm>>
      tpu.wait_indirect_dma semaphore(%arg18 : memref<!tpu.dma_semaphore, #tpu.memory_space<semaphore_mem>>) src(%dma_wait3A_284 : memref<50000x64xf32, #tpu.memory_space<hbm>>) dst(%arg13 : memref<112x64xf32, #tpu.memory_space<vmem>>)
      %add3A_285 = arith.constant 2 : i32
      %add3A_286 = arith.addi %add3A_237, %add3A_285 : i32
      %dma_start3A_287 = arith.constant 0 : i32
      %dma_start3A_288 = arith.constant 0 : i32
      %dma_start3A_289 = tpu.memref_slice %arg2[%add3A_286, %dma_start3A_287, %dma_start3A_288] : memref<7168x3x112xi32, #tpu.memory_space<hbm>> -> memref<1x3x112xi32, #tpu.memory_space<hbm>>
      %dma_start3A_290 = tpu.memref_squeeze %dma_start3A_289 : memref<1x3x112xi32, #tpu.memory_space<hbm>> -> memref<3x112xi32, #tpu.memory_space<hbm>>
      %dma_start3A_291 = arith.constant 0 : i32
      %dma_start3A_292 = arith.constant 0 : i32
      %dma_start3A_293 = tpu.memref_slice %arg2[%add3A_286, %dma_start3A_291, %dma_start3A_292] : memref<7168x3x112xi32, #tpu.memory_space<hbm>> -> memref<1x3x112xi32, #tpu.memory_space<hbm>>
      %dma_start3A_294 = tpu.memref_squeeze %dma_start3A_293 : memref<1x3x112xi32, #tpu.memory_space<hbm>> -> memref<3x112xi32, #tpu.memory_space<hbm>>
      tpu.enqueue_dma source(%dma_start3A_294 : memref<3x112xi32, #tpu.memory_space<hbm>>) target(%arg7 : memref<3x112xi32, #tpu.memory_space<vmem>>) target_semaphore(%arg16 : memref<!tpu.dma_semaphore, #tpu.memory_space<semaphore_mem>>)
      %scan3A_295 = arith.constant 0 : i32
      %scan3A_296 = arith.constant 0 : i32
      %scan3A_297 = arith.constant 112 : i32
      %scan3A_298 = arith.addi %scan3A_296, %scan3A_297 : i32
      %scan3A_299 = arith.constant 1 : i32
      %scan3A_300 = scf.for %scan3A_306 = %scan3A_296 to %scan3A_298 step %scan3A_299 iter_args(%scan3A_307 = %scan3A_295) -> (i32)  : i32 {
        %get3A = arith.index_cast %scan3A_306 : i32 to index
        %get3A_308 = arith.constant 0 : index
        %get3A_309 = tpu.vector_load %arg11[%get3A, %get3A_308] {strides = array<i32>} : memref<112x64xf32, #tpu.memory_space<vmem>>, vector<1x16xf32>,
        %get3A_310 = vector.shape_cast %get3A_309 : vector<1x16xf32> to vector<16xf32>
        %get3A_311 = arith.index_cast %scan3A_306 : i32 to index
        %get3A_312 = arith.constant 0 : index
        %get3A_313 = tpu.vector_load %arg13[%get3A_311, %get3A_312] {strides = array<i32>} : memref<112x64xf32, #tpu.memory_space<vmem>>, vector<1x16xf32>,
        %get3A_314 = vector.shape_cast %get3A_313 : vector<1x16xf32> to vector<16xf32>
        %add3A_315 = arith.addf %get3A_310, %get3A_314 : vector<16xf32>
        %max3A = arith.constant 0.000000e+00 : f32
        %max3A_316 = vector.broadcast %max3A : f32 to vector<16xf32>
        %max3A_317 = arith.maximumf %add3A_315, %max3A_316 : vector<16xf32>
        %swap3A = arith.index_cast %scan3A_306 : i32 to index
        %swap3A_318 = arith.constant 0 : index
        %swap3A_319 = tpu.vector_load %arg11[%swap3A, %swap3A_318] {strides = array<i32>} : memref<112x64xf32, #tpu.memory_space<vmem>>, vector<1x16xf32>,
        %swap3A_320 = vector.shape_cast %swap3A_319 : vector<1x16xf32> to vector<16xf32>
        %swap3A_321 = vector.shape_cast %max3A_317 : vector<16xf32> to vector<1x16xf32>
        tpu.vector_store %arg11[%swap3A, %swap3A_318], %swap3A_321 {strides = array<i32>} : memref<112x64xf32, #tpu.memory_space<vmem>>, vector<1x16xf32>,
        %get3A_322 = arith.index_cast %scan3A_306 : i32 to index
        %get3A_323 = arith.constant 16 : index
        %get3A_324 = tpu.vector_load %arg11[%get3A_322, %get3A_323] {strides = array<i32>} : memref<112x64xf32, #tpu.memory_space<vmem>>, vector<1x16xf32>,
        %get3A_325 = vector.shape_cast %get3A_324 : vector<1x16xf32> to vector<16xf32>
        %get3A_326 = arith.index_cast %scan3A_306 : i32 to index
        %get3A_327 = arith.constant 16 : index
        %get3A_328 = tpu.vector_load %arg13[%get3A_326, %get3A_327] {strides = array<i32>} : memref<112x64xf32, #tpu.memory_space<vmem>>, vector<1x16xf32>,
        %get3A_329 = vector.shape_cast %get3A_328 : vector<1x16xf32> to vector<16xf32>
        %add3A_330 = arith.addf %get3A_325, %get3A_329 : vector<16xf32>
        %max3A_331 = arith.constant 0.000000e+00 : f32
        %max3A_332 = vector.broadcast %max3A_331 : f32 to vector<16xf32>
        %max3A_333 = arith.maximumf %add3A_330, %max3A_332 : vector<16xf32>
        %swap3A_334 = arith.index_cast %scan3A_306 : i32 to index
        %swap3A_335 = arith.constant 16 : index
        %swap3A_336 = tpu.vector_load %arg11[%swap3A_334, %swap3A_335] {strides = array<i32>} : memref<112x64xf32, #tpu.memory_space<vmem>>, vector<1x16xf32>,
        %swap3A_337 = vector.shape_cast %swap3A_336 : vector<1x16xf32> to vector<16xf32>
        %swap3A_338 = vector.shape_cast %max3A_333 : vector<16xf32> to vector<1x16xf32>
        tpu.vector_store %arg11[%swap3A_334, %swap3A_335], %swap3A_338 {strides = array<i32>} : memref<112x64xf32, #tpu.memory_space<vmem>>, vector<1x16xf32>,
        %get3A_339 = arith.index_cast %scan3A_306 : i32 to index
        %get3A_340 = arith.constant 32 : index
        %get3A_341 = tpu.vector_load %arg11[%get3A_339, %get3A_340] {strides = array<i32>} : memref<112x64xf32, #tpu.memory_space<vmem>>, vector<1x16xf32>,
        %get3A_342 = vector.shape_cast %get3A_341 : vector<1x16xf32> to vector<16xf32>
        %get3A_343 = arith.index_cast %scan3A_306 : i32 to index
        %get3A_344 = arith.constant 32 : index
        %get3A_345 = tpu.vector_load %arg13[%get3A_343, %get3A_344] {strides = array<i32>} : memref<112x64xf32, #tpu.memory_space<vmem>>, vector<1x16xf32>,
        %get3A_346 = vector.shape_cast %get3A_345 : vector<1x16xf32> to vector<16xf32>
        %add3A_347 = arith.addf %get3A_342, %get3A_346 : vector<16xf32>
        %max3A_348 = arith.constant 0.000000e+00 : f32
        %max3A_349 = vector.broadcast %max3A_348 : f32 to vector<16xf32>
        %max3A_350 = arith.maximumf %add3A_347, %max3A_349 : vector<16xf32>
        %swap3A_351 = arith.index_cast %scan3A_306 : i32 to index
        %swap3A_352 = arith.constant 32 : index
        %swap3A_353 = tpu.vector_load %arg11[%swap3A_351, %swap3A_352] {strides = array<i32>} : memref<112x64xf32, #tpu.memory_space<vmem>>, vector<1x16xf32>,
        %swap3A_354 = vector.shape_cast %swap3A_353 : vector<1x16xf32> to vector<16xf32>
        %swap3A_355 = vector.shape_cast %max3A_350 : vector<16xf32> to vector<1x16xf32>
        tpu.vector_store %arg11[%swap3A_351, %swap3A_352], %swap3A_355 {strides = array<i32>} : memref<112x64xf32, #tpu.memory_space<vmem>>, vector<1x16xf32>,
        %get3A_356 = arith.index_cast %scan3A_306 : i32 to index
        %get3A_357 = arith.constant 48 : index
        %get3A_358 = tpu.vector_load %arg11[%get3A_356, %get3A_357] {strides = array<i32>} : memref<112x64xf32, #tpu.memory_space<vmem>>, vector<1x16xf32>,
        %get3A_359 = vector.shape_cast %get3A_358 : vector<1x16xf32> to vector<16xf32>
        %get3A_360 = arith.index_cast %scan3A_306 : i32 to index
        %get3A_361 = arith.constant 48 : index
        %get3A_362 = tpu.vector_load %arg13[%get3A_360, %get3A_361] {strides = array<i32>} : memref<112x64xf32, #tpu.memory_space<vmem>>, vector<1x16xf32>,
        %get3A_363 = vector.shape_cast %get3A_362 : vector<1x16xf32> to vector<16xf32>
        %add3A_364 = arith.addf %get3A_359, %get3A_363 : vector<16xf32>
        %max3A_365 = arith.constant 0.000000e+00 : f32
        %max3A_366 = vector.broadcast %max3A_365 : f32 to vector<16xf32>
        %max3A_367 = arith.maximumf %add3A_364, %max3A_366 : vector<16xf32>
        %swap3A_368 = arith.index_cast %scan3A_306 : i32 to index
        %swap3A_369 = arith.constant 48 : index
        %swap3A_370 = tpu.vector_load %arg11[%swap3A_368, %swap3A_369] {strides = array<i32>} : memref<112x64xf32, #tpu.memory_space<vmem>>, vector<1x16xf32>,
        %swap3A_371 = vector.shape_cast %swap3A_370 : vector<1x16xf32> to vector<16xf32>
        %swap3A_372 = vector.shape_cast %max3A_367 : vector<16xf32> to vector<1x16xf32>
        tpu.vector_store %arg11[%swap3A_368, %swap3A_369], %swap3A_372 {strides = array<i32>} : memref<112x64xf32, #tpu.memory_space<vmem>>, vector<1x16xf32>,
        %scan3A_373 = arith.constant 0 : i32
        scf.yield %scan3A_373 : i32
      }
      %scan3A_301 = arith.constant 112 : i32
      %dma_start3A_302 = arith.constant 0 : i32
      %dma_start3A_303 = arith.constant 0 : i32
      %dma_start3A_304 = tpu.memref_slice %arg14[%dma_start3A_302, %dma_start3A_303] : memref<25104x64xf32, #tpu.memory_space<vmem_shared>> -> memref<25104x64xf32, #tpu.memory_space<vmem_shared>>
      tpu.enqueue_indirect_dma source(%arg11 : memref<112x64xf32, #tpu.memory_space<vmem>>) target(%dma_start3A_304 : memref<25104x64xf32, #tpu.memory_space<vmem_shared>>) offsets(%arg9 : memref<112xi32, #tpu.memory_space<vmem>>) semaphore(%arg19 : memref<!tpu.dma_semaphore, #tpu.memory_space<semaphore_mem>>) {add = true}
      %scan3A_305 = arith.constant 0 : i32
      scf.yield %scan3A_305 : i32
    }
    %scan3A_67 = arith.constant 223 : i32
    %dma_wait3A_68 = arith.constant 0 : i32
    %dma_wait3A_69 = arith.constant 0 : i32
    %dma_wait3A_70 = tpu.memref_slice %arg14[%dma_wait3A_68, %dma_wait3A_69] : memref<25104x64xf32, #tpu.memory_space<vmem_shared>> -> memref<25104x64xf32, #tpu.memory_space<vmem_shared>>
    tpu.wait_indirect_dma semaphore(%arg19 : memref<!tpu.dma_semaphore, #tpu.memory_space<semaphore_mem>>) src(%arg10 : memref<112x64xf32, #tpu.memory_space<vmem>>) dst(%dma_wait3A_70 : memref<25104x64xf32, #tpu.memory_space<vmem_shared>>)
    %dma_wait3A_71 = arith.constant 0 : i32
    %dma_wait3A_72 = arith.constant 0 : i32
    %dma_wait3A_73 = arith.constant 0 : i32
    %dma_wait3A_74 = tpu.memref_slice %arg2[%dma_wait3A_71, %dma_wait3A_72, %dma_wait3A_73] : memref<7168x3x112xi32, #tpu.memory_space<hbm>> -> memref<1x3x112xi32, #tpu.memory_space<hbm>>
    %dma_wait3A_75 = tpu.memref_squeeze %dma_wait3A_74 : memref<1x3x112xi32, #tpu.memory_space<hbm>> -> memref<3x112xi32, #tpu.memory_space<hbm>>
    %dma_wait3A_76 = arith.constant 0 : i32
    %dma_wait3A_77 = arith.constant 0 : i32
    %dma_wait3A_78 = tpu.memref_slice %arg2[%dma_wait3A_71, %dma_wait3A_76, %dma_wait3A_77] : memref<7168x3x112xi32, #tpu.memory_space<hbm>> -> memref<1x3x112xi32, #tpu.memory_space<hbm>>
    %dma_wait3A_79 = tpu.memref_squeeze %dma_wait3A_78 : memref<1x3x112xi32, #tpu.memory_space<hbm>> -> memref<3x112xi32, #tpu.memory_space<hbm>>
    tpu.wait_dma2 semaphore(%arg16 : memref<!tpu.dma_semaphore, #tpu.memory_space<semaphore_mem>>) src(%dma_wait3A_79 : memref<3x112xi32, #tpu.memory_space<hbm>>) dst(%arg7 : memref<3x112xi32, #tpu.memory_space<vmem>>)
    %scan3A_80 = arith.constant 0 : i32
    %scan3A_81 = arith.constant 0 : i32
    %scan3A_82 = arith.constant 7 : i32
    %scan3A_83 = arith.addi %scan3A_81, %scan3A_82 : i32
    %scan3A_84 = arith.constant 1 : i32
    %scan3A_85 = scf.for %scan3A_163 = %scan3A_81 to %scan3A_83 step %scan3A_84 iter_args(%scan3A_164 = %scan3A_80) -> (i32)  : i32 {
      %mul3A_165 = arith.constant 16 : i32
      %mul3A_166 = arith.muli %scan3A_163, %mul3A_165 : i32
      %get3A = arith.constant 1 : i32
      %get3A_167 = arith.index_cast %get3A : i32 to index
      %get3A_168 = arith.index_cast %mul3A_166 : i32 to index
      %get3A_169 = tpu.vector_load %arg7[%get3A_167, %get3A_168] {strides = array<i32>} : memref<3x112xi32, #tpu.memory_space<vmem>>, vector<1x16xi32>,
      %get3A_170 = vector.shape_cast %get3A_169 : vector<1x16xi32> to vector<16xi32>
      %sub3A = vector.broadcast %mul3A_0 : i32 to vector<16xi32>
      %sub3A_171 = arith.subi %get3A_170, %sub3A : vector<16xi32>
      %ge3A = arith.constant 0 : i32
      %ge3A_172 = vector.broadcast %ge3A : i32 to vector<16xi32>
      %ge3A_173 = arith.cmpi sge, %sub3A_171, %ge3A_172 : vector<16xi32>
      %lt3A = arith.constant 25088 : i32
      %lt3A_174 = vector.broadcast %lt3A : i32 to vector<16xi32>
      %lt3A_175 = arith.cmpi slt, %sub3A_171, %lt3A_174 : vector<16xi32>
      %and3A = arith.andi %ge3A_173, %lt3A_175 : vector<16xi1>
      %and3A_176 = arith.constant 15 : i32
      %and3A_177 = vector.broadcast %and3A_176 : i32 to vector<16xi32>
      %and3A_178 = arith.andi %get3A_170, %and3A_177 : vector<16xi32>
      %add3A_179 = arith.constant 25088 : i32
      %add3A_180 = vector.broadcast %add3A_179 : i32 to vector<16xi32>
      %add3A_181 = arith.addi %add3A_180, %and3A_178 : vector<16xi32>
      %select_n3A = arith.select %and3A, %sub3A_171, %add3A_181 : vector<16xi1>, vector<16xi32>
      %mul3A_182 = arith.constant 16 : i32
      %mul3A_183 = arith.muli %scan3A_163, %mul3A_182 : i32
      %swap3A = arith.index_cast %mul3A_183 : i32 to index
      %swap3A_184 = tpu.vector_load %arg9[%swap3A] {strides = array<i32>} : memref<112xi32, #tpu.memory_space<vmem>>, vector<16xi32>,
      %swap3A_185 = vector.shape_cast %swap3A_184 : vector<16xi32> to vector<16xi32>
      %swap3A_186 = vector.shape_cast %select_n3A : vector<16xi32> to vector<16xi32>
      tpu.vector_store %arg9[%swap3A], %swap3A_186 {strides = array<i32>} : memref<112xi32, #tpu.memory_space<vmem>>, vector<16xi32>,
      %scan3A_187 = arith.constant 0 : i32
      scf.yield %scan3A_187 : i32
    }
    %scan3A_86 = arith.constant 7 : i32
    %dma_start3A_87 = arith.constant 2 : i32
    %dma_start3A_88 = arith.constant 0 : i32
    %dma_start3A_89 = tpu.memref_slice %arg7[%dma_start3A_87, %dma_start3A_88] : memref<3x112xi32, #tpu.memory_space<vmem>> -> memref<1x112xi32, #tpu.memory_space<vmem>>
    %dma_start3A_90 = tpu.memref_squeeze %dma_start3A_89 : memref<1x112xi32, #tpu.memory_space<vmem>> -> memref<112xi32, #tpu.memory_space<vmem>>
    %dma_start3A_91 = arith.constant 0 : i32
    %dma_start3A_92 = arith.constant 0 : i32
    %dma_start3A_93 = tpu.memref_slice %arg4[%dma_start3A_91, %dma_start3A_92] : memref<512x64xf32, #tpu.memory_space<hbm>> -> memref<512x64xf32, #tpu.memory_space<hbm>>
    tpu.enqueue_indirect_dma source(%dma_start3A_93 : memref<512x64xf32, #tpu.memory_space<hbm>>) target(%arg11 : memref<112x64xf32, #tpu.memory_space<vmem>>) offsets(%dma_start3A_90 : memref<112xi32, #tpu.memory_space<vmem>>) semaphore(%arg18 : memref<!tpu.dma_semaphore, #tpu.memory_space<semaphore_mem>>)
    %dma_start3A_94 = arith.constant 0 : i32
    %dma_start3A_95 = arith.constant 0 : i32
    %dma_start3A_96 = tpu.memref_slice %arg7[%dma_start3A_94, %dma_start3A_95] : memref<3x112xi32, #tpu.memory_space<vmem>> -> memref<1x112xi32, #tpu.memory_space<vmem>>
    %dma_start3A_97 = tpu.memref_squeeze %dma_start3A_96 : memref<1x112xi32, #tpu.memory_space<vmem>> -> memref<112xi32, #tpu.memory_space<vmem>>
    %dma_start3A_98 = arith.constant 0 : i32
    %dma_start3A_99 = arith.constant 0 : i32
    %dma_start3A_100 = tpu.memref_slice %arg3[%dma_start3A_98, %dma_start3A_99] : memref<50000x64xf32, #tpu.memory_space<hbm>> -> memref<50000x64xf32, #tpu.memory_space<hbm>>
    tpu.enqueue_indirect_dma source(%dma_start3A_100 : memref<50000x64xf32, #tpu.memory_space<hbm>>) target(%arg13 : memref<112x64xf32, #tpu.memory_space<vmem>>) offsets(%dma_start3A_97 : memref<112xi32, #tpu.memory_space<vmem>>) semaphore(%arg18 : memref<!tpu.dma_semaphore, #tpu.memory_space<semaphore_mem>>)
    %dma_wait3A_101 = arith.constant 2 : i32
    %dma_wait3A_102 = arith.constant 0 : i32
    %dma_wait3A_103 = tpu.memref_slice %arg6[%dma_wait3A_101, %dma_wait3A_102] : memref<3x112xi32, #tpu.memory_space<vmem>> -> memref<1x112xi32, #tpu.memory_space<vmem>>
    %dma_wait3A_104 = tpu.memref_squeeze %dma_wait3A_103 : memref<1x112xi32, #tpu.memory_space<vmem>> -> memref<112xi32, #tpu.memory_space<vmem>>
    %dma_wait3A_105 = arith.constant 0 : i32
    %dma_wait3A_106 = arith.constant 0 : i32
    %dma_wait3A_107 = tpu.memref_slice %arg4[%dma_wait3A_105, %dma_wait3A_106] : memref<512x64xf32, #tpu.memory_space<hbm>> -> memref<512x64xf32, #tpu.memory_space<hbm>>
    tpu.wait_indirect_dma semaphore(%arg17 : memref<!tpu.dma_semaphore, #tpu.memory_space<semaphore_mem>>) src(%dma_wait3A_107 : memref<512x64xf32, #tpu.memory_space<hbm>>) dst(%arg10 : memref<112x64xf32, #tpu.memory_space<vmem>>)
    %dma_wait3A_108 = arith.constant 0 : i32
    %dma_wait3A_109 = arith.constant 0 : i32
    %dma_wait3A_110 = tpu.memref_slice %arg6[%dma_wait3A_108, %dma_wait3A_109] : memref<3x112xi32, #tpu.memory_space<vmem>> -> memref<1x112xi32, #tpu.memory_space<vmem>>
    %dma_wait3A_111 = tpu.memref_squeeze %dma_wait3A_110 : memref<1x112xi32, #tpu.memory_space<vmem>> -> memref<112xi32, #tpu.memory_space<vmem>>
    %dma_wait3A_112 = arith.constant 0 : i32
    %dma_wait3A_113 = arith.constant 0 : i32
    %dma_wait3A_114 = tpu.memref_slice %arg3[%dma_wait3A_112, %dma_wait3A_113] : memref<50000x64xf32, #tpu.memory_space<hbm>> -> memref<50000x64xf32, #tpu.memory_space<hbm>>
    tpu.wait_indirect_dma semaphore(%arg17 : memref<!tpu.dma_semaphore, #tpu.memory_space<semaphore_mem>>) src(%dma_wait3A_114 : memref<50000x64xf32, #tpu.memory_space<hbm>>) dst(%arg12 : memref<112x64xf32, #tpu.memory_space<vmem>>)
    %scan3A_115 = arith.constant 0 : i32
    %scan3A_116 = arith.constant 0 : i32
    %scan3A_117 = arith.constant 112 : i32
    %scan3A_118 = arith.addi %scan3A_116, %scan3A_117 : i32
    %scan3A_119 = arith.constant 1 : i32
    %scan3A_120 = scf.for %scan3A_163 = %scan3A_116 to %scan3A_118 step %scan3A_119 iter_args(%scan3A_164 = %scan3A_115) -> (i32)  : i32 {
      %get3A = arith.index_cast %scan3A_163 : i32 to index
      %get3A_165 = arith.constant 0 : index
      %get3A_166 = tpu.vector_load %arg10[%get3A, %get3A_165] {strides = array<i32>} : memref<112x64xf32, #tpu.memory_space<vmem>>, vector<1x16xf32>,
      %get3A_167 = vector.shape_cast %get3A_166 : vector<1x16xf32> to vector<16xf32>
      %get3A_168 = arith.index_cast %scan3A_163 : i32 to index
      %get3A_169 = arith.constant 0 : index
      %get3A_170 = tpu.vector_load %arg12[%get3A_168, %get3A_169] {strides = array<i32>} : memref<112x64xf32, #tpu.memory_space<vmem>>, vector<1x16xf32>,
      %get3A_171 = vector.shape_cast %get3A_170 : vector<1x16xf32> to vector<16xf32>
      %add3A_172 = arith.addf %get3A_167, %get3A_171 : vector<16xf32>
      %max3A = arith.constant 0.000000e+00 : f32
      %max3A_173 = vector.broadcast %max3A : f32 to vector<16xf32>
      %max3A_174 = arith.maximumf %add3A_172, %max3A_173 : vector<16xf32>
      %swap3A = arith.index_cast %scan3A_163 : i32 to index
      %swap3A_175 = arith.constant 0 : index
      %swap3A_176 = tpu.vector_load %arg10[%swap3A, %swap3A_175] {strides = array<i32>} : memref<112x64xf32, #tpu.memory_space<vmem>>, vector<1x16xf32>,
      %swap3A_177 = vector.shape_cast %swap3A_176 : vector<1x16xf32> to vector<16xf32>
      %swap3A_178 = vector.shape_cast %max3A_174 : vector<16xf32> to vector<1x16xf32>
      tpu.vector_store %arg10[%swap3A, %swap3A_175], %swap3A_178 {strides = array<i32>} : memref<112x64xf32, #tpu.memory_space<vmem>>, vector<1x16xf32>,
      %get3A_179 = arith.index_cast %scan3A_163 : i32 to index
      %get3A_180 = arith.constant 16 : index
      %get3A_181 = tpu.vector_load %arg10[%get3A_179, %get3A_180] {strides = array<i32>} : memref<112x64xf32, #tpu.memory_space<vmem>>, vector<1x16xf32>,
      %get3A_182 = vector.shape_cast %get3A_181 : vector<1x16xf32> to vector<16xf32>
      %get3A_183 = arith.index_cast %scan3A_163 : i32 to index
      %get3A_184 = arith.constant 16 : index
      %get3A_185 = tpu.vector_load %arg12[%get3A_183, %get3A_184] {strides = array<i32>} : memref<112x64xf32, #tpu.memory_space<vmem>>, vector<1x16xf32>,
      %get3A_186 = vector.shape_cast %get3A_185 : vector<1x16xf32> to vector<16xf32>
      %add3A_187 = arith.addf %get3A_182, %get3A_186 : vector<16xf32>
      %max3A_188 = arith.constant 0.000000e+00 : f32
      %max3A_189 = vector.broadcast %max3A_188 : f32 to vector<16xf32>
      %max3A_190 = arith.maximumf %add3A_187, %max3A_189 : vector<16xf32>
      %swap3A_191 = arith.index_cast %scan3A_163 : i32 to index
      %swap3A_192 = arith.constant 16 : index
      %swap3A_193 = tpu.vector_load %arg10[%swap3A_191, %swap3A_192] {strides = array<i32>} : memref<112x64xf32, #tpu.memory_space<vmem>>, vector<1x16xf32>,
      %swap3A_194 = vector.shape_cast %swap3A_193 : vector<1x16xf32> to vector<16xf32>
      %swap3A_195 = vector.shape_cast %max3A_190 : vector<16xf32> to vector<1x16xf32>
      tpu.vector_store %arg10[%swap3A_191, %swap3A_192], %swap3A_195 {strides = array<i32>} : memref<112x64xf32, #tpu.memory_space<vmem>>, vector<1x16xf32>,
      %get3A_196 = arith.index_cast %scan3A_163 : i32 to index
      %get3A_197 = arith.constant 32 : index
      %get3A_198 = tpu.vector_load %arg10[%get3A_196, %get3A_197] {strides = array<i32>} : memref<112x64xf32, #tpu.memory_space<vmem>>, vector<1x16xf32>,
      %get3A_199 = vector.shape_cast %get3A_198 : vector<1x16xf32> to vector<16xf32>
      %get3A_200 = arith.index_cast %scan3A_163 : i32 to index
      %get3A_201 = arith.constant 32 : index
      %get3A_202 = tpu.vector_load %arg12[%get3A_200, %get3A_201] {strides = array<i32>} : memref<112x64xf32, #tpu.memory_space<vmem>>, vector<1x16xf32>,
      %get3A_203 = vector.shape_cast %get3A_202 : vector<1x16xf32> to vector<16xf32>
      %add3A_204 = arith.addf %get3A_199, %get3A_203 : vector<16xf32>
      %max3A_205 = arith.constant 0.000000e+00 : f32
      %max3A_206 = vector.broadcast %max3A_205 : f32 to vector<16xf32>
      %max3A_207 = arith.maximumf %add3A_204, %max3A_206 : vector<16xf32>
      %swap3A_208 = arith.index_cast %scan3A_163 : i32 to index
      %swap3A_209 = arith.constant 32 : index
      %swap3A_210 = tpu.vector_load %arg10[%swap3A_208, %swap3A_209] {strides = array<i32>} : memref<112x64xf32, #tpu.memory_space<vmem>>, vector<1x16xf32>,
      %swap3A_211 = vector.shape_cast %swap3A_210 : vector<1x16xf32> to vector<16xf32>
      %swap3A_212 = vector.shape_cast %max3A_207 : vector<16xf32> to vector<1x16xf32>
      tpu.vector_store %arg10[%swap3A_208, %swap3A_209], %swap3A_212 {strides = array<i32>} : memref<112x64xf32, #tpu.memory_space<vmem>>, vector<1x16xf32>,
      %get3A_213 = arith.index_cast %scan3A_163 : i32 to index
      %get3A_214 = arith.constant 48 : index
      %get3A_215 = tpu.vector_load %arg10[%get3A_213, %get3A_214] {strides = array<i32>} : memref<112x64xf32, #tpu.memory_space<vmem>>, vector<1x16xf32>,
      %get3A_216 = vector.shape_cast %get3A_215 : vector<1x16xf32> to vector<16xf32>
      %get3A_217 = arith.index_cast %scan3A_163 : i32 to index
      %get3A_218 = arith.constant 48 : index
      %get3A_219 = tpu.vector_load %arg12[%get3A_217, %get3A_218] {strides = array<i32>} : memref<112x64xf32, #tpu.memory_space<vmem>>, vector<1x16xf32>,
      %get3A_220 = vector.shape_cast %get3A_219 : vector<1x16xf32> to vector<16xf32>
      %add3A_221 = arith.addf %get3A_216, %get3A_220 : vector<16xf32>
      %max3A_222 = arith.constant 0.000000e+00 : f32
      %max3A_223 = vector.broadcast %max3A_222 : f32 to vector<16xf32>
      %max3A_224 = arith.maximumf %add3A_221, %max3A_223 : vector<16xf32>
      %swap3A_225 = arith.index_cast %scan3A_163 : i32 to index
      %swap3A_226 = arith.constant 48 : index
      %swap3A_227 = tpu.vector_load %arg10[%swap3A_225, %swap3A_226] {strides = array<i32>} : memref<112x64xf32, #tpu.memory_space<vmem>>, vector<1x16xf32>,
      %swap3A_228 = vector.shape_cast %swap3A_227 : vector<1x16xf32> to vector<16xf32>
      %swap3A_229 = vector.shape_cast %max3A_224 : vector<16xf32> to vector<1x16xf32>
      tpu.vector_store %arg10[%swap3A_225, %swap3A_226], %swap3A_229 {strides = array<i32>} : memref<112x64xf32, #tpu.memory_space<vmem>>, vector<1x16xf32>,
      %scan3A_230 = arith.constant 0 : i32
      scf.yield %scan3A_230 : i32
    }
    %scan3A_121 = arith.constant 112 : i32
    %dma_start3A_122 = arith.constant 0 : i32
    %dma_start3A_123 = arith.constant 0 : i32
    %dma_start3A_124 = tpu.memref_slice %arg14[%dma_start3A_122, %dma_start3A_123] : memref<25104x64xf32, #tpu.memory_space<vmem_shared>> -> memref<25104x64xf32, #tpu.memory_space<vmem_shared>>
    tpu.enqueue_indirect_dma source(%arg10 : memref<112x64xf32, #tpu.memory_space<vmem>>) target(%dma_start3A_124 : memref<25104x64xf32, #tpu.memory_space<vmem_shared>>) offsets(%arg8 : memref<112xi32, #tpu.memory_space<vmem>>) semaphore(%arg19 : memref<!tpu.dma_semaphore, #tpu.memory_space<semaphore_mem>>) {add = true}
    %dma_wait3A_125 = arith.constant 0 : i32
    %dma_wait3A_126 = arith.constant 0 : i32
    %dma_wait3A_127 = tpu.memref_slice %arg14[%dma_wait3A_125, %dma_wait3A_126] : memref<25104x64xf32, #tpu.memory_space<vmem_shared>> -> memref<25104x64xf32, #tpu.memory_space<vmem_shared>>
    tpu.wait_indirect_dma semaphore(%arg19 : memref<!tpu.dma_semaphore, #tpu.memory_space<semaphore_mem>>) src(%arg10 : memref<112x64xf32, #tpu.memory_space<vmem>>) dst(%dma_wait3A_127 : memref<25104x64xf32, #tpu.memory_space<vmem_shared>>)
    %dma_wait3A_128 = arith.constant 2 : i32
    %dma_wait3A_129 = arith.constant 0 : i32
    %dma_wait3A_130 = tpu.memref_slice %arg7[%dma_wait3A_128, %dma_wait3A_129] : memref<3x112xi32, #tpu.memory_space<vmem>> -> memref<1x112xi32, #tpu.memory_space<vmem>>
    %dma_wait3A_131 = tpu.memref_squeeze %dma_wait3A_130 : memref<1x112xi32, #tpu.memory_space<vmem>> -> memref<112xi32, #tpu.memory_space<vmem>>
    %dma_wait3A_132 = arith.constant 0 : i32
    %dma_wait3A_133 = arith.constant 0 : i32
    %dma_wait3A_134 = tpu.memref_slice %arg4[%dma_wait3A_132, %dma_wait3A_133] : memref<512x64xf32, #tpu.memory_space<hbm>> -> memref<512x64xf32, #tpu.memory_space<hbm>>
    tpu.wait_indirect_dma semaphore(%arg18 : memref<!tpu.dma_semaphore, #tpu.memory_space<semaphore_mem>>) src(%dma_wait3A_134 : memref<512x64xf32, #tpu.memory_space<hbm>>) dst(%arg11 : memref<112x64xf32, #tpu.memory_space<vmem>>)
    %dma_wait3A_135 = arith.constant 0 : i32
    %dma_wait3A_136 = arith.constant 0 : i32
    %dma_wait3A_137 = tpu.memref_slice %arg7[%dma_wait3A_135, %dma_wait3A_136] : memref<3x112xi32, #tpu.memory_space<vmem>> -> memref<1x112xi32, #tpu.memory_space<vmem>>
    %dma_wait3A_138 = tpu.memref_squeeze %dma_wait3A_137 : memref<1x112xi32, #tpu.memory_space<vmem>> -> memref<112xi32, #tpu.memory_space<vmem>>
    %dma_wait3A_139 = arith.constant 0 : i32
    %dma_wait3A_140 = arith.constant 0 : i32
    %dma_wait3A_141 = tpu.memref_slice %arg3[%dma_wait3A_139, %dma_wait3A_140] : memref<50000x64xf32, #tpu.memory_space<hbm>> -> memref<50000x64xf32, #tpu.memory_space<hbm>>
    tpu.wait_indirect_dma semaphore(%arg18 : memref<!tpu.dma_semaphore, #tpu.memory_space<semaphore_mem>>) src(%dma_wait3A_141 : memref<50000x64xf32, #tpu.memory_space<hbm>>) dst(%arg13 : memref<112x64xf32, #tpu.memory_space<vmem>>)
    %scan3A_142 = arith.constant 0 : i32
    %scan3A_143 = arith.constant 0 : i32
    %scan3A_144 = arith.constant 112 : i32
    %scan3A_145 = arith.addi %scan3A_143, %scan3A_144 : i32
    %scan3A_146 = arith.constant 1 : i32
    %scan3A_147 = scf.for %scan3A_163 = %scan3A_143 to %scan3A_145 step %scan3A_146 iter_args(%scan3A_164 = %scan3A_142) -> (i32)  : i32 {
      %get3A = arith.index_cast %scan3A_163 : i32 to index
      %get3A_165 = arith.constant 0 : index
      %get3A_166 = tpu.vector_load %arg11[%get3A, %get3A_165] {strides = array<i32>} : memref<112x64xf32, #tpu.memory_space<vmem>>, vector<1x16xf32>,
      %get3A_167 = vector.shape_cast %get3A_166 : vector<1x16xf32> to vector<16xf32>
      %get3A_168 = arith.index_cast %scan3A_163 : i32 to index
      %get3A_169 = arith.constant 0 : index
      %get3A_170 = tpu.vector_load %arg13[%get3A_168, %get3A_169] {strides = array<i32>} : memref<112x64xf32, #tpu.memory_space<vmem>>, vector<1x16xf32>,
      %get3A_171 = vector.shape_cast %get3A_170 : vector<1x16xf32> to vector<16xf32>
      %add3A_172 = arith.addf %get3A_167, %get3A_171 : vector<16xf32>
      %max3A = arith.constant 0.000000e+00 : f32
      %max3A_173 = vector.broadcast %max3A : f32 to vector<16xf32>
      %max3A_174 = arith.maximumf %add3A_172, %max3A_173 : vector<16xf32>
      %swap3A = arith.index_cast %scan3A_163 : i32 to index
      %swap3A_175 = arith.constant 0 : index
      %swap3A_176 = tpu.vector_load %arg11[%swap3A, %swap3A_175] {strides = array<i32>} : memref<112x64xf32, #tpu.memory_space<vmem>>, vector<1x16xf32>,
      %swap3A_177 = vector.shape_cast %swap3A_176 : vector<1x16xf32> to vector<16xf32>
      %swap3A_178 = vector.shape_cast %max3A_174 : vector<16xf32> to vector<1x16xf32>
      tpu.vector_store %arg11[%swap3A, %swap3A_175], %swap3A_178 {strides = array<i32>} : memref<112x64xf32, #tpu.memory_space<vmem>>, vector<1x16xf32>,
      %get3A_179 = arith.index_cast %scan3A_163 : i32 to index
      %get3A_180 = arith.constant 16 : index
      %get3A_181 = tpu.vector_load %arg11[%get3A_179, %get3A_180] {strides = array<i32>} : memref<112x64xf32, #tpu.memory_space<vmem>>, vector<1x16xf32>,
      %get3A_182 = vector.shape_cast %get3A_181 : vector<1x16xf32> to vector<16xf32>
      %get3A_183 = arith.index_cast %scan3A_163 : i32 to index
      %get3A_184 = arith.constant 16 : index
      %get3A_185 = tpu.vector_load %arg13[%get3A_183, %get3A_184] {strides = array<i32>} : memref<112x64xf32, #tpu.memory_space<vmem>>, vector<1x16xf32>,
      %get3A_186 = vector.shape_cast %get3A_185 : vector<1x16xf32> to vector<16xf32>
      %add3A_187 = arith.addf %get3A_182, %get3A_186 : vector<16xf32>
      %max3A_188 = arith.constant 0.000000e+00 : f32
      %max3A_189 = vector.broadcast %max3A_188 : f32 to vector<16xf32>
      %max3A_190 = arith.maximumf %add3A_187, %max3A_189 : vector<16xf32>
      %swap3A_191 = arith.index_cast %scan3A_163 : i32 to index
      %swap3A_192 = arith.constant 16 : index
      %swap3A_193 = tpu.vector_load %arg11[%swap3A_191, %swap3A_192] {strides = array<i32>} : memref<112x64xf32, #tpu.memory_space<vmem>>, vector<1x16xf32>,
      %swap3A_194 = vector.shape_cast %swap3A_193 : vector<1x16xf32> to vector<16xf32>
      %swap3A_195 = vector.shape_cast %max3A_190 : vector<16xf32> to vector<1x16xf32>
      tpu.vector_store %arg11[%swap3A_191, %swap3A_192], %swap3A_195 {strides = array<i32>} : memref<112x64xf32, #tpu.memory_space<vmem>>, vector<1x16xf32>,
      %get3A_196 = arith.index_cast %scan3A_163 : i32 to index
      %get3A_197 = arith.constant 32 : index
      %get3A_198 = tpu.vector_load %arg11[%get3A_196, %get3A_197] {strides = array<i32>} : memref<112x64xf32, #tpu.memory_space<vmem>>, vector<1x16xf32>,
      %get3A_199 = vector.shape_cast %get3A_198 : vector<1x16xf32> to vector<16xf32>
      %get3A_200 = arith.index_cast %scan3A_163 : i32 to index
      %get3A_201 = arith.constant 32 : index
      %get3A_202 = tpu.vector_load %arg13[%get3A_200, %get3A_201] {strides = array<i32>} : memref<112x64xf32, #tpu.memory_space<vmem>>, vector<1x16xf32>,
      %get3A_203 = vector.shape_cast %get3A_202 : vector<1x16xf32> to vector<16xf32>
      %add3A_204 = arith.addf %get3A_199, %get3A_203 : vector<16xf32>
      %max3A_205 = arith.constant 0.000000e+00 : f32
      %max3A_206 = vector.broadcast %max3A_205 : f32 to vector<16xf32>
      %max3A_207 = arith.maximumf %add3A_204, %max3A_206 : vector<16xf32>
      %swap3A_208 = arith.index_cast %scan3A_163 : i32 to index
      %swap3A_209 = arith.constant 32 : index
      %swap3A_210 = tpu.vector_load %arg11[%swap3A_208, %swap3A_209] {strides = array<i32>} : memref<112x64xf32, #tpu.memory_space<vmem>>, vector<1x16xf32>,
      %swap3A_211 = vector.shape_cast %swap3A_210 : vector<1x16xf32> to vector<16xf32>
      %swap3A_212 = vector.shape_cast %max3A_207 : vector<16xf32> to vector<1x16xf32>
      tpu.vector_store %arg11[%swap3A_208, %swap3A_209], %swap3A_212 {strides = array<i32>} : memref<112x64xf32, #tpu.memory_space<vmem>>, vector<1x16xf32>,
      %get3A_213 = arith.index_cast %scan3A_163 : i32 to index
      %get3A_214 = arith.constant 48 : index
      %get3A_215 = tpu.vector_load %arg11[%get3A_213, %get3A_214] {strides = array<i32>} : memref<112x64xf32, #tpu.memory_space<vmem>>, vector<1x16xf32>,
      %get3A_216 = vector.shape_cast %get3A_215 : vector<1x16xf32> to vector<16xf32>
      %get3A_217 = arith.index_cast %scan3A_163 : i32 to index
      %get3A_218 = arith.constant 48 : index
      %get3A_219 = tpu.vector_load %arg13[%get3A_217, %get3A_218] {strides = array<i32>} : memref<112x64xf32, #tpu.memory_space<vmem>>, vector<1x16xf32>,
      %get3A_220 = vector.shape_cast %get3A_219 : vector<1x16xf32> to vector<16xf32>
      %add3A_221 = arith.addf %get3A_216, %get3A_220 : vector<16xf32>
      %max3A_222 = arith.constant 0.000000e+00 : f32
      %max3A_223 = vector.broadcast %max3A_222 : f32 to vector<16xf32>
      %max3A_224 = arith.maximumf %add3A_221, %max3A_223 : vector<16xf32>
      %swap3A_225 = arith.index_cast %scan3A_163 : i32 to index
      %swap3A_226 = arith.constant 48 : index
      %swap3A_227 = tpu.vector_load %arg11[%swap3A_225, %swap3A_226] {strides = array<i32>} : memref<112x64xf32, #tpu.memory_space<vmem>>, vector<1x16xf32>,
      %swap3A_228 = vector.shape_cast %swap3A_227 : vector<1x16xf32> to vector<16xf32>
      %swap3A_229 = vector.shape_cast %max3A_224 : vector<16xf32> to vector<1x16xf32>
      tpu.vector_store %arg11[%swap3A_225, %swap3A_226], %swap3A_229 {strides = array<i32>} : memref<112x64xf32, #tpu.memory_space<vmem>>, vector<1x16xf32>,
      %scan3A_230 = arith.constant 0 : i32
      scf.yield %scan3A_230 : i32
    }
    %scan3A_148 = arith.constant 112 : i32
    %dma_start3A_149 = arith.constant 0 : i32
    %dma_start3A_150 = arith.constant 0 : i32
    %dma_start3A_151 = tpu.memref_slice %arg14[%dma_start3A_149, %dma_start3A_150] : memref<25104x64xf32, #tpu.memory_space<vmem_shared>> -> memref<25104x64xf32, #tpu.memory_space<vmem_shared>>
    tpu.enqueue_indirect_dma source(%arg11 : memref<112x64xf32, #tpu.memory_space<vmem>>) target(%dma_start3A_151 : memref<25104x64xf32, #tpu.memory_space<vmem_shared>>) offsets(%arg9 : memref<112xi32, #tpu.memory_space<vmem>>) semaphore(%arg19 : memref<!tpu.dma_semaphore, #tpu.memory_space<semaphore_mem>>) {add = true}
    %dma_wait3A_152 = arith.constant 0 : i32
    %dma_wait3A_153 = arith.constant 0 : i32
    %dma_wait3A_154 = tpu.memref_slice %arg14[%dma_wait3A_152, %dma_wait3A_153] : memref<25104x64xf32, #tpu.memory_space<vmem_shared>> -> memref<25104x64xf32, #tpu.memory_space<vmem_shared>>
    tpu.wait_indirect_dma semaphore(%arg19 : memref<!tpu.dma_semaphore, #tpu.memory_space<semaphore_mem>>) src(%arg10 : memref<112x64xf32, #tpu.memory_space<vmem>>) dst(%dma_wait3A_154 : memref<25104x64xf32, #tpu.memory_space<vmem_shared>>)
    %barrier3A_155 = arith.constant 0 : index
    tpu.barrier barrier_id(%barrier3A_155)
    %mul3A_156 = arith.constant 1568 : i32
    %mul3A_157 = arith.muli %arg1, %mul3A_156 : i32
    %mul3A_158 = arith.constant 25088 : i32
    %mul3A_159 = arith.muli %arg0, %mul3A_158 : i32
    %mul3A_160 = arith.constant 1568 : i32
    %mul3A_161 = arith.muli %arg1, %mul3A_160 : i32
    %add3A_162 = arith.addi %mul3A_159, %mul3A_161 : i32
    "tpu.region"() ({
      %run_scoped3A = tpu.sem_alloc : memref<!tpu.dma_semaphore, #tpu.memory_space<semaphore_mem>>
      %dma_start3A_163 = arith.constant 0 : i32
      %dma_start3A_164 = tpu.memref_slice %arg5[%add3A_162, %dma_start3A_163] : memref<50176x64xf32, #tpu.memory_space<hbm>> -> memref<1568x64xf32, #tpu.memory_space<hbm>>
      %dma_start3A_165 = arith.constant 0 : i32
      %dma_start3A_166 = tpu.memref_slice %arg14[%mul3A_157, %dma_start3A_165] : memref<25104x64xf32, #tpu.memory_space<vmem_shared>> -> memref<1568x64xf32, #tpu.memory_space<vmem_shared>>
      tpu.enqueue_dma source(%dma_start3A_166 : memref<1568x64xf32, #tpu.memory_space<vmem_shared>>) target(%dma_start3A_164 : memref<1568x64xf32, #tpu.memory_space<hbm>>) target_semaphore(%run_scoped3A : memref<!tpu.dma_semaphore, #tpu.memory_space<semaphore_mem>>)
      %dma_wait3A_167 = arith.constant 0 : i32
      %dma_wait3A_168 = tpu.memref_slice %arg5[%add3A_162, %dma_wait3A_167] : memref<50176x64xf32, #tpu.memory_space<hbm>> -> memref<1568x64xf32, #tpu.memory_space<hbm>>
      %dma_wait3A_169 = arith.constant 0 : i32
      %dma_wait3A_170 = tpu.memref_slice %arg14[%mul3A_157, %dma_wait3A_169] : memref<25104x64xf32, #tpu.memory_space<vmem_shared>> -> memref<1568x64xf32, #tpu.memory_space<vmem_shared>>
      tpu.wait_dma2 semaphore(%run_scoped3A : memref<!tpu.dma_semaphore, #tpu.memory_space<semaphore_mem>>) src(%dma_wait3A_170 : memref<1568x64xf32, #tpu.memory_space<vmem_shared>>) dst(%dma_wait3A_168 : memref<1568x64xf32, #tpu.memory_space<hbm>>)
      tpu.yield
    }) : () -> ()
    return
  }
}

#map = affine_map<(d0, d1) -> (0)>
#map1 = affine_map<(d0, d1) -> (0, 0)>
module attributes {stable_mosaic.version = 14 : i64} {
  func.func @_sc_gather_body(%arg0: i32, %arg1: i32, %arg2: memref<204800xi32, #tpu.memory_space<hbm>>, %arg3: memref<50000x64xf32, #tpu.memory_space<hbm>>, %arg4: memref<204800x64xf32, #tpu.memory_space<hbm>>, %arg5: memref<128xi32, #tpu.memory_space<vmem>>, %arg6: memref<128xi32, #tpu.memory_space<vmem>>, %arg7: memref<128x64xf32, #tpu.memory_space<vmem>>, %arg8: memref<128x64xf32, #tpu.memory_space<vmem>>, %arg9: memref<!tpu.dma_semaphore, #tpu.memory_space<semaphore_mem>>, %arg10: memref<!tpu.dma_semaphore, #tpu.memory_space<semaphore_mem>>, %arg11: memref<!tpu.dma_semaphore, #tpu.memory_space<semaphore_mem>>, %arg12: memref<!tpu.dma_semaphore, #tpu.memory_space<semaphore_mem>>, %arg13: memref<!tpu.dma_semaphore, #tpu.memory_space<semaphore_mem>>, %arg14: memref<!tpu.dma_semaphore, #tpu.memory_space<semaphore_mem>>) attributes {dimension_semantics = [#tpu.dimension_semantics<core_parallel>, #tpu.dimension_semantics<subcore_parallel>], iteration_bounds = array<i64: 2, 16>, scalar_prefetch = 0 : i64, scratch_operands = 10 : i64, tpu.core_type = #tpu.core_type<sc_vector_subcore>, window_params = [{transform_indices = #map}, {transform_indices = #map1}, {transform_indices = #map1}]} {
    %mul3A = arith.constant 2 : i32
    %mul3A_0 = arith.muli %arg1, %mul3A : i32
    %add3A = arith.addi %mul3A_0, %arg0 : i32
    %mul3A_1 = arith.constant 6400 : i32
    %mul3A_2 = arith.muli %add3A, %mul3A_1 : i32
    %add3A_3 = arith.constant 0 : i32
    %add3A_4 = arith.addi %mul3A_2, %add3A_3 : i32
    %dma_start3A = tpu.memref_slice %arg2[%add3A_4] : memref<204800xi32, #tpu.memory_space<hbm>> -> memref<128xi32, #tpu.memory_space<hbm>>
    %dma_start3A_5 = tpu.memref_slice %arg2[%add3A_4] : memref<204800xi32, #tpu.memory_space<hbm>> -> memref<128xi32, #tpu.memory_space<hbm>>
    tpu.enqueue_dma source(%dma_start3A_5 : memref<128xi32, #tpu.memory_space<hbm>>) target(%arg5 : memref<128xi32, #tpu.memory_space<vmem>>) target_semaphore(%arg9 : memref<!tpu.dma_semaphore, #tpu.memory_space<semaphore_mem>>)
    %add3A_6 = arith.constant 128 : i32
    %add3A_7 = arith.addi %mul3A_2, %add3A_6 : i32
    %dma_start3A_8 = tpu.memref_slice %arg2[%add3A_7] : memref<204800xi32, #tpu.memory_space<hbm>> -> memref<128xi32, #tpu.memory_space<hbm>>
    %dma_start3A_9 = tpu.memref_slice %arg2[%add3A_7] : memref<204800xi32, #tpu.memory_space<hbm>> -> memref<128xi32, #tpu.memory_space<hbm>>
    tpu.enqueue_dma source(%dma_start3A_9 : memref<128xi32, #tpu.memory_space<hbm>>) target(%arg6 : memref<128xi32, #tpu.memory_space<vmem>>) target_semaphore(%arg10 : memref<!tpu.dma_semaphore, #tpu.memory_space<semaphore_mem>>)
    %dma_wait3A = tpu.memref_slice %arg2[%mul3A_2] : memref<204800xi32, #tpu.memory_space<hbm>> -> memref<128xi32, #tpu.memory_space<hbm>>
    %dma_wait3A_10 = tpu.memref_slice %arg2[%mul3A_2] : memref<204800xi32, #tpu.memory_space<hbm>> -> memref<128xi32, #tpu.memory_space<hbm>>
    tpu.wait_dma2 semaphore(%arg9 : memref<!tpu.dma_semaphore, #tpu.memory_space<semaphore_mem>>) src(%dma_wait3A_10 : memref<128xi32, #tpu.memory_space<hbm>>) dst(%arg5 : memref<128xi32, #tpu.memory_space<vmem>>)
    %dma_start3A_11 = arith.constant 0 : i32
    %dma_start3A_12 = arith.constant 0 : i32
    %dma_start3A_13 = tpu.memref_slice %arg3[%dma_start3A_11, %dma_start3A_12] : memref<50000x64xf32, #tpu.memory_space<hbm>> -> memref<50000x64xf32, #tpu.memory_space<hbm>>
    tpu.enqueue_indirect_dma source(%dma_start3A_13 : memref<50000x64xf32, #tpu.memory_space<hbm>>) target(%arg7 : memref<128x64xf32, #tpu.memory_space<vmem>>) offsets(%arg5 : memref<128xi32, #tpu.memory_space<vmem>>) semaphore(%arg11 : memref<!tpu.dma_semaphore, #tpu.memory_space<semaphore_mem>>)
    %scan3A = arith.constant 0 : i32
    %scan3A_14 = arith.constant 0 : i32
    %scan3A_15 = arith.constant 24 : i32
    %scan3A_16 = arith.addi %scan3A_14, %scan3A_15 : i32
    %scan3A_17 = arith.constant 1 : i32
    %scan3A_18 = scf.for %scan3A_55 = %scan3A_14 to %scan3A_16 step %scan3A_17 iter_args(%scan3A_56 = %scan3A) -> (i32)  : i32 {
      %mul3A_57 = arith.constant 2 : i32
      %mul3A_58 = arith.muli %mul3A_57, %scan3A_55 : i32
      %add3A_59 = arith.constant 0 : i32
      %add3A_60 = arith.addi %mul3A_58, %add3A_59 : i32
      %gt3A = arith.constant 0 : i32
      %gt3A_61 = arith.cmpi sgt, %scan3A_55, %gt3A : i32
      %convert_element_type3A = arith.extui %gt3A_61 : i1 to i32
      %cond3A = arith.constant 0 : i32
      %cond3A_62 = arith.cmpi ne, %convert_element_type3A, %cond3A : i32
      scf.if %cond3A_62 {
        %dma_wait3A_114 = arith.constant 0 : i32
        %dma_wait3A_115 = tpu.memref_slice %arg4[%mul3A_2, %dma_wait3A_114] : memref<204800x64xf32, #tpu.memory_space<hbm>> -> memref<128x64xf32, #tpu.memory_space<hbm>>
        %dma_wait3A_116 = arith.constant 0 : i32
        %dma_wait3A_117 = tpu.memref_slice %arg4[%mul3A_2, %dma_wait3A_116] : memref<204800x64xf32, #tpu.memory_space<hbm>> -> memref<128x64xf32, #tpu.memory_space<hbm>>
        tpu.wait_dma2 semaphore(%arg14 : memref<!tpu.dma_semaphore, #tpu.memory_space<semaphore_mem>>) src(%arg8 : memref<128x64xf32, #tpu.memory_space<vmem>>) dst(%dma_wait3A_117 : memref<128x64xf32, #tpu.memory_space<hbm>>)
      } else {
      }
      %dma_wait3A_63 = tpu.memref_slice %arg2[%mul3A_2] : memref<204800xi32, #tpu.memory_space<hbm>> -> memref<128xi32, #tpu.memory_space<hbm>>
      %dma_wait3A_64 = tpu.memref_slice %arg2[%mul3A_2] : memref<204800xi32, #tpu.memory_space<hbm>> -> memref<128xi32, #tpu.memory_space<hbm>>
      tpu.wait_dma2 semaphore(%arg10 : memref<!tpu.dma_semaphore, #tpu.memory_space<semaphore_mem>>) src(%dma_wait3A_64 : memref<128xi32, #tpu.memory_space<hbm>>) dst(%arg6 : memref<128xi32, #tpu.memory_space<vmem>>)
      %dma_start3A_65 = arith.constant 0 : i32
      %dma_start3A_66 = arith.constant 0 : i32
      %dma_start3A_67 = tpu.memref_slice %arg3[%dma_start3A_65, %dma_start3A_66] : memref<50000x64xf32, #tpu.memory_space<hbm>> -> memref<50000x64xf32, #tpu.memory_space<hbm>>
      tpu.enqueue_indirect_dma source(%dma_start3A_67 : memref<50000x64xf32, #tpu.memory_space<hbm>>) target(%arg8 : memref<128x64xf32, #tpu.memory_space<vmem>>) offsets(%arg6 : memref<128xi32, #tpu.memory_space<vmem>>) semaphore(%arg12 : memref<!tpu.dma_semaphore, #tpu.memory_space<semaphore_mem>>)
      %dma_wait3A_68 = arith.constant 0 : i32
      %dma_wait3A_69 = arith.constant 0 : i32
      %dma_wait3A_70 = tpu.memref_slice %arg3[%dma_wait3A_68, %dma_wait3A_69] : memref<50000x64xf32, #tpu.memory_space<hbm>> -> memref<50000x64xf32, #tpu.memory_space<hbm>>
      tpu.wait_indirect_dma semaphore(%arg11 : memref<!tpu.dma_semaphore, #tpu.memory_space<semaphore_mem>>) src(%dma_wait3A_70 : memref<50000x64xf32, #tpu.memory_space<hbm>>) dst(%arg7 : memref<128x64xf32, #tpu.memory_space<vmem>>)
      %add3A_71 = arith.constant 2 : i32
      %add3A_72 = arith.addi %add3A_60, %add3A_71 : i32
      %mul3A_73 = arith.constant 128 : i32
      %mul3A_74 = arith.muli %add3A_72, %mul3A_73 : i32
      %add3A_75 = arith.addi %mul3A_2, %mul3A_74 : i32
      %dma_start3A_76 = tpu.memref_slice %arg2[%add3A_75] : memref<204800xi32, #tpu.memory_space<hbm>> -> memref<128xi32, #tpu.memory_space<hbm>>
      %dma_start3A_77 = tpu.memref_slice %arg2[%add3A_75] : memref<204800xi32, #tpu.memory_space<hbm>> -> memref<128xi32, #tpu.memory_space<hbm>>
      tpu.enqueue_dma source(%dma_start3A_77 : memref<128xi32, #tpu.memory_space<hbm>>) target(%arg5 : memref<128xi32, #tpu.memory_space<vmem>>) target_semaphore(%arg9 : memref<!tpu.dma_semaphore, #tpu.memory_space<semaphore_mem>>)
      %mul3A_78 = arith.constant 128 : i32
      %mul3A_79 = arith.muli %add3A_60, %mul3A_78 : i32
      %add3A_80 = arith.addi %mul3A_2, %mul3A_79 : i32
      %dma_start3A_81 = arith.constant 0 : i32
      %dma_start3A_82 = tpu.memref_slice %arg4[%add3A_80, %dma_start3A_81] : memref<204800x64xf32, #tpu.memory_space<hbm>> -> memref<128x64xf32, #tpu.memory_space<hbm>>
      %dma_start3A_83 = arith.constant 0 : i32
      %dma_start3A_84 = tpu.memref_slice %arg4[%add3A_80, %dma_start3A_83] : memref<204800x64xf32, #tpu.memory_space<hbm>> -> memref<128x64xf32, #tpu.memory_space<hbm>>
      tpu.enqueue_dma source(%arg7 : memref<128x64xf32, #tpu.memory_space<vmem>>) target(%dma_start3A_84 : memref<128x64xf32, #tpu.memory_space<hbm>>) target_semaphore(%arg13 : memref<!tpu.dma_semaphore, #tpu.memory_space<semaphore_mem>>)
      %add3A_85 = arith.constant 1 : i32
      %add3A_86 = arith.addi %mul3A_58, %add3A_85 : i32
      %dma_wait3A_87 = arith.constant 0 : i32
      %dma_wait3A_88 = tpu.memref_slice %arg4[%mul3A_2, %dma_wait3A_87] : memref<204800x64xf32, #tpu.memory_space<hbm>> -> memref<128x64xf32, #tpu.memory_space<hbm>>
      %dma_wait3A_89 = arith.constant 0 : i32
      %dma_wait3A_90 = tpu.memref_slice %arg4[%mul3A_2, %dma_wait3A_89] : memref<204800x64xf32, #tpu.memory_space<hbm>> -> memref<128x64xf32, #tpu.memory_space<hbm>>
      tpu.wait_dma2 semaphore(%arg13 : memref<!tpu.dma_semaphore, #tpu.memory_space<semaphore_mem>>) src(%arg7 : memref<128x64xf32, #tpu.memory_space<vmem>>) dst(%dma_wait3A_90 : memref<128x64xf32, #tpu.memory_space<hbm>>)
      %dma_wait3A_91 = tpu.memref_slice %arg2[%mul3A_2] : memref<204800xi32, #tpu.memory_space<hbm>> -> memref<128xi32, #tpu.memory_space<hbm>>
      %dma_wait3A_92 = tpu.memref_slice %arg2[%mul3A_2] : memref<204800xi32, #tpu.memory_space<hbm>> -> memref<128xi32, #tpu.memory_space<hbm>>
      tpu.wait_dma2 semaphore(%arg9 : memref<!tpu.dma_semaphore, #tpu.memory_space<semaphore_mem>>) src(%dma_wait3A_92 : memref<128xi32, #tpu.memory_space<hbm>>) dst(%arg5 : memref<128xi32, #tpu.memory_space<vmem>>)
      %dma_start3A_93 = arith.constant 0 : i32
      %dma_start3A_94 = arith.constant 0 : i32
      %dma_start3A_95 = tpu.memref_slice %arg3[%dma_start3A_93, %dma_start3A_94] : memref<50000x64xf32, #tpu.memory_space<hbm>> -> memref<50000x64xf32, #tpu.memory_space<hbm>>
      tpu.enqueue_indirect_dma source(%dma_start3A_95 : memref<50000x64xf32, #tpu.memory_space<hbm>>) target(%arg7 : memref<128x64xf32, #tpu.memory_space<vmem>>) offsets(%arg5 : memref<128xi32, #tpu.memory_space<vmem>>) semaphore(%arg11 : memref<!tpu.dma_semaphore, #tpu.memory_space<semaphore_mem>>)
      %dma_wait3A_96 = arith.constant 0 : i32
      %dma_wait3A_97 = arith.constant 0 : i32
      %dma_wait3A_98 = tpu.memref_slice %arg3[%dma_wait3A_96, %dma_wait3A_97] : memref<50000x64xf32, #tpu.memory_space<hbm>> -> memref<50000x64xf32, #tpu.memory_space<hbm>>
      tpu.wait_indirect_dma semaphore(%arg12 : memref<!tpu.dma_semaphore, #tpu.memory_space<semaphore_mem>>) src(%dma_wait3A_98 : memref<50000x64xf32, #tpu.memory_space<hbm>>) dst(%arg8 : memref<128x64xf32, #tpu.memory_space<vmem>>)
      %add3A_99 = arith.constant 2 : i32
      %add3A_100 = arith.addi %add3A_86, %add3A_99 : i32
      %mul3A_101 = arith.constant 128 : i32
      %mul3A_102 = arith.muli %add3A_100, %mul3A_101 : i32
      %add3A_103 = arith.addi %mul3A_2, %mul3A_102 : i32
      %dma_start3A_104 = tpu.memref_slice %arg2[%add3A_103] : memref<204800xi32, #tpu.memory_space<hbm>> -> memref<128xi32, #tpu.memory_space<hbm>>
      %dma_start3A_105 = tpu.memref_slice %arg2[%add3A_103] : memref<204800xi32, #tpu.memory_space<hbm>> -> memref<128xi32, #tpu.memory_space<hbm>>
      tpu.enqueue_dma source(%dma_start3A_105 : memref<128xi32, #tpu.memory_space<hbm>>) target(%arg6 : memref<128xi32, #tpu.memory_space<vmem>>) target_semaphore(%arg10 : memref<!tpu.dma_semaphore, #tpu.memory_space<semaphore_mem>>)
      %mul3A_106 = arith.constant 128 : i32
      %mul3A_107 = arith.muli %add3A_86, %mul3A_106 : i32
      %add3A_108 = arith.addi %mul3A_2, %mul3A_107 : i32
      %dma_start3A_109 = arith.constant 0 : i32
      %dma_start3A_110 = tpu.memref_slice %arg4[%add3A_108, %dma_start3A_109] : memref<204800x64xf32, #tpu.memory_space<hbm>> -> memref<128x64xf32, #tpu.memory_space<hbm>>
      %dma_start3A_111 = arith.constant 0 : i32
      %dma_start3A_112 = tpu.memref_slice %arg4[%add3A_108, %dma_start3A_111] : memref<204800x64xf32, #tpu.memory_space<hbm>> -> memref<128x64xf32, #tpu.memory_space<hbm>>
      tpu.enqueue_dma source(%arg8 : memref<128x64xf32, #tpu.memory_space<vmem>>) target(%dma_start3A_112 : memref<128x64xf32, #tpu.memory_space<hbm>>) target_semaphore(%arg14 : memref<!tpu.dma_semaphore, #tpu.memory_space<semaphore_mem>>)
      %scan3A_113 = arith.constant 0 : i32
      scf.yield %scan3A_113 : i32
    }
    %scan3A_19 = arith.constant 24 : i32
    %dma_wait3A_20 = arith.constant 0 : i32
    %dma_wait3A_21 = tpu.memref_slice %arg4[%mul3A_2, %dma_wait3A_20] : memref<204800x64xf32, #tpu.memory_space<hbm>> -> memref<128x64xf32, #tpu.memory_space<hbm>>
    %dma_wait3A_22 = arith.constant 0 : i32
    %dma_wait3A_23 = tpu.memref_slice %arg4[%mul3A_2, %dma_wait3A_22] : memref<204800x64xf32, #tpu.memory_space<hbm>> -> memref<128x64xf32, #tpu.memory_space<hbm>>
    tpu.wait_dma2 semaphore(%arg14 : memref<!tpu.dma_semaphore, #tpu.memory_space<semaphore_mem>>) src(%arg8 : memref<128x64xf32, #tpu.memory_space<vmem>>) dst(%dma_wait3A_23 : memref<128x64xf32, #tpu.memory_space<hbm>>)
    %dma_wait3A_24 = tpu.memref_slice %arg2[%mul3A_2] : memref<204800xi32, #tpu.memory_space<hbm>> -> memref<128xi32, #tpu.memory_space<hbm>>
    %dma_wait3A_25 = tpu.memref_slice %arg2[%mul3A_2] : memref<204800xi32, #tpu.memory_space<hbm>> -> memref<128xi32, #tpu.memory_space<hbm>>
    tpu.wait_dma2 semaphore(%arg10 : memref<!tpu.dma_semaphore, #tpu.memory_space<semaphore_mem>>) src(%dma_wait3A_25 : memref<128xi32, #tpu.memory_space<hbm>>) dst(%arg6 : memref<128xi32, #tpu.memory_space<vmem>>)
    %dma_start3A_26 = arith.constant 0 : i32
    %dma_start3A_27 = arith.constant 0 : i32
    %dma_start3A_28 = tpu.memref_slice %arg3[%dma_start3A_26, %dma_start3A_27] : memref<50000x64xf32, #tpu.memory_space<hbm>> -> memref<50000x64xf32, #tpu.memory_space<hbm>>
    tpu.enqueue_indirect_dma source(%dma_start3A_28 : memref<50000x64xf32, #tpu.memory_space<hbm>>) target(%arg8 : memref<128x64xf32, #tpu.memory_space<vmem>>) offsets(%arg6 : memref<128xi32, #tpu.memory_space<vmem>>) semaphore(%arg12 : memref<!tpu.dma_semaphore, #tpu.memory_space<semaphore_mem>>)
    %dma_wait3A_29 = arith.constant 0 : i32
    %dma_wait3A_30 = arith.constant 0 : i32
    %dma_wait3A_31 = tpu.memref_slice %arg3[%dma_wait3A_29, %dma_wait3A_30] : memref<50000x64xf32, #tpu.memory_space<hbm>> -> memref<50000x64xf32, #tpu.memory_space<hbm>>
    tpu.wait_indirect_dma semaphore(%arg11 : memref<!tpu.dma_semaphore, #tpu.memory_space<semaphore_mem>>) src(%dma_wait3A_31 : memref<50000x64xf32, #tpu.memory_space<hbm>>) dst(%arg7 : memref<128x64xf32, #tpu.memory_space<vmem>>)
    %add3A_32 = arith.constant 6144 : i32
    %add3A_33 = arith.addi %mul3A_2, %add3A_32 : i32
    %dma_start3A_34 = arith.constant 0 : i32
    %dma_start3A_35 = tpu.memref_slice %arg4[%add3A_33, %dma_start3A_34] : memref<204800x64xf32, #tpu.memory_space<hbm>> -> memref<128x64xf32, #tpu.memory_space<hbm>>
    %dma_start3A_36 = arith.constant 0 : i32
    %dma_start3A_37 = tpu.memref_slice %arg4[%add3A_33, %dma_start3A_36] : memref<204800x64xf32, #tpu.memory_space<hbm>> -> memref<128x64xf32, #tpu.memory_space<hbm>>
    tpu.enqueue_dma source(%arg7 : memref<128x64xf32, #tpu.memory_space<vmem>>) target(%dma_start3A_37 : memref<128x64xf32, #tpu.memory_space<hbm>>) target_semaphore(%arg13 : memref<!tpu.dma_semaphore, #tpu.memory_space<semaphore_mem>>)
    %dma_wait3A_38 = arith.constant 0 : i32
    %dma_wait3A_39 = tpu.memref_slice %arg4[%mul3A_2, %dma_wait3A_38] : memref<204800x64xf32, #tpu.memory_space<hbm>> -> memref<128x64xf32, #tpu.memory_space<hbm>>
    %dma_wait3A_40 = arith.constant 0 : i32
    %dma_wait3A_41 = tpu.memref_slice %arg4[%mul3A_2, %dma_wait3A_40] : memref<204800x64xf32, #tpu.memory_space<hbm>> -> memref<128x64xf32, #tpu.memory_space<hbm>>
    tpu.wait_dma2 semaphore(%arg13 : memref<!tpu.dma_semaphore, #tpu.memory_space<semaphore_mem>>) src(%arg7 : memref<128x64xf32, #tpu.memory_space<vmem>>) dst(%dma_wait3A_41 : memref<128x64xf32, #tpu.memory_space<hbm>>)
    %dma_wait3A_42 = arith.constant 0 : i32
    %dma_wait3A_43 = arith.constant 0 : i32
    %dma_wait3A_44 = tpu.memref_slice %arg3[%dma_wait3A_42, %dma_wait3A_43] : memref<50000x64xf32, #tpu.memory_space<hbm>> -> memref<50000x64xf32, #tpu.memory_space<hbm>>
    tpu.wait_indirect_dma semaphore(%arg12 : memref<!tpu.dma_semaphore, #tpu.memory_space<semaphore_mem>>) src(%dma_wait3A_44 : memref<50000x64xf32, #tpu.memory_space<hbm>>) dst(%arg8 : memref<128x64xf32, #tpu.memory_space<vmem>>)
    %add3A_45 = arith.constant 6272 : i32
    %add3A_46 = arith.addi %mul3A_2, %add3A_45 : i32
    %dma_start3A_47 = arith.constant 0 : i32
    %dma_start3A_48 = tpu.memref_slice %arg4[%add3A_46, %dma_start3A_47] : memref<204800x64xf32, #tpu.memory_space<hbm>> -> memref<128x64xf32, #tpu.memory_space<hbm>>
    %dma_start3A_49 = arith.constant 0 : i32
    %dma_start3A_50 = tpu.memref_slice %arg4[%add3A_46, %dma_start3A_49] : memref<204800x64xf32, #tpu.memory_space<hbm>> -> memref<128x64xf32, #tpu.memory_space<hbm>>
    tpu.enqueue_dma source(%arg8 : memref<128x64xf32, #tpu.memory_space<vmem>>) target(%dma_start3A_50 : memref<128x64xf32, #tpu.memory_space<hbm>>) target_semaphore(%arg14 : memref<!tpu.dma_semaphore, #tpu.memory_space<semaphore_mem>>)
    %dma_wait3A_51 = arith.constant 0 : i32
    %dma_wait3A_52 = tpu.memref_slice %arg4[%mul3A_2, %dma_wait3A_51] : memref<204800x64xf32, #tpu.memory_space<hbm>> -> memref<128x64xf32, #tpu.memory_space<hbm>>
    %dma_wait3A_53 = arith.constant 0 : i32
    %dma_wait3A_54 = tpu.memref_slice %arg4[%mul3A_2, %dma_wait3A_53] : memref<204800x64xf32, #tpu.memory_space<hbm>> -> memref<128x64xf32, #tpu.memory_space<hbm>>
    tpu.wait_dma2 semaphore(%arg14 : memref<!tpu.dma_semaphore, #tpu.memory_space<semaphore_mem>>) src(%arg8 : memref<128x64xf32, #tpu.memory_space<vmem>>) dst(%dma_wait3A_54 : memref<128x64xf32, #tpu.memory_space<hbm>>)
    return
  }
}

#map = affine_map<(d0, d1) -> (0, 0, 0)>
#map1 = affine_map<(d0, d1) -> (0, 0)>
module attributes {stable_mosaic.version = 14 : i64} {
  func.func @body(%arg0: i32, %arg1: i32, %arg2: memref<7168x3x112xi32, #tpu.memory_space<hbm>>, %arg3: memref<512x64xf32, #tpu.memory_space<hbm>>, %arg4: memref<50176x64xf32, #tpu.memory_space<hbm>>, %arg5: memref<3x112xi32, #tpu.memory_space<vmem>>, %arg6: memref<3x112xi32, #tpu.memory_space<vmem>>, %arg7: memref<112xi32, #tpu.memory_space<vmem>>, %arg8: memref<112xi32, #tpu.memory_space<vmem>>, %arg9: memref<112x64xf32, #tpu.memory_space<vmem>>, %arg10: memref<112x64xf32, #tpu.memory_space<vmem>>, %arg11: memref<25104x64xf32, #tpu.memory_space<vmem_shared>>, %arg12: memref<!tpu.dma_semaphore, #tpu.memory_space<semaphore_mem>>, %arg13: memref<!tpu.dma_semaphore, #tpu.memory_space<semaphore_mem>>, %arg14: memref<!tpu.dma_semaphore, #tpu.memory_space<semaphore_mem>>, %arg15: memref<!tpu.dma_semaphore, #tpu.memory_space<semaphore_mem>>, %arg16: memref<!tpu.dma_semaphore, #tpu.memory_space<semaphore_mem>>) attributes {dimension_semantics = [#tpu.dimension_semantics<core_parallel>, #tpu.dimension_semantics<subcore_parallel>], iteration_bounds = array<i64: 2, 16>, scalar_prefetch = 0 : i64, scratch_operands = 12 : i64, tpu.core_type = #tpu.core_type<sc_vector_subcore>, window_params = [{transform_indices = #map}, {transform_indices = #map1}, {transform_indices = #map1}]} {
    %mul3A = arith.constant 25088 : i32
    %mul3A_0 = arith.muli %arg0, %mul3A : i32
    %scan3A = arith.constant 0 : i32
    %scan3A_1 = arith.constant 0 : i32
    %scan3A_2 = arith.constant 112 : i32
    %scan3A_3 = arith.addi %scan3A_1, %scan3A_2 : i32
    %scan3A_4 = arith.constant 1 : i32
    %scan3A_5 = scf.for %scan3A_121 = %scan3A_1 to %scan3A_3 step %scan3A_4 iter_args(%scan3A_122 = %scan3A) -> (i32)  : i32 {
      %broadcast_in_dim3A = arith.constant 0.000000e+00 : f32
      %broadcast_in_dim3A_123 = vector.broadcast %broadcast_in_dim3A : f32 to vector<16xf32>
      %swap3A = arith.index_cast %scan3A_121 : i32 to index
      %swap3A_124 = arith.constant 0 : index
      %swap3A_125 = tpu.vector_load %arg9[%swap3A, %swap3A_124] {strides = array<i32>} : memref<112x64xf32, #tpu.memory_space<vmem>>, vector<1x16xf32>,
      %swap3A_126 = vector.shape_cast %swap3A_125 : vector<1x16xf32> to vector<16xf32>
      %swap3A_127 = vector.shape_cast %broadcast_in_dim3A_123 : vector<16xf32> to vector<1x16xf32>
      tpu.vector_store %arg9[%swap3A, %swap3A_124], %swap3A_127 {strides = array<i32>} : memref<112x64xf32, #tpu.memory_space<vmem>>, vector<1x16xf32>,
      %broadcast_in_dim3A_128 = arith.constant 0.000000e+00 : f32
      %broadcast_in_dim3A_129 = vector.broadcast %broadcast_in_dim3A_128 : f32 to vector<16xf32>
      %swap3A_130 = arith.index_cast %scan3A_121 : i32 to index
      %swap3A_131 = arith.constant 16 : index
      %swap3A_132 = tpu.vector_load %arg9[%swap3A_130, %swap3A_131] {strides = array<i32>} : memref<112x64xf32, #tpu.memory_space<vmem>>, vector<1x16xf32>,
      %swap3A_133 = vector.shape_cast %swap3A_132 : vector<1x16xf32> to vector<16xf32>
      %swap3A_134 = vector.shape_cast %broadcast_in_dim3A_129 : vector<16xf32> to vector<1x16xf32>
      tpu.vector_store %arg9[%swap3A_130, %swap3A_131], %swap3A_134 {strides = array<i32>} : memref<112x64xf32, #tpu.memory_space<vmem>>, vector<1x16xf32>,
      %broadcast_in_dim3A_135 = arith.constant 0.000000e+00 : f32
      %broadcast_in_dim3A_136 = vector.broadcast %broadcast_in_dim3A_135 : f32 to vector<16xf32>
      %swap3A_137 = arith.index_cast %scan3A_121 : i32 to index
      %swap3A_138 = arith.constant 32 : index
      %swap3A_139 = tpu.vector_load %arg9[%swap3A_137, %swap3A_138] {strides = array<i32>} : memref<112x64xf32, #tpu.memory_space<vmem>>, vector<1x16xf32>,
      %swap3A_140 = vector.shape_cast %swap3A_139 : vector<1x16xf32> to vector<16xf32>
      %swap3A_141 = vector.shape_cast %broadcast_in_dim3A_136 : vector<16xf32> to vector<1x16xf32>
      tpu.vector_store %arg9[%swap3A_137, %swap3A_138], %swap3A_141 {strides = array<i32>} : memref<112x64xf32, #tpu.memory_space<vmem>>, vector<1x16xf32>,
      %broadcast_in_dim3A_142 = arith.constant 0.000000e+00 : f32
      %broadcast_in_dim3A_143 = vector.broadcast %broadcast_in_dim3A_142 : f32 to vector<16xf32>
      %swap3A_144 = arith.index_cast %scan3A_121 : i32 to index
      %swap3A_145 = arith.constant 48 : index
      %swap3A_146 = tpu.vector_load %arg9[%swap3A_144, %swap3A_145] {strides = array<i32>} : memref<112x64xf32, #tpu.memory_space<vmem>>, vector<1x16xf32>,
      %swap3A_147 = vector.shape_cast %swap3A_146 : vector<1x16xf32> to vector<16xf32>
      %swap3A_148 = vector.shape_cast %broadcast_in_dim3A_143 : vector<16xf32> to vector<1x16xf32>
      tpu.vector_store %arg9[%swap3A_144, %swap3A_145], %swap3A_148 {strides = array<i32>} : memref<112x64xf32, #tpu.memory_space<vmem>>, vector<1x16xf32>,
      %scan3A_149 = arith.constant 0 : i32
      scf.yield %scan3A_149 : i32
    }
    %scan3A_6 = arith.constant 112 : i32
    %scan3A_7 = arith.constant 0 : i32
    %scan3A_8 = arith.constant 0 : i32
    %scan3A_9 = arith.constant 14 : i32
    %scan3A_10 = arith.addi %scan3A_8, %scan3A_9 : i32
    %scan3A_11 = arith.constant 1 : i32
    %scan3A_12 = scf.for %scan3A_121 = %scan3A_8 to %scan3A_10 step %scan3A_11 iter_args(%scan3A_122 = %scan3A_7) -> (i32)  : i32 {
      %mul3A_123 = arith.constant 1568 : i32
      %mul3A_124 = arith.muli %arg1, %mul3A_123 : i32
      %mul3A_125 = arith.constant 112 : i32
      %mul3A_126 = arith.muli %scan3A_121, %mul3A_125 : i32
      %add3A_127 = arith.addi %mul3A_124, %mul3A_126 : i32
      "tpu.region"() ({
        %run_scoped3A = tpu.sem_alloc : memref<!tpu.dma_semaphore, #tpu.memory_space<semaphore_mem>>
        %dma_start3A_129 = arith.constant 0 : i32
        %dma_start3A_130 = tpu.memref_slice %arg11[%add3A_127, %dma_start3A_129] : memref<25104x64xf32, #tpu.memory_space<vmem_shared>> -> memref<112x64xf32, #tpu.memory_space<vmem_shared>>
        %dma_start3A_131 = arith.constant 0 : i32
        %dma_start3A_132 = tpu.memref_slice %arg11[%add3A_127, %dma_start3A_131] : memref<25104x64xf32, #tpu.memory_space<vmem_shared>> -> memref<112x64xf32, #tpu.memory_space<vmem_shared>>
        tpu.enqueue_dma source(%arg9 : memref<112x64xf32, #tpu.memory_space<vmem>>) target(%dma_start3A_132 : memref<112x64xf32, #tpu.memory_space<vmem_shared>>) target_semaphore(%run_scoped3A : memref<!tpu.dma_semaphore, #tpu.memory_space<semaphore_mem>>)
        %dma_wait3A_133 = arith.constant 0 : i32
        %dma_wait3A_134 = tpu.memref_slice %arg11[%add3A_127, %dma_wait3A_133] : memref<25104x64xf32, #tpu.memory_space<vmem_shared>> -> memref<112x64xf32, #tpu.memory_space<vmem_shared>>
        %dma_wait3A_135 = arith.constant 0 : i32
        %dma_wait3A_136 = tpu.memref_slice %arg11[%add3A_127, %dma_wait3A_135] : memref<25104x64xf32, #tpu.memory_space<vmem_shared>> -> memref<112x64xf32, #tpu.memory_space<vmem_shared>>
        tpu.wait_dma2 semaphore(%run_scoped3A : memref<!tpu.dma_semaphore, #tpu.memory_space<semaphore_mem>>) src(%arg9 : memref<112x64xf32, #tpu.memory_space<vmem>>) dst(%dma_wait3A_136 : memref<112x64xf32, #tpu.memory_space<vmem_shared>>)
        tpu.yield
      }) : () -> ()
      %scan3A_128 = arith.constant 0 : i32
      scf.yield %scan3A_128 : i32
    }
    %scan3A_13 = arith.constant 14 : i32
    %barrier3A = arith.constant 0 : index
    tpu.barrier barrier_id(%barrier3A)
    %mul3A_14 = arith.constant 448 : i32
    %mul3A_15 = arith.muli %arg1, %mul3A_14 : i32
    %dma_start3A = arith.constant 0 : i32
    %dma_start3A_16 = arith.constant 0 : i32
    %dma_start3A_17 = tpu.memref_slice %arg2[%mul3A_15, %dma_start3A, %dma_start3A_16] : memref<7168x3x112xi32, #tpu.memory_space<hbm>> -> memref<1x3x112xi32, #tpu.memory_space<hbm>>
    %dma_start3A_18 = tpu.memref_squeeze %dma_start3A_17 : memref<1x3x112xi32, #tpu.memory_space<hbm>> -> memref<3x112xi32, #tpu.memory_space<hbm>>
    %dma_start3A_19 = arith.constant 0 : i32
    %dma_start3A_20 = arith.constant 0 : i32
    %dma_start3A_21 = tpu.memref_slice %arg2[%mul3A_15, %dma_start3A_19, %dma_start3A_20] : memref<7168x3x112xi32, #tpu.memory_space<hbm>> -> memref<1x3x112xi32, #tpu.memory_space<hbm>>
    %dma_start3A_22 = tpu.memref_squeeze %dma_start3A_21 : memref<1x3x112xi32, #tpu.memory_space<hbm>> -> memref<3x112xi32, #tpu.memory_space<hbm>>
    tpu.enqueue_dma source(%dma_start3A_22 : memref<3x112xi32, #tpu.memory_space<hbm>>) target(%arg5 : memref<3x112xi32, #tpu.memory_space<vmem>>) target_semaphore(%arg12 : memref<!tpu.dma_semaphore, #tpu.memory_space<semaphore_mem>>)
    %add3A = arith.constant 1 : i32
    %add3A_23 = arith.addi %mul3A_15, %add3A : i32
    %dma_start3A_24 = arith.constant 0 : i32
    %dma_start3A_25 = arith.constant 0 : i32
    %dma_start3A_26 = tpu.memref_slice %arg2[%add3A_23, %dma_start3A_24, %dma_start3A_25] : memref<7168x3x112xi32, #tpu.memory_space<hbm>> -> memref<1x3x112xi32, #tpu.memory_space<hbm>>
    %dma_start3A_27 = tpu.memref_squeeze %dma_start3A_26 : memref<1x3x112xi32, #tpu.memory_space<hbm>> -> memref<3x112xi32, #tpu.memory_space<hbm>>
    %dma_start3A_28 = arith.constant 0 : i32
    %dma_start3A_29 = arith.constant 0 : i32
    %dma_start3A_30 = tpu.memref_slice %arg2[%add3A_23, %dma_start3A_28, %dma_start3A_29] : memref<7168x3x112xi32, #tpu.memory_space<hbm>> -> memref<1x3x112xi32, #tpu.memory_space<hbm>>
    %dma_start3A_31 = tpu.memref_squeeze %dma_start3A_30 : memref<1x3x112xi32, #tpu.memory_space<hbm>> -> memref<3x112xi32, #tpu.memory_space<hbm>>
    tpu.enqueue_dma source(%dma_start3A_31 : memref<3x112xi32, #tpu.memory_space<hbm>>) target(%arg6 : memref<3x112xi32, #tpu.memory_space<vmem>>) target_semaphore(%arg13 : memref<!tpu.dma_semaphore, #tpu.memory_space<semaphore_mem>>)
    %dma_wait3A = arith.constant 0 : i32
    %dma_wait3A_32 = arith.constant 0 : i32
    %dma_wait3A_33 = arith.constant 0 : i32
    %dma_wait3A_34 = tpu.memref_slice %arg2[%dma_wait3A, %dma_wait3A_32, %dma_wait3A_33] : memref<7168x3x112xi32, #tpu.memory_space<hbm>> -> memref<1x3x112xi32, #tpu.memory_space<hbm>>
    %dma_wait3A_35 = tpu.memref_squeeze %dma_wait3A_34 : memref<1x3x112xi32, #tpu.memory_space<hbm>> -> memref<3x112xi32, #tpu.memory_space<hbm>>
    %dma_wait3A_36 = arith.constant 0 : i32
    %dma_wait3A_37 = arith.constant 0 : i32
    %dma_wait3A_38 = tpu.memref_slice %arg2[%dma_wait3A, %dma_wait3A_36, %dma_wait3A_37] : memref<7168x3x112xi32, #tpu.memory_space<hbm>> -> memref<1x3x112xi32, #tpu.memory_space<hbm>>
    %dma_wait3A_39 = tpu.memref_squeeze %dma_wait3A_38 : memref<1x3x112xi32, #tpu.memory_space<hbm>> -> memref<3x112xi32, #tpu.memory_space<hbm>>
    tpu.wait_dma2 semaphore(%arg12 : memref<!tpu.dma_semaphore, #tpu.memory_space<semaphore_mem>>) src(%dma_wait3A_39 : memref<3x112xi32, #tpu.memory_space<hbm>>) dst(%arg5 : memref<3x112xi32, #tpu.memory_space<vmem>>)
    %scan3A_40 = arith.constant 0 : i32
    %scan3A_41 = arith.constant 0 : i32
    %scan3A_42 = arith.constant 7 : i32
    %scan3A_43 = arith.addi %scan3A_41, %scan3A_42 : i32
    %scan3A_44 = arith.constant 1 : i32
    %scan3A_45 = scf.for %scan3A_121 = %scan3A_41 to %scan3A_43 step %scan3A_44 iter_args(%scan3A_122 = %scan3A_40) -> (i32)  : i32 {
      %mul3A_123 = arith.constant 16 : i32
      %mul3A_124 = arith.muli %scan3A_121, %mul3A_123 : i32
      %get3A = arith.constant 1 : i32
      %get3A_125 = arith.index_cast %get3A : i32 to index
      %get3A_126 = arith.index_cast %mul3A_124 : i32 to index
      %get3A_127 = tpu.vector_load %arg5[%get3A_125, %get3A_126] {strides = array<i32>} : memref<3x112xi32, #tpu.memory_space<vmem>>, vector<1x16xi32>,
      %get3A_128 = vector.shape_cast %get3A_127 : vector<1x16xi32> to vector<16xi32>
      %sub3A = vector.broadcast %mul3A_0 : i32 to vector<16xi32>
      %sub3A_129 = arith.subi %get3A_128, %sub3A : vector<16xi32>
      %ge3A = arith.constant 0 : i32
      %ge3A_130 = vector.broadcast %ge3A : i32 to vector<16xi32>
      %ge3A_131 = arith.cmpi sge, %sub3A_129, %ge3A_130 : vector<16xi32>
      %lt3A = arith.constant 25088 : i32
      %lt3A_132 = vector.broadcast %lt3A : i32 to vector<16xi32>
      %lt3A_133 = arith.cmpi slt, %sub3A_129, %lt3A_132 : vector<16xi32>
      %and3A = arith.andi %ge3A_131, %lt3A_133 : vector<16xi1>
      %and3A_134 = arith.constant 15 : i32
      %and3A_135 = vector.broadcast %and3A_134 : i32 to vector<16xi32>
      %and3A_136 = arith.andi %get3A_128, %and3A_135 : vector<16xi32>
      %add3A_137 = arith.constant 25088 : i32
      %add3A_138 = vector.broadcast %add3A_137 : i32 to vector<16xi32>
      %add3A_139 = arith.addi %add3A_138, %and3A_136 : vector<16xi32>
      %select_n3A = arith.select %and3A, %sub3A_129, %add3A_139 : vector<16xi1>, vector<16xi32>
      %mul3A_140 = arith.constant 16 : i32
      %mul3A_141 = arith.muli %scan3A_121, %mul3A_140 : i32
      %swap3A = arith.index_cast %mul3A_141 : i32 to index
      %swap3A_142 = tpu.vector_load %arg7[%swap3A] {strides = array<i32>} : memref<112xi32, #tpu.memory_space<vmem>>, vector<16xi32>,
      %swap3A_143 = vector.shape_cast %swap3A_142 : vector<16xi32> to vector<16xi32>
      %swap3A_144 = vector.shape_cast %select_n3A : vector<16xi32> to vector<16xi32>
      tpu.vector_store %arg7[%swap3A], %swap3A_144 {strides = array<i32>} : memref<112xi32, #tpu.memory_space<vmem>>, vector<16xi32>,
      %scan3A_145 = arith.constant 0 : i32
      scf.yield %scan3A_145 : i32
    }
    %scan3A_46 = arith.constant 7 : i32
    %dma_start3A_47 = arith.constant 2 : i32
    %dma_start3A_48 = arith.constant 0 : i32
    %dma_start3A_49 = tpu.memref_slice %arg5[%dma_start3A_47, %dma_start3A_48] : memref<3x112xi32, #tpu.memory_space<vmem>> -> memref<1x112xi32, #tpu.memory_space<vmem>>
    %dma_start3A_50 = tpu.memref_squeeze %dma_start3A_49 : memref<1x112xi32, #tpu.memory_space<vmem>> -> memref<112xi32, #tpu.memory_space<vmem>>
    %dma_start3A_51 = arith.constant 0 : i32
    %dma_start3A_52 = arith.constant 0 : i32
    %dma_start3A_53 = tpu.memref_slice %arg3[%dma_start3A_51, %dma_start3A_52] : memref<512x64xf32, #tpu.memory_space<hbm>> -> memref<512x64xf32, #tpu.memory_space<hbm>>
    tpu.enqueue_indirect_dma source(%dma_start3A_53 : memref<512x64xf32, #tpu.memory_space<hbm>>) target(%arg9 : memref<112x64xf32, #tpu.memory_space<vmem>>) offsets(%dma_start3A_50 : memref<112xi32, #tpu.memory_space<vmem>>) semaphore(%arg14 : memref<!tpu.dma_semaphore, #tpu.memory_space<semaphore_mem>>)
    %scan3A_54 = arith.constant 0 : i32
    %scan3A_55 = arith.constant 0 : i32
    %scan3A_56 = arith.constant 223 : i32
    %scan3A_57 = arith.addi %scan3A_55, %scan3A_56 : i32
    %scan3A_58 = arith.constant 1 : i32
    %scan3A_59 = scf.for %scan3A_121 = %scan3A_55 to %scan3A_57 step %scan3A_58 iter_args(%scan3A_122 = %scan3A_54) -> (i32)  : i32 {
      %mul3A_123 = arith.constant 2 : i32
      %mul3A_124 = arith.muli %mul3A_123, %scan3A_121 : i32
      %add3A_125 = arith.addi %mul3A_15, %mul3A_124 : i32
      %add3A_126 = arith.constant 0 : i32
      %add3A_127 = arith.addi %add3A_125, %add3A_126 : i32
      %gt3A = arith.constant 0 : i32
      %gt3A_128 = arith.cmpi sgt, %scan3A_121, %gt3A : i32
      %convert_element_type3A = arith.extui %gt3A_128 : i1 to i32
      %cond3A = arith.constant 0 : i32
      %cond3A_129 = arith.cmpi ne, %convert_element_type3A, %cond3A : i32
      scf.if %cond3A_129 {
        %dma_wait3A_222 = arith.constant 0 : i32
        %dma_wait3A_223 = arith.constant 0 : i32
        %dma_wait3A_224 = tpu.memref_slice %arg11[%dma_wait3A_222, %dma_wait3A_223] : memref<25104x64xf32, #tpu.memory_space<vmem_shared>> -> memref<25104x64xf32, #tpu.memory_space<vmem_shared>>
        tpu.wait_indirect_dma semaphore(%arg16 : memref<!tpu.dma_semaphore, #tpu.memory_space<semaphore_mem>>) src(%arg9 : memref<112x64xf32, #tpu.memory_space<vmem>>) dst(%dma_wait3A_224 : memref<25104x64xf32, #tpu.memory_space<vmem_shared>>)
      } else {
      }
      %dma_wait3A_130 = arith.constant 0 : i32
      %dma_wait3A_131 = arith.constant 0 : i32
      %dma_wait3A_132 = arith.constant 0 : i32
      %dma_wait3A_133 = tpu.memref_slice %arg2[%dma_wait3A_130, %dma_wait3A_131, %dma_wait3A_132] : memref<7168x3x112xi32, #tpu.memory_space<hbm>> -> memref<1x3x112xi32, #tpu.memory_space<hbm>>
      %dma_wait3A_134 = tpu.memref_squeeze %dma_wait3A_133 : memref<1x3x112xi32, #tpu.memory_space<hbm>> -> memref<3x112xi32, #tpu.memory_space<hbm>>
      %dma_wait3A_135 = arith.constant 0 : i32
      %dma_wait3A_136 = arith.constant 0 : i32
      %dma_wait3A_137 = tpu.memref_slice %arg2[%dma_wait3A_130, %dma_wait3A_135, %dma_wait3A_136] : memref<7168x3x112xi32, #tpu.memory_space<hbm>> -> memref<1x3x112xi32, #tpu.memory_space<hbm>>
      %dma_wait3A_138 = tpu.memref_squeeze %dma_wait3A_137 : memref<1x3x112xi32, #tpu.memory_space<hbm>> -> memref<3x112xi32, #tpu.memory_space<hbm>>
      tpu.wait_dma2 semaphore(%arg13 : memref<!tpu.dma_semaphore, #tpu.memory_space<semaphore_mem>>) src(%dma_wait3A_138 : memref<3x112xi32, #tpu.memory_space<hbm>>) dst(%arg6 : memref<3x112xi32, #tpu.memory_space<vmem>>)
      %scan3A_139 = arith.constant 0 : i32
      %scan3A_140 = arith.constant 0 : i32
      %scan3A_141 = arith.constant 7 : i32
      %scan3A_142 = arith.addi %scan3A_140, %scan3A_141 : i32
      %scan3A_143 = arith.constant 1 : i32
      %scan3A_144 = scf.for %scan3A_222 = %scan3A_140 to %scan3A_142 step %scan3A_143 iter_args(%scan3A_223 = %scan3A_139) -> (i32)  : i32 {
        %mul3A_224 = arith.constant 16 : i32
        %mul3A_225 = arith.muli %scan3A_222, %mul3A_224 : i32
        %get3A = arith.constant 1 : i32
        %get3A_226 = arith.index_cast %get3A : i32 to index
        %get3A_227 = arith.index_cast %mul3A_225 : i32 to index
        %get3A_228 = tpu.vector_load %arg6[%get3A_226, %get3A_227] {strides = array<i32>} : memref<3x112xi32, #tpu.memory_space<vmem>>, vector<1x16xi32>,
        %get3A_229 = vector.shape_cast %get3A_228 : vector<1x16xi32> to vector<16xi32>
        %sub3A = vector.broadcast %mul3A_0 : i32 to vector<16xi32>
        %sub3A_230 = arith.subi %get3A_229, %sub3A : vector<16xi32>
        %ge3A = arith.constant 0 : i32
        %ge3A_231 = vector.broadcast %ge3A : i32 to vector<16xi32>
        %ge3A_232 = arith.cmpi sge, %sub3A_230, %ge3A_231 : vector<16xi32>
        %lt3A = arith.constant 25088 : i32
        %lt3A_233 = vector.broadcast %lt3A : i32 to vector<16xi32>
        %lt3A_234 = arith.cmpi slt, %sub3A_230, %lt3A_233 : vector<16xi32>
        %and3A = arith.andi %ge3A_232, %lt3A_234 : vector<16xi1>
        %and3A_235 = arith.constant 15 : i32
        %and3A_236 = vector.broadcast %and3A_235 : i32 to vector<16xi32>
        %and3A_237 = arith.andi %get3A_229, %and3A_236 : vector<16xi32>
        %add3A_238 = arith.constant 25088 : i32
        %add3A_239 = vector.broadcast %add3A_238 : i32 to vector<16xi32>
        %add3A_240 = arith.addi %add3A_239, %and3A_237 : vector<16xi32>
        %select_n3A = arith.select %and3A, %sub3A_230, %add3A_240 : vector<16xi1>, vector<16xi32>
        %mul3A_241 = arith.constant 16 : i32
        %mul3A_242 = arith.muli %scan3A_222, %mul3A_241 : i32
        %swap3A = arith.index_cast %mul3A_242 : i32 to index
        %swap3A_243 = tpu.vector_load %arg8[%swap3A] {strides = array<i32>} : memref<112xi32, #tpu.memory_space<vmem>>, vector<16xi32>,
        %swap3A_244 = vector.shape_cast %swap3A_243 : vector<16xi32> to vector<16xi32>
        %swap3A_245 = vector.shape_cast %select_n3A : vector<16xi32> to vector<16xi32>
        tpu.vector_store %arg8[%swap3A], %swap3A_245 {strides = array<i32>} : memref<112xi32, #tpu.memory_space<vmem>>, vector<16xi32>,
        %scan3A_246 = arith.constant 0 : i32
        scf.yield %scan3A_246 : i32
      }
      %scan3A_145 = arith.constant 7 : i32
      %dma_start3A_146 = arith.constant 2 : i32
      %dma_start3A_147 = arith.constant 0 : i32
      %dma_start3A_148 = tpu.memref_slice %arg6[%dma_start3A_146, %dma_start3A_147] : memref<3x112xi32, #tpu.memory_space<vmem>> -> memref<1x112xi32, #tpu.memory_space<vmem>>
      %dma_start3A_149 = tpu.memref_squeeze %dma_start3A_148 : memref<1x112xi32, #tpu.memory_space<vmem>> -> memref<112xi32, #tpu.memory_space<vmem>>
      %dma_start3A_150 = arith.constant 0 : i32
      %dma_start3A_151 = arith.constant 0 : i32
      %dma_start3A_152 = tpu.memref_slice %arg3[%dma_start3A_150, %dma_start3A_151] : memref<512x64xf32, #tpu.memory_space<hbm>> -> memref<512x64xf32, #tpu.memory_space<hbm>>
      tpu.enqueue_indirect_dma source(%dma_start3A_152 : memref<512x64xf32, #tpu.memory_space<hbm>>) target(%arg10 : memref<112x64xf32, #tpu.memory_space<vmem>>) offsets(%dma_start3A_149 : memref<112xi32, #tpu.memory_space<vmem>>) semaphore(%arg15 : memref<!tpu.dma_semaphore, #tpu.memory_space<semaphore_mem>>)
      %dma_wait3A_153 = arith.constant 2 : i32
      %dma_wait3A_154 = arith.constant 0 : i32
      %dma_wait3A_155 = tpu.memref_slice %arg5[%dma_wait3A_153, %dma_wait3A_154] : memref<3x112xi32, #tpu.memory_space<vmem>> -> memref<1x112xi32, #tpu.memory_space<vmem>>
      %dma_wait3A_156 = tpu.memref_squeeze %dma_wait3A_155 : memref<1x112xi32, #tpu.memory_space<vmem>> -> memref<112xi32, #tpu.memory_space<vmem>>
      %dma_wait3A_157 = arith.constant 0 : i32
      %dma_wait3A_158 = arith.constant 0 : i32
      %dma_wait3A_159 = tpu.memref_slice %arg3[%dma_wait3A_157, %dma_wait3A_158] : memref<512x64xf32, #tpu.memory_space<hbm>> -> memref<512x64xf32, #tpu.memory_space<hbm>>
      tpu.wait_indirect_dma semaphore(%arg14 : memref<!tpu.dma_semaphore, #tpu.memory_space<semaphore_mem>>) src(%dma_wait3A_159 : memref<512x64xf32, #tpu.memory_space<hbm>>) dst(%arg9 : memref<112x64xf32, #tpu.memory_space<vmem>>)
      %add3A_160 = arith.constant 2 : i32
      %add3A_161 = arith.addi %add3A_127, %add3A_160 : i32
      %dma_start3A_162 = arith.constant 0 : i32
      %dma_start3A_163 = arith.constant 0 : i32
      %dma_start3A_164 = tpu.memref_slice %arg2[%add3A_161, %dma_start3A_162, %dma_start3A_163] : memref<7168x3x112xi32, #tpu.memory_space<hbm>> -> memref<1x3x112xi32, #tpu.memory_space<hbm>>
      %dma_start3A_165 = tpu.memref_squeeze %dma_start3A_164 : memref<1x3x112xi32, #tpu.memory_space<hbm>> -> memref<3x112xi32, #tpu.memory_space<hbm>>
      %dma_start3A_166 = arith.constant 0 : i32
      %dma_start3A_167 = arith.constant 0 : i32
      %dma_start3A_168 = tpu.memref_slice %arg2[%add3A_161, %dma_start3A_166, %dma_start3A_167] : memref<7168x3x112xi32, #tpu.memory_space<hbm>> -> memref<1x3x112xi32, #tpu.memory_space<hbm>>
      %dma_start3A_169 = tpu.memref_squeeze %dma_start3A_168 : memref<1x3x112xi32, #tpu.memory_space<hbm>> -> memref<3x112xi32, #tpu.memory_space<hbm>>
      tpu.enqueue_dma source(%dma_start3A_169 : memref<3x112xi32, #tpu.memory_space<hbm>>) target(%arg5 : memref<3x112xi32, #tpu.memory_space<vmem>>) target_semaphore(%arg12 : memref<!tpu.dma_semaphore, #tpu.memory_space<semaphore_mem>>)
      %dma_start3A_170 = arith.constant 0 : i32
      %dma_start3A_171 = arith.constant 0 : i32
      %dma_start3A_172 = tpu.memref_slice %arg11[%dma_start3A_170, %dma_start3A_171] : memref<25104x64xf32, #tpu.memory_space<vmem_shared>> -> memref<25104x64xf32, #tpu.memory_space<vmem_shared>>
      tpu.enqueue_indirect_dma source(%arg9 : memref<112x64xf32, #tpu.memory_space<vmem>>) target(%dma_start3A_172 : memref<25104x64xf32, #tpu.memory_space<vmem_shared>>) offsets(%arg7 : memref<112xi32, #tpu.memory_space<vmem>>) semaphore(%arg16 : memref<!tpu.dma_semaphore, #tpu.memory_space<semaphore_mem>>) {add = true}
      %add3A_173 = arith.constant 1 : i32
      %add3A_174 = arith.addi %add3A_125, %add3A_173 : i32
      %dma_wait3A_175 = arith.constant 0 : i32
      %dma_wait3A_176 = arith.constant 0 : i32
      %dma_wait3A_177 = tpu.memref_slice %arg11[%dma_wait3A_175, %dma_wait3A_176] : memref<25104x64xf32, #tpu.memory_space<vmem_shared>> -> memref<25104x64xf32, #tpu.memory_space<vmem_shared>>
      tpu.wait_indirect_dma semaphore(%arg16 : memref<!tpu.dma_semaphore, #tpu.memory_space<semaphore_mem>>) src(%arg9 : memref<112x64xf32, #tpu.memory_space<vmem>>) dst(%dma_wait3A_177 : memref<25104x64xf32, #tpu.memory_space<vmem_shared>>)
      %dma_wait3A_178 = arith.constant 0 : i32
      %dma_wait3A_179 = arith.constant 0 : i32
      %dma_wait3A_180 = arith.constant 0 : i32
      %dma_wait3A_181 = tpu.memref_slice %arg2[%dma_wait3A_178, %dma_wait3A_179, %dma_wait3A_180] : memref<7168x3x112xi32, #tpu.memory_space<hbm>> -> memref<1x3x112xi32, #tpu.memory_space<hbm>>
      %dma_wait3A_182 = tpu.memref_squeeze %dma_wait3A_181 : memref<1x3x112xi32, #tpu.memory_space<hbm>> -> memref<3x112xi32, #tpu.memory_space<hbm>>
      %dma_wait3A_183 = arith.constant 0 : i32
      %dma_wait3A_184 = arith.constant 0 : i32
      %dma_wait3A_185 = tpu.memref_slice %arg2[%dma_wait3A_178, %dma_wait3A_183, %dma_wait3A_184] : memref<7168x3x112xi32, #tpu.memory_space<hbm>> -> memref<1x3x112xi32, #tpu.memory_space<hbm>>
      %dma_wait3A_186 = tpu.memref_squeeze %dma_wait3A_185 : memref<1x3x112xi32, #tpu.memory_space<hbm>> -> memref<3x112xi32, #tpu.memory_space<hbm>>
      tpu.wait_dma2 semaphore(%arg12 : memref<!tpu.dma_semaphore, #tpu.memory_space<semaphore_mem>>) src(%dma_wait3A_186 : memref<3x112xi32, #tpu.memory_space<hbm>>) dst(%arg5 : memref<3x112xi32, #tpu.memory_space<vmem>>)
      %scan3A_187 = arith.constant 0 : i32
      %scan3A_188 = arith.constant 0 : i32
      %scan3A_189 = arith.constant 7 : i32
      %scan3A_190 = arith.addi %scan3A_188, %scan3A_189 : i32
      %scan3A_191 = arith.constant 1 : i32
      %scan3A_192 = scf.for %scan3A_222 = %scan3A_188 to %scan3A_190 step %scan3A_191 iter_args(%scan3A_223 = %scan3A_187) -> (i32)  : i32 {
        %mul3A_224 = arith.constant 16 : i32
        %mul3A_225 = arith.muli %scan3A_222, %mul3A_224 : i32
        %get3A = arith.constant 1 : i32
        %get3A_226 = arith.index_cast %get3A : i32 to index
        %get3A_227 = arith.index_cast %mul3A_225 : i32 to index
        %get3A_228 = tpu.vector_load %arg5[%get3A_226, %get3A_227] {strides = array<i32>} : memref<3x112xi32, #tpu.memory_space<vmem>>, vector<1x16xi32>,
        %get3A_229 = vector.shape_cast %get3A_228 : vector<1x16xi32> to vector<16xi32>
        %sub3A = vector.broadcast %mul3A_0 : i32 to vector<16xi32>
        %sub3A_230 = arith.subi %get3A_229, %sub3A : vector<16xi32>
        %ge3A = arith.constant 0 : i32
        %ge3A_231 = vector.broadcast %ge3A : i32 to vector<16xi32>
        %ge3A_232 = arith.cmpi sge, %sub3A_230, %ge3A_231 : vector<16xi32>
        %lt3A = arith.constant 25088 : i32
        %lt3A_233 = vector.broadcast %lt3A : i32 to vector<16xi32>
        %lt3A_234 = arith.cmpi slt, %sub3A_230, %lt3A_233 : vector<16xi32>
        %and3A = arith.andi %ge3A_232, %lt3A_234 : vector<16xi1>
        %and3A_235 = arith.constant 15 : i32
        %and3A_236 = vector.broadcast %and3A_235 : i32 to vector<16xi32>
        %and3A_237 = arith.andi %get3A_229, %and3A_236 : vector<16xi32>
        %add3A_238 = arith.constant 25088 : i32
        %add3A_239 = vector.broadcast %add3A_238 : i32 to vector<16xi32>
        %add3A_240 = arith.addi %add3A_239, %and3A_237 : vector<16xi32>
        %select_n3A = arith.select %and3A, %sub3A_230, %add3A_240 : vector<16xi1>, vector<16xi32>
        %mul3A_241 = arith.constant 16 : i32
        %mul3A_242 = arith.muli %scan3A_222, %mul3A_241 : i32
        %swap3A = arith.index_cast %mul3A_242 : i32 to index
        %swap3A_243 = tpu.vector_load %arg7[%swap3A] {strides = array<i32>} : memref<112xi32, #tpu.memory_space<vmem>>, vector<16xi32>,
        %swap3A_244 = vector.shape_cast %swap3A_243 : vector<16xi32> to vector<16xi32>
        %swap3A_245 = vector.shape_cast %select_n3A : vector<16xi32> to vector<16xi32>
        tpu.vector_store %arg7[%swap3A], %swap3A_245 {strides = array<i32>} : memref<112xi32, #tpu.memory_space<vmem>>, vector<16xi32>,
        %scan3A_246 = arith.constant 0 : i32
        scf.yield %scan3A_246 : i32
      }
      %scan3A_193 = arith.constant 7 : i32
      %dma_start3A_194 = arith.constant 2 : i32
      %dma_start3A_195 = arith.constant 0 : i32
      %dma_start3A_196 = tpu.memref_slice %arg5[%dma_start3A_194, %dma_start3A_195] : memref<3x112xi32, #tpu.memory_space<vmem>> -> memref<1x112xi32, #tpu.memory_space<vmem>>
      %dma_start3A_197 = tpu.memref_squeeze %dma_start3A_196 : memref<1x112xi32, #tpu.memory_space<vmem>> -> memref<112xi32, #tpu.memory_space<vmem>>
      %dma_start3A_198 = arith.constant 0 : i32
      %dma_start3A_199 = arith.constant 0 : i32
      %dma_start3A_200 = tpu.memref_slice %arg3[%dma_start3A_198, %dma_start3A_199] : memref<512x64xf32, #tpu.memory_space<hbm>> -> memref<512x64xf32, #tpu.memory_space<hbm>>
      tpu.enqueue_indirect_dma source(%dma_start3A_200 : memref<512x64xf32, #tpu.memory_space<hbm>>) target(%arg9 : memref<112x64xf32, #tpu.memory_space<vmem>>) offsets(%dma_start3A_197 : memref<112xi32, #tpu.memory_space<vmem>>) semaphore(%arg14 : memref<!tpu.dma_semaphore, #tpu.memory_space<semaphore_mem>>)
      %dma_wait3A_201 = arith.constant 2 : i32
      %dma_wait3A_202 = arith.constant 0 : i32
      %dma_wait3A_203 = tpu.memref_slice %arg6[%dma_wait3A_201, %dma_wait3A_202] : memref<3x112xi32, #tpu.memory_space<vmem>> -> memref<1x112xi32, #tpu.memory_space<vmem>>
      %dma_wait3A_204 = tpu.memref_squeeze %dma_wait3A_203 : memref<1x112xi32, #tpu.memory_space<vmem>> -> memref<112xi32, #tpu.memory_space<vmem>>
      %dma_wait3A_205 = arith.constant 0 : i32
      %dma_wait3A_206 = arith.constant 0 : i32
      %dma_wait3A_207 = tpu.memref_slice %arg3[%dma_wait3A_205, %dma_wait3A_206] : memref<512x64xf32, #tpu.memory_space<hbm>> -> memref<512x64xf32, #tpu.memory_space<hbm>>
      tpu.wait_indirect_dma semaphore(%arg15 : memref<!tpu.dma_semaphore, #tpu.memory_space<semaphore_mem>>) src(%dma_wait3A_207 : memref<512x64xf32, #tpu.memory_space<hbm>>) dst(%arg10 : memref<112x64xf32, #tpu.memory_space<vmem>>)
      %add3A_208 = arith.constant 2 : i32
      %add3A_209 = arith.addi %add3A_174, %add3A_208 : i32
      %dma_start3A_210 = arith.constant 0 : i32
      %dma_start3A_211 = arith.constant 0 : i32
      %dma_start3A_212 = tpu.memref_slice %arg2[%add3A_209, %dma_start3A_210, %dma_start3A_211] : memref<7168x3x112xi32, #tpu.memory_space<hbm>> -> memref<1x3x112xi32, #tpu.memory_space<hbm>>
      %dma_start3A_213 = tpu.memref_squeeze %dma_start3A_212 : memref<1x3x112xi32, #tpu.memory_space<hbm>> -> memref<3x112xi32, #tpu.memory_space<hbm>>
      %dma_start3A_214 = arith.constant 0 : i32
      %dma_start3A_215 = arith.constant 0 : i32
      %dma_start3A_216 = tpu.memref_slice %arg2[%add3A_209, %dma_start3A_214, %dma_start3A_215] : memref<7168x3x112xi32, #tpu.memory_space<hbm>> -> memref<1x3x112xi32, #tpu.memory_space<hbm>>
      %dma_start3A_217 = tpu.memref_squeeze %dma_start3A_216 : memref<1x3x112xi32, #tpu.memory_space<hbm>> -> memref<3x112xi32, #tpu.memory_space<hbm>>
      tpu.enqueue_dma source(%dma_start3A_217 : memref<3x112xi32, #tpu.memory_space<hbm>>) target(%arg6 : memref<3x112xi32, #tpu.memory_space<vmem>>) target_semaphore(%arg13 : memref<!tpu.dma_semaphore, #tpu.memory_space<semaphore_mem>>)
      %dma_start3A_218 = arith.constant 0 : i32
      %dma_start3A_219 = arith.constant 0 : i32
      %dma_start3A_220 = tpu.memref_slice %arg11[%dma_start3A_218, %dma_start3A_219] : memref<25104x64xf32, #tpu.memory_space<vmem_shared>> -> memref<25104x64xf32, #tpu.memory_space<vmem_shared>>
      tpu.enqueue_indirect_dma source(%arg10 : memref<112x64xf32, #tpu.memory_space<vmem>>) target(%dma_start3A_220 : memref<25104x64xf32, #tpu.memory_space<vmem_shared>>) offsets(%arg8 : memref<112xi32, #tpu.memory_space<vmem>>) semaphore(%arg16 : memref<!tpu.dma_semaphore, #tpu.memory_space<semaphore_mem>>) {add = true}
      %scan3A_221 = arith.constant 0 : i32
      scf.yield %scan3A_221 : i32
    }
    %scan3A_60 = arith.constant 223 : i32
    %dma_wait3A_61 = arith.constant 0 : i32
    %dma_wait3A_62 = arith.constant 0 : i32
    %dma_wait3A_63 = tpu.memref_slice %arg11[%dma_wait3A_61, %dma_wait3A_62] : memref<25104x64xf32, #tpu.memory_space<vmem_shared>> -> memref<25104x64xf32, #tpu.memory_space<vmem_shared>>
    tpu.wait_indirect_dma semaphore(%arg16 : memref<!tpu.dma_semaphore, #tpu.memory_space<semaphore_mem>>) src(%arg9 : memref<112x64xf32, #tpu.memory_space<vmem>>) dst(%dma_wait3A_63 : memref<25104x64xf32, #tpu.memory_space<vmem_shared>>)
    %dma_wait3A_64 = arith.constant 0 : i32
    %dma_wait3A_65 = arith.constant 0 : i32
    %dma_wait3A_66 = arith.constant 0 : i32
    %dma_wait3A_67 = tpu.memref_slice %arg2[%dma_wait3A_64, %dma_wait3A_65, %dma_wait3A_66] : memref<7168x3x112xi32, #tpu.memory_space<hbm>> -> memref<1x3x112xi32, #tpu.memory_space<hbm>>
    %dma_wait3A_68 = tpu.memref_squeeze %dma_wait3A_67 : memref<1x3x112xi32, #tpu.memory_space<hbm>> -> memref<3x112xi32, #tpu.memory_space<hbm>>
    %dma_wait3A_69 = arith.constant 0 : i32
    %dma_wait3A_70 = arith.constant 0 : i32
    %dma_wait3A_71 = tpu.memref_slice %arg2[%dma_wait3A_64, %dma_wait3A_69, %dma_wait3A_70] : memref<7168x3x112xi32, #tpu.memory_space<hbm>> -> memref<1x3x112xi32, #tpu.memory_space<hbm>>
    %dma_wait3A_72 = tpu.memref_squeeze %dma_wait3A_71 : memref<1x3x112xi32, #tpu.memory_space<hbm>> -> memref<3x112xi32, #tpu.memory_space<hbm>>
    tpu.wait_dma2 semaphore(%arg13 : memref<!tpu.dma_semaphore, #tpu.memory_space<semaphore_mem>>) src(%dma_wait3A_72 : memref<3x112xi32, #tpu.memory_space<hbm>>) dst(%arg6 : memref<3x112xi32, #tpu.memory_space<vmem>>)
    %scan3A_73 = arith.constant 0 : i32
    %scan3A_74 = arith.constant 0 : i32
    %scan3A_75 = arith.constant 7 : i32
    %scan3A_76 = arith.addi %scan3A_74, %scan3A_75 : i32
    %scan3A_77 = arith.constant 1 : i32
    %scan3A_78 = scf.for %scan3A_121 = %scan3A_74 to %scan3A_76 step %scan3A_77 iter_args(%scan3A_122 = %scan3A_73) -> (i32)  : i32 {
      %mul3A_123 = arith.constant 16 : i32
      %mul3A_124 = arith.muli %scan3A_121, %mul3A_123 : i32
      %get3A = arith.constant 1 : i32
      %get3A_125 = arith.index_cast %get3A : i32 to index
      %get3A_126 = arith.index_cast %mul3A_124 : i32 to index
      %get3A_127 = tpu.vector_load %arg6[%get3A_125, %get3A_126] {strides = array<i32>} : memref<3x112xi32, #tpu.memory_space<vmem>>, vector<1x16xi32>,
      %get3A_128 = vector.shape_cast %get3A_127 : vector<1x16xi32> to vector<16xi32>
      %sub3A = vector.broadcast %mul3A_0 : i32 to vector<16xi32>
      %sub3A_129 = arith.subi %get3A_128, %sub3A : vector<16xi32>
      %ge3A = arith.constant 0 : i32
      %ge3A_130 = vector.broadcast %ge3A : i32 to vector<16xi32>
      %ge3A_131 = arith.cmpi sge, %sub3A_129, %ge3A_130 : vector<16xi32>
      %lt3A = arith.constant 25088 : i32
      %lt3A_132 = vector.broadcast %lt3A : i32 to vector<16xi32>
      %lt3A_133 = arith.cmpi slt, %sub3A_129, %lt3A_132 : vector<16xi32>
      %and3A = arith.andi %ge3A_131, %lt3A_133 : vector<16xi1>
      %and3A_134 = arith.constant 15 : i32
      %and3A_135 = vector.broadcast %and3A_134 : i32 to vector<16xi32>
      %and3A_136 = arith.andi %get3A_128, %and3A_135 : vector<16xi32>
      %add3A_137 = arith.constant 25088 : i32
      %add3A_138 = vector.broadcast %add3A_137 : i32 to vector<16xi32>
      %add3A_139 = arith.addi %add3A_138, %and3A_136 : vector<16xi32>
      %select_n3A = arith.select %and3A, %sub3A_129, %add3A_139 : vector<16xi1>, vector<16xi32>
      %mul3A_140 = arith.constant 16 : i32
      %mul3A_141 = arith.muli %scan3A_121, %mul3A_140 : i32
      %swap3A = arith.index_cast %mul3A_141 : i32 to index
      %swap3A_142 = tpu.vector_load %arg8[%swap3A] {strides = array<i32>} : memref<112xi32, #tpu.memory_space<vmem>>, vector<16xi32>,
      %swap3A_143 = vector.shape_cast %swap3A_142 : vector<16xi32> to vector<16xi32>
      %swap3A_144 = vector.shape_cast %select_n3A : vector<16xi32> to vector<16xi32>
      tpu.vector_store %arg8[%swap3A], %swap3A_144 {strides = array<i32>} : memref<112xi32, #tpu.memory_space<vmem>>, vector<16xi32>,
      %scan3A_145 = arith.constant 0 : i32
      scf.yield %scan3A_145 : i32
    }
    %scan3A_79 = arith.constant 7 : i32
    %dma_start3A_80 = arith.constant 2 : i32
    %dma_start3A_81 = arith.constant 0 : i32
    %dma_start3A_82 = tpu.memref_slice %arg6[%dma_start3A_80, %dma_start3A_81] : memref<3x112xi32, #tpu.memory_space<vmem>> -> memref<1x112xi32, #tpu.memory_space<vmem>>
    %dma_start3A_83 = tpu.memref_squeeze %dma_start3A_82 : memref<1x112xi32, #tpu.memory_space<vmem>> -> memref<112xi32, #tpu.memory_space<vmem>>
    %dma_start3A_84 = arith.constant 0 : i32
    %dma_start3A_85 = arith.constant 0 : i32
    %dma_start3A_86 = tpu.memref_slice %arg3[%dma_start3A_84, %dma_start3A_85] : memref<512x64xf32, #tpu.memory_space<hbm>> -> memref<512x64xf32, #tpu.memory_space<hbm>>
    tpu.enqueue_indirect_dma source(%dma_start3A_86 : memref<512x64xf32, #tpu.memory_space<hbm>>) target(%arg10 : memref<112x64xf32, #tpu.memory_space<vmem>>) offsets(%dma_start3A_83 : memref<112xi32, #tpu.memory_space<vmem>>) semaphore(%arg15 : memref<!tpu.dma_semaphore, #tpu.memory_space<semaphore_mem>>)
    %dma_wait3A_87 = arith.constant 2 : i32
    %dma_wait3A_88 = arith.constant 0 : i32
    %dma_wait3A_89 = tpu.memref_slice %arg5[%dma_wait3A_87, %dma_wait3A_88] : memref<3x112xi32, #tpu.memory_space<vmem>> -> memref<1x112xi32, #tpu.memory_space<vmem>>
    %dma_wait3A_90 = tpu.memref_squeeze %dma_wait3A_89 : memref<1x112xi32, #tpu.memory_space<vmem>> -> memref<112xi32, #tpu.memory_space<vmem>>
    %dma_wait3A_91 = arith.constant 0 : i32
    %dma_wait3A_92 = arith.constant 0 : i32
    %dma_wait3A_93 = tpu.memref_slice %arg3[%dma_wait3A_91, %dma_wait3A_92] : memref<512x64xf32, #tpu.memory_space<hbm>> -> memref<512x64xf32, #tpu.memory_space<hbm>>
    tpu.wait_indirect_dma semaphore(%arg14 : memref<!tpu.dma_semaphore, #tpu.memory_space<semaphore_mem>>) src(%dma_wait3A_93 : memref<512x64xf32, #tpu.memory_space<hbm>>) dst(%arg9 : memref<112x64xf32, #tpu.memory_space<vmem>>)
    %dma_start3A_94 = arith.constant 0 : i32
    %dma_start3A_95 = arith.constant 0 : i32
    %dma_start3A_96 = tpu.memref_slice %arg11[%dma_start3A_94, %dma_start3A_95] : memref<25104x64xf32, #tpu.memory_space<vmem_shared>> -> memref<25104x64xf32, #tpu.memory_space<vmem_shared>>
    tpu.enqueue_indirect_dma source(%arg9 : memref<112x64xf32, #tpu.memory_space<vmem>>) target(%dma_start3A_96 : memref<25104x64xf32, #tpu.memory_space<vmem_shared>>) offsets(%arg7 : memref<112xi32, #tpu.memory_space<vmem>>) semaphore(%arg16 : memref<!tpu.dma_semaphore, #tpu.memory_space<semaphore_mem>>) {add = true}
    %dma_wait3A_97 = arith.constant 0 : i32
    %dma_wait3A_98 = arith.constant 0 : i32
    %dma_wait3A_99 = tpu.memref_slice %arg11[%dma_wait3A_97, %dma_wait3A_98] : memref<25104x64xf32, #tpu.memory_space<vmem_shared>> -> memref<25104x64xf32, #tpu.memory_space<vmem_shared>>
    tpu.wait_indirect_dma semaphore(%arg16 : memref<!tpu.dma_semaphore, #tpu.memory_space<semaphore_mem>>) src(%arg9 : memref<112x64xf32, #tpu.memory_space<vmem>>) dst(%dma_wait3A_99 : memref<25104x64xf32, #tpu.memory_space<vmem_shared>>)
    %dma_wait3A_100 = arith.constant 2 : i32
    %dma_wait3A_101 = arith.constant 0 : i32
    %dma_wait3A_102 = tpu.memref_slice %arg6[%dma_wait3A_100, %dma_wait3A_101] : memref<3x112xi32, #tpu.memory_space<vmem>> -> memref<1x112xi32, #tpu.memory_space<vmem>>
    %dma_wait3A_103 = tpu.memref_squeeze %dma_wait3A_102 : memref<1x112xi32, #tpu.memory_space<vmem>> -> memref<112xi32, #tpu.memory_space<vmem>>
    %dma_wait3A_104 = arith.constant 0 : i32
    %dma_wait3A_105 = arith.constant 0 : i32
    %dma_wait3A_106 = tpu.memref_slice %arg3[%dma_wait3A_104, %dma_wait3A_105] : memref<512x64xf32, #tpu.memory_space<hbm>> -> memref<512x64xf32, #tpu.memory_space<hbm>>
    tpu.wait_indirect_dma semaphore(%arg15 : memref<!tpu.dma_semaphore, #tpu.memory_space<semaphore_mem>>) src(%dma_wait3A_106 : memref<512x64xf32, #tpu.memory_space<hbm>>) dst(%arg10 : memref<112x64xf32, #tpu.memory_space<vmem>>)
    %dma_start3A_107 = arith.constant 0 : i32
    %dma_start3A_108 = arith.constant 0 : i32
    %dma_start3A_109 = tpu.memref_slice %arg11[%dma_start3A_107, %dma_start3A_108] : memref<25104x64xf32, #tpu.memory_space<vmem_shared>> -> memref<25104x64xf32, #tpu.memory_space<vmem_shared>>
    tpu.enqueue_indirect_dma source(%arg10 : memref<112x64xf32, #tpu.memory_space<vmem>>) target(%dma_start3A_109 : memref<25104x64xf32, #tpu.memory_space<vmem_shared>>) offsets(%arg8 : memref<112xi32, #tpu.memory_space<vmem>>) semaphore(%arg16 : memref<!tpu.dma_semaphore, #tpu.memory_space<semaphore_mem>>) {add = true}
    %dma_wait3A_110 = arith.constant 0 : i32
    %dma_wait3A_111 = arith.constant 0 : i32
    %dma_wait3A_112 = tpu.memref_slice %arg11[%dma_wait3A_110, %dma_wait3A_111] : memref<25104x64xf32, #tpu.memory_space<vmem_shared>> -> memref<25104x64xf32, #tpu.memory_space<vmem_shared>>
    tpu.wait_indirect_dma semaphore(%arg16 : memref<!tpu.dma_semaphore, #tpu.memory_space<semaphore_mem>>) src(%arg9 : memref<112x64xf32, #tpu.memory_space<vmem>>) dst(%dma_wait3A_112 : memref<25104x64xf32, #tpu.memory_space<vmem_shared>>)
    %barrier3A_113 = arith.constant 0 : index
    tpu.barrier barrier_id(%barrier3A_113)
    %mul3A_114 = arith.constant 1568 : i32
    %mul3A_115 = arith.muli %arg1, %mul3A_114 : i32
    %mul3A_116 = arith.constant 25088 : i32
    %mul3A_117 = arith.muli %arg0, %mul3A_116 : i32
    %mul3A_118 = arith.constant 1568 : i32
    %mul3A_119 = arith.muli %arg1, %mul3A_118 : i32
    %add3A_120 = arith.addi %mul3A_117, %mul3A_119 : i32
    "tpu.region"() ({
      %run_scoped3A = tpu.sem_alloc : memref<!tpu.dma_semaphore, #tpu.memory_space<semaphore_mem>>
      %dma_start3A_121 = arith.constant 0 : i32
      %dma_start3A_122 = tpu.memref_slice %arg4[%add3A_120, %dma_start3A_121] : memref<50176x64xf32, #tpu.memory_space<hbm>> -> memref<1568x64xf32, #tpu.memory_space<hbm>>
      %dma_start3A_123 = arith.constant 0 : i32
      %dma_start3A_124 = tpu.memref_slice %arg11[%mul3A_115, %dma_start3A_123] : memref<25104x64xf32, #tpu.memory_space<vmem_shared>> -> memref<1568x64xf32, #tpu.memory_space<vmem_shared>>
      tpu.enqueue_dma source(%dma_start3A_124 : memref<1568x64xf32, #tpu.memory_space<vmem_shared>>) target(%dma_start3A_122 : memref<1568x64xf32, #tpu.memory_space<hbm>>) target_semaphore(%run_scoped3A : memref<!tpu.dma_semaphore, #tpu.memory_space<semaphore_mem>>)
      %dma_wait3A_125 = arith.constant 0 : i32
      %dma_wait3A_126 = tpu.memref_slice %arg4[%add3A_120, %dma_wait3A_125] : memref<50176x64xf32, #tpu.memory_space<hbm>> -> memref<1568x64xf32, #tpu.memory_space<hbm>>
      %dma_wait3A_127 = arith.constant 0 : i32
      %dma_wait3A_128 = tpu.memref_slice %arg11[%mul3A_115, %dma_wait3A_127] : memref<25104x64xf32, #tpu.memory_space<vmem_shared>> -> memref<1568x64xf32, #tpu.memory_space<vmem_shared>>
      tpu.wait_dma2 semaphore(%run_scoped3A : memref<!tpu.dma_semaphore, #tpu.memory_space<semaphore_mem>>) src(%dma_wait3A_128 : memref<1568x64xf32, #tpu.memory_space<vmem_shared>>) dst(%dma_wait3A_126 : memref<1568x64xf32, #tpu.memory_space<hbm>>)
      tpu.yield
    }) : () -> ()
    return
  }
}

module attributes {stable_mosaic.version = 14 : i64} {
  func.func @_prep_body(%arg0: memref<512x64xf32, #tpu.memory_space<vmem>>, %arg1: memref<2x64x64xf32, #tpu.memory_space<vmem>>, %arg2: memref<2x64xf32, #tpu.memory_space<vmem>>, %arg3: memref<512x64xf32, #tpu.memory_space<vmem>>, %arg4: memref<2x64x64xf32, #tpu.memory_space<vmem>>, %arg5: memref<2x64xf32, #tpu.memory_space<vmem>>, %arg6: memref<8x64xf32, #tpu.memory_space<vmem>>, %arg7: memref<512x64xf32, #tpu.memory_space<vmem>>, %arg8: memref<512x64xf32, #tpu.memory_space<vmem>>) attributes {dimension_semantics = [], scalar_prefetch = 0 : i64, scratch_operands = 0 : i64, tpu.core_type = #tpu.core_type<tc>} {
    %get3A = arith.constant 1 : index
    %get3A_0 = arith.constant 0 : index
    %get3A_1 = vector.load %arg0[%get3A, %get3A_0] : memref<512x64xf32, #tpu.memory_space<vmem>>, vector<1x64xf32>
    %get3A_2 = arith.constant 0 : index
    %get3A_3 = arith.constant 0 : index
    %get3A_4 = arith.constant 0 : index
    %get3A_5 = vector.load %arg1[%get3A_2, %get3A_3, %get3A_4] : memref<2x64x64xf32, #tpu.memory_space<vmem>>, vector<1x64x64xf32>
    %get3A_6 = vector.shape_cast %get3A_5 : vector<1x64x64xf32> to vector<64x64xf32>
    %dot_general3A = arith.constant dense<0.000000e+00> : vector<1x64xf32>
    %dot_general3A_7 = tpu.matmul %get3A_1, %get3A_6, %dot_general3A {dimension_numbers = #tpu.dot_dimension_numbers<[1], [0], [0], [1], [0, 0, 1, 1], [], []>, transpose_lhs_hint = false} : vector<1x64xf32>, vector<64x64xf32>, vector<1x64xf32> -> vector<1x64xf32>
    %get3A_8 = arith.constant 0 : index
    %get3A_9 = arith.constant 0 : index
    %get3A_10 = vector.load %arg2[%get3A_8, %get3A_9] : memref<2x64xf32, #tpu.memory_space<vmem>>, vector<1x64xf32>
    %add3A = arith.addf %dot_general3A_7, %get3A_10 : vector<1x64xf32>
    %max3A = arith.constant 0.000000e+00 : f32
    %max3A_11 = vector.broadcast %max3A : f32 to vector<1x64xf32>
    %max3A_12 = arith.maximumf %add3A, %max3A_11 : vector<1x64xf32>
    %get3A_13 = arith.constant 1 : index
    %get3A_14 = arith.constant 0 : index
    %get3A_15 = arith.constant 0 : index
    %get3A_16 = vector.load %arg1[%get3A_13, %get3A_14, %get3A_15] : memref<2x64x64xf32, #tpu.memory_space<vmem>>, vector<1x64x64xf32>
    %get3A_17 = vector.shape_cast %get3A_16 : vector<1x64x64xf32> to vector<64x64xf32>
    %dot_general3A_18 = arith.constant dense<0.000000e+00> : vector<1x64xf32>
    %dot_general3A_19 = tpu.matmul %max3A_12, %get3A_17, %dot_general3A_18 {dimension_numbers = #tpu.dot_dimension_numbers<[1], [0], [0], [1], [0, 0, 1, 1], [], []>, transpose_lhs_hint = false} : vector<1x64xf32>, vector<64x64xf32>, vector<1x64xf32> -> vector<1x64xf32>
    %get3A_20 = arith.constant 1 : index
    %get3A_21 = arith.constant 0 : index
    %get3A_22 = vector.load %arg2[%get3A_20, %get3A_21] : memref<2x64xf32, #tpu.memory_space<vmem>>, vector<1x64xf32>
    %add3A_23 = arith.addf %dot_general3A_19, %get3A_22 : vector<1x64xf32>
    %max3A_24 = arith.constant 0.000000e+00 : f32
    %max3A_25 = vector.broadcast %max3A_24 : f32 to vector<1x64xf32>
    %max3A_26 = arith.maximumf %add3A_23, %max3A_25 : vector<1x64xf32>
    %get3A_27 = arith.constant 0 : index
    %get3A_28 = arith.constant 0 : index
    %get3A_29 = vector.load %arg3[%get3A_27, %get3A_28] : memref<512x64xf32, #tpu.memory_space<vmem>>, vector<512x64xf32>
    %get3A_30 = arith.constant 0 : index
    %get3A_31 = arith.constant 0 : index
    %get3A_32 = arith.constant 0 : index
    %get3A_33 = vector.load %arg4[%get3A_30, %get3A_31, %get3A_32] : memref<2x64x64xf32, #tpu.memory_space<vmem>>, vector<1x64x64xf32>
    %get3A_34 = vector.shape_cast %get3A_33 : vector<1x64x64xf32> to vector<64x64xf32>
    %dot_general3A_35 = arith.constant dense<0.000000e+00> : vector<512x64xf32>
    %dot_general3A_36 = tpu.matmul %get3A_29, %get3A_34, %dot_general3A_35 {dimension_numbers = #tpu.dot_dimension_numbers<[1], [0], [0], [1], [0, 0, 1, 1], [], []>, transpose_lhs_hint = false} : vector<512x64xf32>, vector<64x64xf32>, vector<512x64xf32> -> vector<512x64xf32>
    %get3A_37 = arith.constant 0 : index
    %get3A_38 = arith.constant 0 : index
    %get3A_39 = vector.load %arg5[%get3A_37, %get3A_38] : memref<2x64xf32, #tpu.memory_space<vmem>>, vector<1x64xf32>
    %add3A_40 = vector.broadcast %get3A_39 : vector<1x64xf32> to vector<512x64xf32>
    %add3A_41 = arith.addf %dot_general3A_36, %add3A_40 : vector<512x64xf32>
    %max3A_42 = arith.constant 0.000000e+00 : f32
    %max3A_43 = vector.broadcast %max3A_42 : f32 to vector<512x64xf32>
    %max3A_44 = arith.maximumf %add3A_41, %max3A_43 : vector<512x64xf32>
    %get3A_45 = arith.constant 1 : index
    %get3A_46 = arith.constant 0 : index
    %get3A_47 = arith.constant 0 : index
    %get3A_48 = vector.load %arg4[%get3A_45, %get3A_46, %get3A_47] : memref<2x64x64xf32, #tpu.memory_space<vmem>>, vector<1x64x64xf32>
    %get3A_49 = vector.shape_cast %get3A_48 : vector<1x64x64xf32> to vector<64x64xf32>
    %dot_general3A_50 = arith.constant dense<0.000000e+00> : vector<512x64xf32>
    %dot_general3A_51 = tpu.matmul %max3A_44, %get3A_49, %dot_general3A_50 {dimension_numbers = #tpu.dot_dimension_numbers<[1], [0], [0], [1], [0, 0, 1, 1], [], []>, transpose_lhs_hint = false} : vector<512x64xf32>, vector<64x64xf32>, vector<512x64xf32> -> vector<512x64xf32>
    %get3A_52 = arith.constant 1 : index
    %get3A_53 = arith.constant 0 : index
    %get3A_54 = vector.load %arg5[%get3A_52, %get3A_53] : memref<2x64xf32, #tpu.memory_space<vmem>>, vector<1x64xf32>
    %add3A_55 = vector.broadcast %get3A_54 : vector<1x64xf32> to vector<512x64xf32>
    %add3A_56 = arith.addf %dot_general3A_51, %add3A_55 : vector<512x64xf32>
    %max3A_57 = arith.constant 0.000000e+00 : f32
    %max3A_58 = vector.broadcast %max3A_57 : f32 to vector<512x64xf32>
    %max3A_59 = arith.maximumf %add3A_56, %max3A_58 : vector<512x64xf32>
    %broadcast_in_dim3A = vector.shape_cast %max3A_26 : vector<1x64xf32> to vector<1x64xf32>
    %broadcast_in_dim3A_60 = vector.broadcast %broadcast_in_dim3A : vector<1x64xf32> to vector<8x64xf32>
    %swap3A = arith.constant 0 : index
    %swap3A_61 = arith.constant 0 : index
    %swap3A_62 = vector.load %arg6[%swap3A, %swap3A_61] : memref<8x64xf32, #tpu.memory_space<vmem>>, vector<8x64xf32>
    tpu.vector_store %arg6[%swap3A, %swap3A_61], %broadcast_in_dim3A_60 {strides = array<i32>} : memref<8x64xf32, #tpu.memory_space<vmem>>, vector<8x64xf32>,
    %swap3A_63 = arith.constant 0 : index
    %swap3A_64 = arith.constant 0 : index
    %swap3A_65 = vector.load %arg7[%swap3A_63, %swap3A_64] : memref<512x64xf32, #tpu.memory_space<vmem>>, vector<512x64xf32>
    tpu.vector_store %arg7[%swap3A_63, %swap3A_64], %max3A_59 {strides = array<i32>} : memref<512x64xf32, #tpu.memory_space<vmem>>, vector<512x64xf32>,
    %add3A_66 = vector.broadcast %max3A_26 : vector<1x64xf32> to vector<512x64xf32>
    %add3A_67 = arith.addf %max3A_59, %add3A_66 : vector<512x64xf32>
    %max3A_68 = arith.constant 0.000000e+00 : f32
    %max3A_69 = vector.broadcast %max3A_68 : f32 to vector<512x64xf32>
    %max3A_70 = arith.maximumf %add3A_67, %max3A_69 : vector<512x64xf32>
    %swap3A_71 = arith.constant 0 : index
    %swap3A_72 = arith.constant 0 : index
    %swap3A_73 = vector.load %arg8[%swap3A_71, %swap3A_72] : memref<512x64xf32, #tpu.memory_space<vmem>>, vector<512x64xf32>
    tpu.vector_store %arg8[%swap3A_71, %swap3A_72], %max3A_70 {strides = array<i32>} : memref<512x64xf32, #tpu.memory_space<vmem>>, vector<512x64xf32>,
    return
  }
}

module attributes {stable_mosaic.version = 14 : i64} {
  func.func @_a0_body(%arg0: i32, %arg1: memref<1xf32, #tpu.memory_space<smem>>, %arg2: memref<8x64xf32, #tpu.memory_space<vmem>>, %arg3: memref<1000x64xf32, #tpu.memory_space<vmem>>, %arg4: memref<64x128xf32, #tpu.memory_space<vmem>>, %arg5: memref<1x128xf32, #tpu.memory_space<vmem>>, %arg6: memref<128x64xf32, #tpu.memory_space<vmem>>, %arg7: memref<1x64xf32, #tpu.memory_space<vmem>>, %arg8: memref<1000x64xf32, #tpu.memory_space<vmem>>, %arg9: memref<8x64xf32, #tpu.memory_space<vmem>>, %arg10: memref<8x64xf32, #tpu.memory_space<vmem>>) attributes {dimension_semantics = [#tpu.dimension_semantics<arbitrary>], iteration_bounds = array<i64: 50>, scalar_prefetch = 0 : i64, scratch_operands = 1 : i64, tpu.core_type = #tpu.core_type<tc>, window_params = [{transform_indices = @transform_0, window_bounds = array<i64: 1>}, {pipeline_mode = #tpu.pipeline_mode<synchronous>, transform_indices = @transform_1, window_bounds = array<i64: 8, 64>}, {transform_indices = @transform_2, window_bounds = array<i64: 1000, 64>}, {pipeline_mode = #tpu.pipeline_mode<synchronous>, transform_indices = @transform_3, window_bounds = array<i64: 64, 128>}, {pipeline_mode = #tpu.pipeline_mode<synchronous>, transform_indices = @transform_4, window_bounds = array<i64: 1, 128>}, {pipeline_mode = #tpu.pipeline_mode<synchronous>, transform_indices = @transform_5, window_bounds = array<i64: 128, 64>}, {pipeline_mode = #tpu.pipeline_mode<synchronous>, transform_indices = @transform_6, window_bounds = array<i64: 1, 64>}, {transform_indices = @transform_7, window_bounds = array<i64: 1000, 64>}, {pipeline_mode = #tpu.pipeline_mode<synchronous>, transform_indices = @transform_8, window_bounds = array<i64: 8, 64>}]} {
    %get3A = arith.constant 0 : index
    %get3A_0 = memref.load %arg1[%get3A] : memref<1xf32, #tpu.memory_space<smem>>
    %add3A = arith.constant 1.000000e+00 : f32
    %add3A_1 = arith.addf %add3A, %get3A_0 : f32
    %get3A_2 = arith.constant 0 : index
    %get3A_3 = arith.constant 0 : index
    %get3A_4 = vector.load %arg2[%get3A_2, %get3A_3] : memref<8x64xf32, #tpu.memory_space<vmem>>, vector<1x64xf32>
    %mul3A = vector.broadcast %add3A_1 : f32 to vector<1x64xf32>
    %mul3A_5 = arith.mulf %mul3A, %get3A_4 : vector<1x64xf32>
    %get3A_6 = arith.constant 0 : index
    %get3A_7 = arith.constant 0 : index
    %get3A_8 = vector.load %arg3[%get3A_6, %get3A_7] : memref<1000x64xf32, #tpu.memory_space<vmem>>, vector<1000x64xf32>
    %add3A_9 = vector.broadcast %mul3A_5 : vector<1x64xf32> to vector<1000x64xf32>
    %add3A_10 = arith.addf %add3A_9, %get3A_8 : vector<1000x64xf32>
    %get3A_11 = arith.constant 0 : index
    %get3A_12 = arith.constant 0 : index
    %get3A_13 = vector.load %arg4[%get3A_11, %get3A_12] : memref<64x128xf32, #tpu.memory_space<vmem>>, vector<64x128xf32>
    %dot_general3A = arith.constant dense<0.000000e+00> : vector<1000x128xf32>
    %dot_general3A_14 = tpu.matmul %add3A_10, %get3A_13, %dot_general3A {dimension_numbers = #tpu.dot_dimension_numbers<[1], [0], [0], [1], [0, 0, 1, 1], [], []>, transpose_lhs_hint = false} : vector<1000x64xf32>, vector<64x128xf32>, vector<1000x128xf32> -> vector<1000x128xf32>
    %get3A_15 = arith.constant 0 : index
    %get3A_16 = arith.constant 0 : index
    %get3A_17 = vector.load %arg5[%get3A_15, %get3A_16] : memref<1x128xf32, #tpu.memory_space<vmem>>, vector<1x128xf32>
    %add3A_18 = vector.broadcast %get3A_17 : vector<1x128xf32> to vector<1000x128xf32>
    %add3A_19 = arith.addf %dot_general3A_14, %add3A_18 : vector<1000x128xf32>
    %max3A = arith.constant 0.000000e+00 : f32
    %max3A_20 = vector.broadcast %max3A : f32 to vector<1000x128xf32>
    %max3A_21 = arith.maximumf %add3A_19, %max3A_20 : vector<1000x128xf32>
    %get3A_22 = arith.constant 0 : index
    %get3A_23 = arith.constant 0 : index
    %get3A_24 = vector.load %arg6[%get3A_22, %get3A_23] : memref<128x64xf32, #tpu.memory_space<vmem>>, vector<128x64xf32>
    %dot_general3A_25 = arith.constant dense<0.000000e+00> : vector<1000x64xf32>
    %dot_general3A_26 = tpu.matmul %max3A_21, %get3A_24, %dot_general3A_25 {dimension_numbers = #tpu.dot_dimension_numbers<[1], [0], [0], [1], [0, 0, 1, 1], [], []>, transpose_lhs_hint = false} : vector<1000x128xf32>, vector<128x64xf32>, vector<1000x64xf32> -> vector<1000x64xf32>
    %get3A_27 = arith.constant 0 : index
    %get3A_28 = arith.constant 0 : index
    %get3A_29 = vector.load %arg7[%get3A_27, %get3A_28] : memref<1x64xf32, #tpu.memory_space<vmem>>, vector<1x64xf32>
    %add3A_30 = vector.broadcast %get3A_29 : vector<1x64xf32> to vector<1000x64xf32>
    %add3A_31 = arith.addf %dot_general3A_26, %add3A_30 : vector<1000x64xf32>
    %swap3A = arith.constant 0 : index
    %swap3A_32 = arith.constant 0 : index
    %swap3A_33 = vector.load %arg8[%swap3A, %swap3A_32] : memref<1000x64xf32, #tpu.memory_space<vmem>>, vector<1000x64xf32>
    tpu.vector_store %arg8[%swap3A, %swap3A_32], %add3A_31 {strides = array<i32>} : memref<1000x64xf32, #tpu.memory_space<vmem>>, vector<1000x64xf32>,
    %eq3A = arith.constant 0 : i32
    %eq3A_34 = arith.cmpi eq, %arg0, %eq3A : i32
    %convert_element_type3A = arith.extui %eq3A_34 : i1 to i32
    %cond3A = arith.constant 0 : i32
    %cond3A_35 = arith.cmpi ne, %convert_element_type3A, %cond3A : i32
    scf.if %cond3A_35 {
      %broadcast_in_dim3A_61 = arith.constant 0.000000e+00 : f32
      %broadcast_in_dim3A_62 = vector.broadcast %broadcast_in_dim3A_61 : f32 to vector<8x64xf32>
      %swap3A_63 = arith.constant 0 : index
      %swap3A_64 = arith.constant 0 : index
      %swap3A_65 = vector.load %arg10[%swap3A_63, %swap3A_64] : memref<8x64xf32, #tpu.memory_space<vmem>>, vector<8x64xf32>
      tpu.vector_store %arg10[%swap3A_63, %swap3A_64], %broadcast_in_dim3A_62 {strides = array<i32>} : memref<8x64xf32, #tpu.memory_space<vmem>>, vector<8x64xf32>,
    } else {
    }
    %get3A_36 = arith.constant 0 : index
    %get3A_37 = arith.constant 0 : index
    %get3A_38 = vector.load %arg10[%get3A_36, %get3A_37] : memref<8x64xf32, #tpu.memory_space<vmem>>, vector<1x64xf32>
    %reduce_sum3A = arith.constant dense<0.000000e+00> : vector<64xf32>
    %reduce_sum3A_39 = vector.multi_reduction <add>, %add3A_31, %reduce_sum3A [0] : vector<1000x64xf32> to vector<64xf32>
    %broadcast_in_dim3A = vector.shape_cast %reduce_sum3A_39 : vector<64xf32> to vector<1x64xf32>
    %add3A_40 = arith.addf %get3A_38, %broadcast_in_dim3A : vector<1x64xf32>
    %swap3A_41 = arith.constant 0 : index
    %swap3A_42 = arith.constant 0 : index
    %swap3A_43 = vector.load %arg10[%swap3A_41, %swap3A_42] : memref<8x64xf32, #tpu.memory_space<vmem>>, vector<1x64xf32>
    tpu.vector_store %arg10[%swap3A_41, %swap3A_42], %add3A_40 {strides = array<i32>} : memref<8x64xf32, #tpu.memory_space<vmem>>, vector<1x64xf32>,
    %get3A_44 = arith.constant 1 : index
    %get3A_45 = arith.constant 0 : index
    %get3A_46 = vector.load %arg10[%get3A_44, %get3A_45] : memref<8x64xf32, #tpu.memory_space<vmem>>, vector<1x64xf32>
    %mul3A_47 = arith.mulf %add3A_31, %add3A_31 : vector<1000x64xf32>
    %reduce_sum3A_48 = arith.constant dense<0.000000e+00> : vector<64xf32>
    %reduce_sum3A_49 = vector.multi_reduction <add>, %mul3A_47, %reduce_sum3A_48 [0] : vector<1000x64xf32> to vector<64xf32>
    %broadcast_in_dim3A_50 = vector.shape_cast %reduce_sum3A_49 : vector<64xf32> to vector<1x64xf32>
    %add3A_51 = arith.addf %get3A_46, %broadcast_in_dim3A_50 : vector<1x64xf32>
    %swap3A_52 = arith.constant 1 : index
    %swap3A_53 = arith.constant 0 : index
    %swap3A_54 = vector.load %arg10[%swap3A_52, %swap3A_53] : memref<8x64xf32, #tpu.memory_space<vmem>>, vector<1x64xf32>
    tpu.vector_store %arg10[%swap3A_52, %swap3A_53], %add3A_51 {strides = array<i32>} : memref<8x64xf32, #tpu.memory_space<vmem>>, vector<1x64xf32>,
    %get3A_55 = arith.constant 0 : index
    %get3A_56 = arith.constant 0 : index
    %get3A_57 = vector.load %arg10[%get3A_55, %get3A_56] : memref<8x64xf32, #tpu.memory_space<vmem>>, vector<8x64xf32>
    %swap3A_58 = arith.constant 0 : index
    %swap3A_59 = arith.constant 0 : index
    %swap3A_60 = vector.load %arg9[%swap3A_58, %swap3A_59] : memref<8x64xf32, #tpu.memory_space<vmem>>, vector<8x64xf32>
    tpu.vector_store %arg9[%swap3A_58, %swap3A_59], %get3A_57 {strides = array<i32>} : memref<8x64xf32, #tpu.memory_space<vmem>>, vector<8x64xf32>,
    return
  }
  func.func @transform_0(%arg0: i32) -> i32 {
    %c0_i32 = arith.constant 0 : i32
    %c0_i32_0 = arith.constant 0 : i32
    return %c0_i32 : i32
  }
  func.func @transform_1(%arg0: i32) -> (i32, i32) {
    %c0_i32 = arith.constant 0 : i32
    %c0_i32_0 = arith.constant 0 : i32
    %c0_i32_1 = arith.constant 0 : i32
    return %c0_i32, %c0_i32_0 : i32, i32
  }
  func.func @transform_2(%arg0: i32) -> (i32, i32) {
    %c0_i32 = arith.constant 0 : i32
    %c0_i32_0 = arith.constant 0 : i32
    return %arg0, %c0_i32 : i32, i32
  }
  func.func @transform_3(%arg0: i32) -> (i32, i32) {
    %c0_i32 = arith.constant 0 : i32
    %c0_i32_0 = arith.constant 0 : i32
    %c0_i32_1 = arith.constant 0 : i32
    return %c0_i32, %c0_i32_0 : i32, i32
  }
  func.func @transform_4(%arg0: i32) -> (i32, i32) {
    %c0_i32 = arith.constant 0 : i32
    %c0_i32_0 = arith.constant 0 : i32
    %c0_i32_1 = arith.constant 0 : i32
    return %c0_i32, %c0_i32_0 : i32, i32
  }
  func.func @transform_5(%arg0: i32) -> (i32, i32) {
    %c0_i32 = arith.constant 0 : i32
    %c0_i32_0 = arith.constant 0 : i32
    %c0_i32_1 = arith.constant 0 : i32
    return %c0_i32, %c0_i32_0 : i32, i32
  }
  func.func @transform_6(%arg0: i32) -> (i32, i32) {
    %c0_i32 = arith.constant 0 : i32
    %c0_i32_0 = arith.constant 0 : i32
    %c0_i32_1 = arith.constant 0 : i32
    return %c0_i32, %c0_i32_0 : i32, i32
  }
  func.func @transform_7(%arg0: i32) -> (i32, i32) {
    %c0_i32 = arith.constant 0 : i32
    %c0_i32_0 = arith.constant 0 : i32
    return %arg0, %c0_i32 : i32, i32
  }
  func.func @transform_8(%arg0: i32) -> (i32, i32) {
    %c0_i32 = arith.constant 0 : i32
    %c0_i32_0 = arith.constant 0 : i32
    %c0_i32_1 = arith.constant 0 : i32
    return %c0_i32, %c0_i32_0 : i32, i32
  }
}

module attributes {stable_mosaic.version = 14 : i64} {
  func.func @_bn_body(%arg0: i32, %arg1: memref<1000x64xf32, #tpu.memory_space<vmem>>, %arg2: memref<8x64xf32, #tpu.memory_space<vmem>>, %arg3: memref<1x64xf32, #tpu.memory_space<vmem>>, %arg4: memref<1x64xf32, #tpu.memory_space<vmem>>, %arg5: memref<1000x64xf32, #tpu.memory_space<vmem>>) attributes {dimension_semantics = [#tpu.dimension_semantics<arbitrary>], iteration_bounds = array<i64: 50>, scalar_prefetch = 0 : i64, scratch_operands = 0 : i64, tpu.core_type = #tpu.core_type<tc>, window_params = [{transform_indices = @transform_0, window_bounds = array<i64: 1000, 64>}, {pipeline_mode = #tpu.pipeline_mode<synchronous>, transform_indices = @transform_1, window_bounds = array<i64: 8, 64>}, {pipeline_mode = #tpu.pipeline_mode<synchronous>, transform_indices = @transform_2, window_bounds = array<i64: 1, 64>}, {pipeline_mode = #tpu.pipeline_mode<synchronous>, transform_indices = @transform_3, window_bounds = array<i64: 1, 64>}, {transform_indices = @transform_4, window_bounds = array<i64: 1000, 64>}]} {
    %get3A = arith.constant 0 : index
    %get3A_0 = arith.constant 0 : index
    %get3A_1 = vector.load %arg2[%get3A, %get3A_0] : memref<8x64xf32, #tpu.memory_space<vmem>>, vector<1x64xf32>
    %mul3A = arith.constant 2.000000e-05 : f32
    %mul3A_2 = vector.broadcast %mul3A : f32 to vector<1x64xf32>
    %mul3A_3 = arith.mulf %get3A_1, %mul3A_2 : vector<1x64xf32>
    %get3A_4 = arith.constant 1 : index
    %get3A_5 = arith.constant 0 : index
    %get3A_6 = vector.load %arg2[%get3A_4, %get3A_5] : memref<8x64xf32, #tpu.memory_space<vmem>>, vector<1x64xf32>
    %mul3A_7 = arith.constant 2.000000e-05 : f32
    %mul3A_8 = vector.broadcast %mul3A_7 : f32 to vector<1x64xf32>
    %mul3A_9 = arith.mulf %get3A_6, %mul3A_8 : vector<1x64xf32>
    %mul3A_10 = arith.mulf %mul3A_3, %mul3A_3 : vector<1x64xf32>
    %sub3A = arith.subf %mul3A_9, %mul3A_10 : vector<1x64xf32>
    %add3A = arith.constant 9.99999974E-6 : f32
    %add3A_11 = vector.broadcast %add3A : f32 to vector<1x64xf32>
    %add3A_12 = arith.addf %sub3A, %add3A_11 : vector<1x64xf32>
    %rsqrt3A = math.rsqrt %add3A_12 : vector<1x64xf32>
    %get3A_13 = arith.constant 0 : index
    %get3A_14 = arith.constant 0 : index
    %get3A_15 = vector.load %arg3[%get3A_13, %get3A_14] : memref<1x64xf32, #tpu.memory_space<vmem>>, vector<1x64xf32>
    %get3A_16 = arith.constant 0 : index
    %get3A_17 = arith.constant 0 : index
    %get3A_18 = vector.load %arg1[%get3A_16, %get3A_17] : memref<1000x64xf32, #tpu.memory_space<vmem>>, vector<1000x64xf32>
    %sub3A_19 = vector.broadcast %mul3A_3 : vector<1x64xf32> to vector<1000x64xf32>
    %sub3A_20 = arith.subf %get3A_18, %sub3A_19 : vector<1000x64xf32>
    %mul3A_21 = vector.broadcast %rsqrt3A : vector<1x64xf32> to vector<1000x64xf32>
    %mul3A_22 = arith.mulf %sub3A_20, %mul3A_21 : vector<1000x64xf32>
    %mul3A_23 = vector.broadcast %get3A_15 : vector<1x64xf32> to vector<1000x64xf32>
    %mul3A_24 = arith.mulf %mul3A_23, %mul3A_22 : vector<1000x64xf32>
    %get3A_25 = arith.constant 0 : index
    %get3A_26 = arith.constant 0 : index
    %get3A_27 = vector.load %arg4[%get3A_25, %get3A_26] : memref<1x64xf32, #tpu.memory_space<vmem>>, vector<1x64xf32>
    %add3A_28 = vector.broadcast %get3A_27 : vector<1x64xf32> to vector<1000x64xf32>
    %add3A_29 = arith.addf %mul3A_24, %add3A_28 : vector<1000x64xf32>
    %max3A = arith.constant 0.000000e+00 : f32
    %max3A_30 = vector.broadcast %max3A : f32 to vector<1000x64xf32>
    %max3A_31 = arith.maximumf %add3A_29, %max3A_30 : vector<1000x64xf32>
    %swap3A = arith.constant 0 : index
    %swap3A_32 = arith.constant 0 : index
    %swap3A_33 = vector.load %arg5[%swap3A, %swap3A_32] : memref<1000x64xf32, #tpu.memory_space<vmem>>, vector<1000x64xf32>
    tpu.vector_store %arg5[%swap3A, %swap3A_32], %max3A_31 {strides = array<i32>} : memref<1000x64xf32, #tpu.memory_space<vmem>>, vector<1000x64xf32>,
    return
  }
  func.func @transform_0(%arg0: i32) -> (i32, i32) {
    %c0_i32 = arith.constant 0 : i32
    %c0_i32_0 = arith.constant 0 : i32
    return %arg0, %c0_i32 : i32, i32
  }
  func.func @transform_1(%arg0: i32) -> (i32, i32) {
    %c0_i32 = arith.constant 0 : i32
    %c0_i32_0 = arith.constant 0 : i32
    %c0_i32_1 = arith.constant 0 : i32
    return %c0_i32, %c0_i32_0 : i32, i32
  }
  func.func @transform_2(%arg0: i32) -> (i32, i32) {
    %c0_i32 = arith.constant 0 : i32
    %c0_i32_0 = arith.constant 0 : i32
    %c0_i32_1 = arith.constant 0 : i32
    return %c0_i32, %c0_i32_0 : i32, i32
  }
  func.func @transform_3(%arg0: i32) -> (i32, i32) {
    %c0_i32 = arith.constant 0 : i32
    %c0_i32_0 = arith.constant 0 : i32
    %c0_i32_1 = arith.constant 0 : i32
    return %c0_i32, %c0_i32_0 : i32, i32
  }
  func.func @transform_4(%arg0: i32) -> (i32, i32) {
    %c0_i32 = arith.constant 0 : i32
    %c0_i32_0 = arith.constant 0 : i32
    return %arg0, %c0_i32 : i32, i32
  }
}

module attributes {stable_mosaic.version = 14 : i64} {
  func.func @_a_body(%arg0: i32, %arg1: memref<1xf32, #tpu.memory_space<smem>>, %arg2: memref<1000x64xf32, #tpu.memory_space<vmem>>, %arg3: memref<1000x64xf32, #tpu.memory_space<vmem>>, %arg4: memref<64x128xf32, #tpu.memory_space<vmem>>, %arg5: memref<1x128xf32, #tpu.memory_space<vmem>>, %arg6: memref<128x64xf32, #tpu.memory_space<vmem>>, %arg7: memref<1x64xf32, #tpu.memory_space<vmem>>, %arg8: memref<1000x64xf32, #tpu.memory_space<vmem>>, %arg9: memref<8x64xf32, #tpu.memory_space<vmem>>, %arg10: memref<8x64xf32, #tpu.memory_space<vmem>>) attributes {dimension_semantics = [#tpu.dimension_semantics<arbitrary>], iteration_bounds = array<i64: 50>, scalar_prefetch = 0 : i64, scratch_operands = 1 : i64, tpu.core_type = #tpu.core_type<tc>, window_params = [{transform_indices = @transform_0, window_bounds = array<i64: 1>}, {transform_indices = @transform_1, window_bounds = array<i64: 1000, 64>}, {transform_indices = @transform_2, window_bounds = array<i64: 1000, 64>}, {pipeline_mode = #tpu.pipeline_mode<synchronous>, transform_indices = @transform_3, window_bounds = array<i64: 64, 128>}, {pipeline_mode = #tpu.pipeline_mode<synchronous>, transform_indices = @transform_4, window_bounds = array<i64: 1, 128>}, {pipeline_mode = #tpu.pipeline_mode<synchronous>, transform_indices = @transform_5, window_bounds = array<i64: 128, 64>}, {pipeline_mode = #tpu.pipeline_mode<synchronous>, transform_indices = @transform_6, window_bounds = array<i64: 1, 64>}, {transform_indices = @transform_7, window_bounds = array<i64: 1000, 64>}, {pipeline_mode = #tpu.pipeline_mode<synchronous>, transform_indices = @transform_8, window_bounds = array<i64: 8, 64>}]} {
    %get3A = arith.constant 0 : index
    %get3A_0 = memref.load %arg1[%get3A] : memref<1xf32, #tpu.memory_space<smem>>
    %add3A = arith.constant 1.000000e+00 : f32
    %add3A_1 = arith.addf %add3A, %get3A_0 : f32
    %get3A_2 = arith.constant 0 : index
    %get3A_3 = arith.constant 0 : index
    %get3A_4 = vector.load %arg2[%get3A_2, %get3A_3] : memref<1000x64xf32, #tpu.memory_space<vmem>>, vector<1000x64xf32>
    %mul3A = vector.broadcast %add3A_1 : f32 to vector<1000x64xf32>
    %mul3A_5 = arith.mulf %mul3A, %get3A_4 : vector<1000x64xf32>
    %get3A_6 = arith.constant 0 : index
    %get3A_7 = arith.constant 0 : index
    %get3A_8 = vector.load %arg3[%get3A_6, %get3A_7] : memref<1000x64xf32, #tpu.memory_space<vmem>>, vector<1000x64xf32>
    %add3A_9 = arith.addf %mul3A_5, %get3A_8 : vector<1000x64xf32>
    %get3A_10 = arith.constant 0 : index
    %get3A_11 = arith.constant 0 : index
    %get3A_12 = vector.load %arg4[%get3A_10, %get3A_11] : memref<64x128xf32, #tpu.memory_space<vmem>>, vector<64x128xf32>
    %dot_general3A = arith.constant dense<0.000000e+00> : vector<1000x128xf32>
    %dot_general3A_13 = tpu.matmul %add3A_9, %get3A_12, %dot_general3A {dimension_numbers = #tpu.dot_dimension_numbers<[1], [0], [0], [1], [0, 0, 1, 1], [], []>, transpose_lhs_hint = false} : vector<1000x64xf32>, vector<64x128xf32>, vector<1000x128xf32> -> vector<1000x128xf32>
    %get3A_14 = arith.constant 0 : index
    %get3A_15 = arith.constant 0 : index
    %get3A_16 = vector.load %arg5[%get3A_14, %get3A_15] : memref<1x128xf32, #tpu.memory_space<vmem>>, vector<1x128xf32>
    %add3A_17 = vector.broadcast %get3A_16 : vector<1x128xf32> to vector<1000x128xf32>
    %add3A_18 = arith.addf %dot_general3A_13, %add3A_17 : vector<1000x128xf32>
    %max3A = arith.constant 0.000000e+00 : f32
    %max3A_19 = vector.broadcast %max3A : f32 to vector<1000x128xf32>
    %max3A_20 = arith.maximumf %add3A_18, %max3A_19 : vector<1000x128xf32>
    %get3A_21 = arith.constant 0 : index
    %get3A_22 = arith.constant 0 : index
    %get3A_23 = vector.load %arg6[%get3A_21, %get3A_22] : memref<128x64xf32, #tpu.memory_space<vmem>>, vector<128x64xf32>
    %dot_general3A_24 = arith.constant dense<0.000000e+00> : vector<1000x64xf32>
    %dot_general3A_25 = tpu.matmul %max3A_20, %get3A_23, %dot_general3A_24 {dimension_numbers = #tpu.dot_dimension_numbers<[1], [0], [0], [1], [0, 0, 1, 1], [], []>, transpose_lhs_hint = false} : vector<1000x128xf32>, vector<128x64xf32>, vector<1000x64xf32> -> vector<1000x64xf32>
    %get3A_26 = arith.constant 0 : index
    %get3A_27 = arith.constant 0 : index
    %get3A_28 = vector.load %arg7[%get3A_26, %get3A_27] : memref<1x64xf32, #tpu.memory_space<vmem>>, vector<1x64xf32>
    %add3A_29 = vector.broadcast %get3A_28 : vector<1x64xf32> to vector<1000x64xf32>
    %add3A_30 = arith.addf %dot_general3A_25, %add3A_29 : vector<1000x64xf32>
    %swap3A = arith.constant 0 : index
    %swap3A_31 = arith.constant 0 : index
    %swap3A_32 = vector.load %arg8[%swap3A, %swap3A_31] : memref<1000x64xf32, #tpu.memory_space<vmem>>, vector<1000x64xf32>
    tpu.vector_store %arg8[%swap3A, %swap3A_31], %add3A_30 {strides = array<i32>} : memref<1000x64xf32, #tpu.memory_space<vmem>>, vector<1000x64xf32>,
    %eq3A = arith.constant 0 : i32
    %eq3A_33 = arith.cmpi eq, %arg0, %eq3A : i32
    %convert_element_type3A = arith.extui %eq3A_33 : i1 to i32
    %cond3A = arith.constant 0 : i32
    %cond3A_34 = arith.cmpi ne, %convert_element_type3A, %cond3A : i32
    scf.if %cond3A_34 {
      %broadcast_in_dim3A_60 = arith.constant 0.000000e+00 : f32
      %broadcast_in_dim3A_61 = vector.broadcast %broadcast_in_dim3A_60 : f32 to vector<8x64xf32>
      %swap3A_62 = arith.constant 0 : index
      %swap3A_63 = arith.constant 0 : index
      %swap3A_64 = vector.load %arg10[%swap3A_62, %swap3A_63] : memref<8x64xf32, #tpu.memory_space<vmem>>, vector<8x64xf32>
      tpu.vector_store %arg10[%swap3A_62, %swap3A_63], %broadcast_in_dim3A_61 {strides = array<i32>} : memref<8x64xf32, #tpu.memory_space<vmem>>, vector<8x64xf32>,
    } else {
    }
    %get3A_35 = arith.constant 0 : index
    %get3A_36 = arith.constant 0 : index
    %get3A_37 = vector.load %arg10[%get3A_35, %get3A_36] : memref<8x64xf32, #tpu.memory_space<vmem>>, vector<1x64xf32>
    %reduce_sum3A = arith.constant dense<0.000000e+00> : vector<64xf32>
    %reduce_sum3A_38 = vector.multi_reduction <add>, %add3A_30, %reduce_sum3A [0] : vector<1000x64xf32> to vector<64xf32>
    %broadcast_in_dim3A = vector.shape_cast %reduce_sum3A_38 : vector<64xf32> to vector<1x64xf32>
    %add3A_39 = arith.addf %get3A_37, %broadcast_in_dim3A : vector<1x64xf32>
    %swap3A_40 = arith.constant 0 : index
    %swap3A_41 = arith.constant 0 : index
    %swap3A_42 = vector.load %arg10[%swap3A_40, %swap3A_41] : memref<8x64xf32, #tpu.memory_space<vmem>>, vector<1x64xf32>
    tpu.vector_store %arg10[%swap3A_40, %swap3A_41], %add3A_39 {strides = array<i32>} : memref<8x64xf32, #tpu.memory_space<vmem>>, vector<1x64xf32>,
    %get3A_43 = arith.constant 1 : index
    %get3A_44 = arith.constant 0 : index
    %get3A_45 = vector.load %arg10[%get3A_43, %get3A_44] : memref<8x64xf32, #tpu.memory_space<vmem>>, vector<1x64xf32>
    %mul3A_46 = arith.mulf %add3A_30, %add3A_30 : vector<1000x64xf32>
    %reduce_sum3A_47 = arith.constant dense<0.000000e+00> : vector<64xf32>
    %reduce_sum3A_48 = vector.multi_reduction <add>, %mul3A_46, %reduce_sum3A_47 [0] : vector<1000x64xf32> to vector<64xf32>
    %broadcast_in_dim3A_49 = vector.shape_cast %reduce_sum3A_48 : vector<64xf32> to vector<1x64xf32>
    %add3A_50 = arith.addf %get3A_45, %broadcast_in_dim3A_49 : vector<1x64xf32>
    %swap3A_51 = arith.constant 1 : index
    %swap3A_52 = arith.constant 0 : index
    %swap3A_53 = vector.load %arg10[%swap3A_51, %swap3A_52] : memref<8x64xf32, #tpu.memory_space<vmem>>, vector<1x64xf32>
    tpu.vector_store %arg10[%swap3A_51, %swap3A_52], %add3A_50 {strides = array<i32>} : memref<8x64xf32, #tpu.memory_space<vmem>>, vector<1x64xf32>,
    %get3A_54 = arith.constant 0 : index
    %get3A_55 = arith.constant 0 : index
    %get3A_56 = vector.load %arg10[%get3A_54, %get3A_55] : memref<8x64xf32, #tpu.memory_space<vmem>>, vector<8x64xf32>
    %swap3A_57 = arith.constant 0 : index
    %swap3A_58 = arith.constant 0 : index
    %swap3A_59 = vector.load %arg9[%swap3A_57, %swap3A_58] : memref<8x64xf32, #tpu.memory_space<vmem>>, vector<8x64xf32>
    tpu.vector_store %arg9[%swap3A_57, %swap3A_58], %get3A_56 {strides = array<i32>} : memref<8x64xf32, #tpu.memory_space<vmem>>, vector<8x64xf32>,
    return
  }
  func.func @transform_0(%arg0: i32) -> i32 {
    %c0_i32 = arith.constant 0 : i32
    %c0_i32_0 = arith.constant 0 : i32
    return %c0_i32 : i32
  }
  func.func @transform_1(%arg0: i32) -> (i32, i32) {
    %c0_i32 = arith.constant 0 : i32
    %c0_i32_0 = arith.constant 0 : i32
    return %arg0, %c0_i32 : i32, i32
  }
  func.func @transform_2(%arg0: i32) -> (i32, i32) {
    %c0_i32 = arith.constant 0 : i32
    %c0_i32_0 = arith.constant 0 : i32
    return %arg0, %c0_i32 : i32, i32
  }
  func.func @transform_3(%arg0: i32) -> (i32, i32) {
    %c0_i32 = arith.constant 0 : i32
    %c0_i32_0 = arith.constant 0 : i32
    %c0_i32_1 = arith.constant 0 : i32
    return %c0_i32, %c0_i32_0 : i32, i32
  }
  func.func @transform_4(%arg0: i32) -> (i32, i32) {
    %c0_i32 = arith.constant 0 : i32
    %c0_i32_0 = arith.constant 0 : i32
    %c0_i32_1 = arith.constant 0 : i32
    return %c0_i32, %c0_i32_0 : i32, i32
  }
  func.func @transform_5(%arg0: i32) -> (i32, i32) {
    %c0_i32 = arith.constant 0 : i32
    %c0_i32_0 = arith.constant 0 : i32
    %c0_i32_1 = arith.constant 0 : i32
    return %c0_i32, %c0_i32_0 : i32, i32
  }
  func.func @transform_6(%arg0: i32) -> (i32, i32) {
    %c0_i32 = arith.constant 0 : i32
    %c0_i32_0 = arith.constant 0 : i32
    %c0_i32_1 = arith.constant 0 : i32
    return %c0_i32, %c0_i32_0 : i32, i32
  }
  func.func @transform_7(%arg0: i32) -> (i32, i32) {
    %c0_i32 = arith.constant 0 : i32
    %c0_i32_0 = arith.constant 0 : i32
    return %arg0, %c0_i32 : i32, i32
  }
  func.func @transform_8(%arg0: i32) -> (i32, i32) {
    %c0_i32 = arith.constant 0 : i32
    %c0_i32_0 = arith.constant 0 : i32
    %c0_i32_1 = arith.constant 0 : i32
    return %c0_i32, %c0_i32_0 : i32, i32
  }
}

module attributes {stable_mosaic.version = 14 : i64} {
  func.func @_bn_body(%arg0: i32, %arg1: memref<1000x64xf32, #tpu.memory_space<vmem>>, %arg2: memref<8x64xf32, #tpu.memory_space<vmem>>, %arg3: memref<1x64xf32, #tpu.memory_space<vmem>>, %arg4: memref<1x64xf32, #tpu.memory_space<vmem>>, %arg5: memref<1000x64xf32, #tpu.memory_space<vmem>>) attributes {dimension_semantics = [#tpu.dimension_semantics<arbitrary>], iteration_bounds = array<i64: 50>, scalar_prefetch = 0 : i64, scratch_operands = 0 : i64, tpu.core_type = #tpu.core_type<tc>, window_params = [{transform_indices = @transform_0, window_bounds = array<i64: 1000, 64>}, {pipeline_mode = #tpu.pipeline_mode<synchronous>, transform_indices = @transform_1, window_bounds = array<i64: 8, 64>}, {pipeline_mode = #tpu.pipeline_mode<synchronous>, transform_indices = @transform_2, window_bounds = array<i64: 1, 64>}, {pipeline_mode = #tpu.pipeline_mode<synchronous>, transform_indices = @transform_3, window_bounds = array<i64: 1, 64>}, {transform_indices = @transform_4, window_bounds = array<i64: 1000, 64>}]} {
    %get3A = arith.constant 0 : index
    %get3A_0 = arith.constant 0 : index
    %get3A_1 = vector.load %arg2[%get3A, %get3A_0] : memref<8x64xf32, #tpu.memory_space<vmem>>, vector<1x64xf32>
    %mul3A = arith.constant 2.000000e-05 : f32
    %mul3A_2 = vector.broadcast %mul3A : f32 to vector<1x64xf32>
    %mul3A_3 = arith.mulf %get3A_1, %mul3A_2 : vector<1x64xf32>
    %get3A_4 = arith.constant 1 : index
    %get3A_5 = arith.constant 0 : index
    %get3A_6 = vector.load %arg2[%get3A_4, %get3A_5] : memref<8x64xf32, #tpu.memory_space<vmem>>, vector<1x64xf32>
    %mul3A_7 = arith.constant 2.000000e-05 : f32
    %mul3A_8 = vector.broadcast %mul3A_7 : f32 to vector<1x64xf32>
    %mul3A_9 = arith.mulf %get3A_6, %mul3A_8 : vector<1x64xf32>
    %mul3A_10 = arith.mulf %mul3A_3, %mul3A_3 : vector<1x64xf32>
    %sub3A = arith.subf %mul3A_9, %mul3A_10 : vector<1x64xf32>
    %add3A = arith.constant 9.99999974E-6 : f32
    %add3A_11 = vector.broadcast %add3A : f32 to vector<1x64xf32>
    %add3A_12 = arith.addf %sub3A, %add3A_11 : vector<1x64xf32>
    %rsqrt3A = math.rsqrt %add3A_12 : vector<1x64xf32>
    %get3A_13 = arith.constant 0 : index
    %get3A_14 = arith.constant 0 : index
    %get3A_15 = vector.load %arg3[%get3A_13, %get3A_14] : memref<1x64xf32, #tpu.memory_space<vmem>>, vector<1x64xf32>
    %get3A_16 = arith.constant 0 : index
    %get3A_17 = arith.constant 0 : index
    %get3A_18 = vector.load %arg1[%get3A_16, %get3A_17] : memref<1000x64xf32, #tpu.memory_space<vmem>>, vector<1000x64xf32>
    %sub3A_19 = vector.broadcast %mul3A_3 : vector<1x64xf32> to vector<1000x64xf32>
    %sub3A_20 = arith.subf %get3A_18, %sub3A_19 : vector<1000x64xf32>
    %mul3A_21 = vector.broadcast %rsqrt3A : vector<1x64xf32> to vector<1000x64xf32>
    %mul3A_22 = arith.mulf %sub3A_20, %mul3A_21 : vector<1000x64xf32>
    %mul3A_23 = vector.broadcast %get3A_15 : vector<1x64xf32> to vector<1000x64xf32>
    %mul3A_24 = arith.mulf %mul3A_23, %mul3A_22 : vector<1000x64xf32>
    %get3A_25 = arith.constant 0 : index
    %get3A_26 = arith.constant 0 : index
    %get3A_27 = vector.load %arg4[%get3A_25, %get3A_26] : memref<1x64xf32, #tpu.memory_space<vmem>>, vector<1x64xf32>
    %add3A_28 = vector.broadcast %get3A_27 : vector<1x64xf32> to vector<1000x64xf32>
    %add3A_29 = arith.addf %mul3A_24, %add3A_28 : vector<1000x64xf32>
    %swap3A = arith.constant 0 : index
    %swap3A_30 = arith.constant 0 : index
    %swap3A_31 = vector.load %arg5[%swap3A, %swap3A_30] : memref<1000x64xf32, #tpu.memory_space<vmem>>, vector<1000x64xf32>
    tpu.vector_store %arg5[%swap3A, %swap3A_30], %add3A_29 {strides = array<i32>} : memref<1000x64xf32, #tpu.memory_space<vmem>>, vector<1000x64xf32>,
    return
  }
  func.func @transform_0(%arg0: i32) -> (i32, i32) {
    %c0_i32 = arith.constant 0 : i32
    %c0_i32_0 = arith.constant 0 : i32
    return %arg0, %c0_i32 : i32, i32
  }
  func.func @transform_1(%arg0: i32) -> (i32, i32) {
    %c0_i32 = arith.constant 0 : i32
    %c0_i32_0 = arith.constant 0 : i32
    %c0_i32_1 = arith.constant 0 : i32
    return %c0_i32, %c0_i32_0 : i32, i32
  }
  func.func @transform_2(%arg0: i32) -> (i32, i32) {
    %c0_i32 = arith.constant 0 : i32
    %c0_i32_0 = arith.constant 0 : i32
    %c0_i32_1 = arith.constant 0 : i32
    return %c0_i32, %c0_i32_0 : i32, i32
  }
  func.func @transform_3(%arg0: i32) -> (i32, i32) {
    %c0_i32 = arith.constant 0 : i32
    %c0_i32_0 = arith.constant 0 : i32
    %c0_i32_1 = arith.constant 0 : i32
    return %c0_i32, %c0_i32_0 : i32, i32
  }
  func.func @transform_4(%arg0: i32) -> (i32, i32) {
    %c0_i32 = arith.constant 0 : i32
    %c0_i32_0 = arith.constant 0 : i32
    return %arg0, %c0_i32 : i32, i32
  }
}

module attributes {stable_mosaic.version = 14 : i64} {
  func.func @_head_body(%arg0: i32, %arg1: memref<1024x64xf32, #tpu.memory_space<vmem>>, %arg2: memref<1024x64xf32, #tpu.memory_space<vmem>>, %arg3: memref<64x64xf32, #tpu.memory_space<vmem>>, %arg4: memref<64x64xf32, #tpu.memory_space<vmem>>, %arg5: memref<1x64xf32, #tpu.memory_space<vmem>>, %arg6: memref<64x8xf32, #tpu.memory_space<vmem>>, %arg7: memref<1x8xf32, #tpu.memory_space<vmem>>, %arg8: memref<1024x8xf32, #tpu.memory_space<vmem>>) attributes {dimension_semantics = [#tpu.dimension_semantics<arbitrary>], iteration_bounds = array<i64: 100>, scalar_prefetch = 0 : i64, scratch_operands = 0 : i64, tpu.core_type = #tpu.core_type<tc>, window_params = [{transform_indices = @transform_0, window_bounds = array<i64: 1024, 64>}, {transform_indices = @transform_1, window_bounds = array<i64: 1024, 64>}, {pipeline_mode = #tpu.pipeline_mode<synchronous>, transform_indices = @transform_2, window_bounds = array<i64: 64, 64>}, {pipeline_mode = #tpu.pipeline_mode<synchronous>, transform_indices = @transform_3, window_bounds = array<i64: 64, 64>}, {pipeline_mode = #tpu.pipeline_mode<synchronous>, transform_indices = @transform_4, window_bounds = array<i64: 1, 64>}, {pipeline_mode = #tpu.pipeline_mode<synchronous>, transform_indices = @transform_5, window_bounds = array<i64: 64, 8>}, {pipeline_mode = #tpu.pipeline_mode<synchronous>, transform_indices = @transform_6, window_bounds = array<i64: 1, 8>}, {transform_indices = @transform_7, window_bounds = array<i64: 1024, 8>}]} {
    %get3A = arith.constant 0 : index
    %get3A_0 = arith.constant 0 : index
    %get3A_1 = vector.load %arg1[%get3A, %get3A_0] : memref<1024x64xf32, #tpu.memory_space<vmem>>, vector<1024x64xf32>
    %get3A_2 = arith.constant 0 : index
    %get3A_3 = arith.constant 0 : index
    %get3A_4 = vector.load %arg3[%get3A_2, %get3A_3] : memref<64x64xf32, #tpu.memory_space<vmem>>, vector<64x64xf32>
    %dot_general3A = arith.constant dense<0.000000e+00> : vector<1024x64xf32>
    %dot_general3A_5 = tpu.matmul %get3A_1, %get3A_4, %dot_general3A {dimension_numbers = #tpu.dot_dimension_numbers<[1], [0], [0], [1], [0, 0, 1, 1], [], []>, transpose_lhs_hint = false} : vector<1024x64xf32>, vector<64x64xf32>, vector<1024x64xf32> -> vector<1024x64xf32>
    %get3A_6 = arith.constant 0 : index
    %get3A_7 = arith.constant 0 : index
    %get3A_8 = vector.load %arg2[%get3A_6, %get3A_7] : memref<1024x64xf32, #tpu.memory_space<vmem>>, vector<1024x64xf32>
    %get3A_9 = arith.constant 0 : index
    %get3A_10 = arith.constant 0 : index
    %get3A_11 = vector.load %arg4[%get3A_9, %get3A_10] : memref<64x64xf32, #tpu.memory_space<vmem>>, vector<64x64xf32>
    %dot_general3A_12 = arith.constant dense<0.000000e+00> : vector<1024x64xf32>
    %dot_general3A_13 = tpu.matmul %get3A_8, %get3A_11, %dot_general3A_12 {dimension_numbers = #tpu.dot_dimension_numbers<[1], [0], [0], [1], [0, 0, 1, 1], [], []>, transpose_lhs_hint = false} : vector<1024x64xf32>, vector<64x64xf32>, vector<1024x64xf32> -> vector<1024x64xf32>
    %add3A = arith.addf %dot_general3A_5, %dot_general3A_13 : vector<1024x64xf32>
    %get3A_14 = arith.constant 0 : index
    %get3A_15 = arith.constant 0 : index
    %get3A_16 = vector.load %arg5[%get3A_14, %get3A_15] : memref<1x64xf32, #tpu.memory_space<vmem>>, vector<1x64xf32>
    %add3A_17 = vector.broadcast %get3A_16 : vector<1x64xf32> to vector<1024x64xf32>
    %add3A_18 = arith.addf %add3A, %add3A_17 : vector<1024x64xf32>
    %max3A = arith.constant 0.000000e+00 : f32
    %max3A_19 = vector.broadcast %max3A : f32 to vector<1024x64xf32>
    %max3A_20 = arith.maximumf %add3A_18, %max3A_19 : vector<1024x64xf32>
    %get3A_21 = arith.constant 0 : index
    %get3A_22 = arith.constant 0 : index
    %get3A_23 = vector.load %arg6[%get3A_21, %get3A_22] : memref<64x8xf32, #tpu.memory_space<vmem>>, vector<64x8xf32>
    %dot_general3A_24 = arith.constant dense<0.000000e+00> : vector<1024x8xf32>
    %dot_general3A_25 = tpu.matmul %max3A_20, %get3A_23, %dot_general3A_24 {dimension_numbers = #tpu.dot_dimension_numbers<[1], [0], [0], [1], [0, 0, 1, 1], [], []>, transpose_lhs_hint = false} : vector<1024x64xf32>, vector<64x8xf32>, vector<1024x8xf32> -> vector<1024x8xf32>
    %get3A_26 = arith.constant 0 : index
    %get3A_27 = arith.constant 0 : index
    %get3A_28 = vector.load %arg7[%get3A_26, %get3A_27] : memref<1x8xf32, #tpu.memory_space<vmem>>, vector<1x8xf32>
    %add3A_29 = vector.broadcast %get3A_28 : vector<1x8xf32> to vector<1024x8xf32>
    %add3A_30 = arith.addf %dot_general3A_25, %add3A_29 : vector<1024x8xf32>
    %logistic3A = arith.negf %add3A_30 : vector<1024x8xf32>
    %logistic3A_31 = math.exp %logistic3A : vector<1024x8xf32>
    %logistic3A_32 = arith.constant 1.000000e+00 : f32
    %logistic3A_33 = vector.broadcast %logistic3A_32 : f32 to vector<1024x8xf32>
    %logistic3A_34 = arith.addf %logistic3A_33, %logistic3A_31 : vector<1024x8xf32>
    %logistic3A_35 = arith.divf %logistic3A_33, %logistic3A_34 : vector<1024x8xf32>
    %swap3A = arith.constant 0 : index
    %swap3A_36 = arith.constant 0 : index
    %swap3A_37 = vector.load %arg8[%swap3A, %swap3A_36] : memref<1024x8xf32, #tpu.memory_space<vmem>>, vector<1024x8xf32>
    tpu.vector_store %arg8[%swap3A, %swap3A_36], %logistic3A_35 {strides = array<i32>} : memref<1024x8xf32, #tpu.memory_space<vmem>>, vector<1024x8xf32>,
    return
  }
  func.func @transform_0(%arg0: i32) -> (i32, i32) {
    %c0_i32 = arith.constant 0 : i32
    %c0_i32_0 = arith.constant 0 : i32
    return %arg0, %c0_i32 : i32, i32
  }
  func.func @transform_1(%arg0: i32) -> (i32, i32) {
    %c0_i32 = arith.constant 0 : i32
    %c0_i32_0 = arith.constant 0 : i32
    return %arg0, %c0_i32 : i32, i32
  }
  func.func @transform_2(%arg0: i32) -> (i32, i32) {
    %c0_i32 = arith.constant 0 : i32
    %c0_i32_0 = arith.constant 0 : i32
    %c0_i32_1 = arith.constant 0 : i32
    return %c0_i32, %c0_i32_0 : i32, i32
  }
  func.func @transform_3(%arg0: i32) -> (i32, i32) {
    %c0_i32 = arith.constant 0 : i32
    %c0_i32_0 = arith.constant 0 : i32
    %c0_i32_1 = arith.constant 0 : i32
    return %c0_i32, %c0_i32_0 : i32, i32
  }
  func.func @transform_4(%arg0: i32) -> (i32, i32) {
    %c0_i32 = arith.constant 0 : i32
    %c0_i32_0 = arith.constant 0 : i32
    %c0_i32_1 = arith.constant 0 : i32
    return %c0_i32, %c0_i32_0 : i32, i32
  }
  func.func @transform_5(%arg0: i32) -> (i32, i32) {
    %c0_i32 = arith.constant 0 : i32
    %c0_i32_0 = arith.constant 0 : i32
    %c0_i32_1 = arith.constant 0 : i32
    return %c0_i32, %c0_i32_0 : i32, i32
  }
  func.func @transform_6(%arg0: i32) -> (i32, i32) {
    %c0_i32 = arith.constant 0 : i32
    %c0_i32_0 = arith.constant 0 : i32
    %c0_i32_1 = arith.constant 0 : i32
    return %c0_i32, %c0_i32_0 : i32, i32
  }
  func.func @transform_7(%arg0: i32) -> (i32, i32) {
    %c0_i32 = arith.constant 0 : i32
    %c0_i32_0 = arith.constant 0 : i32
    return %arg0, %c0_i32 : i32, i32
  }
}

</mosaic_0001>

<sc_bundles>
// kernel: kernel.14.cloned.1.call-start
scs
__scs_entry_jumppad:
0x0: {  	(pc) =	sbr.rel $0x88, $3  }
0x1: {  	(tag) =	ssettag $0x0;
	lr =	simm.s32 $0x1  }
0x2: {  	[smem:$0x3F8D] =	sst lr;
	_ =	strace $0xD0000000  }
0x3: {  	_ = 	snop  }
0x4: {  	_ = 	snop  }
0x5: {  	_ = 	snop  }
0x6: {  	_ = 	snop  }
0x7: {  	_ = 	snop  }
__scs_overlays_trampoline_lowered:
0x8: {  	[smem:$0x3F9C] =	sst s0  }
0x9: {  	[smem:$0x3F9D] =	sst s1  }
0xa: {  	[smem:$0x3F9E] =	sst s2  }
0xb: {  	[smem:$0x3F9F] =	sst s3  }
0xc: {  	[smem:$0x3FA0] =	sst s4  }
0xd: {  	[smem:$0x3FA1] =	sst s5  }
0xe: {  	[smem:$0x3FA2] =	sst s6  }
0xf: {  	[smem:$0x3FA3] =	sst s7  }
0x10: {  	[smem:$0x3FA4] =	sst s8  }
0x11: {  	[smem:$0x3FA5] =	sst s9;
	s0 =	simm.s32 @!p0 $0x0  }
0x12: {  	s1 =	sld [smem:$0x3F8B];
	s0 =	simm.s32 @p0 $0x1  }
0x13: {  	[smem:$0x3FA6] =	sst s0;
	s0 =	simm.s32 @!p1 $0x0  }
0x14: {  	s2 =	sld [smem:$0x3F8A];
	s0 =	simm.s32 @p1 $0x1  }
0x15: {  	[smem:$0x3FA7] =	sst s0;
	s0 =	simm.s32 @!p2 $0x0  }
0x16: {  	s3 =	sld [smem:$0x3FDB];
	s0 =	simm.s32 @p2 $0x1  }
0x17: {  	s4 =	simm.s32 $0x1BF5;
	[smem:$0x3FA9] =	sst s0  }
0x18: {  	s0 =	sld [smem:$0x3F8C];
	_ =	swait.ge [sflag:s4], $0x0  }
0x19: {  	s7 =	sld [smem:$0x3F8D]  }
0x1a: {  	s8 =	sadd.s32 $0xFFFFE003, lr  }
0x1b: {  	s9 =	sadd.s32 $0xFFFFFEF7, lr;
	s5 =	simm.s32 $0xFFFFFFFF;
	p2 =	slt.u32 s8, $0xFFFFF086  }
0x1c: {  	p1 =	slt.u32 s9, $0xF7A;
	s5 =	simm.s32 @!p2 $0x0  }
0x1d: {  	s5 =	simm.s32 @p1 $0x1;
	p0 =	seq.s32 s7, s2  }
0x1e: {  	s7 =	smul.u32 @!p0 $0xF7A, s2;
	p2 =	seq.s32 @!p0 s5, $0x0  }
0x1f: {  	s9 =	smul.u32 $0xF7A, s1;
	s8 =	simm.s32 @!p0 $0x1BF5;
	p2 =	por !p2, p0  }
0x20: {  	[sflag:s8] =	ssyncset.s32 @!p0 $0xFFFFF086;
	s6 =	sadd.s32 @!p0 s3, s7;
	s7 =	simm.s32 @!p0 $0x108  }
0x21: {  	s3 =	sadd.s32 s3, s9;
	s6 =	sadd.s32 @!p0 $0x88, s6;
	s7 =	simm.s32 @p2 $0x1082  }
0x22: {  	[simem:s7], [sflag:s8] =	dma.local @!p0 [hbm:s6], $0xF7A  }
0x23: {  	s9 =	sor.u32 $0xD0000000, s2;
	s6 =	simm.s32 $0x108;
	_ =	swait.ge @!p0 [sflag:s8], $0x0  }
0x24: {  	s3 =	sadd.s32 $0x88, s3;
	s6 =	simm.s32 @!p1 $0x1082;
	[sflag:s4] =	ssyncset.s32 $0xFFFFF086  }
0x25: {  	[simem:s6], [sflag:s4] =	dma.local [hbm:s3], $0xF7A  }
0x26: {  	[smem:$0x3F8D] =	sst s1;
	(tag) =	ssettag s2;
	_ =	strace s9  }
0x27: {  	s1 =	sld [smem:$0x3F9D]  }
0x28: {  	s2 =	sld [smem:$0x3F9E]  }
0x29: {  	s4 =	sld [smem:$0x3FA0]  }
0x2a: {  	p0 =	seq.s32 s5, $0x0;
	s5 =	sld [smem:$0x3FA1]  }
0x2b: {  	s6 =	sld [smem:$0x3FA2]  }
0x2c: {  	s7 =	sld [smem:$0x3FA3]  }
0x2d: {  	s3 =	simm.s32 $0x108;
	s8 =	sld [smem:$0x3FA4]  }
0x2e: {  	s3 =	simm.s32 @!p0 $0x1082;
	s9 =	sld [smem:$0x3FA5]  }
0x2f: {  	lr =	sadd.s32 s0, s3;
	s0 =	sld [smem:$0x3F9C]  }
0x30: {  	s3 =	sld [smem:$0x3F9F]  }
0x31: {  	[smem:$0x3FA8] =	sst s10  }
0x32: {  	s10 =	sld [smem:$0x3FA6];
	_ =	sdelay $0x3  }
0x33: {  	p0 =	seq.s32 s10, $0x1;
	s10 =	sld [smem:$0x3FA8];
	_ =	sdelay $0x3  }
0x34: {  	[smem:$0x3FA8] =	sst s10  }
0x35: {  	s10 =	sld [smem:$0x3FA7];
	_ =	sdelay $0x3  }
0x36: {  	p1 =	seq.s32 s10, $0x1;
	s10 =	sld [smem:$0x3FA8];
	_ =	sdelay $0x3  }
0x37: {  	[smem:$0x3FA8] =	sst s10  }
0x38: {  	s10 =	sld [smem:$0x3FA9]  }
0x39: {  	_ = 	snop;
	(pc) =	sbr.ind lr, $3  }
0x3a: {  	_ = 	snop  }
0x3b: {  	_ = 	snop  }
0x3c: {  	p2 =	seq.s32 s10, $0x1;
	s10 =	sld [smem:$0x3FA8]  }
0x3d: {  	_ =	shalt  }
0x3e: {  	_ =	shalt  }
0x3f: {  	_ =	shalt  }
0x40: {  	_ =	shalt  }
0x41: {  	_ =	shalt  }
0x42: {  	_ =	shalt  }
0x43: {  	_ =	shalt  }
0x44: {  	_ =	shalt  }
0x45: {  	_ =	shalt  }
0x46: {  	_ =	shalt  }
0x47: {  	_ =	shalt  }
0x48: {  	_ =	shalt  }
0x49: {  	_ =	shalt  }
0x4a: {  	_ =	shalt  }
0x4b: {  	_ =	shalt  }
0x4c: {  	_ =	shalt  }
0x4d: {  	_ =	shalt  }
0x4e: {  	_ =	shalt  }
0x4f: {  	_ =	shalt  }
0x50: {  	_ =	shalt  }
0x51: {  	_ =	shalt  }
0x52: {  	_ =	shalt  }
0x53: {  	_ =	shalt  }
0x54: {  	_ =	shalt  }
0x55: {  	_ =	shalt  }
0x56: {  	_ =	shalt  }
0x57: {  	_ =	shalt  }
0x58: {  	_ =	shalt  }
0x59: {  	_ =	shalt  }
0x5a: {  	_ =	shalt  }
0x5b: {  	_ =	shalt  }
0x5c: {  	_ =	shalt  }
0x5d: {  	_ =	shalt  }
0x5e: {  	_ =	shalt  }
0x5f: {  	_ =	shalt  }
0x60: {  	_ =	shalt  }
0x61: {  	_ =	shalt  }
0x62: {  	_ =	shalt  }
0x63: {  	_ =	shalt  }
0x64: {  	_ =	shalt  }
0x65: {  	_ =	shalt  }
0x66: {  	_ =	shalt  }
0x67: {  	_ =	shalt  }
0x68: {  	_ =	shalt  }
0x69: {  	_ =	shalt  }
0x6a: {  	_ =	shalt  }
0x6b: {  	_ =	shalt  }
0x6c: {  	_ =	shalt  }
0x6d: {  	_ =	shalt  }
0x6e: {  	_ =	shalt  }
0x6f: {  	_ =	shalt  }
0x70: {  	_ =	shalt  }
0x71: {  	_ =	shalt  }
0x72: {  	_ =	shalt  }
0x73: {  	_ =	shalt  }
0x74: {  	_ =	shalt  }
0x75: {  	_ =	shalt  }
0x76: {  	_ =	shalt  }
0x77: {  	_ =	shalt  }
0x78: {  	_ =	shalt  }
0x79: {  	_ =	shalt  }
0x7a: {  	_ =	shalt  }
0x7b: {  	_ =	shalt  }
0x7c: {  	_ =	shalt  }
0x7d: {  	_ =	shalt  }
0x7e: {  	_ =	shalt  }
0x7f: {  	_ =	shalt  }
0x80: {  	_ =	shalt  }
0x81: {  	_ =	shalt  }
0x82: {  	_ =	shalt  }
0x83: {  	_ =	shalt  }
0x84: {  	_ =	shalt  }
0x85: {  	_ =	shalt  }
0x86: {  	_ =	shalt  }
0x87: {  	_ =	shalt  }
.Lfunc_end0:
.L_simem_size_0:
called_computation_lowered:
.L_overlay_start_0:
0x88: {  	s2 =	sld [smem:$0x3FD9]  }
0x89: {  	s3 =	sld [smem:$0x3FFE];
	_ =	sdelay $0x1  }
0x8a: {  	s1 =	srdreg.scid  }
0x8b: {  	s0 =	sand.u32 $0x1, s1  }
0x8c: {  	s17 =	sshll.u32 s0, $0xA;
	s2 =	sadd.s32 s3, s2  }
0x8d: {  	s2 =	sadd.s32 s2, s17  }
0x8e: {  	[smem:$0x3FB4] =	sst s2  }
0x8f: {  	_ = 	snop  }
0x90: {  	s2 =	sld [smem:$0x3FD0];
	(tm) =	ssettm $0x1  }
0x91: {  	s18 =	sld [smem:$0x3FFB];
	_ =	sdelay $0x3  }
0x92: {  	_ =	strace s18  }
0x93: {  	s3 =	sld [smem:$0x3FFC];
	_ =	sdelay $0x3  }
0x94: {  	_ =	strace s3  }
0x95: {  	s3 =	sld [smem:$0x3FFD];
	_ =	sdelay $0x3  }
0x96: {  	_ =	strace s3  }
0x97: {  	_ =	strace $0x8FFFFFFF  }
0x98: {  	s19 =	sld [smem:$0x3FDB];
	_ =	sdelay $0x1  }
0x99: {  	s4 =	simm.s32 $_scs_section_size  }
0x9a: {  	s5 =	simm.s32 $_size__tile_overlayer_lowered;
	s6 =	simm.s32 $_tile_overlayer_lowered  }
0x9b: {  	s22 =	simm.s32 $0x1BFF;
	s21 =	sshll.u32 s6, $0x1;
	s3 =	sadd.s32 s4, s19  }
0x9c: {  	s7 =	simm.s32 $0x0;
	s20 =	sshll.u32 s5, $0x1;
	s5 =	sadd.s32 s21, s3  }
0x9d: {  	[timem:s7], [sflag:s22] =	dma.local [hbm:s5], s20  }
0x9e: {  	_ =	swait.ge [sflag:s22], s20  }
0x9f: {  	s4 =	ssub.s32 $0x0, s20;
	[sflag:s22] =	ssyncset.done $0x0  }
0xa0: {  	[sflag:s22] =	ssyncadd.s32 s4;
	_ =	sdelay $0x1  }
0xa1: {  	s23 =	simm.s32 $0x1B8B  }
0xa2: {  	_ =	swait.ge [sflag:s23], $0x1  }
0xa3: {  	[sflag:s23] =	ssyncset.done $0x0  }
0xa4: {  	s25 =	simm.s32 $0x1B8E;
	s24 =	sld [smem:$0x3FFE];
	[sflag:s23] =	ssyncadd.s32 $0xFFFFFFFF  }
0xa5: {  	s26 =	simm.s32 $execute0_lowered;
	[smem:$0x3FD2] =	sst s25  }
0xa6: {  	s5 =	sshll.u32 s26, $0x1;
	_ =	strace $0x80000046;
	[dreg:$0x1] =	wrdreg $0xFFFFFFFF  }
0xa7: {  	s28 =	simm.s32 $_size_execute0_lowered;
	s3 =	sadd.s32 s3, s5;
	[dreg:$0x0] =	wrdreg $0x0  }
0xa8: {  	s5 =	sshll.u32 s28, $0x1;
	[dreg:$0x2] =	wrdreg s3  }
0xa9: {  	[dreg:$0x3] =	wrdreg s5  }
0xaa: {  	[dreg:$0x4] =	wrdreg $0xC0  }
0xab: {  	_ =	task [dreg:s7], $0x5FFFF  }
0xac: {  	[dreg:$0x1] =	wrdreg $0xFFFFFFFF  }
0xad: {  	[dreg:$0x0] =	wrdreg $0x60  }
0xae: {  	[dreg:$0x2] =	wrdreg s24  }
0xaf: {  	[dreg:$0x3] =	wrdreg s2  }
0xb0: {  	[dreg:$0x4] =	wrdreg $0x3B800  }
0xb1: {  	[dreg:$0x5] =	wrdreg $0x9  }
0xb2: {  	_ =	task.clear_ibuf [dreg:s7], $0x6FFFF;
	_ =	strace $0x90000046  }
0xb3: {  	s29 =	simm.s32 $0x9;
	_ =	strace $0x80000048  }
0xb4: {  	_ =	swait.ge [sflag:s29], $0x1  }
0xb5: {  	[sflag:s29] =	ssyncadd.s32 $0xFFFFFFFF  }
0xb6: {  	_ =	strace $0x90000048  }
0xb7: {  	_ =	sfence  }
0xb8: {  	s30 =	sld [smem:$0x0];
	_ =	sdelay $0x2  }
0xb9: {  	s31 =	sshll.u32 s1, $0xD;
	s1 =	sshrl.u32 s1, $0x2  }
0xba: {  	s3 =	sand.u32 $0x4000, s31;
	s1 =	sadd.s32 s1, s30  }
0xbb: {  	s0 =	sor.u32 s3, s0;
	s1 =	sshll.u32 s1, $0x11  }
0xbc: {  	s0 =	sor.u32 s1, s0  }
0xbd: {  	s0 =	sadd.s32 $0x8F2B, s0  }
0xbe: {  	[sflag:s0] =	ssyncadd.remote.s32 $0x1  }
0xbf: {  	_ =	sfence.sel $0xFFFF  }
0xc0: {  	[dreg:$0x0] =	wrdreg $0xFFFFFFFF;
	(pc) =	sbr.abs _section_cstart, $3  }
0xc1: {  	[dreg:$0x1] =	wrdreg $0xFFFFFFFF  }
0xc2: {  	_ =	task.clear_ibuf [dreg:s7], $0x2FFFF;
	_ =	strace $0x9FFFFFFF  }
0xc3: {  	(tm) =	ssettm $0x7FFFFFFF  }
tec
execute0_lowered:
.L_overlay_start_1:
0x0: {  	(tag) =	ssettag $0x1  }
0x1: {  	s0 =	rddreg [dreg:$0x0]  }
0x2: {  	s1 =	rddreg [dreg:$0x1]  }
0x3: {  	s2 =	rddreg [dreg:$0x2];
	s3 =	srdreg.scid;
	s4 =	simm.s32 $0x0  }
0x4: {  	s7 =	stileid.u32;
	s28 =	simm.s32 $0x70;
	s29 =	simm.s32 $0xE0  }
0x5: {  	s30 =	simm.s32 $0x2;
	s31 =	simm.s32 $0x230;
	s5 =	smul.u32 $0x620, s7  }
0x6: {  	s10 =	simm.s32 $0x310;
	s11 =	simm.s32 $0x0;
	s6 =	smul.u32 $0x4980, s7  }
0x7: {  	s3 =	sand.u32 $0x1, s3;
	[smem:$0x7FF] =	sst s4;
	s7 =	smul.u32 $0x62000, s7  }
0x8: {  	s9 =	smul.u32 $0x6200, s3;
	_ =	strace $0x80000047;
	s3 =	ssub.s32 $0x2, s3  }
0x9: {  	s6 =	sadd.s32 s6, s0;
	s8 =	sshrl.u32 s3, $0x1;
	s7 =	sshrl.u32 s7, $0x2  }
0xa: {  	s5 =	sadd.s32 s5, s9;
	s3 =	ssub.s32 s3, s8;
	s7 =	sadd.s32 s7, s2  }
0xb: {  	s8 =	simm.s32 $0x5;
	v0 =	vmov s9;
	s9 =	simm.s32 $0x4;
	s5 =	sshll.u32 s5, $0x3  }
0xc: {  	s21 =	smax.u32 s3, $0x1;
	s22 =	sadd.s32 $0x1C00, s7;
	s23 =	sadd.s32 $0x3800, s7  }
0xd: {  	s24 =	sadd.s32 $0x5400, s7;
	s25 =	sadd.s32 $0x7000, s7;
	s26 =	sadd.s32 $0x8C00, s7  }
0xe: {  	s15 =	sadd.s32 $0xA800, s7;
	s16 =	sadd.s32 $0xC400, s7;
	[dreg:$0x6] =	wrdreg s21  }
0xf: {  	s17 =	sadd.s32 $0xE000, s7;
	s18 =	sadd.s32 $0xFC00, s7;
	[dreg:$0x7] =	wrdreg s22  }
0x10: {  	s19 =	sadd.s32 $0x11800, s7;
	s20 =	sadd.s32 $0x13400, s7;
	[dreg:$0x8] =	wrdreg s23  }
0x11: {  	s3 =	simm.s32 $0x3;
	s0 =	sadd.s32 s5, s0;
	[dreg:$0x9] =	wrdreg s24  }
0x12: {  	s5 =	sadd.s32 $0x4000, s6;
	s6 =	sadd.s32 $0x402A, s6;
	[dreg:$0xa] =	wrdreg s25  }
0x13: {  	[dreg:$0xb] =	wrdreg s26;
	s21 =	sadd.s32 $0x15000, s7;
	s22 =	sadd.s32 $0x16C00, s7  }
0x14: {  	s23 =	simm.s32 $0x380;
	s24 =	simm.s32 $0x6;
	s25 =	simm.s32 $0x150  }
0x15: {  	s26 =	simm.s32 $0x1;
	[dreg:$0x4] =	wrdreg s6;
	s0 =	sadd.s32 $0x4D800, s0  }
0x16: {  	v1 =	vimm.f32 $0.0e+00;
	s6 =	simm.s32 $0x2A0;
	[dreg:$0x5] =	wrdreg s0;
	s0 =	simm.s32 $0x1F80  }
.LBB2_1:
0x17: {  	s13 =	simm.s32 $0x100;
	s12 =	simm.s32 $0x0  }
.LBB2_2:
0x18: {  	p0 =	sne.s32 s13, $0x6F00;
	[tilespmem:s12+$0x3B0] =	vst v1;
	s14 =	smov.u32 s13;
	s13 =	sadd.s32 $0x100, s13  }
.Ltmp0:
0x19: {  	[tilespmem:s12+$0x3A0] =	vst v1;
	(pc) =	sbr.rel @p0 .LBB2_2-.Ltmp0, $3  }
0x1a: {  	[tilespmem:s12+$0x380] =	vst v1  }
0x1b: {  	[tilespmem:s12+$0x390] =	vst v1;
	_ =	sdelay $0x1  }
0x1c: {  	s12 =	sshra.s32 s14, $0x2  }
0x1d: {  	[tilespmem:s12+$0x3B0] =	vst v1  }
0x1e: {  	[tilespmem:s12+$0x3A0] =	vst v1  }
0x1f: {  	[tilespmem:s12+$0x380] =	vst v1  }
0x20: {  	[tilespmem:s12+$0x390] =	vst v1  }
0x21: {  	[spmem:s7] =	stream.linear.scatter [tilespmem:s23], [sflag:$0x6], $0x1C00, $0x38;
	[tilespmem:$0x1C3C0] =	vst v63  }
0x22: {  	_ =	swait.ge [sflag:s24], $0x1C00  }
0x23: {  	[sflag:s24] =	ssyncset.done $0x0  }
0x24: {  	s13 =	rddreg [dreg:$0x7];
	[sflag:s24] =	ssyncadd.s32 $0xFFFFE400  }
0x25: {  	[spmem:s13] =	stream.linear.scatter [tilespmem:s23], [sflag:$0x6], $0x1C00, $0x38;
	[tilespmem:$0x1C3C0] =	vst v63  }
0x26: {  	_ =	swait.ge [sflag:s24], $0x1C00  }
0x27: {  	[sflag:s24] =	ssyncset.done $0x0  }
0x28: {  	s14 =	rddreg [dreg:$0x8];
	[sflag:s24] =	ssyncadd.s32 $0xFFFFE400  }
0x29: {  	[spmem:s14] =	stream.linear.scatter [tilespmem:s23], [sflag:$0x6], $0x1C00, $0x38;
	[tilespmem:$0x1C3C0] =	vst v63  }
0x2a: {  	_ =	swait.ge [sflag:s24], $0x1C00  }
0x2b: {  	[sflag:s24] =	ssyncset.done $0x0  }
0x2c: {  	s13 =	rddreg [dreg:$0x9];
	[sflag:s24] =	ssyncadd.s32 $0xFFFFE400  }
0x2d: {  	[spmem:s13] =	stream.linear.scatter [tilespmem:s23], [sflag:$0x6], $0x1C00, $0x38;
	[tilespmem:$0x1C3C0] =	vst v63  }
0x2e: {  	_ =	swait.ge [sflag:s24], $0x1C00  }
0x2f: {  	[sflag:s24] =	ssyncset.done $0x0  }
0x30: {  	s14 =	rddreg [dreg:$0xa];
	[sflag:s24] =	ssyncadd.s32 $0xFFFFE400  }
0x31: {  	[spmem:s14] =	stream.linear.scatter [tilespmem:s23], [sflag:$0x6], $0x1C00, $0x38;
	[tilespmem:$0x1C3C0] =	vst v63  }
0x32: {  	_ =	swait.ge [sflag:s24], $0x1C00  }
0x33: {  	[sflag:s24] =	ssyncset.done $0x0  }
0x34: {  	s13 =	rddreg [dreg:$0xb];
	[sflag:s24] =	ssyncadd.s32 $0xFFFFE400  }
0x35: {  	[spmem:s13] =	stream.linear.scatter [tilespmem:s23], [sflag:$0x6], $0x1C00, $0x38;
	[tilespmem:$0x1C3C0] =	vst v63  }
0x36: {  	_ =	swait.ge [sflag:s24], $0x1C00  }
0x37: {  	[sflag:s24] =	ssyncset.done $0x0  }
0x38: {  	[sflag:s24] =	ssyncadd.s32 $0xFFFFE400  }
0x39: {  	[spmem:s15] =	stream.linear.scatter [tilespmem:s23], [sflag:$0x6], $0x1C00, $0x38;
	[tilespmem:$0x1C3C0] =	vst v63  }
0x3a: {  	_ =	swait.ge [sflag:s24], $0x1C00  }
0x3b: {  	[sflag:s24] =	ssyncset.done $0x0  }
0x3c: {  	[sflag:s24] =	ssyncadd.s32 $0xFFFFE400  }
0x3d: {  	[spmem:s16] =	stream.linear.scatter [tilespmem:s23], [sflag:$0x6], $0x1C00, $0x38;
	[tilespmem:$0x1C3C0] =	vst v63  }
0x3e: {  	_ =	swait.ge [sflag:s24], $0x1C00  }
0x3f: {  	[sflag:s24] =	ssyncset.done $0x0  }
0x40: {  	[sflag:s24] =	ssyncadd.s32 $0xFFFFE400  }
0x41: {  	[spmem:s17] =	stream.linear.scatter [tilespmem:s23], [sflag:$0x6], $0x1C00, $0x38;
	[tilespmem:$0x1C3C0] =	vst v63  }
0x42: {  	_ =	swait.ge [sflag:s24], $0x1C00  }
0x43: {  	[sflag:s24] =	ssyncset.done $0x0  }
0x44: {  	[sflag:s24] =	ssyncadd.s32 $0xFFFFE400  }
0x45: {  	[spmem:s18] =	stream.linear.scatter [tilespmem:s23], [sflag:$0x6], $0x1C00, $0x38;
	[tilespmem:$0x1C3C0] =	vst v63  }
0x46: {  	_ =	swait.ge [sflag:s24], $0x1C00  }
0x47: {  	[sflag:s24] =	ssyncset.done $0x0  }
0x48: {  	[sflag:s24] =	ssyncadd.s32 $0xFFFFE400  }
0x49: {  	[spmem:s19] =	stream.linear.scatter [tilespmem:s23], [sflag:$0x6], $0x1C00, $0x38;
	[tilespmem:$0x1C3C0] =	vst v63  }
0x4a: {  	_ =	swait.ge [sflag:s24], $0x1C00  }
0x4b: {  	[sflag:s24] =	ssyncset.done $0x0  }
0x4c: {  	[sflag:s24] =	ssyncadd.s32 $0xFFFFE400  }
0x4d: {  	[spmem:s20] =	stream.linear.scatter [tilespmem:s23], [sflag:$0x6], $0x1C00, $0x38;
	[tilespmem:$0x1C3C0] =	vst v63  }
0x4e: {  	_ =	swait.ge [sflag:s24], $0x1C00  }
0x4f: {  	[sflag:s24] =	ssyncset.done $0x0  }
0x50: {  	[sflag:s24] =	ssyncadd.s32 $0xFFFFE400  }
0x51: {  	[spmem:s21] =	stream.linear.scatter [tilespmem:s23], [sflag:$0x6], $0x1C00, $0x38;
	[tilespmem:$0x1C3C0] =	vst v63  }
0x52: {  	_ =	swait.ge [sflag:s24], $0x1C00  }
0x53: {  	[sflag:s24] =	ssyncset.done $0x0  }
0x54: {  	[sflag:s24] =	ssyncadd.s32 $0xFFFFE400  }
0x55: {  	[spmem:s22] =	stream.linear.scatter [tilespmem:s23], [sflag:$0x6], $0x1C00, $0x38;
	[tilespmem:$0x1C3C0] =	vst v63  }
0x56: {  	_ =	swait.ge [sflag:s24], $0x1C00  }
0x57: {  	[sflag:s24] =	ssyncset.done $0x0  }
0x58: {  	[sflag:s24] =	ssyncadd.s32 $0xFFFFE400  }
0x59: {  	s14 =	simm.s32 $0x0;
	[bflag:$0x0] =	sbarrier.arrive $0xFFFF  }
0x5a: {  	[tilespmem:s14], [sflag:$0x1] =	stream.linear.gather [hbm4b:s5+s14], $0x150, $0x38;
	[tilespmem:$0x1C3C0] =	vst v63  }
0x5b: {  	s13 =	rddreg [dreg:$0x4]  }
0x5c: {  	[tilespmem:s25], [sflag:$0x2] =	stream.linear.gather [hbm4b:s13+s14], $0x150, $0x38;
	[tilespmem:$0x1C3C0] =	vst v63  }
0x5d: {  	_ =	swait.ge [sflag:s26], $0x150  }
0x5e: {  	[sflag:s26] =	ssyncset.done $0x0  }
0x5f: {  	[sflag:s26] =	ssyncadd.s32 $0xFFFFFEB0  }
0x60: {  	v2 =	vld [tilespmem:$0x70]  }
0x61: {  	v4 =	vld [tilespmem:$0x90]  }
0x62: {  	v7 =	vld [tilespmem:$0xB0]  }
0x63: {  	v9 =	vld [tilespmem:$0xC0];
	_ =	sdelay $0x1  }
0x64: {  	v3 =	vld [tilespmem:$0x80]  }
0x65: {  	v5 =	vsub.s32 v2, v0  }
0x66: {  	v6 =	vld [tilespmem:$0xA0];
	v2 =	vand.u32 $0xF, v2;
	v8 =	vsub.s32 v4, v0;
	v4 =	vand.u32 $0xF, v4  }
0x67: {  	v54 =	vand.u32 $0xF, v7;
	v55 =	vsub.s32 v9, v0;
	vm0 =	vlt.u32 v5, $0x6200  }
0x68: {  	v2 =	vor.u32 $0x6200, v2;
	vm6 =	vlt.u32 v8, $0x6200;
	v4 =	vor.u32 $0x6200, v4  }
0x69: {  	v2 =	vsel vm0, v5, v2;
	v5 =	vsub.s32 v3, v0;
	v3 =	vand.u32 $0xF, v3  }
0x6a: {  	v10 =	vld [tilespmem:$0xD0];
	v4 =	vsel vm6, v8, v4;
	vm5 =	vlt.u32 v5, $0x6200;
	v3 =	vor.u32 $0x6200, v3  }
0x6b: {  	[tilespmem:$0x2A0] =	vst v2;
	v3 =	vsel vm5, v5, v3;
	v5 =	vsub.s32 v6, v0;
	v6 =	vand.u32 $0xF, v6  }
0x6c: {  	vm9 =	vlt.u32 v55, $0x6200;
	[tilespmem:$0x2C0] =	vst v4;
	vm7 =	vlt.u32 v5, $0x6200;
	v6 =	vor.u32 $0x6200, v6  }
0x6d: {  	v4 =	vand.u32 $0xF, v9;
	[tilespmem:$0x2B0] =	vst v3;
	v2 =	vsel vm7, v5, v6;
	v5 =	vsub.s32 v7, v0  }
0x6e: {  	v3 =	vor.u32 $0x6200, v54;
	vm8 =	vlt.u32 v5, $0x6200;
	[tilespmem:$0x2D0] =	vst v2;
	v2 =	vor.u32 $0x6200, v4  }
0x6f: {  	v4 =	vsub.s32 v10, v0;
	v3 =	vsel vm8, v5, v3;
	v5 =	vand.u32 $0xF, v10  }
0x70: {  	v2 =	vsel vm9, v55, v2;
	vm10 =	vlt.u32 v4, $0x6200;
	[tilespmem:$0x2E0] =	vst v3;
	v3 =	vor.u32 $0x6200, v5  }
0x71: {  	p0 =	por $0x1, $0x1;
	[tilespmem:$0x2F0] =	vst v2;
	v2 =	vsel vm10, v4, v3  }
0x72: {  	s12 =	simm.s32 @!p0 $0x5;
	[tilespmem:$0x300] =	vst v2  }
0x73: {  	[tilespmem:s23], [sflag:$0x3] =	stream.indirect.gather [hbm4b:s1+s28], $0x40, s29, s28, $0xb8;
	[tilespmem:$0x1C3C0] =	vst v63  }
0x74: {  	_ =	swait.ge @!p0 [sflag:s12], $0x1C00  }
0x75: {  	[sflag:s12] =	ssyncset.done @!p0 $0x0  }
0x76: {  	[sflag:s12] =	ssyncadd.s32 @!p0 $0xFFFFE400  }
0x77: {  	_ =	swait.ge [sflag:s30], $0x150  }
0x78: {  	[sflag:s30] =	ssyncset.done $0x0  }
0x79: {  	[sflag:s30] =	ssyncadd.s32 $0xFFFFFEB0  }
0x7a: {  	v2 =	vld [tilespmem:$0x220]  }
0x7b: {  	v3 =	vld [tilespmem:$0x210]  }
0x7c: {  	v4 =	vld [tilespmem:$0x1E0]  }
0x7d: {  	v5 =	vld [tilespmem:$0x1D0]  }
0x7e: {  	v56 =	vld [tilespmem:$0x1F0]  }
0x7f: {  	v58 =	vld [tilespmem:$0x200]  }
0x80: {  	v12 =	vld [tilespmem:$0x1C0]  }
0x81: {  	v57 =	vsub.s32 v2, v0;
	v2 =	vand.u32 $0xF, v2  }
0x82: {  	v59 =	vsub.s32 v3, v0;
	v3 =	vand.u32 $0xF, v3;
	v60 =	vsub.s32 v4, v0  }
0x83: {  	v4 =	vand.u32 $0xF, v4;
	v61 =	vsub.s32 v5, v0;
	v5 =	vand.u32 $0xF, v5  }
0x84: {  	v11 =	vsub.s32 v56, v0;
	v6 =	vand.u32 $0xF, v56;
	v62 =	vsub.s32 v58, v0  }
0x85: {  	v63 =	vand.u32 $0xF, v12;
	vm11 =	vlt.u32 v57, $0x6200;
	v2 =	vor.u32 $0x6200, v2  }
0x86: {  	v4 =	vor.u32 $0x6200, v4;
	vm12 =	vlt.u32 v11, $0x6200;
	vm1 =	vlt.u32 v61, $0x6200  }
0x87: {  	v5 =	vor.u32 $0x6200, v5;
	v6 =	vor.u32 $0x6200, v6;
	v2 =	vsel vm11, v57, v2  }
0x88: {  	vm2 =	vlt.u32 v60, $0x6200;
	vm14 =	vlt.u32 v59, $0x6200;
	v6 =	vsel vm12, v11, v6;
	[tilespmem:$0x370] =	vst v2  }
0x89: {  	v3 =	vor.u32 $0x6200, v3;
	v2 =	vsel vm2, v60, v4;
	v4 =	vand.u32 $0xF, v58;
	[tilespmem:$0x340] =	vst v6  }
0x8a: {  	vm13 =	vlt.u32 v62, $0x6200;
	v3 =	vsel vm14, v59, v3;
	[tilespmem:$0x330] =	vst v2;
	v2 =	vor.u32 $0x6200, v4  }
0x8b: {  	[tilespmem:$0x360] =	vst v3;
	v4 =	vsel vm1, v61, v5;
	v5 =	vsub.s32 v12, v0;
	v2 =	vsel vm13, v62, v2  }
0x8c: {  	vm15 =	vlt.u32 v5, $0x6200;
	[tilespmem:$0x350] =	vst v2;
	v2 =	vor.u32 $0x6200, v63  }
0x8d: {  	[tilespmem:$0x320] =	vst v4;
	v2 =	vsel vm15, v5, v2  }
0x8e: {  	[tilespmem:$0x310] =	vst v2  }
0x8f: {  	[tilespmem:s0], [sflag:$0x4] =	stream.indirect.gather [hbm4b:s1+s28], $0x40, s31, s28, $0xb8;
	[tilespmem:$0x1C3C0] =	vst v63  }
0x90: {  	_ =	swait.ge [sflag:s3], $0x1C00  }
0x91: {  	s14 =	sadd.s32 $0x0, s5;
	[sflag:s3] =	ssyncset.done $0x0  }
0x92: {  	s13 =	sadd.s32 $0x54, s14;
	[sflag:s3] =	ssyncadd.s32 $0xFFFFE400  }
0x93: {  	[tilespmem:s4], [sflag:$0x1] =	stream.linear.gather [hbm4b:s13+s4], $0x150, $0x38;
	[tilespmem:$0x1C3C0] =	vst v63  }
0x94: {  	_ = 	snop  }
0x95: {  	[spmem:s2] =	stream.indirect.scatter.add.f32 [tilespmem:s23], [sflag:$0x5], $0x40, s6, s28, $0xb8;
	[tilespmem:$0x1C3C0] =	vst v63  }
0x96: {  	_ =	swait.ge [sflag:s8], $0x1C00  }
0x97: {  	[sflag:s8] =	ssyncset.done $0x0  }
0x98: {  	[sflag:s8] =	ssyncadd.s32 $0xFFFFE400  }
0x99: {  	_ =	swait.ge [sflag:s26], $0x150  }
0x9a: {  	[sflag:s26] =	ssyncset.done $0x0  }
0x9b: {  	[sflag:s26] =	ssyncadd.s32 $0xFFFFFEB0  }
0x9c: {  	v3 =	vld [tilespmem:$0xC0]  }
0x9d: {  	s12 =	simm.s32 $0x54;
	v2 =	vld [tilespmem:$0x80]  }
.LBB2_4:
0x9e: {  	v4 =	vld [tilespmem:$0x90];
	s13 =	smov.u32 s12;
	s12 =	sadd.s32 $0x54, s12  }
0x9f: {  	p0 =	sne.s32 s12, $0x492C;
	v5 =	vld [tilespmem:$0xA0]  }
0xa0: {  	v6 =	vld [tilespmem:$0xB0]  }
0xa1: {  	v7 =	vld [tilespmem:$0x70];
	v8 =	vsub.s32 v3, v0;
	v3 =	vand.u32 $0xF, v3  }
0xa2: {  	v9 =	vsub.s32 v2, v0;
	v2 =	vand.u32 $0xF, v2;
	vm0 =	vlt.u32 v8, $0x6200;
	v10 =	vld [tilespmem:$0xD0]  }
0xa3: {  	v2 =	vor.u32 $0x6200, v2;
	v11 =	vsub.s32 v4, v0;
	v4 =	vand.u32 $0xF, v4  }
0xa4: {  	vm1 =	vlt.u32 v11, $0x6200;
	v4 =	vor.u32 $0x6200, v4;
	v12 =	vsub.s32 v5, v0  }
0xa5: {  	v5 =	vand.u32 $0xF, v5;
	v13 =	vsub.s32 v6, v0;
	v6 =	vand.u32 $0xF, v6  }
0xa6: {  	v5 =	vor.u32 $0x6200, v5;
	vm2 =	vlt.u32 v13, $0x6200;
	v6 =	vor.u32 $0x6200, v6  }
0xa7: {  	vm3 =	vlt.u32 v9, $0x6200;
	v4 =	vsel vm1, v11, v4;
	v6 =	vsel vm2, v13, v6  }
0xa8: {  	v2 =	vsel vm3, v9, v2;
	v11 =	vsub.s32 v7, v0;
	v7 =	vand.u32 $0xF, v7;
	[tilespmem:$0x2E0] =	vst v6  }
0xa9: {  	vm1 =	vlt.u32 v11, $0x6200;
	vm2 =	vlt.u32 v12, $0x6200;
	v6 =	vor.u32 $0x6200, v7;
	[tilespmem:$0x2C0] =	vst v4  }
0xaa: {  	v4 =	vsel vm1, v11, v6;
	[tilespmem:$0x2B0] =	vst v2;
	v2 =	vsel vm2, v12, v5;
	v5 =	vsub.s32 v10, v0  }
0xab: {  	[tilespmem:$0x2D0] =	vst v2;
	v2 =	vor.u32 $0x6200, v3;
	vm1 =	vlt.u32 v5, $0x6200;
	v3 =	vand.u32 $0xF, v10  }
0xac: {  	[tilespmem:$0x2A0] =	vst v4;
	v2 =	vsel vm0, v8, v2;
	v3 =	vor.u32 $0x6200, v3  }
0xad: {  	[tilespmem:$0x2F0] =	vst v2;
	v2 =	vsel vm1, v5, v3  }
0xae: {  	[tilespmem:$0x300] =	vst v2  }
0xaf: {  	[tilespmem:s23], [sflag:$0x3] =	stream.indirect.gather [hbm4b:s1+s28], $0x40, s29, s28, $0xb8;
	[tilespmem:$0x1C3C0] =	vst v63  }
0xb0: {  	_ =	swait.ge [sflag:s9], $0x1C00  }
0xb1: {  	[sflag:s9] =	ssyncset.done $0x0  }
0xb2: {  	s14 =	sadd.s32 $0x7E, s14;
	[sflag:s9] =	ssyncadd.s32 $0xFFFFE400  }
0xb3: {  	[tilespmem:s25], [sflag:$0x2] =	stream.linear.gather [hbm4b:s14+s4], $0x150, $0x38;
	[tilespmem:$0x1C3C0] =	vst v63  }
0xb4: {  	p1 =	seq.s32 s13, $0x0  }
0xb5: {  	[spmem:s2] =	stream.indirect.scatter.add.f32 [tilespmem:s0], [sflag:$0x5], $0x40, s10, s28, $0xb8;
	[tilespmem:$0x1C3C0] =	vst v63  }
0xb6: {  	s14 =	simm.s32 @!p1 $0x5  }
0xb7: {  	_ =	swait.ge @!p1 [sflag:s14], $0x1C00  }
0xb8: {  	[sflag:s14] =	ssyncset.done @!p1 $0x0  }
0xb9: {  	[sflag:s14] =	ssyncadd.s32 @!p1 $0xFFFFE400  }
0xba: {  	_ =	swait.ge [sflag:s30], $0x150  }
0xbb: {  	[sflag:s30] =	ssyncset.done $0x0  }
0xbc: {  	[sflag:s30] =	ssyncadd.s32 $0xFFFFFEB0  }
0xbd: {  	v2 =	vld [tilespmem:$0x220]  }
0xbe: {  	v3 =	vld [tilespmem:$0x1F0]  }
0xbf: {  	v4 =	vld [tilespmem:$0x210]  }
0xc0: {  	v5 =	vld [tilespmem:$0x1E0]  }
0xc1: {  	v6 =	vld [tilespmem:$0x1D0]  }
0xc2: {  	v7 =	vld [tilespmem:$0x1C0];
	v8 =	vsub.s32 v2, v0;
	v2 =	vand.u32 $0xF, v2  }
0xc3: {  	v9 =	vld [tilespmem:$0x200];
	vm0 =	vlt.u32 v8, $0x6200;
	v2 =	vor.u32 $0x6200, v2  }
0xc4: {  	v10 =	vsub.s32 v4, v0;
	v4 =	vand.u32 $0xF, v4;
	v2 =	vsel vm0, v8, v2  }
0xc5: {  	v8 =	vsub.s32 v5, v0;
	v5 =	vand.u32 $0xF, v5;
	vm0 =	vlt.u32 v10, $0x6200;
	[tilespmem:$0x370] =	vst v2  }
0xc6: {  	v11 =	vsub.s32 v3, v0;
	v2 =	vsub.s32 v6, v0;
	v6 =	vand.u32 $0xF, v6  }
0xc7: {  	v3 =	vand.u32 $0xF, v3;
	vm1 =	vlt.u32 v11, $0x6200;
	v5 =	vor.u32 $0x6200, v5  }
0xc8: {  	v3 =	vor.u32 $0x6200, v3;
	vm2 =	vlt.u32 v2, $0x6200;
	v6 =	vor.u32 $0x6200, v6  }
0xc9: {  	v3 =	vsel vm1, v11, v3;
	vm3 =	vlt.u32 v8, $0x6200;
	v11 =	vand.u32 $0xF, v9  }
0xca: {  	v5 =	vsel vm3, v8, v5;
	v2 =	vsel vm2, v2, v6;
	v6 =	vsub.s32 v9, v0  }
0xcb: {  	v4 =	vor.u32 $0x6200, v4;
	vm1 =	vlt.u32 v6, $0x6200;
	[tilespmem:$0x330] =	vst v5;
	v5 =	vor.u32 $0x6200, v11  }
0xcc: {  	v8 =	vsub.s32 v7, v0;
	v7 =	vand.u32 $0xF, v7;
	[tilespmem:$0x340] =	vst v3;
	v3 =	vsel vm1, v6, v5  }
0xcd: {  	vm1 =	vlt.u32 v8, $0x6200;
	v5 =	vor.u32 $0x6200, v7;
	[tilespmem:$0x350] =	vst v3;
	v3 =	vsel vm0, v10, v4  }
0xce: {  	v4 =	vsel vm1, v8, v5;
	[tilespmem:$0x320] =	vst v2  }
0xcf: {  	[tilespmem:$0x360] =	vst v3  }
0xd0: {  	[tilespmem:$0x310] =	vst v4  }
0xd1: {  	[tilespmem:s0], [sflag:$0x4] =	stream.indirect.gather [hbm4b:s1+s28], $0x40, s31, s28, $0xb8;
	[tilespmem:$0x1C3C0] =	vst v63  }
0xd2: {  	_ =	swait.ge [sflag:s3], $0x1C00  }
0xd3: {  	s14 =	sadd.s32 s13, s5;
	[sflag:s3] =	ssyncset.done $0x0  }
0xd4: {  	s13 =	sadd.s32 $0x54, s14;
	[sflag:s3] =	ssyncadd.s32 $0xFFFFE400  }
0xd5: {  	[tilespmem:s4], [sflag:$0x1] =	stream.linear.gather [hbm4b:s13+s4], $0x150, $0x38;
	[tilespmem:$0x1C3C0] =	vst v63  }
0xd6: {  	_ = 	snop  }
0xd7: {  	[spmem:s2] =	stream.indirect.scatter.add.f32 [tilespmem:s23], [sflag:$0x5], $0x40, s6, s28, $0xb8;
	[tilespmem:$0x1C3C0] =	vst v63  }
0xd8: {  	_ =	swait.ge [sflag:s8], $0x1C00  }
0xd9: {  	[sflag:s8] =	ssyncset.done $0x0  }
0xda: {  	[sflag:s8] =	ssyncadd.s32 $0xFFFFE400  }
.Ltmp1:
0xdb: {  	_ =	swait.ge [sflag:s26], $0x150;
	(pc) =	sbr.rel @p0 .LBB2_4-.Ltmp1, $4  }
0xdc: {  	[sflag:s26] =	ssyncset.done $0x0  }
0xdd: {  	[sflag:s26] =	ssyncadd.s32 $0xFFFFFEB0  }
0xde: {  	v3 =	vld [tilespmem:$0xC0]  }
0xdf: {  	v2 =	vld [tilespmem:$0x80]  }
0xe0: {  	v4 =	vld [tilespmem:$0x90]  }
0xe1: {  	v5 =	vld [tilespmem:$0xA0]  }
0xe2: {  	v6 =	vld [tilespmem:$0xB0]  }
0xe3: {  	v9 =	vld [tilespmem:$0x70]  }
0xe4: {  	v13 =	vld [tilespmem:$0xD0];
	v7 =	vsub.s32 v3, v0  }
0xe5: {  	v3 =	vand.u32 $0xF, v3;
	v8 =	vsub.s32 v2, v0;
	v2 =	vand.u32 $0xF, v2  }
0xe6: {  	vm7 =	vlt.u32 v7, $0x6200;
	v2 =	vor.u32 $0x6200, v2;
	v10 =	vsub.s32 v4, v0  }
0xe7: {  	v4 =	vand.u32 $0xF, v4;
	v11 =	vsub.s32 v5, v0;
	v5 =	vand.u32 $0xF, v5  }
0xe8: {  	v12 =	vsub.s32 v6, v0;
	v6 =	vand.u32 $0xF, v6;
	vm2 =	vlt.u32 v8, $0x6200  }
0xe9: {  	v45 =	vsub.s32 v9, v0;
	v9 =	vand.u32 $0xF, v9;
	v48 =	vsub.s32 v13, v0  }
0xea: {  	vm1 =	vlt.u32 v12, $0x6200;
	v6 =	vor.u32 $0x6200, v6;
	v2 =	vsel vm2, v8, v2  }
0xeb: {  	vm0 =	vlt.u32 v10, $0x6200;
	v4 =	vor.u32 $0x6200, v4;
	v6 =	vsel vm1, v12, v6;
	[tilespmem:$0x2B0] =	vst v2  }
0xec: {  	v5 =	vor.u32 $0x6200, v5;
	vm6 =	vlt.u32 v11, $0x6200;
	v4 =	vsel vm0, v10, v4;
	[tilespmem:$0x2E0] =	vst v6  }
0xed: {  	vm5 =	vlt.u32 v45, $0x6200;
	v46 =	vor.u32 $0x6200, v9;
	v2 =	vsel vm6, v11, v5;
	[tilespmem:$0x2C0] =	vst v4  }
0xee: {  	v47 =	vsel vm5, v45, v46;
	[tilespmem:$0x2D0] =	vst v2;
	v2 =	vor.u32 $0x6200, v3;
	v3 =	vand.u32 $0xF, v13  }
0xef: {  	vm8 =	vlt.u32 v48, $0x6200;
	[tilespmem:$0x2A0] =	vst v47;
	v2 =	vsel vm7, v7, v2;
	v3 =	vor.u32 $0x6200, v3  }
0xf0: {  	[tilespmem:$0x2F0] =	vst v2;
	v2 =	vsel vm8, v48, v3  }
0xf1: {  	[tilespmem:$0x300] =	vst v2  }
0xf2: {  	[tilespmem:s23], [sflag:$0x3] =	stream.indirect.gather [hbm4b:s1+s28], $0x40, s29, s28, $0xb8;
	[tilespmem:$0x1C3C0] =	vst v63  }
0xf3: {  	_ =	swait.ge [sflag:s9], $0x1C00  }
0xf4: {  	[sflag:s9] =	ssyncset.done $0x0  }
0xf5: {  	s12 =	sadd.s32 $0x7E, s14;
	[sflag:s9] =	ssyncadd.s32 $0xFFFFE400  }
0xf6: {  	[tilespmem:s25], [sflag:$0x2] =	stream.linear.gather [hbm4b:s12+s4], $0x150, $0x38;
	[tilespmem:$0x1C3C0] =	vst v63  }
0xf7: {  	_ = 	snop  }
0xf8: {  	[spmem:s2] =	stream.indirect.scatter.add.f32 [tilespmem:s0], [sflag:$0x5], $0x40, s10, s28, $0xb8;
	[tilespmem:$0x1C3C0] =	vst v63  }
0xf9: {  	_ =	swait.ge [sflag:s8], $0x1C00  }
0xfa: {  	[sflag:s8] =	ssyncset.done $0x0  }
0xfb: {  	[sflag:s8] =	ssyncadd.s32 $0xFFFFE400  }
0xfc: {  	_ =	swait.ge [sflag:s30], $0x150  }
0xfd: {  	[sflag:s30] =	ssyncset.done $0x0  }
0xfe: {  	[sflag:s30] =	ssyncadd.s32 $0xFFFFFEB0  }
0xff: {  	v2 =	vld [tilespmem:$0x1C0]  }
0x100: {  	v3 =	vld [tilespmem:$0x1D0]  }
0x101: {  	v49 =	vld [tilespmem:$0x1E0]  }
0x102: {  	v51 =	vld [tilespmem:$0x1F0]  }
0x103: {  	v53 =	vld [tilespmem:$0x200]  }
0x104: {  	v55 =	vld [tilespmem:$0x210]  }
0x105: {  	v57 =	vld [tilespmem:$0x220]  }
0x106: {  	v50 =	vsub.s32 v2, v0  }
0x107: {  	v2 =	vand.u32 $0xF, v2;
	v52 =	vsub.s32 v3, v0;
	v3 =	vand.u32 $0xF, v3  }
0x108: {  	v54 =	vsub.s32 v49, v0;
	v4 =	vand.u32 $0xF, v49;
	v56 =	vsub.s32 v51, v0  }
0x109: {  	v6 =	vand.u32 $0xF, v51;
	v58 =	vsub.s32 v53, v0;
	v59 =	vand.u32 $0xF, v53  }
0x10a: {  	v60 =	vsub.s32 v55, v0;
	v61 =	vand.u32 $0xF, v55;
	v62 =	vsub.s32 v57, v0  }
0x10b: {  	v63 =	vand.u32 $0xF, v57;
	vm9 =	vlt.u32 v50, $0x6200;
	v2 =	vor.u32 $0x6200, v2  }
0x10c: {  	vm10 =	vlt.u32 v52, $0x6200;
	v3 =	vor.u32 $0x6200, v3;
	v2 =	vsel vm9, v50, v2  }
0x10d: {  	vm11 =	vlt.u32 v54, $0x6200;
	v4 =	vor.u32 $0x6200, v4;
	v3 =	vsel vm10, v52, v3;
	[tilespmem:$0x310] =	vst v2  }
0x10e: {  	vm12 =	vlt.u32 v56, $0x6200;
	v6 =	vor.u32 $0x6200, v6;
	v4 =	vsel vm11, v54, v4;
	[tilespmem:$0x320] =	vst v3  }
0x10f: {  	vm13 =	vlt.u32 v58, $0x6200;
	v2 =	vsel vm12, v56, v6;
	v3 =	vor.u32 $0x6200, v59;
	[tilespmem:$0x330] =	vst v4  }
0x110: {  	vm14 =	vlt.u32 v60, $0x6200;
	v3 =	vsel vm13, v58, v3;
	[tilespmem:$0x340] =	vst v2;
	v2 =	vor.u32 $0x6200, v61  }
0x111: {  	vm15 =	vlt.u32 v62, $0x6200;
	[tilespmem:$0x350] =	vst v3;
	v2 =	vsel vm14, v60, v2;
	v3 =	vor.u32 $0x6200, v63  }
0x112: {  	[tilespmem:$0x360] =	vst v2;
	v2 =	vsel vm15, v62, v3  }
0x113: {  	[tilespmem:$0x370] =	vst v2  }
0x114: {  	[tilespmem:s0], [sflag:$0x4] =	stream.indirect.gather [hbm4b:s1+s28], $0x40, s31, s28, $0xb8;
	[tilespmem:$0x1C3C0] =	vst v63  }
0x115: {  	_ =	swait.ge [sflag:s3], $0x1C00  }
0x116: {  	[sflag:s3] =	ssyncset.done $0x0  }
0x117: {  	[sflag:s3] =	ssyncadd.s32 $0xFFFFE400  }
0x118: {  	[spmem:s2] =	stream.indirect.scatter.add.f32 [tilespmem:s23], [sflag:$0x5], $0x40, s6, s28, $0xb8;
	[tilespmem:$0x1C3C0] =	vst v63  }
0x119: {  	_ =	swait.ge [sflag:s8], $0x1C00  }
0x11a: {  	[sflag:s8] =	ssyncset.done $0x0  }
0x11b: {  	[sflag:s8] =	ssyncadd.s32 $0xFFFFE400  }
0x11c: {  	_ =	swait.ge [sflag:s9], $0x1C00  }
0x11d: {  	[sflag:s9] =	ssyncset.done $0x0  }
0x11e: {  	[sflag:s9] =	ssyncadd.s32 $0xFFFFE400  }
0x11f: {  	[spmem:s2] =	stream.indirect.scatter.add.f32 [tilespmem:s0], [sflag:$0x5], $0x40, s10, s28, $0xb8;
	[tilespmem:$0x1C3C0] =	vst v63  }
0x120: {  	_ =	swait.ge [sflag:s8], $0x1C00  }
0x121: {  	[sflag:s8] =	ssyncset.done $0x0  }
0x122: {  	s13 =	stileid.u32;
	[sflag:s8] =	ssyncadd.s32 $0xFFFFE400  }
0x123: {  	s12 =	sshll.u32 s13, $0x6;
	[bflag:$0x0] =	sbarrier.arrive $0xFFFF  }
0x124: {  	s13 =	sshrl.u32 s7, $0x3;
	s12 =	sor.u32 $0x1C06, s12;
	s14 =	rddreg [dreg:$0x5]  }
0x125: {  	[hbm:s14], [sflag:s12] =	dma.local [spmem:s13], $0x3100  }
0x126: {  	_ =	swait.ge [sflag:s24], $0x3100  }
0x127: {  	s11 =	sadd.s32 $0x1, s11;
	s14 =	rddreg [dreg:$0x6]  }
0x128: {  	p0 =	sne.s32 s11, s14  }
.Ltmp2:
0x129: {  	_ = 	snop;
	(pc) =	sbr.rel @p0 .LBB2_1-.Ltmp2, $3  }
0x12a: {  	_ =	sdelay $0x1  }
0x12b: {  	[sflag:s24] =	ssyncset.done $0x0  }
0x12c: {  	[sflag:s24] =	ssyncadd.s32 $0xFFFFCF00  }
0x12d: {  	_ =	sfence.sel $0x180000  }
0x12e: {  	[bflag:$0x0] =	sbarrier.arrive $0xFFFF  }
0x12f: {  	_ =	strace $0x90000047  }
0x130: {  	s0 =	stileid.u32;
	[bflag:$0x2] =	sbarrier.arrive $0xFFFF  }
0x131: {  	p0 =	sne.s32 s0, $0x0;
	s0 =	rddreg [dreg:$0x3]  }
0x132: {  	s0 =	sadd.s32 @!p0 $0x100000, s0  }
0x133: {  	[sflag:s0] =	ssyncadd.tile.s32 @!p0 $0x1;
	_ =	shalt  }
.Lfunc_end2:
_tile_overlayer_lowered:
.L_overlay_start_2:
0x134: {  	(tag) =	ssettag $0x2  }
0x135: {  	s0 =	rddreg [dreg:$0x0];
	s2 =	stileid.u32  }
0x136: {  	s1 =	rddreg [dreg:$0x1];
	p0 =	sne.s32 s2, $0x0  }
0x137: {  	s3 =	rddreg [dreg:$0x2];
	[bflag:$0x3] =	sbarrier.arrive $0xFFFF;
	s2 =	simm.s32 @!p0 $0x1C06  }
0x138: {  	[timem:s3], [sflag:s2] =	dma.local @!p0 [hbm:s0], s1  }
0x139: {  	s0 =	simm.s32 @!p0 $0x6  }
0x13a: {  	_ =	swait.ge @!p0 [sflag:s0], s1  }
0x13b: {  	s1 =	ssub.s32 @!p0 $0x0, s1;
	[sflag:s0] =	ssyncset.done @!p0 $0x0  }
0x13c: {  	[sflag:s0] =	ssyncadd.s32 @!p0 s1  }
0x13d: {  	[bflag:$0x3] =	sbarrier.arrive $0xFFFF  }
0x13e: {  	_ =	shalt  }

// kernel: kernel.17.cloned.1.call-start
scs
__scs_entry_jumppad:
0x0: {  	(pc) =	sbr.rel $0x88, $3  }
0x1: {  	(tag) =	ssettag $0x0;
	lr =	simm.s32 $0x1  }
0x2: {  	[smem:$0x3F8D] =	sst lr;
	_ =	strace $0xD0000000  }
0x3: {  	_ = 	snop  }
0x4: {  	_ = 	snop  }
0x5: {  	_ = 	snop  }
0x6: {  	_ = 	snop  }
0x7: {  	_ = 	snop  }
__scs_overlays_trampoline_lowered:
0x8: {  	[smem:$0x3F9C] =	sst s0  }
0x9: {  	[smem:$0x3F9D] =	sst s1  }
0xa: {  	[smem:$0x3F9E] =	sst s2  }
0xb: {  	[smem:$0x3F9F] =	sst s3  }
0xc: {  	[smem:$0x3FA0] =	sst s4  }
0xd: {  	[smem:$0x3FA1] =	sst s5  }
0xe: {  	[smem:$0x3FA2] =	sst s6  }
0xf: {  	[smem:$0x3FA3] =	sst s7  }
0x10: {  	[smem:$0x3FA4] =	sst s8  }
0x11: {  	[smem:$0x3FA5] =	sst s9;
	s0 =	simm.s32 @!p0 $0x0  }
0x12: {  	s1 =	sld [smem:$0x3F8B];
	s0 =	simm.s32 @p0 $0x1  }
0x13: {  	[smem:$0x3FA6] =	sst s0;
	s0 =	simm.s32 @!p1 $0x0  }
0x14: {  	s2 =	sld [smem:$0x3F8A];
	s0 =	simm.s32 @p1 $0x1  }
0x15: {  	[smem:$0x3FA7] =	sst s0;
	s0 =	simm.s32 @!p2 $0x0  }
0x16: {  	s3 =	sld [smem:$0x3FDB];
	s0 =	simm.s32 @p2 $0x1  }
0x17: {  	s4 =	simm.s32 $0x1BF5;
	[smem:$0x3FA9] =	sst s0  }
0x18: {  	s0 =	sld [smem:$0x3F8C];
	_ =	swait.ge [sflag:s4], $0x0  }
0x19: {  	s7 =	sld [smem:$0x3F8D]  }
0x1a: {  	s8 =	sadd.s32 $0xFFFFE003, lr  }
0x1b: {  	s9 =	sadd.s32 $0xFFFFFEF7, lr;
	s5 =	simm.s32 $0xFFFFFFFF;
	p2 =	slt.u32 s8, $0xFFFFF086  }
0x1c: {  	p1 =	slt.u32 s9, $0xF7A;
	s5 =	simm.s32 @!p2 $0x0  }
0x1d: {  	s5 =	simm.s32 @p1 $0x1;
	p0 =	seq.s32 s7, s2  }
0x1e: {  	s7 =	smul.u32 @!p0 $0xF7A, s2;
	p2 =	seq.s32 @!p0 s5, $0x0  }
0x1f: {  	s9 =	smul.u32 $0xF7A, s1;
	s8 =	simm.s32 @!p0 $0x1BF5;
	p2 =	por !p2, p0  }
0x20: {  	[sflag:s8] =	ssyncset.s32 @!p0 $0xFFFFF086;
	s6 =	sadd.s32 @!p0 s3, s7;
	s7 =	simm.s32 @!p0 $0x108  }
0x21: {  	s3 =	sadd.s32 s3, s9;
	s6 =	sadd.s32 @!p0 $0x88, s6;
	s7 =	simm.s32 @p2 $0x1082  }
0x22: {  	[simem:s7], [sflag:s8] =	dma.local @!p0 [hbm:s6], $0xF7A  }
0x23: {  	s9 =	sor.u32 $0xD0000000, s2;
	s6 =	simm.s32 $0x108;
	_ =	swait.ge @!p0 [sflag:s8], $0x0  }
0x24: {  	s3 =	sadd.s32 $0x88, s3;
	s6 =	simm.s32 @!p1 $0x1082;
	[sflag:s4] =	ssyncset.s32 $0xFFFFF086  }
0x25: {  	[simem:s6], [sflag:s4] =	dma.local [hbm:s3], $0xF7A  }
0x26: {  	[smem:$0x3F8D] =	sst s1;
	(tag) =	ssettag s2;
	_ =	strace s9  }
0x27: {  	s1 =	sld [smem:$0x3F9D]  }
0x28: {  	s2 =	sld [smem:$0x3F9E]  }
0x29: {  	s4 =	sld [smem:$0x3FA0]  }
0x2a: {  	p0 =	seq.s32 s5, $0x0;
	s5 =	sld [smem:$0x3FA1]  }
0x2b: {  	s6 =	sld [smem:$0x3FA2]  }
0x2c: {  	s7 =	sld [smem:$0x3FA3]  }
0x2d: {  	s3 =	simm.s32 $0x108;
	s8 =	sld [smem:$0x3FA4]  }
0x2e: {  	s3 =	simm.s32 @!p0 $0x1082;
	s9 =	sld [smem:$0x3FA5]  }
0x2f: {  	lr =	sadd.s32 s0, s3;
	s0 =	sld [smem:$0x3F9C]  }
0x30: {  	s3 =	sld [smem:$0x3F9F]  }
0x31: {  	[smem:$0x3FA8] =	sst s10  }
0x32: {  	s10 =	sld [smem:$0x3FA6];
	_ =	sdelay $0x3  }
0x33: {  	p0 =	seq.s32 s10, $0x1;
	s10 =	sld [smem:$0x3FA8];
	_ =	sdelay $0x3  }
0x34: {  	[smem:$0x3FA8] =	sst s10  }
0x35: {  	s10 =	sld [smem:$0x3FA7];
	_ =	sdelay $0x3  }
0x36: {  	p1 =	seq.s32 s10, $0x1;
	s10 =	sld [smem:$0x3FA8];
	_ =	sdelay $0x3  }
0x37: {  	[smem:$0x3FA8] =	sst s10  }
0x38: {  	s10 =	sld [smem:$0x3FA9]  }
0x39: {  	_ = 	snop;
	(pc) =	sbr.ind lr, $3  }
0x3a: {  	_ = 	snop  }
0x3b: {  	_ = 	snop  }
0x3c: {  	p2 =	seq.s32 s10, $0x1;
	s10 =	sld [smem:$0x3FA8]  }
0x3d: {  	_ =	shalt  }
0x3e: {  	_ =	shalt  }
0x3f: {  	_ =	shalt  }
0x40: {  	_ =	shalt  }
0x41: {  	_ =	shalt  }
0x42: {  	_ =	shalt  }
0x43: {  	_ =	shalt  }
0x44: {  	_ =	shalt  }
0x45: {  	_ =	shalt  }
0x46: {  	_ =	shalt  }
0x47: {  	_ =	shalt  }
0x48: {  	_ =	shalt  }
0x49: {  	_ =	shalt  }
0x4a: {  	_ =	shalt  }
0x4b: {  	_ =	shalt  }
0x4c: {  	_ =	shalt  }
0x4d: {  	_ =	shalt  }
0x4e: {  	_ =	shalt  }
0x4f: {  	_ =	shalt  }
0x50: {  	_ =	shalt  }
0x51: {  	_ =	shalt  }
0x52: {  	_ =	shalt  }
0x53: {  	_ =	shalt  }
0x54: {  	_ =	shalt  }
0x55: {  	_ =	shalt  }
0x56: {  	_ =	shalt  }
0x57: {  	_ =	shalt  }
0x58: {  	_ =	shalt  }
0x59: {  	_ =	shalt  }
0x5a: {  	_ =	shalt  }
0x5b: {  	_ =	shalt  }
0x5c: {  	_ =	shalt  }
0x5d: {  	_ =	shalt  }
0x5e: {  	_ =	shalt  }
0x5f: {  	_ =	shalt  }
0x60: {  	_ =	shalt  }
0x61: {  	_ =	shalt  }
0x62: {  	_ =	shalt  }
0x63: {  	_ =	shalt  }
0x64: {  	_ =	shalt  }
0x65: {  	_ =	shalt  }
0x66: {  	_ =	shalt  }
0x67: {  	_ =	shalt  }
0x68: {  	_ =	shalt  }
0x69: {  	_ =	shalt  }
0x6a: {  	_ =	shalt  }
0x6b: {  	_ =	shalt  }
0x6c: {  	_ =	shalt  }
0x6d: {  	_ =	shalt  }
0x6e: {  	_ =	shalt  }
0x6f: {  	_ =	shalt  }
0x70: {  	_ =	shalt  }
0x71: {  	_ =	shalt  }
0x72: {  	_ =	shalt  }
0x73: {  	_ =	shalt  }
0x74: {  	_ =	shalt  }
0x75: {  	_ =	shalt  }
0x76: {  	_ =	shalt  }
0x77: {  	_ =	shalt  }
0x78: {  	_ =	shalt  }
0x79: {  	_ =	shalt  }
0x7a: {  	_ =	shalt  }
0x7b: {  	_ =	shalt  }
0x7c: {  	_ =	shalt  }
0x7d: {  	_ =	shalt  }
0x7e: {  	_ =	shalt  }
0x7f: {  	_ =	shalt  }
0x80: {  	_ =	shalt  }
0x81: {  	_ =	shalt  }
0x82: {  	_ =	shalt  }
0x83: {  	_ =	shalt  }
0x84: {  	_ =	shalt  }
0x85: {  	_ =	shalt  }
0x86: {  	_ =	shalt  }
0x87: {  	_ =	shalt  }
.Lfunc_end0:
.L_simem_size_0:
called_computation.1_lowered:
.L_overlay_start_0:
0x88: {  	s2 =	sld [smem:$0x3FD9]  }
0x89: {  	s3 =	sld [smem:$0x3FFE];
	_ =	sdelay $0x1  }
0x8a: {  	s1 =	srdreg.scid  }
0x8b: {  	s0 =	sand.u32 $0x1, s1  }
0x8c: {  	s16 =	sshll.u32 s0, $0xA;
	s2 =	sadd.s32 s3, s2  }
0x8d: {  	s2 =	sadd.s32 s2, s16  }
0x8e: {  	[smem:$0x3FB4] =	sst s2  }
0x8f: {  	_ = 	snop  }
0x90: {  	(tm) =	ssettm $0x1  }
0x91: {  	s17 =	sld [smem:$0x3FFB];
	_ =	sdelay $0x3  }
0x92: {  	_ =	strace s17  }
0x93: {  	s2 =	sld [smem:$0x3FFC];
	_ =	sdelay $0x3  }
0x94: {  	_ =	strace s2  }
0x95: {  	s2 =	sld [smem:$0x3FFD];
	_ =	sdelay $0x3  }
0x96: {  	_ =	strace s2  }
0x97: {  	_ =	strace $0x8FFFFFFF  }
0x98: {  	s18 =	sld [smem:$0x3FDB];
	_ =	sdelay $0x1  }
0x99: {  	s19 =	simm.s32 $_scs_section_size  }
0x9a: {  	s4 =	simm.s32 $_size__tile_overlayer_lowered;
	s5 =	simm.s32 $_tile_overlayer_lowered  }
0x9b: {  	s22 =	simm.s32 $0x1BFF;
	s21 =	sshll.u32 s5, $0x1;
	s2 =	sadd.s32 s19, s18  }
0x9c: {  	s6 =	simm.s32 $0x0;
	s20 =	sshll.u32 s4, $0x1;
	s4 =	sadd.s32 s21, s2  }
0x9d: {  	[timem:s6], [sflag:s22] =	dma.local [hbm:s4], s20  }
0x9e: {  	_ =	swait.ge [sflag:s22], s20  }
0x9f: {  	s3 =	ssub.s32 $0x0, s20;
	[sflag:s22] =	ssyncset.done $0x0  }
0xa0: {  	[sflag:s22] =	ssyncadd.s32 s3;
	_ =	sdelay $0x1  }
0xa1: {  	s23 =	simm.s32 $0x1B8B  }
0xa2: {  	_ =	swait.ge [sflag:s23], $0x1  }
0xa3: {  	[sflag:s23] =	ssyncset.done $0x0  }
0xa4: {  	s25 =	simm.s32 $0x1B8E;
	s24 =	sld [smem:$0x3FFE];
	[sflag:s23] =	ssyncadd.s32 $0xFFFFFFFF  }
0xa5: {  	s26 =	simm.s32 $execute0_lowered;
	[smem:$0x3FD2] =	sst s25  }
0xa6: {  	s4 =	sshll.u32 s26, $0x1;
	_ =	strace $0x80000049;
	[dreg:$0x1] =	wrdreg $0xFFFFFFFF  }
0xa7: {  	s28 =	simm.s32 $_size_execute0_lowered;
	s2 =	sadd.s32 s2, s4;
	[dreg:$0x0] =	wrdreg $0x0  }
0xa8: {  	s4 =	sshll.u32 s28, $0x1;
	[dreg:$0x2] =	wrdreg s2  }
0xa9: {  	[dreg:$0x3] =	wrdreg s4  }
0xaa: {  	[dreg:$0x4] =	wrdreg $0xC0  }
0xab: {  	_ =	task [dreg:s6], $0x5FFFF  }
0xac: {  	[dreg:$0x1] =	wrdreg $0xFFFFFFFF  }
0xad: {  	[dreg:$0x0] =	wrdreg $0x60  }
0xae: {  	[dreg:$0x2] =	wrdreg s24  }
0xaf: {  	[dreg:$0x3] =	wrdreg $0x73800  }
0xb0: {  	[dreg:$0x4] =	wrdreg $0x9  }
0xb1: {  	_ =	task.clear_ibuf [dreg:s6], $0x5FFFF;
	_ =	strace $0x90000049  }
0xb2: {  	s29 =	simm.s32 $0x9;
	_ =	strace $0x8000004B  }
0xb3: {  	_ =	swait.ge [sflag:s29], $0x1  }
0xb4: {  	[sflag:s29] =	ssyncadd.s32 $0xFFFFFFFF  }
0xb5: {  	_ =	strace $0x9000004B  }
0xb6: {  	_ =	sfence  }
0xb7: {  	s30 =	sld [smem:$0x0];
	_ =	sdelay $0x2  }
0xb8: {  	s31 =	sshll.u32 s1, $0xD;
	s1 =	sshrl.u32 s1, $0x2  }
0xb9: {  	s3 =	sand.u32 $0x4000, s31;
	s1 =	sadd.s32 s1, s30  }
0xba: {  	s0 =	sor.u32 s3, s0;
	s1 =	sshll.u32 s1, $0x11  }
0xbb: {  	s0 =	sor.u32 s1, s0  }
0xbc: {  	s0 =	sadd.s32 $0x8F2B, s0  }
0xbd: {  	[sflag:s0] =	ssyncadd.remote.s32 $0x1  }
0xbe: {  	_ =	sfence.sel $0xFFFF  }
0xbf: {  	[dreg:$0x0] =	wrdreg $0xFFFFFFFF;
	(pc) =	sbr.abs _section_cstart, $3  }
0xc0: {  	[dreg:$0x1] =	wrdreg $0xFFFFFFFF  }
0xc1: {  	_ =	task.clear_ibuf [dreg:s6], $0x2FFFF;
	_ =	strace $0x9FFFFFFF  }
0xc2: {  	(tm) =	ssettm $0x7FFFFFFF  }
0xc3: {  	_ =	shalt  }
tec
execute0_lowered:
.L_overlay_start_1:
0x0: {  	(tag) =	ssettag $0x1  }
0x1: {  	s0 =	rddreg [dreg:$0x0]  }
0x2: {  	s1 =	rddreg [dreg:$0x1];
	s11 =	stileid.u32  }
0x3: {  	s2 =	srdreg.scid;
	s3 =	simm.s32 $0x0;
	s6 =	smul.u32 $0x620, s11  }
0x4: {  	s2 =	sand.u32 $0x1, s2;
	[smem:$0x7FF] =	sst s3;
	s8 =	smul.u32 $0x4980, s11  }
0x5: {  	s4 =	sadd.s32 $0x4000, s0;
	s5 =	sadd.s32 $0x4D800, s0;
	s16 =	smul.u32 $0x6200, s2  }
0x6: {  	s10 =	smul.u32 $0x62000, s11;
	_ =	strace $0x8000004A;
	s2 =	ssub.s32 $0x2, s2  }
0x7: {  	s9 =	sshrl.u32 s2, $0x1;
	s8 =	sadd.s32 s4, s8;
	s6 =	sadd.s32 s6, s16  }
0x8: {  	s2 =	ssub.s32 s2, s9;
	s12 =	sadd.s32 $0x2A, s8;
	s7 =	sshll.u32 s6, $0x3  }
0x9: {  	s6 =	sadd.s32 $0xAFC00, s0;
	[dreg:$0x3] =	wrdreg s12;
	s13 =	smax.u32 s2, $0x1  }
0xa: {  	s0 =	sadd.s32 s7, s0;
	s7 =	smul.u32 $0x1C0, s11;
	s11 =	sshrl.u32 s10, $0x2  }
0xb: {  	[dreg:$0x5] =	wrdreg s13;
	s0 =	sadd.s32 $0x175400, s0;
	s11 =	sadd.s32 s11, s1  }
0xc: {  	[dreg:$0x4] =	wrdreg s0;
	s14 =	sadd.s32 $0x1C00, s11  }
0xd: {  	s15 =	sadd.s32 $0x3800, s11;
	[dreg:$0x6] =	wrdreg s14  }
0xe: {  	s17 =	sadd.s32 $0x5400, s11;
	[dreg:$0x7] =	wrdreg s15  }
0xf: {  	s28 =	simm.s32 $0x6;
	s18 =	sadd.s32 $0x7000, s11;
	[dreg:$0x8] =	wrdreg s17  }
0x10: {  	s29 =	simm.s32 $0x150;
	s19 =	sadd.s32 $0x8C00, s11;
	[dreg:$0x9] =	wrdreg s18  }
0x11: {  	s30 =	simm.s32 $0x1;
	s20 =	sadd.s32 $0xA800, s11;
	[dreg:$0xa] =	wrdreg s19  }
0x12: {  	s31 =	simm.s32 $0x70;
	s21 =	sadd.s32 $0xC400, s11;
	[dreg:$0xb] =	wrdreg s20  }
0x13: {  	s9 =	simm.s32 $0x2;
	s22 =	sadd.s32 $0xE000, s11;
	[dreg:$0xc] =	wrdreg s21  }
0x14: {  	v0 =	vmov s16;
	s16 =	simm.s32 $0x5;
	s23 =	sadd.s32 $0xFC00, s11;
	[dreg:$0xd] =	wrdreg s22  }
0x15: {  	s2 =	simm.s32 $0x3B80;
	s24 =	sadd.s32 $0x11800, s11;
	[dreg:$0xe] =	wrdreg s23  }
0x16: {  	s12 =	simm.s32 $0x1F80;
	s25 =	sadd.s32 $0x13400, s11;
	[dreg:$0xf] =	wrdreg s24  }
0x17: {  	s10 =	simm.s32 $0x230;
	s26 =	sadd.s32 $0x15000, s11;
	[dreg:$0x10] =	wrdreg s25  }
0x18: {  	s13 =	simm.s32 $0x5780;
	s0 =	simm.s32 $0xE0;
	[dreg:$0x11] =	wrdreg s26  }
0x19: {  	s25 =	sadd.s32 $0x16C00, s11;
	s26 =	simm.s32 $0x380;
	s14 =	simm.s32 $0x3  }
0x1a: {  	v1 =	vimm.f32 $0.0e+00;
	s15 =	simm.s32 $0x2A0;
	s17 =	simm.s32 $0x4;
	s18 =	simm.s32 $0x310  }
.LBB2_1:
0x1b: {  	s20 =	simm.s32 $0x100;
	s19 =	simm.s32 $0x0  }
.LBB2_2:
0x1c: {  	p0 =	sne.s32 s20, $0x6F00;
	[tilespmem:s19+$0x3B0] =	vst v1;
	s21 =	smov.u32 s20;
	s20 =	sadd.s32 $0x100, s20  }
.Ltmp0:
0x1d: {  	[tilespmem:s19+$0x3A0] =	vst v1;
	(pc) =	sbr.rel @p0 .LBB2_2-.Ltmp0, $3  }
0x1e: {  	[tilespmem:s19+$0x380] =	vst v1  }
0x1f: {  	[tilespmem:s19+$0x390] =	vst v1;
	_ =	sdelay $0x1  }
0x20: {  	s19 =	sshra.s32 s21, $0x2  }
0x21: {  	[tilespmem:s19+$0x3B0] =	vst v1  }
0x22: {  	[tilespmem:s19+$0x3A0] =	vst v1  }
0x23: {  	[tilespmem:s19+$0x380] =	vst v1  }
0x24: {  	[tilespmem:s19+$0x390] =	vst v1  }
0x25: {  	[spmem:s11] =	stream.linear.scatter [tilespmem:s26], [sflag:$0x6], $0x1C00, $0x38;
	[tilespmem:$0x1FBC0] =	vst v63  }
0x26: {  	_ =	swait.ge [sflag:s28], $0x1C00  }
0x27: {  	[sflag:s28] =	ssyncset.done $0x0  }
0x28: {  	s23 =	rddreg [dreg:$0x6];
	[sflag:s28] =	ssyncadd.s32 $0xFFFFE400  }
0x29: {  	[spmem:s23] =	stream.linear.scatter [tilespmem:s26], [sflag:$0x6], $0x1C00, $0x38;
	[tilespmem:$0x1FBC0] =	vst v63  }
0x2a: {  	_ =	swait.ge [sflag:s28], $0x1C00  }
0x2b: {  	[sflag:s28] =	ssyncset.done $0x0  }
0x2c: {  	s24 =	rddreg [dreg:$0x7];
	[sflag:s28] =	ssyncadd.s32 $0xFFFFE400  }
0x2d: {  	[spmem:s24] =	stream.linear.scatter [tilespmem:s26], [sflag:$0x6], $0x1C00, $0x38;
	[tilespmem:$0x1FBC0] =	vst v63  }
0x2e: {  	_ =	swait.ge [sflag:s28], $0x1C00  }
0x2f: {  	[sflag:s28] =	ssyncset.done $0x0  }
0x30: {  	s20 =	rddreg [dreg:$0x8];
	[sflag:s28] =	ssyncadd.s32 $0xFFFFE400  }
0x31: {  	[spmem:s20] =	stream.linear.scatter [tilespmem:s26], [sflag:$0x6], $0x1C00, $0x38;
	[tilespmem:$0x1FBC0] =	vst v63  }
0x32: {  	_ =	swait.ge [sflag:s28], $0x1C00  }
0x33: {  	[sflag:s28] =	ssyncset.done $0x0  }
0x34: {  	s21 =	rddreg [dreg:$0x9];
	[sflag:s28] =	ssyncadd.s32 $0xFFFFE400  }
0x35: {  	[spmem:s21] =	stream.linear.scatter [tilespmem:s26], [sflag:$0x6], $0x1C00, $0x38;
	[tilespmem:$0x1FBC0] =	vst v63  }
0x36: {  	_ =	swait.ge [sflag:s28], $0x1C00  }
0x37: {  	[sflag:s28] =	ssyncset.done $0x0  }
0x38: {  	s22 =	rddreg [dreg:$0xa];
	[sflag:s28] =	ssyncadd.s32 $0xFFFFE400  }
0x39: {  	[spmem:s22] =	stream.linear.scatter [tilespmem:s26], [sflag:$0x6], $0x1C00, $0x38;
	[tilespmem:$0x1FBC0] =	vst v63  }
0x3a: {  	_ =	swait.ge [sflag:s28], $0x1C00  }
0x3b: {  	[sflag:s28] =	ssyncset.done $0x0  }
0x3c: {  	s23 =	rddreg [dreg:$0xb];
	[sflag:s28] =	ssyncadd.s32 $0xFFFFE400  }
0x3d: {  	[spmem:s23] =	stream.linear.scatter [tilespmem:s26], [sflag:$0x6], $0x1C00, $0x38;
	[tilespmem:$0x1FBC0] =	vst v63  }
0x3e: {  	_ =	swait.ge [sflag:s28], $0x1C00  }
0x3f: {  	[sflag:s28] =	ssyncset.done $0x0  }
0x40: {  	s24 =	rddreg [dreg:$0xc];
	[sflag:s28] =	ssyncadd.s32 $0xFFFFE400  }
0x41: {  	[spmem:s24] =	stream.linear.scatter [tilespmem:s26], [sflag:$0x6], $0x1C00, $0x38;
	[tilespmem:$0x1FBC0] =	vst v63  }
0x42: {  	_ =	swait.ge [sflag:s28], $0x1C00  }
0x43: {  	[sflag:s28] =	ssyncset.done $0x0  }
0x44: {  	s20 =	rddreg [dreg:$0xd];
	[sflag:s28] =	ssyncadd.s32 $0xFFFFE400  }
0x45: {  	[spmem:s20] =	stream.linear.scatter [tilespmem:s26], [sflag:$0x6], $0x1C00, $0x38;
	[tilespmem:$0x1FBC0] =	vst v63  }
0x46: {  	_ =	swait.ge [sflag:s28], $0x1C00  }
0x47: {  	[sflag:s28] =	ssyncset.done $0x0  }
0x48: {  	s21 =	rddreg [dreg:$0xe];
	[sflag:s28] =	ssyncadd.s32 $0xFFFFE400  }
0x49: {  	[spmem:s21] =	stream.linear.scatter [tilespmem:s26], [sflag:$0x6], $0x1C00, $0x38;
	[tilespmem:$0x1FBC0] =	vst v63  }
0x4a: {  	_ =	swait.ge [sflag:s28], $0x1C00  }
0x4b: {  	[sflag:s28] =	ssyncset.done $0x0  }
0x4c: {  	s22 =	rddreg [dreg:$0xf];
	[sflag:s28] =	ssyncadd.s32 $0xFFFFE400  }
0x4d: {  	[spmem:s22] =	stream.linear.scatter [tilespmem:s26], [sflag:$0x6], $0x1C00, $0x38;
	[tilespmem:$0x1FBC0] =	vst v63  }
0x4e: {  	_ =	swait.ge [sflag:s28], $0x1C00  }
0x4f: {  	[sflag:s28] =	ssyncset.done $0x0  }
0x50: {  	s23 =	rddreg [dreg:$0x10];
	[sflag:s28] =	ssyncadd.s32 $0xFFFFE400  }
0x51: {  	[spmem:s23] =	stream.linear.scatter [tilespmem:s26], [sflag:$0x6], $0x1C00, $0x38;
	[tilespmem:$0x1FBC0] =	vst v63  }
0x52: {  	_ =	swait.ge [sflag:s28], $0x1C00  }
0x53: {  	[sflag:s28] =	ssyncset.done $0x0  }
0x54: {  	s24 =	rddreg [dreg:$0x11];
	[sflag:s28] =	ssyncadd.s32 $0xFFFFE400  }
0x55: {  	[spmem:s24] =	stream.linear.scatter [tilespmem:s26], [sflag:$0x6], $0x1C00, $0x38;
	[tilespmem:$0x1FBC0] =	vst v63  }
0x56: {  	_ =	swait.ge [sflag:s28], $0x1C00  }
0x57: {  	[sflag:s28] =	ssyncset.done $0x0  }
0x58: {  	[sflag:s28] =	ssyncadd.s32 $0xFFFFE400  }
0x59: {  	[spmem:s25] =	stream.linear.scatter [tilespmem:s26], [sflag:$0x6], $0x1C00, $0x38;
	[tilespmem:$0x1FBC0] =	vst v63  }
0x5a: {  	_ =	swait.ge [sflag:s28], $0x1C00  }
0x5b: {  	[sflag:s28] =	ssyncset.done $0x0  }
0x5c: {  	[sflag:s28] =	ssyncadd.s32 $0xFFFFE400  }
0x5d: {  	s19 =	simm.s32 $0x0;
	[bflag:$0x0] =	sbarrier.arrive $0xFFFF  }
0x5e: {  	[tilespmem:s19], [sflag:$0x1] =	stream.linear.gather [hbm4b:s8+s19], $0x150, $0x38;
	[tilespmem:$0x1FBC0] =	vst v63  }
0x5f: {  	s20 =	rddreg [dreg:$0x3]  }
0x60: {  	[tilespmem:s29], [sflag:$0x2] =	stream.linear.gather [hbm4b:s20+s19], $0x150, $0x38;
	[tilespmem:$0x1FBC0] =	vst v63  }
0x61: {  	_ =	swait.ge [sflag:s30], $0x150  }
0x62: {  	[sflag:s30] =	ssyncset.done $0x0  }
0x63: {  	[sflag:s30] =	ssyncadd.s32 $0xFFFFFEB0  }
0x64: {  	v2 =	vld [tilespmem:$0x70]  }
0x65: {  	v3 =	vld [tilespmem:$0x80]  }
0x66: {  	v4 =	vld [tilespmem:$0x90]  }
0x67: {  	v6 =	vld [tilespmem:$0xA0]  }
0x68: {  	v7 =	vld [tilespmem:$0xB0]  }
0x69: {  	v9 =	vld [tilespmem:$0xC0]  }
0x6a: {  	v10 =	vld [tilespmem:$0xD0]  }
0x6b: {  	v5 =	vsub.s32 v2, v0  }
0x6c: {  	v2 =	vand.u32 $0xF, v2;
	v56 =	vsub.s32 v3, v0;
	v3 =	vand.u32 $0xF, v3  }
0x6d: {  	v8 =	vsub.s32 v4, v0;
	v4 =	vand.u32 $0xF, v4;
	v57 =	vsub.s32 v6, v0  }
0x6e: {  	v6 =	vand.u32 $0xF, v6;
	v58 =	vsub.s32 v7, v0;
	v59 =	vand.u32 $0xF, v7  }
0x6f: {  	v60 =	vsub.s32 v9, v0;
	v61 =	vand.u32 $0xF, v9;
	v62 =	vsub.s32 v10, v0  }
0x70: {  	v63 =	vand.u32 $0xF, v10;
	vm0 =	vlt.u32 v5, $0x6200;
	v2 =	vor.u32 $0x6200, v2  }
0x71: {  	vm10 =	vlt.u32 v56, $0x6200;
	v3 =	vor.u32 $0x6200, v3;
	v2 =	vsel vm0, v5, v2  }
0x72: {  	vm11 =	vlt.u32 v8, $0x6200;
	v4 =	vor.u32 $0x6200, v4;
	v3 =	vsel vm10, v56, v3;
	[tilespmem:$0x2A0] =	vst v2  }
0x73: {  	vm12 =	vlt.u32 v57, $0x6200;
	v6 =	vor.u32 $0x6200, v6;
	v4 =	vsel vm11, v8, v4;
	[tilespmem:$0x2B0] =	vst v3  }
0x74: {  	vm13 =	vlt.u32 v58, $0x6200;
	v2 =	vsel vm12, v57, v6;
	v3 =	vor.u32 $0x6200, v59;
	[tilespmem:$0x2C0] =	vst v4  }
0x75: {  	vm14 =	vlt.u32 v60, $0x6200;
	v3 =	vsel vm13, v58, v3;
	[tilespmem:$0x2D0] =	vst v2;
	v2 =	vor.u32 $0x6200, v61  }
0x76: {  	vm15 =	vlt.u32 v62, $0x6200;
	[tilespmem:$0x2E0] =	vst v3;
	v2 =	vsel vm14, v60, v2;
	v3 =	vor.u32 $0x6200, v63  }
0x77: {  	[tilespmem:$0x2F0] =	vst v2;
	v2 =	vsel vm15, v62, v3  }
0x78: {  	[tilespmem:$0x300] =	vst v2  }
0x79: {  	[tilespmem:s26], [sflag:$0x3] =	stream.indirect.gather [hbm4b:s6+s31], $0x40, s0, s31, $0xb8;
	[tilespmem:$0x1FBC0] =	vst v63  }
0x7a: {  	s20 =	simm.s32 $0x0  }
0x7b: {  	[tilespmem:s2], [sflag:$0x3] =	stream.indirect.gather [hbm4b:s5+s31], $0x40, s19, s31, $0xb8;
	[tilespmem:$0x1FBC0] =	vst v63  }
.LBB2_4:
0x7c: {  	p0 =	seq.s32 s20, $0x0  }
0x7d: {  	s21 =	simm.s32 @!p0 $0x5  }
0x7e: {  	_ =	swait.ge @!p0 [sflag:s21], $0x1C00  }
0x7f: {  	[sflag:s21] =	ssyncset.done @!p0 $0x0  }
0x80: {  	[sflag:s21] =	ssyncadd.s32 @!p0 $0xFFFFE400  }
0x81: {  	_ =	swait.ge [sflag:s9], $0x150  }
0x82: {  	[sflag:s9] =	ssyncset.done $0x0  }
0x83: {  	[sflag:s9] =	ssyncadd.s32 $0xFFFFFEB0  }
0x84: {  	v2 =	vld [tilespmem:$0x1C0]  }
0x85: {  	v4 =	vld [tilespmem:$0x1E0];
	_ =	sdelay $0x1  }
0x86: {  	v3 =	vld [tilespmem:$0x1D0];
	_ =	sdelay $0x1  }
0x87: {  	v6 =	vld [tilespmem:$0x1F0];
	v5 =	vsub.s32 v2, v0  }
0x88: {  	v2 =	vand.u32 $0xF, v2;
	v8 =	vsub.s32 v4, v0;
	v4 =	vand.u32 $0xF, v4  }
0x89: {  	v7 =	vld [tilespmem:$0x200];
	vm0 =	vlt.u32 v5, $0x6200;
	v2 =	vor.u32 $0x6200, v2;
	vm11 =	vlt.u32 v8, $0x6200  }
0x8a: {  	v9 =	vld [tilespmem:$0x210];
	v2 =	vsel vm0, v5, v2;
	v5 =	vsub.s32 v3, v0;
	v3 =	vand.u32 $0xF, v3  }
0x8b: {  	v10 =	vld [tilespmem:$0x220];
	v4 =	vor.u32 $0x6200, v4;
	vm10 =	vlt.u32 v5, $0x6200;
	v3 =	vor.u32 $0x6200, v3  }
0x8c: {  	v3 =	vsel vm10, v5, v3;
	v5 =	vsub.s32 v6, v0;
	v6 =	vand.u32 $0xF, v6  }
0x8d: {  	v4 =	vsel vm11, v8, v4;
	[tilespmem:$0x310] =	vst v2;
	vm12 =	vlt.u32 v5, $0x6200;
	v6 =	vor.u32 $0x6200, v6  }
0x8e: {  	[tilespmem:$0x330] =	vst v4;
	v2 =	vsel vm12, v5, v6;
	v5 =	vsub.s32 v7, v0;
	v6 =	vand.u32 $0xF, v7  }
0x8f: {  	v4 =	vand.u32 $0xF, v9;
	[tilespmem:$0x320] =	vst v3;
	vm13 =	vlt.u32 v5, $0x6200;
	v3 =	vor.u32 $0x6200, v6  }
0x90: {  	v6 =	vsub.s32 v9, v0;
	[tilespmem:$0x340] =	vst v2;
	v2 =	vor.u32 $0x6200, v4;
	v4 =	vsub.s32 v10, v0  }
0x91: {  	v3 =	vsel vm13, v5, v3;
	vm14 =	vlt.u32 v6, $0x6200;
	v5 =	vand.u32 $0xF, v10  }
0x92: {  	vm15 =	vlt.u32 v4, $0x6200;
	[tilespmem:$0x350] =	vst v3;
	v2 =	vsel vm14, v6, v2;
	v3 =	vor.u32 $0x6200, v5  }
0x93: {  	[tilespmem:$0x360] =	vst v2;
	v2 =	vsel vm15, v4, v3  }
0x94: {  	[tilespmem:$0x370] =	vst v2  }
0x95: {  	[tilespmem:s12], [sflag:$0x4] =	stream.indirect.gather [hbm4b:s6+s31], $0x40, s10, s31, $0xb8;
	[tilespmem:$0x1FBC0] =	vst v63  }
0x96: {  	s24 =	sshll.u32 s20, $0x1  }
0x97: {  	[tilespmem:s13], [sflag:$0x4] =	stream.indirect.gather [hbm4b:s5+s31], $0x40, s29, s31, $0xb8;
	[tilespmem:$0x1FBC0] =	vst v63  }
0x98: {  	s21 =	sadd.s32 s7, s24;
	_ =	swait.ge [sflag:s14], $0x1C00  }
0x99: {  	s21 =	smul.u32 $0x150, s21;
	[sflag:s14] =	ssyncset.done $0x0  }
0x9a: {  	[sflag:s14] =	ssyncadd.s32 $0xFFFFE400  }
0x9b: {  	s21 =	sshrl.u32 s21, $0x3;
	_ =	swait.ge [sflag:s14], $0x1C00  }
0x9c: {  	s21 =	sadd.s32 s4, s21;
	[sflag:s14] =	ssyncset.done $0x0  }
0x9d: {  	s22 =	sadd.s32 $0x54, s21;
	[sflag:s14] =	ssyncadd.s32 $0xFFFFE400  }
0x9e: {  	[tilespmem:s19], [sflag:$0x1] =	stream.linear.gather [hbm4b:s22+s19], $0x150, $0x38;
	[tilespmem:$0x1FBC0] =	vst v63  }
0x9f: {  	s22 =	simm.s32 $0x0  }
0xa0: {  	v4 =	vld [tilespmem:s22+$0x3B80]  }
0xa1: {  	v5 =	vld [tilespmem:s22+$0x3B90]  }
0xa2: {  	v3 =	vld [tilespmem:s22+$0x3BA0]  }
0xa3: {  	v2 =	vld [tilespmem:s22+$0x3BB0]  }
0xa4: {  	v6 =	vld [tilespmem:s22+$0x380]  }
0xa5: {  	v8 =	vld [tilespmem:s22+$0x390]  }
0xa6: {  	s23 =	simm.s32 $0x100;
	v7 =	vld [tilespmem:s22+$0x3A0]  }
.LBB2_5:
0xa7: {  	p0 =	sne.s32 s23, $0x6F00;
	v9 =	vld [tilespmem:s22+$0x3B0]  }
0xa8: {  	s24 =	sshra.s32 s23, $0x2  }
0xa9: {  	v6 =	vadd.f32 v4, v6;
	v4 =	vld [tilespmem:s24+$0x3B80]  }
0xaa: {  	v8 =	vadd.f32 v5, v8;
	v5 =	vld [tilespmem:s24+$0x3B90]  }
.Ltmp1:
0xab: {  	v6 =	vmax.f32 v6, $0.0e+00;
	v7 =	vadd.f32 v3, v7;
	v3 =	vld [tilespmem:s24+$0x3BA0];
	(pc) =	sbr.rel @p0 .LBB2_5-.Ltmp1, $4  }
0xac: {  	[tilespmem:s22+$0x380] =	vst v6;
	v8 =	vmax.f32 v8, $0.0e+00;
	v9 =	vadd.f32 v2, v9;
	v2 =	vld [tilespmem:s24+$0x3BB0]  }
0xad: {  	v6 =	vld [tilespmem:s24+$0x380];
	[tilespmem:s22+$0x390] =	vst v8;
	v7 =	vmax.f32 v7, $0.0e+00  }
0xae: {  	v8 =	vld [tilespmem:s24+$0x390];
	[tilespmem:s22+$0x3A0] =	vst v7;
	v9 =	vmax.f32 v9, $0.0e+00  }
0xaf: {  	s23 =	sadd.s32 $0x100, s23;
	v7 =	vld [tilespmem:s24+$0x3A0];
	[tilespmem:s22+$0x3B0] =	vst v9;
	s22 =	smov.u32 s24  }
0xb0: {  	v9 =	vld [tilespmem:s22+$0x3B0];
	_ =	sdelay $0x1  }
0xb1: {  	v4 =	vadd.f32 v4, v6  }
0xb2: {  	v5 =	vadd.f32 v5, v8  }
0xb3: {  	v4 =	vmax.f32 v4, $0.0e+00;
	v3 =	vadd.f32 v3, v7  }
0xb4: {  	[tilespmem:s22+$0x380] =	vst v4;
	v4 =	vmax.f32 v5, $0.0e+00;
	v2 =	vadd.f32 v2, v9  }
0xb5: {  	[tilespmem:s22+$0x390] =	vst v4;
	v3 =	vmax.f32 v3, $0.0e+00  }
0xb6: {  	[tilespmem:s22+$0x3A0] =	vst v3;
	v2 =	vmax.f32 v2, $0.0e+00  }
0xb7: {  	[tilespmem:s22+$0x3B0] =	vst v2  }
0xb8: {  	[spmem:s1] =	stream.indirect.scatter.add.f32 [tilespmem:s26], [sflag:$0x5], $0x40, s15, s31, $0xb8;
	[tilespmem:$0x1FBC0] =	vst v63  }
0xb9: {  	_ =	swait.ge [sflag:s16], $0x1C00  }
0xba: {  	[sflag:s16] =	ssyncset.done $0x0  }
0xbb: {  	[sflag:s16] =	ssyncadd.s32 $0xFFFFE400  }
0xbc: {  	_ =	swait.ge [sflag:s30], $0x150  }
0xbd: {  	[sflag:s30] =	ssyncset.done $0x0  }
0xbe: {  	[sflag:s30] =	ssyncadd.s32 $0xFFFFFEB0  }
0xbf: {  	v2 =	vld [tilespmem:$0x70]  }
0xc0: {  	v4 =	vld [tilespmem:$0x90];
	_ =	sdelay $0x1  }
0xc1: {  	v3 =	vld [tilespmem:$0x80];
	_ =	sdelay $0x1  }
0xc2: {  	v6 =	vld [tilespmem:$0xA0];
	v5 =	vsub.s32 v2, v0  }
0xc3: {  	v2 =	vand.u32 $0xF, v2;
	v8 =	vsub.s32 v4, v0;
	v4 =	vand.u32 $0xF, v4  }
0xc4: {  	v7 =	vld [tilespmem:$0xB0];
	vm0 =	vlt.u32 v5, $0x6200;
	v2 =	vor.u32 $0x6200, v2;
	vm11 =	vlt.u32 v8, $0x6200  }
0xc5: {  	v9 =	vld [tilespmem:$0xC0];
	v2 =	vsel vm0, v5, v2;
	v5 =	vsub.s32 v3, v0;
	v3 =	vand.u32 $0xF, v3  }
0xc6: {  	v10 =	vld [tilespmem:$0xD0];
	v4 =	vor.u32 $0x6200, v4;
	vm10 =	vlt.u32 v5, $0x6200;
	v3 =	vor.u32 $0x6200, v3  }
0xc7: {  	v3 =	vsel vm10, v5, v3;
	v5 =	vsub.s32 v6, v0;
	v6 =	vand.u32 $0xF, v6  }
0xc8: {  	v4 =	vsel vm11, v8, v4;
	[tilespmem:$0x2A0] =	vst v2;
	vm12 =	vlt.u32 v5, $0x6200;
	v6 =	vor.u32 $0x6200, v6  }
0xc9: {  	[tilespmem:$0x2C0] =	vst v4;
	v2 =	vsel vm12, v5, v6;
	v5 =	vsub.s32 v7, v0;
	v6 =	vand.u32 $0xF, v7  }
0xca: {  	v4 =	vand.u32 $0xF, v9;
	[tilespmem:$0x2B0] =	vst v3;
	vm13 =	vlt.u32 v5, $0x6200;
	v3 =	vor.u32 $0x6200, v6  }
0xcb: {  	v6 =	vsub.s32 v9, v0;
	[tilespmem:$0x2D0] =	vst v2;
	v2 =	vor.u32 $0x6200, v4;
	v4 =	vsub.s32 v10, v0  }
0xcc: {  	v3 =	vsel vm13, v5, v3;
	vm14 =	vlt.u32 v6, $0x6200;
	v5 =	vand.u32 $0xF, v10  }
0xcd: {  	vm15 =	vlt.u32 v4, $0x6200;
	[tilespmem:$0x2E0] =	vst v3;
	v2 =	vsel vm14, v6, v2;
	v3 =	vor.u32 $0x6200, v5  }
0xce: {  	[tilespmem:$0x2F0] =	vst v2;
	v2 =	vsel vm15, v4, v3  }
0xcf: {  	[tilespmem:$0x300] =	vst v2  }
0xd0: {  	[tilespmem:s26], [sflag:$0x3] =	stream.indirect.gather [hbm4b:s6+s31], $0x40, s0, s31, $0xb8;
	[tilespmem:$0x1FBC0] =	vst v63  }
0xd1: {  	s24 =	simm.s32 $0x0  }
0xd2: {  	[tilespmem:s2], [sflag:$0x3] =	stream.indirect.gather [hbm4b:s5+s31], $0x40, s24, s31, $0xb8;
	[tilespmem:$0x1FBC0] =	vst v63  }
0xd3: {  	_ =	swait.ge [sflag:s17], $0x1C00  }
0xd4: {  	[sflag:s17] =	ssyncset.done $0x0  }
0xd5: {  	[sflag:s17] =	ssyncadd.s32 $0xFFFFE400  }
0xd6: {  	_ =	swait.ge [sflag:s17], $0x1C00  }
0xd7: {  	[sflag:s17] =	ssyncset.done $0x0  }
0xd8: {  	s21 =	sadd.s32 $0x7E, s21;
	[sflag:s17] =	ssyncadd.s32 $0xFFFFE400  }
0xd9: {  	[tilespmem:s29], [sflag:$0x2] =	stream.linear.gather [hbm4b:s21+s24], $0x150, $0x38;
	[tilespmem:$0x1FBC0] =	vst v63  }
0xda: {  	s21 =	simm.s32 $0x0  }
0xdb: {  	v4 =	vld [tilespmem:s21+$0x5780]  }
0xdc: {  	v5 =	vld [tilespmem:s21+$0x5790]  }
0xdd: {  	v3 =	vld [tilespmem:s21+$0x57A0]  }
0xde: {  	v2 =	vld [tilespmem:s21+$0x57B0]  }
0xdf: {  	v6 =	vld [tilespmem:s21+$0x1F80]  }
0xe0: {  	v8 =	vld [tilespmem:s21+$0x1F90]  }
0xe1: {  	s22 =	simm.s32 $0x100;
	v7 =	vld [tilespmem:s21+$0x1FA0]  }
.LBB2_7:
0xe2: {  	p0 =	sne.s32 s22, $0x6F00;
	v9 =	vld [tilespmem:s21+$0x1FB0]  }
0xe3: {  	s23 =	sshra.s32 s22, $0x2  }
0xe4: {  	v6 =	vadd.f32 v4, v6;
	v4 =	vld [tilespmem:s23+$0x5780]  }
0xe5: {  	v8 =	vadd.f32 v5, v8;
	v5 =	vld [tilespmem:s23+$0x5790]  }
.Ltmp2:
0xe6: {  	v6 =	vmax.f32 v6, $0.0e+00;
	v7 =	vadd.f32 v3, v7;
	v3 =	vld [tilespmem:s23+$0x57A0];
	(pc) =	sbr.rel @p0 .LBB2_7-.Ltmp2, $4  }
0xe7: {  	[tilespmem:s21+$0x1F80] =	vst v6;
	v8 =	vmax.f32 v8, $0.0e+00;
	v9 =	vadd.f32 v2, v9;
	v2 =	vld [tilespmem:s23+$0x57B0]  }
0xe8: {  	v6 =	vld [tilespmem:s23+$0x1F80];
	[tilespmem:s21+$0x1F90] =	vst v8;
	v7 =	vmax.f32 v7, $0.0e+00  }
0xe9: {  	v8 =	vld [tilespmem:s23+$0x1F90];
	[tilespmem:s21+$0x1FA0] =	vst v7;
	v9 =	vmax.f32 v9, $0.0e+00  }
0xea: {  	s22 =	sadd.s32 $0x100, s22;
	v7 =	vld [tilespmem:s23+$0x1FA0];
	[tilespmem:s21+$0x1FB0] =	vst v9;
	s21 =	smov.u32 s23  }
0xeb: {  	v9 =	vld [tilespmem:s21+$0x1FB0];
	_ =	sdelay $0x1  }
0xec: {  	v4 =	vadd.f32 v4, v6  }
0xed: {  	s20 =	sadd.s32 $0x1, s20;
	v5 =	vadd.f32 v5, v8  }
0xee: {  	p0 =	sne.s32 s20, $0xDF;
	v4 =	vmax.f32 v4, $0.0e+00;
	v3 =	vadd.f32 v3, v7  }
.Ltmp3:
0xef: {  	[tilespmem:s21+$0x1F80] =	vst v4;
	v63 =	vmax.f32 v5, $0.0e+00;
	v2 =	vadd.f32 v2, v9;
	(pc) =	sbr.rel @p0 .LBB2_4-.Ltmp3, $4  }
0xf0: {  	[tilespmem:s21+$0x1F90] =	vst v63;
	v3 =	vmax.f32 v3, $0.0e+00  }
0xf1: {  	[tilespmem:s21+$0x1FA0] =	vst v3;
	v2 =	vmax.f32 v2, $0.0e+00  }
0xf2: {  	[tilespmem:s21+$0x1FB0] =	vst v2  }
0xf3: {  	[spmem:s1] =	stream.indirect.scatter.add.f32 [tilespmem:s12], [sflag:$0x5], $0x40, s18, s31, $0xb8;
	[tilespmem:$0x1FBC0] =	vst v63  }
0xf4: {  	_ =	swait.ge [sflag:s16], $0x1C00  }
0xf5: {  	[sflag:s16] =	ssyncset.done $0x0  }
0xf6: {  	[sflag:s16] =	ssyncadd.s32 $0xFFFFE400  }
0xf7: {  	_ =	swait.ge [sflag:s9], $0x150  }
0xf8: {  	[sflag:s9] =	ssyncset.done $0x0  }
0xf9: {  	[sflag:s9] =	ssyncadd.s32 $0xFFFFFEB0  }
0xfa: {  	v2 =	vld [tilespmem:$0x1C0]  }
0xfb: {  	v4 =	vld [tilespmem:$0x1E0];
	_ =	sdelay $0x1  }
0xfc: {  	v3 =	vld [tilespmem:$0x1D0];
	_ =	sdelay $0x1  }
0xfd: {  	v6 =	vld [tilespmem:$0x1F0];
	v5 =	vsub.s32 v2, v0  }
0xfe: {  	v2 =	vand.u32 $0xF, v2;
	v8 =	vsub.s32 v4, v0;
	v4 =	vand.u32 $0xF, v4  }
0xff: {  	v7 =	vld [tilespmem:$0x200];
	vm0 =	vlt.u32 v5, $0x6200;
	v2 =	vor.u32 $0x6200, v2;
	vm11 =	vlt.u32 v8, $0x6200  }
0x100: {  	v9 =	vld [tilespmem:$0x210];
	v2 =	vsel vm0, v5, v2;
	v5 =	vsub.s32 v3, v0;
	v3 =	vand.u32 $0xF, v3  }
0x101: {  	v10 =	vld [tilespmem:$0x220];
	v4 =	vor.u32 $0x6200, v4;
	vm10 =	vlt.u32 v5, $0x6200;
	v3 =	vor.u32 $0x6200, v3  }
0x102: {  	v3 =	vsel vm10, v5, v3;
	v5 =	vsub.s32 v6, v0;
	v6 =	vand.u32 $0xF, v6  }
0x103: {  	v4 =	vsel vm11, v8, v4;
	[tilespmem:$0x310] =	vst v2;
	vm12 =	vlt.u32 v5, $0x6200;
	v6 =	vor.u32 $0x6200, v6  }
0x104: {  	[tilespmem:$0x330] =	vst v4;
	v2 =	vsel vm12, v5, v6;
	v5 =	vsub.s32 v7, v0;
	v6 =	vand.u32 $0xF, v7  }
0x105: {  	v4 =	vand.u32 $0xF, v9;
	[tilespmem:$0x320] =	vst v3;
	vm13 =	vlt.u32 v5, $0x6200;
	v3 =	vor.u32 $0x6200, v6  }
0x106: {  	v6 =	vsub.s32 v9, v0;
	[tilespmem:$0x340] =	vst v2;
	v2 =	vor.u32 $0x6200, v4;
	v4 =	vsub.s32 v10, v0  }
0x107: {  	v3 =	vsel vm13, v5, v3;
	vm14 =	vlt.u32 v6, $0x6200;
	v5 =	vand.u32 $0xF, v10  }
0x108: {  	vm15 =	vlt.u32 v4, $0x6200;
	[tilespmem:$0x350] =	vst v3;
	v2 =	vsel vm14, v6, v2;
	v3 =	vor.u32 $0x6200, v5  }
0x109: {  	[tilespmem:$0x360] =	vst v2;
	v2 =	vsel vm15, v4, v3  }
0x10a: {  	[tilespmem:$0x370] =	vst v2  }
0x10b: {  	[tilespmem:s12], [sflag:$0x4] =	stream.indirect.gather [hbm4b:s6+s31], $0x40, s10, s31, $0xb8;
	[tilespmem:$0x1FBC0] =	vst v63  }
0x10c: {  	_ = 	snop  }
0x10d: {  	[tilespmem:s13], [sflag:$0x4] =	stream.indirect.gather [hbm4b:s5+s31], $0x40, s29, s31, $0xb8;
	[tilespmem:$0x1FBC0] =	vst v63  }
0x10e: {  	_ =	swait.ge [sflag:s14], $0x1C00  }
0x10f: {  	[sflag:s14] =	ssyncset.done $0x0  }
0x110: {  	[sflag:s14] =	ssyncadd.s32 $0xFFFFE400  }
0x111: {  	_ =	swait.ge [sflag:s14], $0x1C00  }
0x112: {  	[sflag:s14] =	ssyncset.done $0x0  }
0x113: {  	s19 =	simm.s32 $0x0;
	[sflag:s14] =	ssyncadd.s32 $0xFFFFE400  }
0x114: {  	v4 =	vld [tilespmem:s19+$0x3B80]  }
0x115: {  	v5 =	vld [tilespmem:s19+$0x3B90]  }
0x116: {  	v3 =	vld [tilespmem:s19+$0x3BA0]  }
0x117: {  	v2 =	vld [tilespmem:s19+$0x3BB0]  }
0x118: {  	v6 =	vld [tilespmem:s19+$0x380]  }
0x119: {  	v8 =	vld [tilespmem:s19+$0x390]  }
0x11a: {  	s20 =	simm.s32 $0x100;
	v7 =	vld [tilespmem:s19+$0x3A0]  }
.LBB2_10:
0x11b: {  	p0 =	sne.s32 s20, $0x6F00;
	v9 =	vld [tilespmem:s19+$0x3B0]  }
0x11c: {  	s21 =	sshra.s32 s20, $0x2  }
0x11d: {  	v6 =	vadd.f32 v4, v6;
	v4 =	vld [tilespmem:s21+$0x3B80]  }
0x11e: {  	v8 =	vadd.f32 v5, v8;
	v5 =	vld [tilespmem:s21+$0x3B90]  }
.Ltmp4:
0x11f: {  	v6 =	vmax.f32 v6, $0.0e+00;
	v7 =	vadd.f32 v3, v7;
	v3 =	vld [tilespmem:s21+$0x3BA0];
	(pc) =	sbr.rel @p0 .LBB2_10-.Ltmp4, $4  }
0x120: {  	[tilespmem:s19+$0x380] =	vst v6;
	v8 =	vmax.f32 v8, $0.0e+00;
	v9 =	vadd.f32 v2, v9;
	v2 =	vld [tilespmem:s21+$0x3BB0]  }
0x121: {  	v6 =	vld [tilespmem:s21+$0x380];
	[tilespmem:s19+$0x390] =	vst v8;
	v7 =	vmax.f32 v7, $0.0e+00  }
0x122: {  	v8 =	vld [tilespmem:s21+$0x390];
	[tilespmem:s19+$0x3A0] =	vst v7;
	v9 =	vmax.f32 v9, $0.0e+00  }
0x123: {  	s20 =	sadd.s32 $0x100, s20;
	v7 =	vld [tilespmem:s21+$0x3A0];
	[tilespmem:s19+$0x3B0] =	vst v9;
	s19 =	smov.u32 s21  }
0x124: {  	v9 =	vld [tilespmem:s19+$0x3B0];
	_ =	sdelay $0x1  }
0x125: {  	v4 =	vadd.f32 v4, v6  }
0x126: {  	v5 =	vadd.f32 v5, v8  }
0x127: {  	v4 =	vmax.f32 v4, $0.0e+00;
	v3 =	vadd.f32 v3, v7  }
0x128: {  	[tilespmem:s19+$0x380] =	vst v4;
	v4 =	vmax.f32 v5, $0.0e+00;
	v2 =	vadd.f32 v2, v9  }
0x129: {  	[tilespmem:s19+$0x390] =	vst v4;
	v3 =	vmax.f32 v3, $0.0e+00  }
0x12a: {  	[tilespmem:s19+$0x3A0] =	vst v3;
	v2 =	vmax.f32 v2, $0.0e+00  }
0x12b: {  	[tilespmem:s19+$0x3B0] =	vst v2  }
0x12c: {  	[spmem:s1] =	stream.indirect.scatter.add.f32 [tilespmem:s26], [sflag:$0x5], $0x40, s15, s31, $0xb8;
	[tilespmem:$0x1FBC0] =	vst v63  }
0x12d: {  	_ =	swait.ge [sflag:s16], $0x1C00  }
0x12e: {  	[sflag:s16] =	ssyncset.done $0x0  }
0x12f: {  	[sflag:s16] =	ssyncadd.s32 $0xFFFFE400  }
0x130: {  	_ =	swait.ge [sflag:s17], $0x1C00  }
0x131: {  	[sflag:s17] =	ssyncset.done $0x0  }
0x132: {  	[sflag:s17] =	ssyncadd.s32 $0xFFFFE400  }
0x133: {  	_ =	swait.ge [sflag:s17], $0x1C00  }
0x134: {  	[sflag:s17] =	ssyncset.done $0x0  }
0x135: {  	s19 =	simm.s32 $0x0;
	[sflag:s17] =	ssyncadd.s32 $0xFFFFE400  }
0x136: {  	v4 =	vld [tilespmem:s19+$0x5780]  }
0x137: {  	v5 =	vld [tilespmem:s19+$0x5790]  }
0x138: {  	v3 =	vld [tilespmem:s19+$0x57A0]  }
0x139: {  	v2 =	vld [tilespmem:s19+$0x57B0]  }
0x13a: {  	v6 =	vld [tilespmem:s19+$0x1F80]  }
0x13b: {  	v8 =	vld [tilespmem:s19+$0x1F90]  }
0x13c: {  	s20 =	simm.s32 $0x100;
	v7 =	vld [tilespmem:s19+$0x1FA0]  }
.LBB2_12:
0x13d: {  	p0 =	sne.s32 s20, $0x6F00;
	v9 =	vld [tilespmem:s19+$0x1FB0]  }
0x13e: {  	s21 =	sshra.s32 s20, $0x2  }
0x13f: {  	v6 =	vadd.f32 v4, v6;
	v4 =	vld [tilespmem:s21+$0x5780]  }
0x140: {  	v8 =	vadd.f32 v5, v8;
	v5 =	vld [tilespmem:s21+$0x5790]  }
.Ltmp5:
0x141: {  	v6 =	vmax.f32 v6, $0.0e+00;
	v7 =	vadd.f32 v3, v7;
	v3 =	vld [tilespmem:s21+$0x57A0];
	(pc) =	sbr.rel @p0 .LBB2_12-.Ltmp5, $4  }
0x142: {  	[tilespmem:s19+$0x1F80] =	vst v6;
	v8 =	vmax.f32 v8, $0.0e+00;
	v9 =	vadd.f32 v2, v9;
	v2 =	vld [tilespmem:s21+$0x57B0]  }
0x143: {  	v6 =	vld [tilespmem:s21+$0x1F80];
	[tilespmem:s19+$0x1F90] =	vst v8;
	v7 =	vmax.f32 v7, $0.0e+00  }
0x144: {  	v8 =	vld [tilespmem:s21+$0x1F90];
	[tilespmem:s19+$0x1FA0] =	vst v7;
	v9 =	vmax.f32 v9, $0.0e+00  }
0x145: {  	s20 =	sadd.s32 $0x100, s20;
	v7 =	vld [tilespmem:s21+$0x1FA0];
	[tilespmem:s19+$0x1FB0] =	vst v9;
	s19 =	smov.u32 s21  }
0x146: {  	v9 =	vld [tilespmem:s19+$0x1FB0];
	_ =	sdelay $0x1  }
0x147: {  	v4 =	vadd.f32 v4, v6  }
0x148: {  	v5 =	vadd.f32 v5, v8  }
0x149: {  	v4 =	vmax.f32 v4, $0.0e+00;
	v3 =	vadd.f32 v3, v7  }
0x14a: {  	[tilespmem:s19+$0x1F80] =	vst v4;
	v63 =	vmax.f32 v5, $0.0e+00;
	v2 =	vadd.f32 v2, v9  }
0x14b: {  	[tilespmem:s19+$0x1F90] =	vst v63;
	v3 =	vmax.f32 v3, $0.0e+00  }
0x14c: {  	[tilespmem:s19+$0x1FA0] =	vst v3;
	v2 =	vmax.f32 v2, $0.0e+00  }
0x14d: {  	[tilespmem:s19+$0x1FB0] =	vst v2  }
0x14e: {  	[spmem:s1] =	stream.indirect.scatter.add.f32 [tilespmem:s12], [sflag:$0x5], $0x40, s18, s31, $0xb8;
	[tilespmem:$0x1FBC0] =	vst v63  }
0x14f: {  	_ =	swait.ge [sflag:s16], $0x1C00  }
0x150: {  	[sflag:s16] =	ssyncset.done $0x0  }
0x151: {  	s23 =	stileid.u32;
	[sflag:s16] =	ssyncadd.s32 $0xFFFFE400  }
0x152: {  	s19 =	sshll.u32 s23, $0x6;
	[bflag:$0x0] =	sbarrier.arrive $0xFFFF  }
0x153: {  	s20 =	sshrl.u32 s11, $0x3;
	s19 =	sor.u32 $0x1C06, s19;
	s21 =	rddreg [dreg:$0x4]  }
0x154: {  	[hbm:s21], [sflag:s19] =	dma.local [spmem:s20], $0x3100  }
0x155: {  	_ =	swait.ge [sflag:s28], $0x3100  }
0x156: {  	s3 =	sadd.s32 $0x1, s3;
	s24 =	rddreg [dreg:$0x5]  }
0x157: {  	p0 =	sne.s32 s3, s24  }
.Ltmp6:
0x158: {  	_ = 	snop;
	(pc) =	sbr.rel @p0 .LBB2_1-.Ltmp6, $3  }
0x159: {  	_ =	sdelay $0x1  }
0x15a: {  	[sflag:s28] =	ssyncset.done $0x0  }
0x15b: {  	[sflag:s28] =	ssyncadd.s32 $0xFFFFCF00  }
0x15c: {  	_ =	sfence.sel $0x180000  }
0x15d: {  	[bflag:$0x0] =	sbarrier.arrive $0xFFFF  }
0x15e: {  	_ =	strace $0x9000004A  }
0x15f: {  	s0 =	stileid.u32;
	[bflag:$0x2] =	sbarrier.arrive $0xFFFF  }
0x160: {  	p0 =	sne.s32 s0, $0x0;
	s0 =	rddreg [dreg:$0x2]  }
0x161: {  	s0 =	sadd.s32 @!p0 $0x100000, s0  }
0x162: {  	[sflag:s0] =	ssyncadd.tile.s32 @!p0 $0x1;
	_ =	shalt  }
.Lfunc_end2:
_tile_overlayer_lowered:
.L_overlay_start_2:
0x163: {  	(tag) =	ssettag $0x2  }
0x164: {  	s0 =	rddreg [dreg:$0x0];
	s2 =	stileid.u32  }
0x165: {  	s1 =	rddreg [dreg:$0x1];
	p0 =	sne.s32 s2, $0x0  }
0x166: {  	s3 =	rddreg [dreg:$0x2];
	[bflag:$0x3] =	sbarrier.arrive $0xFFFF;
	s2 =	simm.s32 @!p0 $0x1C06  }
0x167: {  	[timem:s3], [sflag:s2] =	dma.local @!p0 [hbm:s0], s1  }
0x168: {  	s0 =	simm.s32 @!p0 $0x6  }
0x169: {  	_ =	swait.ge @!p0 [sflag:s0], s1  }
0x16a: {  	s1 =	ssub.s32 @!p0 $0x0, s1;
	[sflag:s0] =	ssyncset.done @!p0 $0x0  }
0x16b: {  	[sflag:s0] =	ssyncadd.s32 @!p0 s1  }
0x16c: {  	[bflag:$0x3] =	sbarrier.arrive $0xFFFF  }
0x16d: {  	_ =	shalt  }

// kernel: kernel.20.cloned.1.call-start
scs
__scs_entry_jumppad:
0x0: {  	(pc) =	sbr.rel $0x88, $3  }
0x1: {  	(tag) =	ssettag $0x0;
	lr =	simm.s32 $0x1  }
0x2: {  	[smem:$0x3F8D] =	sst lr;
	_ =	strace $0xD0000000  }
0x3: {  	_ = 	snop  }
0x4: {  	_ = 	snop  }
0x5: {  	_ = 	snop  }
0x6: {  	_ = 	snop  }
0x7: {  	_ = 	snop  }
__scs_overlays_trampoline_lowered:
0x8: {  	[smem:$0x3F9C] =	sst s0  }
0x9: {  	[smem:$0x3F9D] =	sst s1  }
0xa: {  	[smem:$0x3F9E] =	sst s2  }
0xb: {  	[smem:$0x3F9F] =	sst s3  }
0xc: {  	[smem:$0x3FA0] =	sst s4  }
0xd: {  	[smem:$0x3FA1] =	sst s5  }
0xe: {  	[smem:$0x3FA2] =	sst s6  }
0xf: {  	[smem:$0x3FA3] =	sst s7  }
0x10: {  	[smem:$0x3FA4] =	sst s8  }
0x11: {  	[smem:$0x3FA5] =	sst s9;
	s0 =	simm.s32 @!p0 $0x0  }
0x12: {  	s1 =	sld [smem:$0x3F8B];
	s0 =	simm.s32 @p0 $0x1  }
0x13: {  	[smem:$0x3FA6] =	sst s0;
	s0 =	simm.s32 @!p1 $0x0  }
0x14: {  	s2 =	sld [smem:$0x3F8A];
	s0 =	simm.s32 @p1 $0x1  }
0x15: {  	[smem:$0x3FA7] =	sst s0;
	s0 =	simm.s32 @!p2 $0x0  }
0x16: {  	s3 =	sld [smem:$0x3FDB];
	s0 =	simm.s32 @p2 $0x1  }
0x17: {  	s4 =	simm.s32 $0x1BF5;
	[smem:$0x3FA9] =	sst s0  }
0x18: {  	s0 =	sld [smem:$0x3F8C];
	_ =	swait.ge [sflag:s4], $0x0  }
0x19: {  	s7 =	sld [smem:$0x3F8D]  }
0x1a: {  	s8 =	sadd.s32 $0xFFFFE003, lr  }
0x1b: {  	s9 =	sadd.s32 $0xFFFFFEF7, lr;
	s5 =	simm.s32 $0xFFFFFFFF;
	p2 =	slt.u32 s8, $0xFFFFF086  }
0x1c: {  	p1 =	slt.u32 s9, $0xF7A;
	s5 =	simm.s32 @!p2 $0x0  }
0x1d: {  	s5 =	simm.s32 @p1 $0x1;
	p0 =	seq.s32 s7, s2  }
0x1e: {  	s7 =	smul.u32 @!p0 $0xF7A, s2;
	p2 =	seq.s32 @!p0 s5, $0x0  }
0x1f: {  	s9 =	smul.u32 $0xF7A, s1;
	s8 =	simm.s32 @!p0 $0x1BF5;
	p2 =	por !p2, p0  }
0x20: {  	[sflag:s8] =	ssyncset.s32 @!p0 $0xFFFFF086;
	s6 =	sadd.s32 @!p0 s3, s7;
	s7 =	simm.s32 @!p0 $0x108  }
0x21: {  	s3 =	sadd.s32 s3, s9;
	s6 =	sadd.s32 @!p0 $0x88, s6;
	s7 =	simm.s32 @p2 $0x1082  }
0x22: {  	[simem:s7], [sflag:s8] =	dma.local @!p0 [hbm:s6], $0xF7A  }
0x23: {  	s9 =	sor.u32 $0xD0000000, s2;
	s6 =	simm.s32 $0x108;
	_ =	swait.ge @!p0 [sflag:s8], $0x0  }
0x24: {  	s3 =	sadd.s32 $0x88, s3;
	s6 =	simm.s32 @!p1 $0x1082;
	[sflag:s4] =	ssyncset.s32 $0xFFFFF086  }
0x25: {  	[simem:s6], [sflag:s4] =	dma.local [hbm:s3], $0xF7A  }
0x26: {  	[smem:$0x3F8D] =	sst s1;
	(tag) =	ssettag s2;
	_ =	strace s9  }
0x27: {  	s1 =	sld [smem:$0x3F9D]  }
0x28: {  	s2 =	sld [smem:$0x3F9E]  }
0x29: {  	s4 =	sld [smem:$0x3FA0]  }
0x2a: {  	p0 =	seq.s32 s5, $0x0;
	s5 =	sld [smem:$0x3FA1]  }
0x2b: {  	s6 =	sld [smem:$0x3FA2]  }
0x2c: {  	s7 =	sld [smem:$0x3FA3]  }
0x2d: {  	s3 =	simm.s32 $0x108;
	s8 =	sld [smem:$0x3FA4]  }
0x2e: {  	s3 =	simm.s32 @!p0 $0x1082;
	s9 =	sld [smem:$0x3FA5]  }
0x2f: {  	lr =	sadd.s32 s0, s3;
	s0 =	sld [smem:$0x3F9C]  }
0x30: {  	s3 =	sld [smem:$0x3F9F]  }
0x31: {  	[smem:$0x3FA8] =	sst s10  }
0x32: {  	s10 =	sld [smem:$0x3FA6];
	_ =	sdelay $0x3  }
0x33: {  	p0 =	seq.s32 s10, $0x1;
	s10 =	sld [smem:$0x3FA8];
	_ =	sdelay $0x3  }
0x34: {  	[smem:$0x3FA8] =	sst s10  }
0x35: {  	s10 =	sld [smem:$0x3FA7];
	_ =	sdelay $0x3  }
0x36: {  	p1 =	seq.s32 s10, $0x1;
	s10 =	sld [smem:$0x3FA8];
	_ =	sdelay $0x3  }
0x37: {  	[smem:$0x3FA8] =	sst s10  }
0x38: {  	s10 =	sld [smem:$0x3FA9]  }
0x39: {  	_ = 	snop;
	(pc) =	sbr.ind lr, $3  }
0x3a: {  	_ = 	snop  }
0x3b: {  	_ = 	snop  }
0x3c: {  	p2 =	seq.s32 s10, $0x1;
	s10 =	sld [smem:$0x3FA8]  }
0x3d: {  	_ =	shalt  }
0x3e: {  	_ =	shalt  }
0x3f: {  	_ =	shalt  }
0x40: {  	_ =	shalt  }
0x41: {  	_ =	shalt  }
0x42: {  	_ =	shalt  }
0x43: {  	_ =	shalt  }
0x44: {  	_ =	shalt  }
0x45: {  	_ =	shalt  }
0x46: {  	_ =	shalt  }
0x47: {  	_ =	shalt  }
0x48: {  	_ =	shalt  }
0x49: {  	_ =	shalt  }
0x4a: {  	_ =	shalt  }
0x4b: {  	_ =	shalt  }
0x4c: {  	_ =	shalt  }
0x4d: {  	_ =	shalt  }
0x4e: {  	_ =	shalt  }
0x4f: {  	_ =	shalt  }
0x50: {  	_ =	shalt  }
0x51: {  	_ =	shalt  }
0x52: {  	_ =	shalt  }
0x53: {  	_ =	shalt  }
0x54: {  	_ =	shalt  }
0x55: {  	_ =	shalt  }
0x56: {  	_ =	shalt  }
0x57: {  	_ =	shalt  }
0x58: {  	_ =	shalt  }
0x59: {  	_ =	shalt  }
0x5a: {  	_ =	shalt  }
0x5b: {  	_ =	shalt  }
0x5c: {  	_ =	shalt  }
0x5d: {  	_ =	shalt  }
0x5e: {  	_ =	shalt  }
0x5f: {  	_ =	shalt  }
0x60: {  	_ =	shalt  }
0x61: {  	_ =	shalt  }
0x62: {  	_ =	shalt  }
0x63: {  	_ =	shalt  }
0x64: {  	_ =	shalt  }
0x65: {  	_ =	shalt  }
0x66: {  	_ =	shalt  }
0x67: {  	_ =	shalt  }
0x68: {  	_ =	shalt  }
0x69: {  	_ =	shalt  }
0x6a: {  	_ =	shalt  }
0x6b: {  	_ =	shalt  }
0x6c: {  	_ =	shalt  }
0x6d: {  	_ =	shalt  }
0x6e: {  	_ =	shalt  }
0x6f: {  	_ =	shalt  }
0x70: {  	_ =	shalt  }
0x71: {  	_ =	shalt  }
0x72: {  	_ =	shalt  }
0x73: {  	_ =	shalt  }
0x74: {  	_ =	shalt  }
0x75: {  	_ =	shalt  }
0x76: {  	_ =	shalt  }
0x77: {  	_ =	shalt  }
0x78: {  	_ =	shalt  }
0x79: {  	_ =	shalt  }
0x7a: {  	_ =	shalt  }
0x7b: {  	_ =	shalt  }
0x7c: {  	_ =	shalt  }
0x7d: {  	_ =	shalt  }
0x7e: {  	_ =	shalt  }
0x7f: {  	_ =	shalt  }
0x80: {  	_ =	shalt  }
0x81: {  	_ =	shalt  }
0x82: {  	_ =	shalt  }
0x83: {  	_ =	shalt  }
0x84: {  	_ =	shalt  }
0x85: {  	_ =	shalt  }
0x86: {  	_ =	shalt  }
0x87: {  	_ =	shalt  }
.Lfunc_end0:
.L_simem_size_0:
called_computation.2_lowered:
.L_overlay_start_0:
0x88: {  	s2 =	sld [smem:$0x3FD9]  }
0x89: {  	s3 =	sld [smem:$0x3FFE];
	_ =	sdelay $0x1  }
0x8a: {  	s1 =	srdreg.scid  }
0x8b: {  	s0 =	sand.u32 $0x1, s1  }
0x8c: {  	s16 =	sshll.u32 s0, $0xA;
	s2 =	sadd.s32 s3, s2  }
0x8d: {  	s2 =	sadd.s32 s2, s16  }
0x8e: {  	[smem:$0x3FB4] =	sst s2  }
0x8f: {  	_ = 	snop  }
0x90: {  	(tm) =	ssettm $0x1  }
0x91: {  	s17 =	sld [smem:$0x3FFB];
	_ =	sdelay $0x3  }
0x92: {  	_ =	strace s17  }
0x93: {  	s2 =	sld [smem:$0x3FFC];
	_ =	sdelay $0x3  }
0x94: {  	_ =	strace s2  }
0x95: {  	s2 =	sld [smem:$0x3FFD];
	_ =	sdelay $0x3  }
0x96: {  	_ =	strace s2  }
0x97: {  	_ =	strace $0x8FFFFFFF  }
0x98: {  	s18 =	sld [smem:$0x3FDB];
	_ =	sdelay $0x1  }
0x99: {  	s19 =	simm.s32 $_scs_section_size  }
0x9a: {  	s4 =	simm.s32 $_size__tile_overlayer_lowered;
	s5 =	simm.s32 $_tile_overlayer_lowered  }
0x9b: {  	s22 =	simm.s32 $0x1BFF;
	s21 =	sshll.u32 s5, $0x1;
	s2 =	sadd.s32 s19, s18  }
0x9c: {  	s6 =	simm.s32 $0x0;
	s20 =	sshll.u32 s4, $0x1;
	s4 =	sadd.s32 s21, s2  }
0x9d: {  	[timem:s6], [sflag:s22] =	dma.local [hbm:s4], s20  }
0x9e: {  	_ =	swait.ge [sflag:s22], s20  }
0x9f: {  	s3 =	ssub.s32 $0x0, s20;
	[sflag:s22] =	ssyncset.done $0x0  }
0xa0: {  	[sflag:s22] =	ssyncadd.s32 s3;
	_ =	sdelay $0x1  }
0xa1: {  	s23 =	simm.s32 $0x1B8B  }
0xa2: {  	_ =	swait.ge [sflag:s23], $0x1  }
0xa3: {  	[sflag:s23] =	ssyncset.done $0x0  }
0xa4: {  	s25 =	simm.s32 $0x1B8E;
	s24 =	sld [smem:$0x3FFE];
	[sflag:s23] =	ssyncadd.s32 $0xFFFFFFFF  }
0xa5: {  	s26 =	simm.s32 $execute0_lowered;
	[smem:$0x3FD2] =	sst s25  }
0xa6: {  	s4 =	sshll.u32 s26, $0x1;
	_ =	strace $0x8000004C;
	[dreg:$0x1] =	wrdreg $0xFFFFFFFF  }
0xa7: {  	s28 =	simm.s32 $_size_execute0_lowered;
	s2 =	sadd.s32 s2, s4;
	[dreg:$0x0] =	wrdreg $0x0  }
0xa8: {  	s4 =	sshll.u32 s28, $0x1;
	[dreg:$0x2] =	wrdreg s2  }
0xa9: {  	[dreg:$0x3] =	wrdreg s4  }
0xaa: {  	[dreg:$0x4] =	wrdreg $0xC0  }
0xab: {  	_ =	task [dreg:s6], $0x5FFFF  }
0xac: {  	[dreg:$0x1] =	wrdreg $0xFFFFFFFF  }
0xad: {  	[dreg:$0x0] =	wrdreg $0x60  }
0xae: {  	[dreg:$0x2] =	wrdreg s24  }
0xaf: {  	[dreg:$0x3] =	wrdreg $0x73800  }
0xb0: {  	[dreg:$0x4] =	wrdreg $0x9  }
0xb1: {  	_ =	task.clear_ibuf [dreg:s6], $0x5FFFF;
	_ =	strace $0x9000004C  }
0xb2: {  	s29 =	simm.s32 $0x9;
	_ =	strace $0x8000004E  }
0xb3: {  	_ =	swait.ge [sflag:s29], $0x1  }
0xb4: {  	[sflag:s29] =	ssyncadd.s32 $0xFFFFFFFF  }
0xb5: {  	_ =	strace $0x9000004E  }
0xb6: {  	_ =	sfence  }
0xb7: {  	s30 =	sld [smem:$0x0];
	_ =	sdelay $0x2  }
0xb8: {  	s31 =	sshll.u32 s1, $0xD;
	s1 =	sshrl.u32 s1, $0x2  }
0xb9: {  	s3 =	sand.u32 $0x4000, s31;
	s1 =	sadd.s32 s1, s30  }
0xba: {  	s0 =	sor.u32 s3, s0;
	s1 =	sshll.u32 s1, $0x11  }
0xbb: {  	s0 =	sor.u32 s1, s0  }
0xbc: {  	s0 =	sadd.s32 $0x8F2B, s0  }
0xbd: {  	[sflag:s0] =	ssyncadd.remote.s32 $0x1  }
0xbe: {  	_ =	sfence.sel $0xFFFF  }
0xbf: {  	[dreg:$0x0] =	wrdreg $0xFFFFFFFF;
	(pc) =	sbr.abs _section_cstart, $3  }
0xc0: {  	[dreg:$0x1] =	wrdreg $0xFFFFFFFF  }
0xc1: {  	_ =	task.clear_ibuf [dreg:s6], $0x2FFFF;
	_ =	strace $0x9FFFFFFF  }
0xc2: {  	(tm) =	ssettm $0x7FFFFFFF  }
0xc3: {  	_ =	shalt  }
tec
execute0_lowered:
.L_overlay_start_1:
0x0: {  	(tag) =	ssettag $0x1  }
0x1: {  	s0 =	rddreg [dreg:$0x0]  }
0x2: {  	s1 =	rddreg [dreg:$0x1];
	s11 =	stileid.u32  }
0x3: {  	s2 =	srdreg.scid;
	s3 =	simm.s32 $0x0;
	s6 =	smul.u32 $0x620, s11  }
0x4: {  	s2 =	sand.u32 $0x1, s2;
	[smem:$0x7FF] =	sst s3;
	s8 =	smul.u32 $0x4980, s11  }
0x5: {  	s4 =	sadd.s32 $0x4000, s0;
	s5 =	sadd.s32 $0x4D800, s0;
	s16 =	smul.u32 $0x6200, s2  }
0x6: {  	s10 =	smul.u32 $0x62000, s11;
	_ =	strace $0x8000004D;
	s2 =	ssub.s32 $0x2, s2  }
0x7: {  	s9 =	sshrl.u32 s2, $0x1;
	s8 =	sadd.s32 s4, s8;
	s6 =	sadd.s32 s6, s16  }
0x8: {  	s2 =	ssub.s32 s2, s9;
	s12 =	sadd.s32 $0x2A, s8;
	s7 =	sshll.u32 s6, $0x3  }
0x9: {  	s6 =	sadd.s32 $0xAFC00, s0;
	[dreg:$0x3] =	wrdreg s12;
	s13 =	smax.u32 s2, $0x1  }
0xa: {  	s0 =	sadd.s32 s7, s0;
	s7 =	smul.u32 $0x1C0, s11;
	s11 =	sshrl.u32 s10, $0x2  }
0xb: {  	[dreg:$0x5] =	wrdreg s13;
	s0 =	sadd.s32 $0x175400, s0;
	s11 =	sadd.s32 s11, s1  }
0xc: {  	[dreg:$0x4] =	wrdreg s0;
	s14 =	sadd.s32 $0x1C00, s11  }
0xd: {  	s15 =	sadd.s32 $0x3800, s11;
	[dreg:$0x6] =	wrdreg s14  }
0xe: {  	s17 =	sadd.s32 $0x5400, s11;
	[dreg:$0x7] =	wrdreg s15  }
0xf: {  	s28 =	simm.s32 $0x6;
	s18 =	sadd.s32 $0x7000, s11;
	[dreg:$0x8] =	wrdreg s17  }
0x10: {  	s29 =	simm.s32 $0x150;
	s19 =	sadd.s32 $0x8C00, s11;
	[dreg:$0x9] =	wrdreg s18  }
0x11: {  	s30 =	simm.s32 $0x1;
	s20 =	sadd.s32 $0xA800, s11;
	[dreg:$0xa] =	wrdreg s19  }
0x12: {  	s31 =	simm.s32 $0x70;
	s21 =	sadd.s32 $0xC400, s11;
	[dreg:$0xb] =	wrdreg s20  }
0x13: {  	s9 =	simm.s32 $0x2;
	s22 =	sadd.s32 $0xE000, s11;
	[dreg:$0xc] =	wrdreg s21  }
0x14: {  	v0 =	vmov s16;
	s16 =	simm.s32 $0x5;
	s23 =	sadd.s32 $0xFC00, s11;
	[dreg:$0xd] =	wrdreg s22  }
0x15: {  	s2 =	simm.s32 $0x3B80;
	s24 =	sadd.s32 $0x11800, s11;
	[dreg:$0xe] =	wrdreg s23  }
0x16: {  	s12 =	simm.s32 $0x1F80;
	s25 =	sadd.s32 $0x13400, s11;
	[dreg:$0xf] =	wrdreg s24  }
0x17: {  	s10 =	simm.s32 $0x230;
	s26 =	sadd.s32 $0x15000, s11;
	[dreg:$0x10] =	wrdreg s25  }
0x18: {  	s13 =	simm.s32 $0x5780;
	s0 =	simm.s32 $0xE0;
	[dreg:$0x11] =	wrdreg s26  }
0x19: {  	s25 =	sadd.s32 $0x16C00, s11;
	s26 =	simm.s32 $0x380;
	s14 =	simm.s32 $0x3  }
0x1a: {  	v1 =	vimm.f32 $0.0e+00;
	s15 =	simm.s32 $0x2A0;
	s17 =	simm.s32 $0x4;
	s18 =	simm.s32 $0x310  }
.LBB2_1:
0x1b: {  	s20 =	simm.s32 $0x100;
	s19 =	simm.s32 $0x0  }
.LBB2_2:
0x1c: {  	p0 =	sne.s32 s20, $0x6F00;
	[tilespmem:s19+$0x3B0] =	vst v1;
	s21 =	smov.u32 s20;
	s20 =	sadd.s32 $0x100, s20  }
.Ltmp0:
0x1d: {  	[tilespmem:s19+$0x3A0] =	vst v1;
	(pc) =	sbr.rel @p0 .LBB2_2-.Ltmp0, $3  }
0x1e: {  	[tilespmem:s19+$0x380] =	vst v1  }
0x1f: {  	[tilespmem:s19+$0x390] =	vst v1;
	_ =	sdelay $0x1  }
0x20: {  	s19 =	sshra.s32 s21, $0x2  }
0x21: {  	[tilespmem:s19+$0x3B0] =	vst v1  }
0x22: {  	[tilespmem:s19+$0x3A0] =	vst v1  }
0x23: {  	[tilespmem:s19+$0x380] =	vst v1  }
0x24: {  	[tilespmem:s19+$0x390] =	vst v1  }
0x25: {  	[spmem:s11] =	stream.linear.scatter [tilespmem:s26], [sflag:$0x6], $0x1C00, $0x38;
	[tilespmem:$0x1FBC0] =	vst v63  }
0x26: {  	_ =	swait.ge [sflag:s28], $0x1C00  }
0x27: {  	[sflag:s28] =	ssyncset.done $0x0  }
0x28: {  	s23 =	rddreg [dreg:$0x6];
	[sflag:s28] =	ssyncadd.s32 $0xFFFFE400  }
0x29: {  	[spmem:s23] =	stream.linear.scatter [tilespmem:s26], [sflag:$0x6], $0x1C00, $0x38;
	[tilespmem:$0x1FBC0] =	vst v63  }
0x2a: {  	_ =	swait.ge [sflag:s28], $0x1C00  }
0x2b: {  	[sflag:s28] =	ssyncset.done $0x0  }
0x2c: {  	s24 =	rddreg [dreg:$0x7];
	[sflag:s28] =	ssyncadd.s32 $0xFFFFE400  }
0x2d: {  	[spmem:s24] =	stream.linear.scatter [tilespmem:s26], [sflag:$0x6], $0x1C00, $0x38;
	[tilespmem:$0x1FBC0] =	vst v63  }
0x2e: {  	_ =	swait.ge [sflag:s28], $0x1C00  }
0x2f: {  	[sflag:s28] =	ssyncset.done $0x0  }
0x30: {  	s20 =	rddreg [dreg:$0x8];
	[sflag:s28] =	ssyncadd.s32 $0xFFFFE400  }
0x31: {  	[spmem:s20] =	stream.linear.scatter [tilespmem:s26], [sflag:$0x6], $0x1C00, $0x38;
	[tilespmem:$0x1FBC0] =	vst v63  }
0x32: {  	_ =	swait.ge [sflag:s28], $0x1C00  }
0x33: {  	[sflag:s28] =	ssyncset.done $0x0  }
0x34: {  	s21 =	rddreg [dreg:$0x9];
	[sflag:s28] =	ssyncadd.s32 $0xFFFFE400  }
0x35: {  	[spmem:s21] =	stream.linear.scatter [tilespmem:s26], [sflag:$0x6], $0x1C00, $0x38;
	[tilespmem:$0x1FBC0] =	vst v63  }
0x36: {  	_ =	swait.ge [sflag:s28], $0x1C00  }
0x37: {  	[sflag:s28] =	ssyncset.done $0x0  }
0x38: {  	s22 =	rddreg [dreg:$0xa];
	[sflag:s28] =	ssyncadd.s32 $0xFFFFE400  }
0x39: {  	[spmem:s22] =	stream.linear.scatter [tilespmem:s26], [sflag:$0x6], $0x1C00, $0x38;
	[tilespmem:$0x1FBC0] =	vst v63  }
0x3a: {  	_ =	swait.ge [sflag:s28], $0x1C00  }
0x3b: {  	[sflag:s28] =	ssyncset.done $0x0  }
0x3c: {  	s23 =	rddreg [dreg:$0xb];
	[sflag:s28] =	ssyncadd.s32 $0xFFFFE400  }
0x3d: {  	[spmem:s23] =	stream.linear.scatter [tilespmem:s26], [sflag:$0x6], $0x1C00, $0x38;
	[tilespmem:$0x1FBC0] =	vst v63  }
0x3e: {  	_ =	swait.ge [sflag:s28], $0x1C00  }
0x3f: {  	[sflag:s28] =	ssyncset.done $0x0  }
0x40: {  	s24 =	rddreg [dreg:$0xc];
	[sflag:s28] =	ssyncadd.s32 $0xFFFFE400  }
0x41: {  	[spmem:s24] =	stream.linear.scatter [tilespmem:s26], [sflag:$0x6], $0x1C00, $0x38;
	[tilespmem:$0x1FBC0] =	vst v63  }
0x42: {  	_ =	swait.ge [sflag:s28], $0x1C00  }
0x43: {  	[sflag:s28] =	ssyncset.done $0x0  }
0x44: {  	s20 =	rddreg [dreg:$0xd];
	[sflag:s28] =	ssyncadd.s32 $0xFFFFE400  }
0x45: {  	[spmem:s20] =	stream.linear.scatter [tilespmem:s26], [sflag:$0x6], $0x1C00, $0x38;
	[tilespmem:$0x1FBC0] =	vst v63  }
0x46: {  	_ =	swait.ge [sflag:s28], $0x1C00  }
0x47: {  	[sflag:s28] =	ssyncset.done $0x0  }
0x48: {  	s21 =	rddreg [dreg:$0xe];
	[sflag:s28] =	ssyncadd.s32 $0xFFFFE400  }
0x49: {  	[spmem:s21] =	stream.linear.scatter [tilespmem:s26], [sflag:$0x6], $0x1C00, $0x38;
	[tilespmem:$0x1FBC0] =	vst v63  }
0x4a: {  	_ =	swait.ge [sflag:s28], $0x1C00  }
0x4b: {  	[sflag:s28] =	ssyncset.done $0x0  }
0x4c: {  	s22 =	rddreg [dreg:$0xf];
	[sflag:s28] =	ssyncadd.s32 $0xFFFFE400  }
0x4d: {  	[spmem:s22] =	stream.linear.scatter [tilespmem:s26], [sflag:$0x6], $0x1C00, $0x38;
	[tilespmem:$0x1FBC0] =	vst v63  }
0x4e: {  	_ =	swait.ge [sflag:s28], $0x1C00  }
0x4f: {  	[sflag:s28] =	ssyncset.done $0x0  }
0x50: {  	s23 =	rddreg [dreg:$0x10];
	[sflag:s28] =	ssyncadd.s32 $0xFFFFE400  }
0x51: {  	[spmem:s23] =	stream.linear.scatter [tilespmem:s26], [sflag:$0x6], $0x1C00, $0x38;
	[tilespmem:$0x1FBC0] =	vst v63  }
0x52: {  	_ =	swait.ge [sflag:s28], $0x1C00  }
0x53: {  	[sflag:s28] =	ssyncset.done $0x0  }
0x54: {  	s24 =	rddreg [dreg:$0x11];
	[sflag:s28] =	ssyncadd.s32 $0xFFFFE400  }
0x55: {  	[spmem:s24] =	stream.linear.scatter [tilespmem:s26], [sflag:$0x6], $0x1C00, $0x38;
	[tilespmem:$0x1FBC0] =	vst v63  }
0x56: {  	_ =	swait.ge [sflag:s28], $0x1C00  }
0x57: {  	[sflag:s28] =	ssyncset.done $0x0  }
0x58: {  	[sflag:s28] =	ssyncadd.s32 $0xFFFFE400  }
0x59: {  	[spmem:s25] =	stream.linear.scatter [tilespmem:s26], [sflag:$0x6], $0x1C00, $0x38;
	[tilespmem:$0x1FBC0] =	vst v63  }
0x5a: {  	_ =	swait.ge [sflag:s28], $0x1C00  }
0x5b: {  	[sflag:s28] =	ssyncset.done $0x0  }
0x5c: {  	[sflag:s28] =	ssyncadd.s32 $0xFFFFE400  }
0x5d: {  	s19 =	simm.s32 $0x0;
	[bflag:$0x0] =	sbarrier.arrive $0xFFFF  }
0x5e: {  	[tilespmem:s19], [sflag:$0x1] =	stream.linear.gather [hbm4b:s8+s19], $0x150, $0x38;
	[tilespmem:$0x1FBC0] =	vst v63  }
0x5f: {  	s20 =	rddreg [dreg:$0x3]  }
0x60: {  	[tilespmem:s29], [sflag:$0x2] =	stream.linear.gather [hbm4b:s20+s19], $0x150, $0x38;
	[tilespmem:$0x1FBC0] =	vst v63  }
0x61: {  	_ =	swait.ge [sflag:s30], $0x150  }
0x62: {  	[sflag:s30] =	ssyncset.done $0x0  }
0x63: {  	[sflag:s30] =	ssyncadd.s32 $0xFFFFFEB0  }
0x64: {  	v2 =	vld [tilespmem:$0x70]  }
0x65: {  	v3 =	vld [tilespmem:$0x80]  }
0x66: {  	v4 =	vld [tilespmem:$0x90]  }
0x67: {  	v6 =	vld [tilespmem:$0xA0]  }
0x68: {  	v7 =	vld [tilespmem:$0xB0]  }
0x69: {  	v9 =	vld [tilespmem:$0xC0]  }
0x6a: {  	v10 =	vld [tilespmem:$0xD0]  }
0x6b: {  	v5 =	vsub.s32 v2, v0  }
0x6c: {  	v2 =	vand.u32 $0xF, v2;
	v56 =	vsub.s32 v3, v0;
	v3 =	vand.u32 $0xF, v3  }
0x6d: {  	v8 =	vsub.s32 v4, v0;
	v4 =	vand.u32 $0xF, v4;
	v57 =	vsub.s32 v6, v0  }
0x6e: {  	v6 =	vand.u32 $0xF, v6;
	v58 =	vsub.s32 v7, v0;
	v59 =	vand.u32 $0xF, v7  }
0x6f: {  	v60 =	vsub.s32 v9, v0;
	v61 =	vand.u32 $0xF, v9;
	v62 =	vsub.s32 v10, v0  }
0x70: {  	v63 =	vand.u32 $0xF, v10;
	vm0 =	vlt.u32 v5, $0x6200;
	v2 =	vor.u32 $0x6200, v2  }
0x71: {  	vm10 =	vlt.u32 v56, $0x6200;
	v3 =	vor.u32 $0x6200, v3;
	v2 =	vsel vm0, v5, v2  }
0x72: {  	vm11 =	vlt.u32 v8, $0x6200;
	v4 =	vor.u32 $0x6200, v4;
	v3 =	vsel vm10, v56, v3;
	[tilespmem:$0x2A0] =	vst v2  }
0x73: {  	vm12 =	vlt.u32 v57, $0x6200;
	v6 =	vor.u32 $0x6200, v6;
	v4 =	vsel vm11, v8, v4;
	[tilespmem:$0x2B0] =	vst v3  }
0x74: {  	vm13 =	vlt.u32 v58, $0x6200;
	v2 =	vsel vm12, v57, v6;
	v3 =	vor.u32 $0x6200, v59;
	[tilespmem:$0x2C0] =	vst v4  }
0x75: {  	vm14 =	vlt.u32 v60, $0x6200;
	v3 =	vsel vm13, v58, v3;
	[tilespmem:$0x2D0] =	vst v2;
	v2 =	vor.u32 $0x6200, v61  }
0x76: {  	vm15 =	vlt.u32 v62, $0x6200;
	[tilespmem:$0x2E0] =	vst v3;
	v2 =	vsel vm14, v60, v2;
	v3 =	vor.u32 $0x6200, v63  }
0x77: {  	[tilespmem:$0x2F0] =	vst v2;
	v2 =	vsel vm15, v62, v3  }
0x78: {  	[tilespmem:$0x300] =	vst v2  }
0x79: {  	[tilespmem:s26], [sflag:$0x3] =	stream.indirect.gather [hbm4b:s6+s31], $0x40, s0, s31, $0xb8;
	[tilespmem:$0x1FBC0] =	vst v63  }
0x7a: {  	s20 =	simm.s32 $0x0  }
0x7b: {  	[tilespmem:s2], [sflag:$0x3] =	stream.indirect.gather [hbm4b:s5+s31], $0x40, s19, s31, $0xb8;
	[tilespmem:$0x1FBC0] =	vst v63  }
.LBB2_4:
0x7c: {  	p0 =	seq.s32 s20, $0x0  }
0x7d: {  	s21 =	simm.s32 @!p0 $0x5  }
0x7e: {  	_ =	swait.ge @!p0 [sflag:s21], $0x1C00  }
0x7f: {  	[sflag:s21] =	ssyncset.done @!p0 $0x0  }
0x80: {  	[sflag:s21] =	ssyncadd.s32 @!p0 $0xFFFFE400  }
0x81: {  	_ =	swait.ge [sflag:s9], $0x150  }
0x82: {  	[sflag:s9] =	ssyncset.done $0x0  }
0x83: {  	[sflag:s9] =	ssyncadd.s32 $0xFFFFFEB0  }
0x84: {  	v2 =	vld [tilespmem:$0x1C0]  }
0x85: {  	v4 =	vld [tilespmem:$0x1E0];
	_ =	sdelay $0x1  }
0x86: {  	v3 =	vld [tilespmem:$0x1D0];
	_ =	sdelay $0x1  }
0x87: {  	v6 =	vld [tilespmem:$0x1F0];
	v5 =	vsub.s32 v2, v0  }
0x88: {  	v2 =	vand.u32 $0xF, v2;
	v8 =	vsub.s32 v4, v0;
	v4 =	vand.u32 $0xF, v4  }
0x89: {  	v7 =	vld [tilespmem:$0x200];
	vm0 =	vlt.u32 v5, $0x6200;
	v2 =	vor.u32 $0x6200, v2;
	vm11 =	vlt.u32 v8, $0x6200  }
0x8a: {  	v9 =	vld [tilespmem:$0x210];
	v2 =	vsel vm0, v5, v2;
	v5 =	vsub.s32 v3, v0;
	v3 =	vand.u32 $0xF, v3  }
0x8b: {  	v10 =	vld [tilespmem:$0x220];
	v4 =	vor.u32 $0x6200, v4;
	vm10 =	vlt.u32 v5, $0x6200;
	v3 =	vor.u32 $0x6200, v3  }
0x8c: {  	v3 =	vsel vm10, v5, v3;
	v5 =	vsub.s32 v6, v0;
	v6 =	vand.u32 $0xF, v6  }
0x8d: {  	v4 =	vsel vm11, v8, v4;
	[tilespmem:$0x310] =	vst v2;
	vm12 =	vlt.u32 v5, $0x6200;
	v6 =	vor.u32 $0x6200, v6  }
0x8e: {  	[tilespmem:$0x330] =	vst v4;
	v2 =	vsel vm12, v5, v6;
	v5 =	vsub.s32 v7, v0;
	v6 =	vand.u32 $0xF, v7  }
0x8f: {  	v4 =	vand.u32 $0xF, v9;
	[tilespmem:$0x320] =	vst v3;
	vm13 =	vlt.u32 v5, $0x6200;
	v3 =	vor.u32 $0x6200, v6  }
0x90: {  	v6 =	vsub.s32 v9, v0;
	[tilespmem:$0x340] =	vst v2;
	v2 =	vor.u32 $0x6200, v4;
	v4 =	vsub.s32 v10, v0  }
0x91: {  	v3 =	vsel vm13, v5, v3;
	vm14 =	vlt.u32 v6, $0x6200;
	v5 =	vand.u32 $0xF, v10  }
0x92: {  	vm15 =	vlt.u32 v4, $0x6200;
	[tilespmem:$0x350] =	vst v3;
	v2 =	vsel vm14, v6, v2;
	v3 =	vor.u32 $0x6200, v5  }
0x93: {  	[tilespmem:$0x360] =	vst v2;
	v2 =	vsel vm15, v4, v3  }
0x94: {  	[tilespmem:$0x370] =	vst v2  }
0x95: {  	[tilespmem:s12], [sflag:$0x4] =	stream.indirect.gather [hbm4b:s6+s31], $0x40, s10, s31, $0xb8;
	[tilespmem:$0x1FBC0] =	vst v63  }
0x96: {  	s24 =	sshll.u32 s20, $0x1  }
0x97: {  	[tilespmem:s13], [sflag:$0x4] =	stream.indirect.gather [hbm4b:s5+s31], $0x40, s29, s31, $0xb8;
	[tilespmem:$0x1FBC0] =	vst v63  }
0x98: {  	s21 =	sadd.s32 s7, s24;
	_ =	swait.ge [sflag:s14], $0x1C00  }
0x99: {  	s21 =	smul.u32 $0x150, s21;
	[sflag:s14] =	ssyncset.done $0x0  }
0x9a: {  	[sflag:s14] =	ssyncadd.s32 $0xFFFFE400  }
0x9b: {  	s21 =	sshrl.u32 s21, $0x3;
	_ =	swait.ge [sflag:s14], $0x1C00  }
0x9c: {  	s21 =	sadd.s32 s4, s21;
	[sflag:s14] =	ssyncset.done $0x0  }
0x9d: {  	s22 =	sadd.s32 $0x54, s21;
	[sflag:s14] =	ssyncadd.s32 $0xFFFFE400  }
0x9e: {  	[tilespmem:s19], [sflag:$0x1] =	stream.linear.gather [hbm4b:s22+s19], $0x150, $0x38;
	[tilespmem:$0x1FBC0] =	vst v63  }
0x9f: {  	s22 =	simm.s32 $0x0  }
0xa0: {  	v4 =	vld [tilespmem:s22+$0x3B80]  }
0xa1: {  	v5 =	vld [tilespmem:s22+$0x3B90]  }
0xa2: {  	v3 =	vld [tilespmem:s22+$0x3BA0]  }
0xa3: {  	v2 =	vld [tilespmem:s22+$0x3BB0]  }
0xa4: {  	v6 =	vld [tilespmem:s22+$0x380]  }
0xa5: {  	v8 =	vld [tilespmem:s22+$0x390]  }
0xa6: {  	s23 =	simm.s32 $0x100;
	v7 =	vld [tilespmem:s22+$0x3A0]  }
.LBB2_5:
0xa7: {  	p0 =	sne.s32 s23, $0x6F00;
	v9 =	vld [tilespmem:s22+$0x3B0]  }
0xa8: {  	s24 =	sshra.s32 s23, $0x2  }
0xa9: {  	v6 =	vadd.f32 v4, v6;
	v4 =	vld [tilespmem:s24+$0x3B80]  }
0xaa: {  	v8 =	vadd.f32 v5, v8;
	v5 =	vld [tilespmem:s24+$0x3B90]  }
.Ltmp1:
0xab: {  	v6 =	vmax.f32 v6, $0.0e+00;
	v7 =	vadd.f32 v3, v7;
	v3 =	vld [tilespmem:s24+$0x3BA0];
	(pc) =	sbr.rel @p0 .LBB2_5-.Ltmp1, $4  }
0xac: {  	[tilespmem:s22+$0x380] =	vst v6;
	v8 =	vmax.f32 v8, $0.0e+00;
	v9 =	vadd.f32 v2, v9;
	v2 =	vld [tilespmem:s24+$0x3BB0]  }
0xad: {  	v6 =	vld [tilespmem:s24+$0x380];
	[tilespmem:s22+$0x390] =	vst v8;
	v7 =	vmax.f32 v7, $0.0e+00  }
0xae: {  	v8 =	vld [tilespmem:s24+$0x390];
	[tilespmem:s22+$0x3A0] =	vst v7;
	v9 =	vmax.f32 v9, $0.0e+00  }
0xaf: {  	s23 =	sadd.s32 $0x100, s23;
	v7 =	vld [tilespmem:s24+$0x3A0];
	[tilespmem:s22+$0x3B0] =	vst v9;
	s22 =	smov.u32 s24  }
0xb0: {  	v9 =	vld [tilespmem:s22+$0x3B0];
	_ =	sdelay $0x1  }
0xb1: {  	v4 =	vadd.f32 v4, v6  }
0xb2: {  	v5 =	vadd.f32 v5, v8  }
0xb3: {  	v4 =	vmax.f32 v4, $0.0e+00;
	v3 =	vadd.f32 v3, v7  }
0xb4: {  	[tilespmem:s22+$0x380] =	vst v4;
	v4 =	vmax.f32 v5, $0.0e+00;
	v2 =	vadd.f32 v2, v9  }
0xb5: {  	[tilespmem:s22+$0x390] =	vst v4;
	v3 =	vmax.f32 v3, $0.0e+00  }
0xb6: {  	[tilespmem:s22+$0x3A0] =	vst v3;
	v2 =	vmax.f32 v2, $0.0e+00  }
0xb7: {  	[tilespmem:s22+$0x3B0] =	vst v2  }
0xb8: {  	[spmem:s1] =	stream.indirect.scatter.add.f32 [tilespmem:s26], [sflag:$0x5], $0x40, s15, s31, $0xb8;
	[tilespmem:$0x1FBC0] =	vst v63  }
0xb9: {  	_ =	swait.ge [sflag:s16], $0x1C00  }
0xba: {  	[sflag:s16] =	ssyncset.done $0x0  }
0xbb: {  	[sflag:s16] =	ssyncadd.s32 $0xFFFFE400  }
0xbc: {  	_ =	swait.ge [sflag:s30], $0x150  }
0xbd: {  	[sflag:s30] =	ssyncset.done $0x0  }
0xbe: {  	[sflag:s30] =	ssyncadd.s32 $0xFFFFFEB0  }
0xbf: {  	v2 =	vld [tilespmem:$0x70]  }
0xc0: {  	v4 =	vld [tilespmem:$0x90];
	_ =	sdelay $0x1  }
0xc1: {  	v3 =	vld [tilespmem:$0x80];
	_ =	sdelay $0x1  }
0xc2: {  	v6 =	vld [tilespmem:$0xA0];
	v5 =	vsub.s32 v2, v0  }
0xc3: {  	v2 =	vand.u32 $0xF, v2;
	v8 =	vsub.s32 v4, v0;
	v4 =	vand.u32 $0xF, v4  }
0xc4: {  	v7 =	vld [tilespmem:$0xB0];
	vm0 =	vlt.u32 v5, $0x6200;
	v2 =	vor.u32 $0x6200, v2;
	vm11 =	vlt.u32 v8, $0x6200  }
0xc5: {  	v9 =	vld [tilespmem:$0xC0];
	v2 =	vsel vm0, v5, v2;
	v5 =	vsub.s32 v3, v0;
	v3 =	vand.u32 $0xF, v3  }
0xc6: {  	v10 =	vld [tilespmem:$0xD0];
	v4 =	vor.u32 $0x6200, v4;
	vm10 =	vlt.u32 v5, $0x6200;
	v3 =	vor.u32 $0x6200, v3  }
0xc7: {  	v3 =	vsel vm10, v5, v3;
	v5 =	vsub.s32 v6, v0;
	v6 =	vand.u32 $0xF, v6  }
0xc8: {  	v4 =	vsel vm11, v8, v4;
	[tilespmem:$0x2A0] =	vst v2;
	vm12 =	vlt.u32 v5, $0x6200;
	v6 =	vor.u32 $0x6200, v6  }
0xc9: {  	[tilespmem:$0x2C0] =	vst v4;
	v2 =	vsel vm12, v5, v6;
	v5 =	vsub.s32 v7, v0;
	v6 =	vand.u32 $0xF, v7  }
0xca: {  	v4 =	vand.u32 $0xF, v9;
	[tilespmem:$0x2B0] =	vst v3;
	vm13 =	vlt.u32 v5, $0x6200;
	v3 =	vor.u32 $0x6200, v6  }
0xcb: {  	v6 =	vsub.s32 v9, v0;
	[tilespmem:$0x2D0] =	vst v2;
	v2 =	vor.u32 $0x6200, v4;
	v4 =	vsub.s32 v10, v0  }
0xcc: {  	v3 =	vsel vm13, v5, v3;
	vm14 =	vlt.u32 v6, $0x6200;
	v5 =	vand.u32 $0xF, v10  }
0xcd: {  	vm15 =	vlt.u32 v4, $0x6200;
	[tilespmem:$0x2E0] =	vst v3;
	v2 =	vsel vm14, v6, v2;
	v3 =	vor.u32 $0x6200, v5  }
0xce: {  	[tilespmem:$0x2F0] =	vst v2;
	v2 =	vsel vm15, v4, v3  }
0xcf: {  	[tilespmem:$0x300] =	vst v2  }
0xd0: {  	[tilespmem:s26], [sflag:$0x3] =	stream.indirect.gather [hbm4b:s6+s31], $0x40, s0, s31, $0xb8;
	[tilespmem:$0x1FBC0] =	vst v63  }
0xd1: {  	s24 =	simm.s32 $0x0  }
0xd2: {  	[tilespmem:s2], [sflag:$0x3] =	stream.indirect.gather [hbm4b:s5+s31], $0x40, s24, s31, $0xb8;
	[tilespmem:$0x1FBC0] =	vst v63  }
0xd3: {  	_ =	swait.ge [sflag:s17], $0x1C00  }
0xd4: {  	[sflag:s17] =	ssyncset.done $0x0  }
0xd5: {  	[sflag:s17] =	ssyncadd.s32 $0xFFFFE400  }
0xd6: {  	_ =	swait.ge [sflag:s17], $0x1C00  }
0xd7: {  	[sflag:s17] =	ssyncset.done $0x0  }
0xd8: {  	s21 =	sadd.s32 $0x7E, s21;
	[sflag:s17] =	ssyncadd.s32 $0xFFFFE400  }
0xd9: {  	[tilespmem:s29], [sflag:$0x2] =	stream.linear.gather [hbm4b:s21+s24], $0x150, $0x38;
	[tilespmem:$0x1FBC0] =	vst v63  }
0xda: {  	s21 =	simm.s32 $0x0  }
0xdb: {  	v4 =	vld [tilespmem:s21+$0x5780]  }
0xdc: {  	v5 =	vld [tilespmem:s21+$0x5790]  }
0xdd: {  	v3 =	vld [tilespmem:s21+$0x57A0]  }
0xde: {  	v2 =	vld [tilespmem:s21+$0x57B0]  }
0xdf: {  	v6 =	vld [tilespmem:s21+$0x1F80]  }
0xe0: {  	v8 =	vld [tilespmem:s21+$0x1F90]  }
0xe1: {  	s22 =	simm.s32 $0x100;
	v7 =	vld [tilespmem:s21+$0x1FA0]  }
.LBB2_7:
0xe2: {  	p0 =	sne.s32 s22, $0x6F00;
	v9 =	vld [tilespmem:s21+$0x1FB0]  }
0xe3: {  	s23 =	sshra.s32 s22, $0x2  }
0xe4: {  	v6 =	vadd.f32 v4, v6;
	v4 =	vld [tilespmem:s23+$0x5780]  }
0xe5: {  	v8 =	vadd.f32 v5, v8;
	v5 =	vld [tilespmem:s23+$0x5790]  }
.Ltmp2:
0xe6: {  	v6 =	vmax.f32 v6, $0.0e+00;
	v7 =	vadd.f32 v3, v7;
	v3 =	vld [tilespmem:s23+$0x57A0];
	(pc) =	sbr.rel @p0 .LBB2_7-.Ltmp2, $4  }
0xe7: {  	[tilespmem:s21+$0x1F80] =	vst v6;
	v8 =	vmax.f32 v8, $0.0e+00;
	v9 =	vadd.f32 v2, v9;
	v2 =	vld [tilespmem:s23+$0x57B0]  }
0xe8: {  	v6 =	vld [tilespmem:s23+$0x1F80];
	[tilespmem:s21+$0x1F90] =	vst v8;
	v7 =	vmax.f32 v7, $0.0e+00  }
0xe9: {  	v8 =	vld [tilespmem:s23+$0x1F90];
	[tilespmem:s21+$0x1FA0] =	vst v7;
	v9 =	vmax.f32 v9, $0.0e+00  }
0xea: {  	s22 =	sadd.s32 $0x100, s22;
	v7 =	vld [tilespmem:s23+$0x1FA0];
	[tilespmem:s21+$0x1FB0] =	vst v9;
	s21 =	smov.u32 s23  }
0xeb: {  	v9 =	vld [tilespmem:s21+$0x1FB0];
	_ =	sdelay $0x1  }
0xec: {  	v4 =	vadd.f32 v4, v6  }
0xed: {  	s20 =	sadd.s32 $0x1, s20;
	v5 =	vadd.f32 v5, v8  }
0xee: {  	p0 =	sne.s32 s20, $0xDF;
	v4 =	vmax.f32 v4, $0.0e+00;
	v3 =	vadd.f32 v3, v7  }
.Ltmp3:
0xef: {  	[tilespmem:s21+$0x1F80] =	vst v4;
	v63 =	vmax.f32 v5, $0.0e+00;
	v2 =	vadd.f32 v2, v9;
	(pc) =	sbr.rel @p0 .LBB2_4-.Ltmp3, $4  }
0xf0: {  	[tilespmem:s21+$0x1F90] =	vst v63;
	v3 =	vmax.f32 v3, $0.0e+00  }
0xf1: {  	[tilespmem:s21+$0x1FA0] =	vst v3;
	v2 =	vmax.f32 v2, $0.0e+00  }
0xf2: {  	[tilespmem:s21+$0x1FB0] =	vst v2  }
0xf3: {  	[spmem:s1] =	stream.indirect.scatter.add.f32 [tilespmem:s12], [sflag:$0x5], $0x40, s18, s31, $0xb8;
	[tilespmem:$0x1FBC0] =	vst v63  }
0xf4: {  	_ =	swait.ge [sflag:s16], $0x1C00  }
0xf5: {  	[sflag:s16] =	ssyncset.done $0x0  }
0xf6: {  	[sflag:s16] =	ssyncadd.s32 $0xFFFFE400  }
0xf7: {  	_ =	swait.ge [sflag:s9], $0x150  }
0xf8: {  	[sflag:s9] =	ssyncset.done $0x0  }
0xf9: {  	[sflag:s9] =	ssyncadd.s32 $0xFFFFFEB0  }
0xfa: {  	v2 =	vld [tilespmem:$0x1C0]  }
0xfb: {  	v4 =	vld [tilespmem:$0x1E0];
	_ =	sdelay $0x1  }
0xfc: {  	v3 =	vld [tilespmem:$0x1D0];
	_ =	sdelay $0x1  }
0xfd: {  	v6 =	vld [tilespmem:$0x1F0];
	v5 =	vsub.s32 v2, v0  }
0xfe: {  	v2 =	vand.u32 $0xF, v2;
	v8 =	vsub.s32 v4, v0;
	v4 =	vand.u32 $0xF, v4  }
0xff: {  	v7 =	vld [tilespmem:$0x200];
	vm0 =	vlt.u32 v5, $0x6200;
	v2 =	vor.u32 $0x6200, v2;
	vm11 =	vlt.u32 v8, $0x6200  }
0x100: {  	v9 =	vld [tilespmem:$0x210];
	v2 =	vsel vm0, v5, v2;
	v5 =	vsub.s32 v3, v0;
	v3 =	vand.u32 $0xF, v3  }
0x101: {  	v10 =	vld [tilespmem:$0x220];
	v4 =	vor.u32 $0x6200, v4;
	vm10 =	vlt.u32 v5, $0x6200;
	v3 =	vor.u32 $0x6200, v3  }
0x102: {  	v3 =	vsel vm10, v5, v3;
	v5 =	vsub.s32 v6, v0;
	v6 =	vand.u32 $0xF, v6  }
0x103: {  	v4 =	vsel vm11, v8, v4;
	[tilespmem:$0x310] =	vst v2;
	vm12 =	vlt.u32 v5, $0x6200;
	v6 =	vor.u32 $0x6200, v6  }
0x104: {  	[tilespmem:$0x330] =	vst v4;
	v2 =	vsel vm12, v5, v6;
	v5 =	vsub.s32 v7, v0;
	v6 =	vand.u32 $0xF, v7  }
0x105: {  	v4 =	vand.u32 $0xF, v9;
	[tilespmem:$0x320] =	vst v3;
	vm13 =	vlt.u32 v5, $0x6200;
	v3 =	vor.u32 $0x6200, v6  }
0x106: {  	v6 =	vsub.s32 v9, v0;
	[tilespmem:$0x340] =	vst v2;
	v2 =	vor.u32 $0x6200, v4;
	v4 =	vsub.s32 v10, v0  }
0x107: {  	v3 =	vsel vm13, v5, v3;
	vm14 =	vlt.u32 v6, $0x6200;
	v5 =	vand.u32 $0xF, v10  }
0x108: {  	vm15 =	vlt.u32 v4, $0x6200;
	[tilespmem:$0x350] =	vst v3;
	v2 =	vsel vm14, v6, v2;
	v3 =	vor.u32 $0x6200, v5  }
0x109: {  	[tilespmem:$0x360] =	vst v2;
	v2 =	vsel vm15, v4, v3  }
0x10a: {  	[tilespmem:$0x370] =	vst v2  }
0x10b: {  	[tilespmem:s12], [sflag:$0x4] =	stream.indirect.gather [hbm4b:s6+s31], $0x40, s10, s31, $0xb8;
	[tilespmem:$0x1FBC0] =	vst v63  }
0x10c: {  	_ = 	snop  }
0x10d: {  	[tilespmem:s13], [sflag:$0x4] =	stream.indirect.gather [hbm4b:s5+s31], $0x40, s29, s31, $0xb8;
	[tilespmem:$0x1FBC0] =	vst v63  }
0x10e: {  	_ =	swait.ge [sflag:s14], $0x1C00  }
0x10f: {  	[sflag:s14] =	ssyncset.done $0x0  }
0x110: {  	[sflag:s14] =	ssyncadd.s32 $0xFFFFE400  }
0x111: {  	_ =	swait.ge [sflag:s14], $0x1C00  }
0x112: {  	[sflag:s14] =	ssyncset.done $0x0  }
0x113: {  	s19 =	simm.s32 $0x0;
	[sflag:s14] =	ssyncadd.s32 $0xFFFFE400  }
0x114: {  	v4 =	vld [tilespmem:s19+$0x3B80]  }
0x115: {  	v5 =	vld [tilespmem:s19+$0x3B90]  }
0x116: {  	v3 =	vld [tilespmem:s19+$0x3BA0]  }
0x117: {  	v2 =	vld [tilespmem:s19+$0x3BB0]  }
0x118: {  	v6 =	vld [tilespmem:s19+$0x380]  }
0x119: {  	v8 =	vld [tilespmem:s19+$0x390]  }
0x11a: {  	s20 =	simm.s32 $0x100;
	v7 =	vld [tilespmem:s19+$0x3A0]  }
.LBB2_10:
0x11b: {  	p0 =	sne.s32 s20, $0x6F00;
	v9 =	vld [tilespmem:s19+$0x3B0]  }
0x11c: {  	s21 =	sshra.s32 s20, $0x2  }
0x11d: {  	v6 =	vadd.f32 v4, v6;
	v4 =	vld [tilespmem:s21+$0x3B80]  }
0x11e: {  	v8 =	vadd.f32 v5, v8;
	v5 =	vld [tilespmem:s21+$0x3B90]  }
.Ltmp4:
0x11f: {  	v6 =	vmax.f32 v6, $0.0e+00;
	v7 =	vadd.f32 v3, v7;
	v3 =	vld [tilespmem:s21+$0x3BA0];
	(pc) =	sbr.rel @p0 .LBB2_10-.Ltmp4, $4  }
0x120: {  	[tilespmem:s19+$0x380] =	vst v6;
	v8 =	vmax.f32 v8, $0.0e+00;
	v9 =	vadd.f32 v2, v9;
	v2 =	vld [tilespmem:s21+$0x3BB0]  }
0x121: {  	v6 =	vld [tilespmem:s21+$0x380];
	[tilespmem:s19+$0x390] =	vst v8;
	v7 =	vmax.f32 v7, $0.0e+00  }
0x122: {  	v8 =	vld [tilespmem:s21+$0x390];
	[tilespmem:s19+$0x3A0] =	vst v7;
	v9 =	vmax.f32 v9, $0.0e+00  }
0x123: {  	s20 =	sadd.s32 $0x100, s20;
	v7 =	vld [tilespmem:s21+$0x3A0];
	[tilespmem:s19+$0x3B0] =	vst v9;
	s19 =	smov.u32 s21  }
0x124: {  	v9 =	vld [tilespmem:s19+$0x3B0];
	_ =	sdelay $0x1  }
0x125: {  	v4 =	vadd.f32 v4, v6  }
0x126: {  	v5 =	vadd.f32 v5, v8  }
0x127: {  	v4 =	vmax.f32 v4, $0.0e+00;
	v3 =	vadd.f32 v3, v7  }
0x128: {  	[tilespmem:s19+$0x380] =	vst v4;
	v4 =	vmax.f32 v5, $0.0e+00;
	v2 =	vadd.f32 v2, v9  }
0x129: {  	[tilespmem:s19+$0x390] =	vst v4;
	v3 =	vmax.f32 v3, $0.0e+00  }
0x12a: {  	[tilespmem:s19+$0x3A0] =	vst v3;
	v2 =	vmax.f32 v2, $0.0e+00  }
0x12b: {  	[tilespmem:s19+$0x3B0] =	vst v2  }
0x12c: {  	[spmem:s1] =	stream.indirect.scatter.add.f32 [tilespmem:s26], [sflag:$0x5], $0x40, s15, s31, $0xb8;
	[tilespmem:$0x1FBC0] =	vst v63  }
0x12d: {  	_ =	swait.ge [sflag:s16], $0x1C00  }
0x12e: {  	[sflag:s16] =	ssyncset.done $0x0  }
0x12f: {  	[sflag:s16] =	ssyncadd.s32 $0xFFFFE400  }
0x130: {  	_ =	swait.ge [sflag:s17], $0x1C00  }
0x131: {  	[sflag:s17] =	ssyncset.done $0x0  }
0x132: {  	[sflag:s17] =	ssyncadd.s32 $0xFFFFE400  }
0x133: {  	_ =	swait.ge [sflag:s17], $0x1C00  }
0x134: {  	[sflag:s17] =	ssyncset.done $0x0  }
0x135: {  	s19 =	simm.s32 $0x0;
	[sflag:s17] =	ssyncadd.s32 $0xFFFFE400  }
0x136: {  	v4 =	vld [tilespmem:s19+$0x5780]  }
0x137: {  	v5 =	vld [tilespmem:s19+$0x5790]  }
0x138: {  	v3 =	vld [tilespmem:s19+$0x57A0]  }
0x139: {  	v2 =	vld [tilespmem:s19+$0x57B0]  }
0x13a: {  	v6 =	vld [tilespmem:s19+$0x1F80]  }
0x13b: {  	v8 =	vld [tilespmem:s19+$0x1F90]  }
0x13c: {  	s20 =	simm.s32 $0x100;
	v7 =	vld [tilespmem:s19+$0x1FA0]  }
.LBB2_12:
0x13d: {  	p0 =	sne.s32 s20, $0x6F00;
	v9 =	vld [tilespmem:s19+$0x1FB0]  }
0x13e: {  	s21 =	sshra.s32 s20, $0x2  }
0x13f: {  	v6 =	vadd.f32 v4, v6;
	v4 =	vld [tilespmem:s21+$0x5780]  }
0x140: {  	v8 =	vadd.f32 v5, v8;
	v5 =	vld [tilespmem:s21+$0x5790]  }
.Ltmp5:
0x141: {  	v6 =	vmax.f32 v6, $0.0e+00;
	v7 =	vadd.f32 v3, v7;
	v3 =	vld [tilespmem:s21+$0x57A0];
	(pc) =	sbr.rel @p0 .LBB2_12-.Ltmp5, $4  }
0x142: {  	[tilespmem:s19+$0x1F80] =	vst v6;
	v8 =	vmax.f32 v8, $0.0e+00;
	v9 =	vadd.f32 v2, v9;
	v2 =	vld [tilespmem:s21+$0x57B0]  }
0x143: {  	v6 =	vld [tilespmem:s21+$0x1F80];
	[tilespmem:s19+$0x1F90] =	vst v8;
	v7 =	vmax.f32 v7, $0.0e+00  }
0x144: {  	v8 =	vld [tilespmem:s21+$0x1F90];
	[tilespmem:s19+$0x1FA0] =	vst v7;
	v9 =	vmax.f32 v9, $0.0e+00  }
0x145: {  	s20 =	sadd.s32 $0x100, s20;
	v7 =	vld [tilespmem:s21+$0x1FA0];
	[tilespmem:s19+$0x1FB0] =	vst v9;
	s19 =	smov.u32 s21  }
0x146: {  	v9 =	vld [tilespmem:s19+$0x1FB0];
	_ =	sdelay $0x1  }
0x147: {  	v4 =	vadd.f32 v4, v6  }
0x148: {  	v5 =	vadd.f32 v5, v8  }
0x149: {  	v4 =	vmax.f32 v4, $0.0e+00;
	v3 =	vadd.f32 v3, v7  }
0x14a: {  	[tilespmem:s19+$0x1F80] =	vst v4;
	v63 =	vmax.f32 v5, $0.0e+00;
	v2 =	vadd.f32 v2, v9  }
0x14b: {  	[tilespmem:s19+$0x1F90] =	vst v63;
	v3 =	vmax.f32 v3, $0.0e+00  }
0x14c: {  	[tilespmem:s19+$0x1FA0] =	vst v3;
	v2 =	vmax.f32 v2, $0.0e+00  }
0x14d: {  	[tilespmem:s19+$0x1FB0] =	vst v2  }
0x14e: {  	[spmem:s1] =	stream.indirect.scatter.add.f32 [tilespmem:s12], [sflag:$0x5], $0x40, s18, s31, $0xb8;
	[tilespmem:$0x1FBC0] =	vst v63  }
0x14f: {  	_ =	swait.ge [sflag:s16], $0x1C00  }
0x150: {  	[sflag:s16] =	ssyncset.done $0x0  }
0x151: {  	s23 =	stileid.u32;
	[sflag:s16] =	ssyncadd.s32 $0xFFFFE400  }
0x152: {  	s19 =	sshll.u32 s23, $0x6;
	[bflag:$0x0] =	sbarrier.arrive $0xFFFF  }
0x153: {  	s20 =	sshrl.u32 s11, $0x3;
	s19 =	sor.u32 $0x1C06, s19;
	s21 =	rddreg [dreg:$0x4]  }
0x154: {  	[hbm:s21], [sflag:s19] =	dma.local [spmem:s20], $0x3100  }
0x155: {  	_ =	swait.ge [sflag:s28], $0x3100  }
0x156: {  	s3 =	sadd.s32 $0x1, s3;
	s24 =	rddreg [dreg:$0x5]  }
0x157: {  	p0 =	sne.s32 s3, s24  }
.Ltmp6:
0x158: {  	_ = 	snop;
	(pc) =	sbr.rel @p0 .LBB2_1-.Ltmp6, $3  }
0x159: {  	_ =	sdelay $0x1  }
0x15a: {  	[sflag:s28] =	ssyncset.done $0x0  }
0x15b: {  	[sflag:s28] =	ssyncadd.s32 $0xFFFFCF00  }
0x15c: {  	_ =	sfence.sel $0x180000  }
0x15d: {  	[bflag:$0x0] =	sbarrier.arrive $0xFFFF  }
0x15e: {  	_ =	strace $0x9000004D  }
0x15f: {  	s0 =	stileid.u32;
	[bflag:$0x2] =	sbarrier.arrive $0xFFFF  }
0x160: {  	p0 =	sne.s32 s0, $0x0;
	s0 =	rddreg [dreg:$0x2]  }
0x161: {  	s0 =	sadd.s32 @!p0 $0x100000, s0  }
0x162: {  	[sflag:s0] =	ssyncadd.tile.s32 @!p0 $0x1;
	_ =	shalt  }
.Lfunc_end2:
_tile_overlayer_lowered:
.L_overlay_start_2:
0x163: {  	(tag) =	ssettag $0x2  }
0x164: {  	s0 =	rddreg [dreg:$0x0];
	s2 =	stileid.u32  }
0x165: {  	s1 =	rddreg [dreg:$0x1];
	p0 =	sne.s32 s2, $0x0  }
0x166: {  	s3 =	rddreg [dreg:$0x2];
	[bflag:$0x3] =	sbarrier.arrive $0xFFFF;
	s2 =	simm.s32 @!p0 $0x1C06  }
0x167: {  	[timem:s3], [sflag:s2] =	dma.local @!p0 [hbm:s0], s1  }
0x168: {  	s0 =	simm.s32 @!p0 $0x6  }
0x169: {  	_ =	swait.ge @!p0 [sflag:s0], s1  }
0x16a: {  	s1 =	ssub.s32 @!p0 $0x0, s1;
	[sflag:s0] =	ssyncset.done @!p0 $0x0  }
0x16b: {  	[sflag:s0] =	ssyncadd.s32 @!p0 s1  }
0x16c: {  	[bflag:$0x3] =	sbarrier.arrive $0xFFFF  }
0x16d: {  	_ =	shalt  }

// kernel: kernel.23.cloned.1.call-start
scs
__scs_entry_jumppad:
0x0: {  	(pc) =	sbr.rel $0x88, $3  }
0x1: {  	(tag) =	ssettag $0x0;
	lr =	simm.s32 $0x1  }
0x2: {  	[smem:$0x3F8D] =	sst lr;
	_ =	strace $0xD0000000  }
0x3: {  	_ = 	snop  }
0x4: {  	_ = 	snop  }
0x5: {  	_ = 	snop  }
0x6: {  	_ = 	snop  }
0x7: {  	_ = 	snop  }
__scs_overlays_trampoline_lowered:
0x8: {  	[smem:$0x3F9C] =	sst s0  }
0x9: {  	[smem:$0x3F9D] =	sst s1  }
0xa: {  	[smem:$0x3F9E] =	sst s2  }
0xb: {  	[smem:$0x3F9F] =	sst s3  }
0xc: {  	[smem:$0x3FA0] =	sst s4  }
0xd: {  	[smem:$0x3FA1] =	sst s5  }
0xe: {  	[smem:$0x3FA2] =	sst s6  }
0xf: {  	[smem:$0x3FA3] =	sst s7  }
0x10: {  	[smem:$0x3FA4] =	sst s8  }
0x11: {  	[smem:$0x3FA5] =	sst s9;
	s0 =	simm.s32 @!p0 $0x0  }
0x12: {  	s1 =	sld [smem:$0x3F8B];
	s0 =	simm.s32 @p0 $0x1  }
0x13: {  	[smem:$0x3FA6] =	sst s0;
	s0 =	simm.s32 @!p1 $0x0  }
0x14: {  	s2 =	sld [smem:$0x3F8A];
	s0 =	simm.s32 @p1 $0x1  }
0x15: {  	[smem:$0x3FA7] =	sst s0;
	s0 =	simm.s32 @!p2 $0x0  }
0x16: {  	s3 =	sld [smem:$0x3FDB];
	s0 =	simm.s32 @p2 $0x1  }
0x17: {  	s4 =	simm.s32 $0x1BF5;
	[smem:$0x3FA9] =	sst s0  }
0x18: {  	s0 =	sld [smem:$0x3F8C];
	_ =	swait.ge [sflag:s4], $0x0  }
0x19: {  	s7 =	sld [smem:$0x3F8D]  }
0x1a: {  	s8 =	sadd.s32 $0xFFFFE003, lr  }
0x1b: {  	s9 =	sadd.s32 $0xFFFFFEF7, lr;
	s5 =	simm.s32 $0xFFFFFFFF;
	p2 =	slt.u32 s8, $0xFFFFF086  }
0x1c: {  	p1 =	slt.u32 s9, $0xF7A;
	s5 =	simm.s32 @!p2 $0x0  }
0x1d: {  	s5 =	simm.s32 @p1 $0x1;
	p0 =	seq.s32 s7, s2  }
0x1e: {  	s7 =	smul.u32 @!p0 $0xF7A, s2;
	p2 =	seq.s32 @!p0 s5, $0x0  }
0x1f: {  	s9 =	smul.u32 $0xF7A, s1;
	s8 =	simm.s32 @!p0 $0x1BF5;
	p2 =	por !p2, p0  }
0x20: {  	[sflag:s8] =	ssyncset.s32 @!p0 $0xFFFFF086;
	s6 =	sadd.s32 @!p0 s3, s7;
	s7 =	simm.s32 @!p0 $0x108  }
0x21: {  	s3 =	sadd.s32 s3, s9;
	s6 =	sadd.s32 @!p0 $0x88, s6;
	s7 =	simm.s32 @p2 $0x1082  }
0x22: {  	[simem:s7], [sflag:s8] =	dma.local @!p0 [hbm:s6], $0xF7A  }
0x23: {  	s9 =	sor.u32 $0xD0000000, s2;
	s6 =	simm.s32 $0x108;
	_ =	swait.ge @!p0 [sflag:s8], $0x0  }
0x24: {  	s3 =	sadd.s32 $0x88, s3;
	s6 =	simm.s32 @!p1 $0x1082;
	[sflag:s4] =	ssyncset.s32 $0xFFFFF086  }
0x25: {  	[simem:s6], [sflag:s4] =	dma.local [hbm:s3], $0xF7A  }
0x26: {  	[smem:$0x3F8D] =	sst s1;
	(tag) =	ssettag s2;
	_ =	strace s9  }
0x27: {  	s1 =	sld [smem:$0x3F9D]  }
0x28: {  	s2 =	sld [smem:$0x3F9E]  }
0x29: {  	s4 =	sld [smem:$0x3FA0]  }
0x2a: {  	p0 =	seq.s32 s5, $0x0;
	s5 =	sld [smem:$0x3FA1]  }
0x2b: {  	s6 =	sld [smem:$0x3FA2]  }
0x2c: {  	s7 =	sld [smem:$0x3FA3]  }
0x2d: {  	s3 =	simm.s32 $0x108;
	s8 =	sld [smem:$0x3FA4]  }
0x2e: {  	s3 =	simm.s32 @!p0 $0x1082;
	s9 =	sld [smem:$0x3FA5]  }
0x2f: {  	lr =	sadd.s32 s0, s3;
	s0 =	sld [smem:$0x3F9C]  }
0x30: {  	s3 =	sld [smem:$0x3F9F]  }
0x31: {  	[smem:$0x3FA8] =	sst s10  }
0x32: {  	s10 =	sld [smem:$0x3FA6];
	_ =	sdelay $0x3  }
0x33: {  	p0 =	seq.s32 s10, $0x1;
	s10 =	sld [smem:$0x3FA8];
	_ =	sdelay $0x3  }
0x34: {  	[smem:$0x3FA8] =	sst s10  }
0x35: {  	s10 =	sld [smem:$0x3FA7];
	_ =	sdelay $0x3  }
0x36: {  	p1 =	seq.s32 s10, $0x1;
	s10 =	sld [smem:$0x3FA8];
	_ =	sdelay $0x3  }
0x37: {  	[smem:$0x3FA8] =	sst s10  }
0x38: {  	s10 =	sld [smem:$0x3FA9]  }
0x39: {  	_ = 	snop;
	(pc) =	sbr.ind lr, $3  }
0x3a: {  	_ = 	snop  }
0x3b: {  	_ = 	snop  }
0x3c: {  	p2 =	seq.s32 s10, $0x1;
	s10 =	sld [smem:$0x3FA8]  }
0x3d: {  	_ =	shalt  }
0x3e: {  	_ =	shalt  }
0x3f: {  	_ =	shalt  }
0x40: {  	_ =	shalt  }
0x41: {  	_ =	shalt  }
0x42: {  	_ =	shalt  }
0x43: {  	_ =	shalt  }
0x44: {  	_ =	shalt  }
0x45: {  	_ =	shalt  }
0x46: {  	_ =	shalt  }
0x47: {  	_ =	shalt  }
0x48: {  	_ =	shalt  }
0x49: {  	_ =	shalt  }
0x4a: {  	_ =	shalt  }
0x4b: {  	_ =	shalt  }
0x4c: {  	_ =	shalt  }
0x4d: {  	_ =	shalt  }
0x4e: {  	_ =	shalt  }
0x4f: {  	_ =	shalt  }
0x50: {  	_ =	shalt  }
0x51: {  	_ =	shalt  }
0x52: {  	_ =	shalt  }
0x53: {  	_ =	shalt  }
0x54: {  	_ =	shalt  }
0x55: {  	_ =	shalt  }
0x56: {  	_ =	shalt  }
0x57: {  	_ =	shalt  }
0x58: {  	_ =	shalt  }
0x59: {  	_ =	shalt  }
0x5a: {  	_ =	shalt  }
0x5b: {  	_ =	shalt  }
0x5c: {  	_ =	shalt  }
0x5d: {  	_ =	shalt  }
0x5e: {  	_ =	shalt  }
0x5f: {  	_ =	shalt  }
0x60: {  	_ =	shalt  }
0x61: {  	_ =	shalt  }
0x62: {  	_ =	shalt  }
0x63: {  	_ =	shalt  }
0x64: {  	_ =	shalt  }
0x65: {  	_ =	shalt  }
0x66: {  	_ =	shalt  }
0x67: {  	_ =	shalt  }
0x68: {  	_ =	shalt  }
0x69: {  	_ =	shalt  }
0x6a: {  	_ =	shalt  }
0x6b: {  	_ =	shalt  }
0x6c: {  	_ =	shalt  }
0x6d: {  	_ =	shalt  }
0x6e: {  	_ =	shalt  }
0x6f: {  	_ =	shalt  }
0x70: {  	_ =	shalt  }
0x71: {  	_ =	shalt  }
0x72: {  	_ =	shalt  }
0x73: {  	_ =	shalt  }
0x74: {  	_ =	shalt  }
0x75: {  	_ =	shalt  }
0x76: {  	_ =	shalt  }
0x77: {  	_ =	shalt  }
0x78: {  	_ =	shalt  }
0x79: {  	_ =	shalt  }
0x7a: {  	_ =	shalt  }
0x7b: {  	_ =	shalt  }
0x7c: {  	_ =	shalt  }
0x7d: {  	_ =	shalt  }
0x7e: {  	_ =	shalt  }
0x7f: {  	_ =	shalt  }
0x80: {  	_ =	shalt  }
0x81: {  	_ =	shalt  }
0x82: {  	_ =	shalt  }
0x83: {  	_ =	shalt  }
0x84: {  	_ =	shalt  }
0x85: {  	_ =	shalt  }
0x86: {  	_ =	shalt  }
0x87: {  	_ =	shalt  }
.Lfunc_end0:
.L_simem_size_0:
called_computation.3_lowered:
.L_overlay_start_0:
0x88: {  	s2 =	sld [smem:$0x3FD9]  }
0x89: {  	s3 =	sld [smem:$0x3FFE];
	_ =	sdelay $0x1  }
0x8a: {  	s1 =	srdreg.scid  }
0x8b: {  	s0 =	sand.u32 $0x1, s1  }
0x8c: {  	s16 =	sshll.u32 s0, $0xA;
	s2 =	sadd.s32 s3, s2  }
0x8d: {  	s2 =	sadd.s32 s2, s16  }
0x8e: {  	[smem:$0x3FB4] =	sst s2  }
0x8f: {  	_ = 	snop  }
0x90: {  	(tm) =	ssettm $0x1  }
0x91: {  	s17 =	sld [smem:$0x3FFB];
	_ =	sdelay $0x3  }
0x92: {  	_ =	strace s17  }
0x93: {  	s2 =	sld [smem:$0x3FFC];
	_ =	sdelay $0x3  }
0x94: {  	_ =	strace s2  }
0x95: {  	s2 =	sld [smem:$0x3FFD];
	_ =	sdelay $0x3  }
0x96: {  	_ =	strace s2  }
0x97: {  	_ =	strace $0x8FFFFFFF  }
0x98: {  	s18 =	sld [smem:$0x3FDB];
	_ =	sdelay $0x1  }
0x99: {  	s19 =	simm.s32 $_scs_section_size  }
0x9a: {  	s4 =	simm.s32 $_size__tile_overlayer_lowered;
	s5 =	simm.s32 $_tile_overlayer_lowered  }
0x9b: {  	s22 =	simm.s32 $0x1BFF;
	s21 =	sshll.u32 s5, $0x1;
	s2 =	sadd.s32 s19, s18  }
0x9c: {  	s6 =	simm.s32 $0x0;
	s20 =	sshll.u32 s4, $0x1;
	s4 =	sadd.s32 s21, s2  }
0x9d: {  	[timem:s6], [sflag:s22] =	dma.local [hbm:s4], s20  }
0x9e: {  	_ =	swait.ge [sflag:s22], s20  }
0x9f: {  	s3 =	ssub.s32 $0x0, s20;
	[sflag:s22] =	ssyncset.done $0x0  }
0xa0: {  	[sflag:s22] =	ssyncadd.s32 s3;
	_ =	sdelay $0x1  }
0xa1: {  	s23 =	simm.s32 $0x1B8B  }
0xa2: {  	_ =	swait.ge [sflag:s23], $0x1  }
0xa3: {  	[sflag:s23] =	ssyncset.done $0x0  }
0xa4: {  	s25 =	simm.s32 $0x1B8E;
	s24 =	sld [smem:$0x3FFE];
	[sflag:s23] =	ssyncadd.s32 $0xFFFFFFFF  }
0xa5: {  	s26 =	simm.s32 $execute0_lowered;
	[smem:$0x3FD2] =	sst s25  }
0xa6: {  	s4 =	sshll.u32 s26, $0x1;
	_ =	strace $0x8000004F;
	[dreg:$0x1] =	wrdreg $0xFFFFFFFF  }
0xa7: {  	s28 =	simm.s32 $_size_execute0_lowered;
	s2 =	sadd.s32 s2, s4;
	[dreg:$0x0] =	wrdreg $0x0  }
0xa8: {  	s4 =	sshll.u32 s28, $0x1;
	[dreg:$0x2] =	wrdreg s2  }
0xa9: {  	[dreg:$0x3] =	wrdreg s4  }
0xaa: {  	[dreg:$0x4] =	wrdreg $0xC0  }
0xab: {  	_ =	task [dreg:s6], $0x5FFFF  }
0xac: {  	[dreg:$0x1] =	wrdreg $0xFFFFFFFF  }
0xad: {  	[dreg:$0x0] =	wrdreg $0x60  }
0xae: {  	[dreg:$0x2] =	wrdreg s24  }
0xaf: {  	[dreg:$0x3] =	wrdreg $0x9  }
0xb0: {  	_ =	task.clear_ibuf [dreg:s6], $0x4FFFF;
	_ =	strace $0x9000004F  }
0xb1: {  	s29 =	simm.s32 $0x9;
	_ =	strace $0x80000051  }
0xb2: {  	_ =	swait.ge [sflag:s29], $0x1  }
0xb3: {  	[sflag:s29] =	ssyncadd.s32 $0xFFFFFFFF  }
0xb4: {  	_ =	strace $0x90000051  }
0xb5: {  	_ =	sfence  }
0xb6: {  	s30 =	sld [smem:$0x0];
	_ =	sdelay $0x2  }
0xb7: {  	s31 =	sshll.u32 s1, $0xD;
	s1 =	sshrl.u32 s1, $0x2  }
0xb8: {  	s3 =	sand.u32 $0x4000, s31;
	s1 =	sadd.s32 s1, s30  }
0xb9: {  	s0 =	sor.u32 s3, s0;
	s1 =	sshll.u32 s1, $0x11  }
0xba: {  	s0 =	sor.u32 s1, s0  }
0xbb: {  	s0 =	sadd.s32 $0x8F2B, s0  }
0xbc: {  	[sflag:s0] =	ssyncadd.remote.s32 $0x1  }
0xbd: {  	_ =	sfence.sel $0xFFFF  }
0xbe: {  	[dreg:$0x0] =	wrdreg $0xFFFFFFFF;
	(pc) =	sbr.abs _section_cstart, $3  }
0xbf: {  	[dreg:$0x1] =	wrdreg $0xFFFFFFFF  }
0xc0: {  	_ =	task.clear_ibuf [dreg:s6], $0x2FFFF;
	_ =	strace $0x9FFFFFFF  }
0xc1: {  	(tm) =	ssettm $0x7FFFFFFF  }
tec
execute0_lowered:
.L_overlay_start_1:
0x0: {  	(tag) =	ssettag $0x1  }
0x1: {  	s0 =	rddreg [dreg:$0x0]  }
0x2: {  	s2 =	simm.s32 $0x0;
	s3 =	srdreg.scid;
	s1 =	stileid.u32  }
0x3: {  	s19 =	simm.s32 $0x1;
	s20 =	simm.s32 $0x100;
	s28 =	simm.s32 $0x0  }
0x4: {  	[smem:$0x7FF] =	sst s2;
	s10 =	sand.u32 $0x1, s3;
	s13 =	smul.u32 $0xC8000, s1  }
0x5: {  	s21 =	sshll.u32 s1, $0x1;
	s15 =	sadd.s32 $0x1D7400, s0;
	s17 =	smul.u32 $0x3200, s1  }
0x6: {  	s3 =	sadd.s32 $0x4000, s0;
	s4 =	sadd.s32 $0x1DD800, s0;
	s14 =	smul.u32 $0x64000, s10  }
0x7: {  	s5 =	sor.u32 s10, s21;
	s22 =	ssub.s32 $0x2, s10;
	s18 =	smul.u32 $0x1900, s10  }
0x8: {  	_ =	strace $0x80000050;
	s7 =	smul.u32 $0x1900, s5;
	s6 =	sshrl.u32 s22, $0x1  }
0x9: {  	s21 =	simm.s32 $0x2;
	s9 =	smul.u32 $0x64000, s5;
	s0 =	ssub.s32 s22, s6  }
0xa: {  	s14 =	sadd.s32 s14, s13;
	s29 =	sadd.s32 s18, s17;
	s18 =	simm.s32 $0x80  }
0xb: {  	s22 =	simm.s32 $0x2100;
	s8 =	sshrl.u32 s7, $0x3;
	s24 =	sshrl.u32 s9, $0x3  }
0xc: {  	s16 =	sshll.u32 s7, $0x3;
	s10 =	smax.u32 s0, $0x1;
	s14 =	sadd.s32 $0x4000, s14  }
0xd: {  	s30 =	sshll.u32 s29, $0x3;
	s17 =	sadd.s32 $0x280, s29;
	s5 =	sadd.s32 s15, s8  }
0xe: {  	s7 =	sadd.s32 s4, s24;
	s26 =	sadd.s32 s16, s4;
	s0 =	sadd.s32 s4, s30  }
0xf: {  	s16 =	sadd.s32 $0x200, s29;
	s17 =	sshrl.u32 s17, $0x3;
	s24 =	simm.s32 $0x5  }
0x10: {  	s23 =	sadd.s32 $0x10, s5;
	s25 =	sadd.s32 $0xC000, s7;
	s9 =	sadd.s32 $0xC400, s7  }
0x11: {  	s11 =	sadd.s32 $0x20, s5;
	s12 =	sadd.s32 $0x30, s5;
	s13 =	sadd.s32 $0x400, s26  }
0x12: {  	s0 =	sadd.s32 $0xC00, s0;
	s31 =	sshrl.u32 s16, $0x3;
	[dreg:$0x2] =	wrdreg s23  }
0x13: {  	s16 =	sadd.s32 s17, s15;
	s26 =	simm.s32 $0x6;
	[dreg:$0x3] =	wrdreg s25  }
0x14: {  	s17 =	sadd.s32 s31, s15;
	s23 =	simm.s32 $0x3;
	s25 =	simm.s32 $0x4  }
.LBB2_1:
0x15: {  	[tilespmem:s2], [sflag:$0x1] =	stream.linear.gather [hbm4b:s5+s2], $0x80, $0x38;
	[tilespmem:$0x4100] =	vst v63  }
0x16: {  	s1 =	rddreg [dreg:$0x2]  }
0x17: {  	[tilespmem:s18], [sflag:$0x2] =	stream.linear.gather [hbm4b:s1+s2], $0x80, $0x38;
	[tilespmem:$0x4100] =	vst v63  }
0x18: {  	_ =	swait.ge [sflag:s19], $0x80  }
0x19: {  	[sflag:s19] =	ssyncset.done $0x0  }
0x1a: {  	[sflag:s19] =	ssyncadd.s32 $0xFFFFFF80  }
0x1b: {  	[tilespmem:s20], [sflag:$0x3] =	stream.indirect.gather [hbm4b:s3+s18], $0x40, s2, s18, $0xb8;
	[tilespmem:$0x4100] =	vst v63  }
0x1c: {  	_ =	swait.ge [sflag:s21], $0x80  }
0x1d: {  	[sflag:s21] =	ssyncset.done $0x0  }
0x1e: {  	[sflag:s21] =	ssyncadd.s32 $0xFFFFFF80  }
0x1f: {  	[tilespmem:s22], [sflag:$0x4] =	stream.indirect.gather [hbm4b:s3+s18], $0x40, s18, s18, $0xb8;
	[tilespmem:$0x4100] =	vst v63  }
0x20: {  	_ =	swait.ge [sflag:s23], $0x2000  }
0x21: {  	[sflag:s23] =	ssyncset.done $0x0  }
0x22: {  	[sflag:s23] =	ssyncadd.s32 $0xFFFFE000  }
0x23: {  	[tilespmem:s2], [sflag:$0x1] =	stream.linear.gather [hbm4b:s11+s2], $0x80, $0x38;
	[tilespmem:$0x4100] =	vst v63  }
0x24: {  	_ = 	snop  }
0x25: {  	[hbm4b:s7+s2] =	stream.linear.scatter [tilespmem:s20], [sflag:$0x5], $0x2000, $0x38;
	[tilespmem:$0x4100] =	vst v63  }
0x26: {  	_ =	swait.ge [sflag:s24], $0x2000  }
0x27: {  	[sflag:s24] =	ssyncset.done $0x0  }
0x28: {  	[sflag:s24] =	ssyncadd.s32 $0xFFFFE000  }
0x29: {  	_ =	swait.ge [sflag:s19], $0x80  }
0x2a: {  	[sflag:s19] =	ssyncset.done $0x0  }
0x2b: {  	[sflag:s19] =	ssyncadd.s32 $0xFFFFFF80  }
0x2c: {  	[tilespmem:s20], [sflag:$0x3] =	stream.indirect.gather [hbm4b:s3+s18], $0x40, s2, s18, $0xb8;
	[tilespmem:$0x4100] =	vst v63  }
0x2d: {  	_ =	swait.ge [sflag:s25], $0x2000  }
0x2e: {  	[sflag:s25] =	ssyncset.done $0x0  }
0x2f: {  	[sflag:s25] =	ssyncadd.s32 $0xFFFFE000  }
0x30: {  	[tilespmem:s18], [sflag:$0x2] =	stream.linear.gather [hbm4b:s12+s2], $0x80, $0x38;
	[tilespmem:$0x4100] =	vst v63  }
0x31: {  	_ = 	snop  }
0x32: {  	[hbm4b:s13+s2] =	stream.linear.scatter [tilespmem:s22], [sflag:$0x6], $0x2000, $0x38;
	[tilespmem:$0x4100] =	vst v63  }
0x33: {  	_ =	swait.ge [sflag:s26], $0x2000  }
0x34: {  	[sflag:s26] =	ssyncset.done $0x0  }
0x35: {  	[sflag:s26] =	ssyncadd.s32 $0xFFFFE000  }
0x36: {  	_ =	swait.ge [sflag:s21], $0x80  }
0x37: {  	[sflag:s21] =	ssyncset.done $0x0  }
0x38: {  	[sflag:s21] =	ssyncadd.s32 $0xFFFFFF80  }
0x39: {  	[tilespmem:s22], [sflag:$0x4] =	stream.indirect.gather [hbm4b:s3+s18], $0x40, s18, s18, $0xb8;
	[tilespmem:$0x4100] =	vst v63  }
0x3a: {  	_ =	swait.ge [sflag:s23], $0x2000  }
0x3b: {  	[sflag:s23] =	ssyncset.done $0x0  }
0x3c: {  	s15 =	sadd.s32 $0x0, s17;
	s29 =	sshrl.u32 s14, $0x3;
	[sflag:s23] =	ssyncadd.s32 $0xFFFFE000  }
0x3d: {  	[tilespmem:s2], [sflag:$0x1] =	stream.linear.gather [hbm4b:s15+s2], $0x80, $0x38;
	[tilespmem:$0x4100] =	vst v63  }
0x3e: {  	s6 =	sadd.s32 s4, s29  }
0x3f: {  	[hbm4b:s6+s2] =	stream.linear.scatter [tilespmem:s20], [sflag:$0x5], $0x2000, $0x38;
	[tilespmem:$0x4100] =	vst v63  }
0x40: {  	_ =	swait.ge [sflag:s24], $0x2000  }
0x41: {  	[sflag:s24] =	ssyncset.done $0x0  }
0x42: {  	[sflag:s24] =	ssyncadd.s32 $0xFFFFE000  }
0x43: {  	_ =	swait.ge [sflag:s19], $0x80  }
0x44: {  	[sflag:s19] =	ssyncset.done $0x0  }
0x45: {  	[sflag:s19] =	ssyncadd.s32 $0xFFFFFF80  }
0x46: {  	[tilespmem:s20], [sflag:$0x3] =	stream.indirect.gather [hbm4b:s3+s18], $0x40, s2, s18, $0xb8;
	[tilespmem:$0x4100] =	vst v63  }
0x47: {  	s8 =	sadd.s32 $0x0, s16;
	_ =	swait.ge [sflag:s25], $0x2000  }
0x48: {  	s30 =	sadd.s32 $0x4000, s14;
	s31 =	sadd.s32 $0x800, s0;
	[sflag:s25] =	ssyncset.done $0x0  }
0x49: {  	s29 =	simm.s32 $0x20;
	s15 =	smov.u32 s0;
	[sflag:s25] =	ssyncadd.s32 $0xFFFFE000  }
0x4a: {  	[tilespmem:s18], [sflag:$0x2] =	stream.linear.gather [hbm4b:s8+s2], $0x80, $0x38;
	[tilespmem:$0x4100] =	vst v63  }
.LBB2_2:
0x4b: {  	[hbm4b:s15+s2] =	stream.linear.scatter [tilespmem:s22], [sflag:$0x6], $0x2000, $0x38;
	[tilespmem:$0x4100] =	vst v63  }
0x4c: {  	s1 =	smov.u32 s29;
	s15 =	smov.u32 s31  }
0x4d: {  	p0 =	sne.s32 s29, $0x2C0;
	s29 =	sadd.s32 $0x20, s29;
	_ =	swait.ge [sflag:s26], $0x2000  }
0x4e: {  	[sflag:s26] =	ssyncset.done $0x0  }
0x4f: {  	[sflag:s26] =	ssyncadd.s32 $0xFFFFE000  }
0x50: {  	_ =	swait.ge [sflag:s21], $0x80  }
0x51: {  	[sflag:s21] =	ssyncset.done $0x0  }
0x52: {  	[sflag:s21] =	ssyncadd.s32 $0xFFFFFF80  }
0x53: {  	[tilespmem:s22], [sflag:$0x4] =	stream.indirect.gather [hbm4b:s3+s18], $0x40, s18, s18, $0xb8;
	[tilespmem:$0x4100] =	vst v63  }
0x54: {  	_ =	swait.ge [sflag:s23], $0x2000  }
0x55: {  	[sflag:s23] =	ssyncset.done $0x0  }
0x56: {  	s8 =	sshrl.u32 s30, $0x3;
	s6 =	sadd.s32 s1, s17;
	[sflag:s23] =	ssyncadd.s32 $0xFFFFE000  }
0x57: {  	[tilespmem:s2], [sflag:$0x1] =	stream.linear.gather [hbm4b:s6+s2], $0x80, $0x38;
	[tilespmem:$0x4100] =	vst v63  }
0x58: {  	s6 =	sadd.s32 s4, s8  }
0x59: {  	[hbm4b:s6+s2] =	stream.linear.scatter [tilespmem:s20], [sflag:$0x5], $0x2000, $0x38;
	[tilespmem:$0x4100] =	vst v63  }
0x5a: {  	_ =	swait.ge [sflag:s24], $0x2000  }
0x5b: {  	[sflag:s24] =	ssyncset.done $0x0  }
0x5c: {  	[sflag:s24] =	ssyncadd.s32 $0xFFFFE000  }
0x5d: {  	_ =	swait.ge [sflag:s19], $0x80  }
0x5e: {  	[sflag:s19] =	ssyncset.done $0x0  }
0x5f: {  	[sflag:s19] =	ssyncadd.s32 $0xFFFFFF80  }
0x60: {  	[tilespmem:s20], [sflag:$0x3] =	stream.indirect.gather [hbm4b:s3+s18], $0x40, s2, s18, $0xb8;
	[tilespmem:$0x4100] =	vst v63  }
.Ltmp0:
0x61: {  	_ =	swait.ge [sflag:s25], $0x2000;
	(pc) =	sbr.rel @p0 .LBB2_2-.Ltmp0, $4  }
0x62: {  	[sflag:s25] =	ssyncset.done $0x0  }
0x63: {  	s1 =	sadd.s32 s1, s16;
	[sflag:s25] =	ssyncadd.s32 $0xFFFFE000  }
0x64: {  	[tilespmem:s18], [sflag:$0x2] =	stream.linear.gather [hbm4b:s1+s2], $0x80, $0x38;
	[tilespmem:$0x4100] =	vst v63  }
0x65: {  	s30 =	sadd.s32 $0x4000, s30;
	s31 =	sadd.s32 $0x800, s31  }
0x66: {  	[hbm4b:s15+s2] =	stream.linear.scatter [tilespmem:s22], [sflag:$0x6], $0x2000, $0x38;
	[tilespmem:$0x4100] =	vst v63  }
0x67: {  	_ =	swait.ge [sflag:s26], $0x2000  }
0x68: {  	[sflag:s26] =	ssyncset.done $0x0  }
0x69: {  	[sflag:s26] =	ssyncadd.s32 $0xFFFFE000  }
0x6a: {  	_ =	swait.ge [sflag:s21], $0x80  }
0x6b: {  	[sflag:s21] =	ssyncset.done $0x0  }
0x6c: {  	[sflag:s21] =	ssyncadd.s32 $0xFFFFFF80  }
0x6d: {  	[tilespmem:s22], [sflag:$0x4] =	stream.indirect.gather [hbm4b:s3+s18], $0x40, s18, s18, $0xb8;
	[tilespmem:$0x4100] =	vst v63  }
0x6e: {  	_ =	swait.ge [sflag:s23], $0x2000  }
0x6f: {  	[sflag:s23] =	ssyncset.done $0x0  }
0x70: {  	s1 =	rddreg [dreg:$0x3];
	[sflag:s23] =	ssyncadd.s32 $0xFFFFE000  }
0x71: {  	[hbm4b:s1+s2] =	stream.linear.scatter [tilespmem:s20], [sflag:$0x5], $0x2000, $0x38;
	[tilespmem:$0x4100] =	vst v63  }
0x72: {  	_ =	swait.ge [sflag:s24], $0x2000  }
0x73: {  	[sflag:s24] =	ssyncset.done $0x0  }
0x74: {  	[sflag:s24] =	ssyncadd.s32 $0xFFFFE000  }
0x75: {  	s28 =	sadd.s32 $0x1, s28;
	_ =	swait.ge [sflag:s25], $0x2000  }
0x76: {  	p0 =	sne.s32 s28, s10;
	[sflag:s25] =	ssyncset.done $0x0  }
.Ltmp1:
0x77: {  	[sflag:s25] =	ssyncadd.s32 $0xFFFFE000;
	(pc) =	sbr.rel @p0 .LBB2_1-.Ltmp1, $4  }
0x78: {  	[hbm4b:s9+s2] =	stream.linear.scatter [tilespmem:s22], [sflag:$0x6], $0x2000, $0x38;
	[tilespmem:$0x4100] =	vst v63  }
0x79: {  	_ =	swait.ge [sflag:s26], $0x2000  }
0x7a: {  	[sflag:s26] =	ssyncset.done $0x0  }
0x7b: {  	[sflag:s26] =	ssyncadd.s32 $0xFFFFE000  }
0x7c: {  	_ =	sfence.sel $0x180000  }
0x7d: {  	[bflag:$0x0] =	sbarrier.arrive $0xFFFF  }
0x7e: {  	_ =	strace $0x90000050  }
0x7f: {  	s0 =	stileid.u32;
	[bflag:$0x2] =	sbarrier.arrive $0xFFFF  }
0x80: {  	p0 =	sne.s32 s0, $0x0;
	s0 =	rddreg [dreg:$0x1]  }
0x81: {  	s0 =	sadd.s32 @!p0 $0x100000, s0  }
0x82: {  	[sflag:s0] =	ssyncadd.tile.s32 @!p0 $0x1;
	_ =	shalt  }
.Lfunc_end2:
_tile_overlayer_lowered:
.L_overlay_start_2:
0x83: {  	(tag) =	ssettag $0x2  }
0x84: {  	s0 =	rddreg [dreg:$0x0];
	s2 =	stileid.u32  }
0x85: {  	s1 =	rddreg [dreg:$0x1];
	p0 =	sne.s32 s2, $0x0  }
0x86: {  	s3 =	rddreg [dreg:$0x2];
	[bflag:$0x3] =	sbarrier.arrive $0xFFFF;
	s2 =	simm.s32 @!p0 $0x1C07  }
0x87: {  	[timem:s3], [sflag:s2] =	dma.local @!p0 [hbm:s0], s1  }
0x88: {  	s0 =	simm.s32 @!p0 $0x7  }
0x89: {  	_ =	swait.ge @!p0 [sflag:s0], s1  }
0x8a: {  	s1 =	ssub.s32 @!p0 $0x0, s1;
	[sflag:s0] =	ssyncset.done @!p0 $0x0  }
0x8b: {  	[sflag:s0] =	ssyncadd.s32 @!p0 s1  }
0x8c: {  	[bflag:$0x3] =	sbarrier.arrive $0xFFFF  }
0x8d: {  	_ =	shalt  }

</sc_bundles>
